<compile_context>
chip_gen: v7x
topology: tpu7x:2x2x1
jax: 0.10.2.dev20260603
libtpu: 0.0.44.dev20260713+nightly
codegen_flags: <defaults>
</compile_context>

<pallas_src>
import jax
import jax.numpy as jnp
from jax import lax
from jax.experimental import pallas as pl
from jax.experimental.pallas import tpu as pltpu
from jax.experimental.pallas import tpu_sc as plsc

B = 16384
F = 100
CARD = 20
OUT_D = 11
NPAIRS = F // 2
KP = 64
GATH = 56
PTROWS = NPAIRS * CARD * CARD
PD = 2 * OUT_D + 2
ROW_W = F * OUT_D
FIN = 128

NC = 2
NS = 16
NW = NC * NS
ROWS_W = B // NW
NBUF = 4
NOUT = NBUF // 2
STEPS = ROWS_W // NBUF


def _sc_body(in_hbm, tab_hbm, out_hbm, *sc):
    in_v = sc[0]
    idx_vs = sc[1:1 + NBUF]
    dst_vs = sc[1 + NBUF:1 + 2 * NBUF]
    row_vs = sc[1 + 2 * NBUF:1 + 2 * NBUF + NOUT]
    tab_sh = sc[1 + 2 * NBUF + NOUT]
    gsem, osem = sc[-2], sc[-1]

    sid = lax.axis_index("s")
    wid = sid * NC + lax.axis_index("c")
    base = wid * ROWS_W

    @pl.when(sid == 0)
    def _():
        pltpu.sync_copy(tab_hbm, tab_sh)
    plsc.subcore_barrier()

    pltpu.sync_copy(in_hbm.at[pl.ds(base, ROWS_W)], in_v)

    lane = lax.broadcasted_iota(jnp.int32, (16,), 0)
    zeros = jnp.zeros((16,), jnp.int32)
    ngrp = KP // 16
    valid_last = lane < (NPAIRS - (ngrp - 1) * 16)
    idx_e, idx_o, pair_base = [], [], []
    for g in range(ngrp):
        k = lane + g * 16
        ok = k < NPAIRS
        idx_e.append(jnp.where(ok, 2 * k, zeros))
        idx_o.append(jnp.where(ok, 2 * k + 1, zeros))
        pair_base.append(k * (CARD * CARD))

    def step_fn(s, carry):
        @pl.when(s > 0)
        def _():
            for p in range(NOUT):
                for half in range(2):
                    pltpu.make_async_copy(out_hbm.at[0],
                                          row_vs[p].at[half], osem).wait()

        handles = []
        for j in range(NBUF):
            r = s * NBUF + j
            rv = jnp.full((16,), r, jnp.int32)
            ib = idx_vs[j]
            for g in range(ngrp):
                ca = plsc.load_gather(in_v, [rv, idx_e[g]]).astype(jnp.int32)
                cb = plsc.load_gather(in_v, [rv, idx_o[g]]).astype(jnp.int32)
                ci = ca * CARD + cb + pair_base[g]
                if g == ngrp - 1:
                    ci = jnp.where(valid_last, ci, zeros)
                ib[pl.ds(g * 16, 16)] = ci
            handles.append(
                pltpu.async_copy(tab_sh.at[ib.at[pl.ds(0, GATH)]],
                                 dst_vs[j], gsem))
        for p in range(NOUT):
            handles[2 * p].wait()
            handles[2 * p + 1].wait()
            rb = row_vs[p]
            for half in range(2):
                d = dst_vs[2 * p + half]
                for k in range(NPAIRS - 1):
                    rb[half, pl.ds(22 * k, 16)] = d[k, pl.ds(0, 16)]
                    rb[half, pl.ds(22 * k + 8, 16)] = d[k, pl.ds(8, 16)]
                k = NPAIRS - 1
                rb[half, pl.ds(22 * k, 16)] = d[k, pl.ds(0, 16)]
                rb[half, pl.ds(22 * k + 6, 16)] = d[k, pl.ds(6, 16)]
            gr = base + s * NBUF + 2 * p
            pltpu.async_copy(rb.at[0], out_hbm.at[gr], osem)
            pltpu.async_copy(rb.at[1], out_hbm.at[gr + 1], osem)
        return carry

    lax.fori_loop(0, STEPS, step_fn, 0)
    for p in range(NOUT):
        for half in range(2):
            pltpu.make_async_copy(out_hbm.at[0], row_vs[p].at[half],
                                  osem).wait()


def kernel(inputs, tables):
    tE = jnp.broadcast_to(tables[0::2][:, :, None, :],
                          (NPAIRS, CARD, CARD, OUT_D))
    tO = jnp.broadcast_to(tables[1::2][:, None, :, :],
                          (NPAIRS, CARD, CARD, OUT_D))
    pz = jnp.zeros((NPAIRS, CARD, CARD, PD - 2 * OUT_D), jnp.float32)
    ptab = jnp.concatenate([tE, tO, pz], axis=-1).reshape(PTROWS, PD)

    mesh = plsc.VectorSubcoreMesh(
        core_axis_name="c", subcore_axis_name="s",
        num_cores=NC, num_subcores=NS)
    run = pl.kernel(
        _sc_body,
        out_type=jax.ShapeDtypeStruct((B, ROW_W), jnp.float32),
        mesh=mesh,
        scratch_types=(
            [pltpu.VMEM((ROWS_W, FIN), jnp.float32)]
            + [pltpu.VMEM((KP,), jnp.int32) for _ in range(NBUF)]
            + [pltpu.VMEM((GATH, PD), jnp.float32) for _ in range(NBUF)]
            + [pltpu.VMEM((2, ROW_W), jnp.float32) for _ in range(NOUT)]
            + [pltpu.VMEM_SHARED((PTROWS, PD), jnp.float32)]
            + [pltpu.SemaphoreType.DMA, pltpu.SemaphoreType.DMA]
        ),
        compiler_params=pltpu.CompilerParams(use_tc_tiling_on_sc=False,
                                             needs_layout_passes=False),
    )
    return run(jnp.pad(inputs, ((0, 0), (0, FIN - F))), ptab)

# --- scband reference (transcript-rebuilt; emitter-appended) ---
"""Pipeline reference for scband-smart-embedding-1314259992660 (READ-ONLY COPY).

The authoritative reference and input builder live on the scoring server;
editing this copy changes nothing except your own understanding.
"""

import jax, jax.numpy as jnp
import numpy as np

B = 16384
F = 100
CARD = 20
EMBED_DIM = 16
MAX_CARD = 20
OUT_D = min(EMBED_DIM, CARD // 2 + 1)  # 11


def setup_inputs(seed: int = 0) -> dict:
    key = jax.random.key(seed)
    k1, k2 = jax.random.split(key)
    # mixed-type input tensor: here every column is low-cardinality integer-valued
    # (stored as float32, as the Keras layer expects), values in [0, CARD)
    inputs = jax.random.randint(k1, (B, F), 0, CARD).astype(jnp.float32)
    # one embedding table per categorical column, input_dim=cardinality, output_dim=min(embedding_dim, card//2+1)
    tables = jax.random.normal(k2, (F, CARD, OUT_D), dtype=jnp.float32) * 0.05
    return {"inputs": inputs, "tables": tables}


def reference(inputs, tables):
    # --- detect_feature_types: per-column unique count vs max_cardinality ---
    # unique count per column via sorted adjacent comparison (fixed shape)
    sorted_cols = jnp.sort(inputs, axis=0)
    ucount = 1 + jnp.sum(sorted_cols[1:] != sorted_cols[:-1], axis=0)  # [F]
    cat_mask = ucount <= MAX_CARD                                      # [F]
    # with this data distribution every column is categorical; there is no
    # continuous branch (Keras would never build the Dense in this case).
    n_cat = inputs.shape[1]
    cat_cols = jnp.arange(n_cat, dtype=jnp.int32)
    # --- categorical branch: per-column embedding lookup then concat ---
    idx = inputs[:, cat_cols].astype(jnp.int32)            # [B, n_cat]
    # tables[j] is the table for the j-th categorical column
    emb = tables[jnp.arange(n_cat)[None, :], idx]          # [B, n_cat, OUT_D] (gather)
    emb = jnp.where(cat_mask[None, :, None], emb, jnp.zeros((), dtype=emb.dtype))
    categorical_embeddings = emb.reshape(inputs.shape[0], n_cat * OUT_D)
    return categorical_embeddings

if __name__ == "__main__":
    import jax
    _d = setup_inputs()
    print(jax.jit(kernel)(*tuple(_d.values())))

</pallas_src>

<mosaic_0001>
#map = affine_map<(d0, d1) -> (0, 0)>
module attributes {stable_mosaic.version = 14 : i64} {
  func.func @_sc_body(%arg0: i32, %arg1: i32, %arg2: memref<16384x128xf32, #tpu.memory_space<hbm>>, %arg3: memref<20000x24xf32, #tpu.memory_space<hbm>>, %arg4: memref<16384x1100xf32, #tpu.memory_space<hbm>>, %arg5: memref<512x128xf32, #tpu.memory_space<vmem>>, %arg6: memref<64xi32, #tpu.memory_space<vmem>>, %arg7: memref<64xi32, #tpu.memory_space<vmem>>, %arg8: memref<64xi32, #tpu.memory_space<vmem>>, %arg9: memref<64xi32, #tpu.memory_space<vmem>>, %arg10: memref<56x24xf32, #tpu.memory_space<vmem>>, %arg11: memref<56x24xf32, #tpu.memory_space<vmem>>, %arg12: memref<56x24xf32, #tpu.memory_space<vmem>>, %arg13: memref<56x24xf32, #tpu.memory_space<vmem>>, %arg14: memref<2x1100xf32, #tpu.memory_space<vmem>>, %arg15: memref<2x1100xf32, #tpu.memory_space<vmem>>, %arg16: memref<20000x24xf32, #tpu.memory_space<vmem_shared>>, %arg17: memref<!tpu.dma_semaphore, #tpu.memory_space<semaphore_mem>>, %arg18: memref<!tpu.dma_semaphore, #tpu.memory_space<semaphore_mem>>) attributes {dimension_semantics = [#tpu.dimension_semantics<core_parallel>, #tpu.dimension_semantics<subcore_parallel>], iteration_bounds = array<i64: 2, 16>, scalar_prefetch = 0 : i64, scratch_operands = 14 : i64, tpu.core_type = #tpu.core_type<sc_vector_subcore>, window_params = [{transform_indices = #map}, {transform_indices = #map}, {transform_indices = #map}]} {
    %mul3A = arith.constant 2 : i32
    %mul3A_0 = arith.muli %arg1, %mul3A : i32
    %add3A = arith.addi %mul3A_0, %arg0 : i32
    %mul3A_1 = arith.constant 512 : i32
    %mul3A_2 = arith.muli %add3A, %mul3A_1 : i32
    %eq3A = arith.constant 0 : i32
    %eq3A_3 = arith.cmpi eq, %arg1, %eq3A : i32
    %convert_element_type3A = arith.extui %eq3A_3 : i1 to i32
    %cond3A = arith.constant 0 : i32
    %cond3A_4 = arith.cmpi ne, %convert_element_type3A, %cond3A : i32
    scf.if %cond3A_4 {
      "tpu.region"() ({
        %run_scoped3A = tpu.sem_alloc : memref<!tpu.dma_semaphore, #tpu.memory_space<semaphore_mem>>
        tpu.enqueue_dma source(%arg3 : memref<20000x24xf32, #tpu.memory_space<hbm>>) target(%arg16 : memref<20000x24xf32, #tpu.memory_space<vmem_shared>>) target_semaphore(%run_scoped3A : memref<!tpu.dma_semaphore, #tpu.memory_space<semaphore_mem>>)
        tpu.wait_dma2 semaphore(%run_scoped3A : memref<!tpu.dma_semaphore, #tpu.memory_space<semaphore_mem>>) src(%arg3 : memref<20000x24xf32, #tpu.memory_space<hbm>>) dst(%arg16 : memref<20000x24xf32, #tpu.memory_space<vmem_shared>>)
        tpu.yield
      }) : () -> ()
    } else {
    }
    %barrier3A = arith.constant 0 : index
    tpu.barrier barrier_id(%barrier3A)
    "tpu.region"() ({
      %run_scoped3A = tpu.sem_alloc : memref<!tpu.dma_semaphore, #tpu.memory_space<semaphore_mem>>
      %dma_start3A = arith.constant 0 : i32
      %dma_start3A_147 = tpu.memref_slice %arg2[%mul3A_2, %dma_start3A] : memref<16384x128xf32, #tpu.memory_space<hbm>> -> memref<512x128xf32, #tpu.memory_space<hbm>>
      %dma_start3A_148 = arith.constant 0 : i32
      %dma_start3A_149 = tpu.memref_slice %arg2[%mul3A_2, %dma_start3A_148] : memref<16384x128xf32, #tpu.memory_space<hbm>> -> memref<512x128xf32, #tpu.memory_space<hbm>>
      tpu.enqueue_dma source(%dma_start3A_149 : memref<512x128xf32, #tpu.memory_space<hbm>>) target(%arg5 : memref<512x128xf32, #tpu.memory_space<vmem>>) target_semaphore(%run_scoped3A : memref<!tpu.dma_semaphore, #tpu.memory_space<semaphore_mem>>)
      %dma_wait3A_150 = arith.constant 0 : i32
      %dma_wait3A_151 = tpu.memref_slice %arg2[%mul3A_2, %dma_wait3A_150] : memref<16384x128xf32, #tpu.memory_space<hbm>> -> memref<512x128xf32, #tpu.memory_space<hbm>>
      %dma_wait3A_152 = arith.constant 0 : i32
      %dma_wait3A_153 = tpu.memref_slice %arg2[%mul3A_2, %dma_wait3A_152] : memref<16384x128xf32, #tpu.memory_space<hbm>> -> memref<512x128xf32, #tpu.memory_space<hbm>>
      tpu.wait_dma2 semaphore(%run_scoped3A : memref<!tpu.dma_semaphore, #tpu.memory_space<semaphore_mem>>) src(%dma_wait3A_153 : memref<512x128xf32, #tpu.memory_space<hbm>>) dst(%arg5 : memref<512x128xf32, #tpu.memory_space<vmem>>)
      tpu.yield
    }) : () -> ()
    %iota3A = tpu.iota {dimensions = array<i32: 0>} : vector<16xi32>
    %broadcast_in_dim3A = arith.constant 0 : i32
    %broadcast_in_dim3A_5 = vector.broadcast %broadcast_in_dim3A : i32 to vector<16xi32>
    %lt3A = arith.constant 2 : i32
    %lt3A_6 = vector.broadcast %lt3A : i32 to vector<16xi32>
    %lt3A_7 = arith.cmpi slt, %iota3A, %lt3A_6 : vector<16xi32>
    %add3A_8 = arith.constant 0 : i32
    %add3A_9 = vector.broadcast %add3A_8 : i32 to vector<16xi32>
    %add3A_10 = arith.addi %iota3A, %add3A_9 : vector<16xi32>
    %lt3A_11 = arith.constant 50 : i32
    %lt3A_12 = vector.broadcast %lt3A_11 : i32 to vector<16xi32>
    %lt3A_13 = arith.cmpi slt, %add3A_10, %lt3A_12 : vector<16xi32>
    %mul3A_14 = arith.constant 2 : i32
    %mul3A_15 = vector.broadcast %mul3A_14 : i32 to vector<16xi32>
    %mul3A_16 = arith.muli %mul3A_15, %add3A_10 : vector<16xi32>
    %select_n3A = arith.select %lt3A_13, %mul3A_16, %broadcast_in_dim3A_5 : vector<16xi1>, vector<16xi32>
    %mul3A_17 = arith.constant 2 : i32
    %mul3A_18 = vector.broadcast %mul3A_17 : i32 to vector<16xi32>
    %mul3A_19 = arith.muli %mul3A_18, %add3A_10 : vector<16xi32>
    %add3A_20 = arith.constant 1 : i32
    %add3A_21 = vector.broadcast %add3A_20 : i32 to vector<16xi32>
    %add3A_22 = arith.addi %mul3A_19, %add3A_21 : vector<16xi32>
    %select_n3A_23 = arith.select %lt3A_13, %add3A_22, %broadcast_in_dim3A_5 : vector<16xi1>, vector<16xi32>
    %mul3A_24 = arith.constant 400 : i32
    %mul3A_25 = vector.broadcast %mul3A_24 : i32 to vector<16xi32>
    %mul3A_26 = arith.muli %add3A_10, %mul3A_25 : vector<16xi32>
    %add3A_27 = arith.constant 16 : i32
    %add3A_28 = vector.broadcast %add3A_27 : i32 to vector<16xi32>
    %add3A_29 = arith.addi %iota3A, %add3A_28 : vector<16xi32>
    %lt3A_30 = arith.constant 50 : i32
    %lt3A_31 = vector.broadcast %lt3A_30 : i32 to vector<16xi32>
    %lt3A_32 = arith.cmpi slt, %add3A_29, %lt3A_31 : vector<16xi32>
    %mul3A_33 = arith.constant 2 : i32
    %mul3A_34 = vector.broadcast %mul3A_33 : i32 to vector<16xi32>
    %mul3A_35 = arith.muli %mul3A_34, %add3A_29 : vector<16xi32>
    %select_n3A_36 = arith.select %lt3A_32, %mul3A_35, %broadcast_in_dim3A_5 : vector<16xi1>, vector<16xi32>
    %mul3A_37 = arith.constant 2 : i32
    %mul3A_38 = vector.broadcast %mul3A_37 : i32 to vector<16xi32>
    %mul3A_39 = arith.muli %mul3A_38, %add3A_29 : vector<16xi32>
    %add3A_40 = arith.constant 1 : i32
    %add3A_41 = vector.broadcast %add3A_40 : i32 to vector<16xi32>
    %add3A_42 = arith.addi %mul3A_39, %add3A_41 : vector<16xi32>
    %select_n3A_43 = arith.select %lt3A_32, %add3A_42, %broadcast_in_dim3A_5 : vector<16xi1>, vector<16xi32>
    %mul3A_44 = arith.constant 400 : i32
    %mul3A_45 = vector.broadcast %mul3A_44 : i32 to vector<16xi32>
    %mul3A_46 = arith.muli %add3A_29, %mul3A_45 : vector<16xi32>
    %add3A_47 = arith.constant 32 : i32
    %add3A_48 = vector.broadcast %add3A_47 : i32 to vector<16xi32>
    %add3A_49 = arith.addi %iota3A, %add3A_48 : vector<16xi32>
    %lt3A_50 = arith.constant 50 : i32
    %lt3A_51 = vector.broadcast %lt3A_50 : i32 to vector<16xi32>
    %lt3A_52 = arith.cmpi slt, %add3A_49, %lt3A_51 : vector<16xi32>
    %mul3A_53 = arith.constant 2 : i32
    %mul3A_54 = vector.broadcast %mul3A_53 : i32 to vector<16xi32>
    %mul3A_55 = arith.muli %mul3A_54, %add3A_49 : vector<16xi32>
    %select_n3A_56 = arith.select %lt3A_52, %mul3A_55, %broadcast_in_dim3A_5 : vector<16xi1>, vector<16xi32>
    %mul3A_57 = arith.constant 2 : i32
    %mul3A_58 = vector.broadcast %mul3A_57 : i32 to vector<16xi32>
    %mul3A_59 = arith.muli %mul3A_58, %add3A_49 : vector<16xi32>
    %add3A_60 = arith.constant 1 : i32
    %add3A_61 = vector.broadcast %add3A_60 : i32 to vector<16xi32>
    %add3A_62 = arith.addi %mul3A_59, %add3A_61 : vector<16xi32>
    %select_n3A_63 = arith.select %lt3A_52, %add3A_62, %broadcast_in_dim3A_5 : vector<16xi1>, vector<16xi32>
    %mul3A_64 = arith.constant 400 : i32
    %mul3A_65 = vector.broadcast %mul3A_64 : i32 to vector<16xi32>
    %mul3A_66 = arith.muli %add3A_49, %mul3A_65 : vector<16xi32>
    %add3A_67 = arith.constant 48 : i32
    %add3A_68 = vector.broadcast %add3A_67 : i32 to vector<16xi32>
    %add3A_69 = arith.addi %iota3A, %add3A_68 : vector<16xi32>
    %lt3A_70 = arith.constant 50 : i32
    %lt3A_71 = vector.broadcast %lt3A_70 : i32 to vector<16xi32>
    %lt3A_72 = arith.cmpi slt, %add3A_69, %lt3A_71 : vector<16xi32>
    %mul3A_73 = arith.constant 2 : i32
    %mul3A_74 = vector.broadcast %mul3A_73 : i32 to vector<16xi32>
    %mul3A_75 = arith.muli %mul3A_74, %add3A_69 : vector<16xi32>
    %select_n3A_76 = arith.select %lt3A_72, %mul3A_75, %broadcast_in_dim3A_5 : vector<16xi1>, vector<16xi32>
    %mul3A_77 = arith.constant 2 : i32
    %mul3A_78 = vector.broadcast %mul3A_77 : i32 to vector<16xi32>
    %mul3A_79 = arith.muli %mul3A_78, %add3A_69 : vector<16xi32>
    %add3A_80 = arith.constant 1 : i32
    %add3A_81 = vector.broadcast %add3A_80 : i32 to vector<16xi32>
    %add3A_82 = arith.addi %mul3A_79, %add3A_81 : vector<16xi32>
    %select_n3A_83 = arith.select %lt3A_72, %add3A_82, %broadcast_in_dim3A_5 : vector<16xi1>, vector<16xi32>
    %mul3A_84 = arith.constant 400 : i32
    %mul3A_85 = vector.broadcast %mul3A_84 : i32 to vector<16xi32>
    %mul3A_86 = arith.muli %add3A_69, %mul3A_85 : vector<16xi32>
    %scan3A = arith.constant 0 : i32
    %scan3A_87 = arith.constant 0 : i32
    %scan3A_88 = arith.constant 128 : i32
    %scan3A_89 = arith.addi %scan3A_87, %scan3A_88 : i32
    %scan3A_90 = arith.constant 1 : i32
    scf.for %scan3A_147 = %scan3A_87 to %scan3A_89 step %scan3A_90  : i32 {
      %gt3A = arith.constant 0 : i32
      %gt3A_148 = arith.cmpi sgt, %scan3A_147, %gt3A : i32
      %convert_element_type3A_149 = arith.extui %gt3A_148 : i1 to i32
      %cond3A_150 = arith.constant 0 : i32
      %cond3A_151 = arith.cmpi ne, %convert_element_type3A_149, %cond3A_150 : i32
      scf.if %cond3A_151 {
        %dma_wait3A_3654 = arith.constant 0 : i32
        %dma_wait3A_3655 = arith.constant 0 : i32
        %dma_wait3A_3656 = arith.constant 0 : i32
        %dma_wait3A_3657 = tpu.memref_slice %arg14[%dma_wait3A_3655, %dma_wait3A_3656] : memref<2x1100xf32, #tpu.memory_space<vmem>> -> memref<1x1100xf32, #tpu.memory_space<vmem>>
        %dma_wait3A_3658 = tpu.memref_squeeze %dma_wait3A_3657 : memref<1x1100xf32, #tpu.memory_space<vmem>> -> memref<1100xf32, #tpu.memory_space<vmem>>
        %dma_wait3A_3659 = arith.constant 0 : i32
        %dma_wait3A_3660 = tpu.memref_slice %arg4[%dma_wait3A_3654, %dma_wait3A_3659] : memref<16384x1100xf32, #tpu.memory_space<hbm>> -> memref<1x1100xf32, #tpu.memory_space<hbm>>
        %dma_wait3A_3661 = tpu.memref_squeeze %dma_wait3A_3660 : memref<1x1100xf32, #tpu.memory_space<hbm>> -> memref<1100xf32, #tpu.memory_space<hbm>>
        %dma_wait3A_3662 = arith.constant 0 : i32
        %dma_wait3A_3663 = tpu.memref_slice %arg14[%dma_wait3A_3655, %dma_wait3A_3662] : memref<2x1100xf32, #tpu.memory_space<vmem>> -> memref<1x1100xf32, #tpu.memory_space<vmem>>
        %dma_wait3A_3664 = tpu.memref_squeeze %dma_wait3A_3663 : memref<1x1100xf32, #tpu.memory_space<vmem>> -> memref<1100xf32, #tpu.memory_space<vmem>>
        %dma_wait3A_3665 = arith.constant 0 : i32
        %dma_wait3A_3666 = tpu.memref_slice %arg4[%dma_wait3A_3654, %dma_wait3A_3665] : memref<16384x1100xf32, #tpu.memory_space<hbm>> -> memref<1x1100xf32, #tpu.memory_space<hbm>>
        %dma_wait3A_3667 = tpu.memref_squeeze %dma_wait3A_3666 : memref<1x1100xf32, #tpu.memory_space<hbm>> -> memref<1100xf32, #tpu.memory_space<hbm>>
        tpu.wait_dma2 semaphore(%arg18 : memref<!tpu.dma_semaphore, #tpu.memory_space<semaphore_mem>>) src(%dma_wait3A_3667 : memref<1100xf32, #tpu.memory_space<hbm>>) dst(%dma_wait3A_3664 : memref<1100xf32, #tpu.memory_space<vmem>>)
        %dma_wait3A_3668 = arith.constant 0 : i32
        %dma_wait3A_3669 = arith.constant 1 : i32
        %dma_wait3A_3670 = arith.constant 0 : i32
        %dma_wait3A_3671 = tpu.memref_slice %arg14[%dma_wait3A_3669, %dma_wait3A_3670] : memref<2x1100xf32, #tpu.memory_space<vmem>> -> memref<1x1100xf32, #tpu.memory_space<vmem>>
        %dma_wait3A_3672 = tpu.memref_squeeze %dma_wait3A_3671 : memref<1x1100xf32, #tpu.memory_space<vmem>> -> memref<1100xf32, #tpu.memory_space<vmem>>
        %dma_wait3A_3673 = arith.constant 0 : i32
        %dma_wait3A_3674 = tpu.memref_slice %arg4[%dma_wait3A_3668, %dma_wait3A_3673] : memref<16384x1100xf32, #tpu.memory_space<hbm>> -> memref<1x1100xf32, #tpu.memory_space<hbm>>
        %dma_wait3A_3675 = tpu.memref_squeeze %dma_wait3A_3674 : memref<1x1100xf32, #tpu.memory_space<hbm>> -> memref<1100xf32, #tpu.memory_space<hbm>>
        %dma_wait3A_3676 = arith.constant 0 : i32
        %dma_wait3A_3677 = tpu.memref_slice %arg14[%dma_wait3A_3669, %dma_wait3A_3676] : memref<2x1100xf32, #tpu.memory_space<vmem>> -> memref<1x1100xf32, #tpu.memory_space<vmem>>
        %dma_wait3A_3678 = tpu.memref_squeeze %dma_wait3A_3677 : memref<1x1100xf32, #tpu.memory_space<vmem>> -> memref<1100xf32, #tpu.memory_space<vmem>>
        %dma_wait3A_3679 = arith.constant 0 : i32
        %dma_wait3A_3680 = tpu.memref_slice %arg4[%dma_wait3A_3668, %dma_wait3A_3679] : memref<16384x1100xf32, #tpu.memory_space<hbm>> -> memref<1x1100xf32, #tpu.memory_space<hbm>>
        %dma_wait3A_3681 = tpu.memref_squeeze %dma_wait3A_3680 : memref<1x1100xf32, #tpu.memory_space<hbm>> -> memref<1100xf32, #tpu.memory_space<hbm>>
        tpu.wait_dma2 semaphore(%arg18 : memref<!tpu.dma_semaphore, #tpu.memory_space<semaphore_mem>>) src(%dma_wait3A_3681 : memref<1100xf32, #tpu.memory_space<hbm>>) dst(%dma_wait3A_3678 : memref<1100xf32, #tpu.memory_space<vmem>>)
        %dma_wait3A_3682 = arith.constant 0 : i32
        %dma_wait3A_3683 = arith.constant 0 : i32
        %dma_wait3A_3684 = arith.constant 0 : i32
        %dma_wait3A_3685 = tpu.memref_slice %arg15[%dma_wait3A_3683, %dma_wait3A_3684] : memref<2x1100xf32, #tpu.memory_space<vmem>> -> memref<1x1100xf32, #tpu.memory_space<vmem>>
        %dma_wait3A_3686 = tpu.memref_squeeze %dma_wait3A_3685 : memref<1x1100xf32, #tpu.memory_space<vmem>> -> memref<1100xf32, #tpu.memory_space<vmem>>
        %dma_wait3A_3687 = arith.constant 0 : i32
        %dma_wait3A_3688 = tpu.memref_slice %arg4[%dma_wait3A_3682, %dma_wait3A_3687] : memref<16384x1100xf32, #tpu.memory_space<hbm>> -> memref<1x1100xf32, #tpu.memory_space<hbm>>
        %dma_wait3A_3689 = tpu.memref_squeeze %dma_wait3A_3688 : memref<1x1100xf32, #tpu.memory_space<hbm>> -> memref<1100xf32, #tpu.memory_space<hbm>>
        %dma_wait3A_3690 = arith.constant 0 : i32
        %dma_wait3A_3691 = tpu.memref_slice %arg15[%dma_wait3A_3683, %dma_wait3A_3690] : memref<2x1100xf32, #tpu.memory_space<vmem>> -> memref<1x1100xf32, #tpu.memory_space<vmem>>
        %dma_wait3A_3692 = tpu.memref_squeeze %dma_wait3A_3691 : memref<1x1100xf32, #tpu.memory_space<vmem>> -> memref<1100xf32, #tpu.memory_space<vmem>>
        %dma_wait3A_3693 = arith.constant 0 : i32
        %dma_wait3A_3694 = tpu.memref_slice %arg4[%dma_wait3A_3682, %dma_wait3A_3693] : memref<16384x1100xf32, #tpu.memory_space<hbm>> -> memref<1x1100xf32, #tpu.memory_space<hbm>>
        %dma_wait3A_3695 = tpu.memref_squeeze %dma_wait3A_3694 : memref<1x1100xf32, #tpu.memory_space<hbm>> -> memref<1100xf32, #tpu.memory_space<hbm>>
        tpu.wait_dma2 semaphore(%arg18 : memref<!tpu.dma_semaphore, #tpu.memory_space<semaphore_mem>>) src(%dma_wait3A_3695 : memref<1100xf32, #tpu.memory_space<hbm>>) dst(%dma_wait3A_3692 : memref<1100xf32, #tpu.memory_space<vmem>>)
        %dma_wait3A_3696 = arith.constant 0 : i32
        %dma_wait3A_3697 = arith.constant 1 : i32
        %dma_wait3A_3698 = arith.constant 0 : i32
        %dma_wait3A_3699 = tpu.memref_slice %arg15[%dma_wait3A_3697, %dma_wait3A_3698] : memref<2x1100xf32, #tpu.memory_space<vmem>> -> memref<1x1100xf32, #tpu.memory_space<vmem>>
        %dma_wait3A_3700 = tpu.memref_squeeze %dma_wait3A_3699 : memref<1x1100xf32, #tpu.memory_space<vmem>> -> memref<1100xf32, #tpu.memory_space<vmem>>
        %dma_wait3A_3701 = arith.constant 0 : i32
        %dma_wait3A_3702 = tpu.memref_slice %arg4[%dma_wait3A_3696, %dma_wait3A_3701] : memref<16384x1100xf32, #tpu.memory_space<hbm>> -> memref<1x1100xf32, #tpu.memory_space<hbm>>
        %dma_wait3A_3703 = tpu.memref_squeeze %dma_wait3A_3702 : memref<1x1100xf32, #tpu.memory_space<hbm>> -> memref<1100xf32, #tpu.memory_space<hbm>>
        %dma_wait3A_3704 = arith.constant 0 : i32
        %dma_wait3A_3705 = tpu.memref_slice %arg15[%dma_wait3A_3697, %dma_wait3A_3704] : memref<2x1100xf32, #tpu.memory_space<vmem>> -> memref<1x1100xf32, #tpu.memory_space<vmem>>
        %dma_wait3A_3706 = tpu.memref_squeeze %dma_wait3A_3705 : memref<1x1100xf32, #tpu.memory_space<vmem>> -> memref<1100xf32, #tpu.memory_space<vmem>>
        %dma_wait3A_3707 = arith.constant 0 : i32
        %dma_wait3A_3708 = tpu.memref_slice %arg4[%dma_wait3A_3696, %dma_wait3A_3707] : memref<16384x1100xf32, #tpu.memory_space<hbm>> -> memref<1x1100xf32, #tpu.memory_space<hbm>>
        %dma_wait3A_3709 = tpu.memref_squeeze %dma_wait3A_3708 : memref<1x1100xf32, #tpu.memory_space<hbm>> -> memref<1100xf32, #tpu.memory_space<hbm>>
        tpu.wait_dma2 semaphore(%arg18 : memref<!tpu.dma_semaphore, #tpu.memory_space<semaphore_mem>>) src(%dma_wait3A_3709 : memref<1100xf32, #tpu.memory_space<hbm>>) dst(%dma_wait3A_3706 : memref<1100xf32, #tpu.memory_space<vmem>>)
      } else {
      }
      %mul3A_152 = arith.constant 4 : i32
      %mul3A_153 = arith.muli %scan3A_147, %mul3A_152 : i32
      %add3A_154 = arith.constant 0 : i32
      %add3A_155 = arith.addi %mul3A_153, %add3A_154 : i32
      %broadcast_in_dim3A_156 = vector.broadcast %add3A_155 : i32 to vector<16xi32>
      %gather3A = tpu.vector_load_idx %arg5[%broadcast_in_dim3A_156, %select_n3A] : memref<512x128xf32, #tpu.memory_space<vmem>>[vector<16xi32>, vector<16xi32>], vector<16xf32>,
      %convert_element_type3A_157 = arith.fptosi %gather3A : vector<16xf32> to vector<16xi32>
      %gather3A_158 = tpu.vector_load_idx %arg5[%broadcast_in_dim3A_156, %select_n3A_23] : memref<512x128xf32, #tpu.memory_space<vmem>>[vector<16xi32>, vector<16xi32>], vector<16xf32>,
      %convert_element_type3A_159 = arith.fptosi %gather3A_158 : vector<16xf32> to vector<16xi32>
      %mul3A_160 = arith.constant 20 : i32
      %mul3A_161 = vector.broadcast %mul3A_160 : i32 to vector<16xi32>
      %mul3A_162 = arith.muli %convert_element_type3A_157, %mul3A_161 : vector<16xi32>
      %add3A_163 = arith.addi %mul3A_162, %convert_element_type3A_159 : vector<16xi32>
      %add3A_164 = arith.addi %add3A_163, %mul3A_26 : vector<16xi32>
      %swap3A = arith.constant 0 : index
      %swap3A_165 = tpu.vector_load %arg6[%swap3A] {strides = array<i32>} : memref<64xi32, #tpu.memory_space<vmem>>, vector<16xi32>,
      tpu.vector_store %arg6[%swap3A], %add3A_164 {strides = array<i32>} : memref<64xi32, #tpu.memory_space<vmem>>, vector<16xi32>,
      %gather3A_166 = tpu.vector_load_idx %arg5[%broadcast_in_dim3A_156, %select_n3A_36] : memref<512x128xf32, #tpu.memory_space<vmem>>[vector<16xi32>, vector<16xi32>], vector<16xf32>,
      %convert_element_type3A_167 = arith.fptosi %gather3A_166 : vector<16xf32> to vector<16xi32>
      %gather3A_168 = tpu.vector_load_idx %arg5[%broadcast_in_dim3A_156, %select_n3A_43] : memref<512x128xf32, #tpu.memory_space<vmem>>[vector<16xi32>, vector<16xi32>], vector<16xf32>,
      %convert_element_type3A_169 = arith.fptosi %gather3A_168 : vector<16xf32> to vector<16xi32>
      %mul3A_170 = arith.constant 20 : i32
      %mul3A_171 = vector.broadcast %mul3A_170 : i32 to vector<16xi32>
      %mul3A_172 = arith.muli %convert_element_type3A_167, %mul3A_171 : vector<16xi32>
      %add3A_173 = arith.addi %mul3A_172, %convert_element_type3A_169 : vector<16xi32>
      %add3A_174 = arith.addi %add3A_173, %mul3A_46 : vector<16xi32>
      %swap3A_175 = arith.constant 16 : index
      %swap3A_176 = tpu.vector_load %arg6[%swap3A_175] {strides = array<i32>} : memref<64xi32, #tpu.memory_space<vmem>>, vector<16xi32>,
      tpu.vector_store %arg6[%swap3A_175], %add3A_174 {strides = array<i32>} : memref<64xi32, #tpu.memory_space<vmem>>, vector<16xi32>,
      %gather3A_177 = tpu.vector_load_idx %arg5[%broadcast_in_dim3A_156, %select_n3A_56] : memref<512x128xf32, #tpu.memory_space<vmem>>[vector<16xi32>, vector<16xi32>], vector<16xf32>,
      %convert_element_type3A_178 = arith.fptosi %gather3A_177 : vector<16xf32> to vector<16xi32>
      %gather3A_179 = tpu.vector_load_idx %arg5[%broadcast_in_dim3A_156, %select_n3A_63] : memref<512x128xf32, #tpu.memory_space<vmem>>[vector<16xi32>, vector<16xi32>], vector<16xf32>,
      %convert_element_type3A_180 = arith.fptosi %gather3A_179 : vector<16xf32> to vector<16xi32>
      %mul3A_181 = arith.constant 20 : i32
      %mul3A_182 = vector.broadcast %mul3A_181 : i32 to vector<16xi32>
      %mul3A_183 = arith.muli %convert_element_type3A_178, %mul3A_182 : vector<16xi32>
      %add3A_184 = arith.addi %mul3A_183, %convert_element_type3A_180 : vector<16xi32>
      %add3A_185 = arith.addi %add3A_184, %mul3A_66 : vector<16xi32>
      %swap3A_186 = arith.constant 32 : index
      %swap3A_187 = tpu.vector_load %arg6[%swap3A_186] {strides = array<i32>} : memref<64xi32, #tpu.memory_space<vmem>>, vector<16xi32>,
      tpu.vector_store %arg6[%swap3A_186], %add3A_185 {strides = array<i32>} : memref<64xi32, #tpu.memory_space<vmem>>, vector<16xi32>,
      %gather3A_188 = tpu.vector_load_idx %arg5[%broadcast_in_dim3A_156, %select_n3A_76] : memref<512x128xf32, #tpu.memory_space<vmem>>[vector<16xi32>, vector<16xi32>], vector<16xf32>,
      %convert_element_type3A_189 = arith.fptosi %gather3A_188 : vector<16xf32> to vector<16xi32>
      %gather3A_190 = tpu.vector_load_idx %arg5[%broadcast_in_dim3A_156, %select_n3A_83] : memref<512x128xf32, #tpu.memory_space<vmem>>[vector<16xi32>, vector<16xi32>], vector<16xf32>,
      %convert_element_type3A_191 = arith.fptosi %gather3A_190 : vector<16xf32> to vector<16xi32>
      %mul3A_192 = arith.constant 20 : i32
      %mul3A_193 = vector.broadcast %mul3A_192 : i32 to vector<16xi32>
      %mul3A_194 = arith.muli %convert_element_type3A_189, %mul3A_193 : vector<16xi32>
      %add3A_195 = arith.addi %mul3A_194, %convert_element_type3A_191 : vector<16xi32>
      %add3A_196 = arith.addi %add3A_195, %mul3A_86 : vector<16xi32>
      %select_n3A_197 = arith.select %lt3A_7, %add3A_196, %broadcast_in_dim3A_5 : vector<16xi1>, vector<16xi32>
      %swap3A_198 = arith.constant 48 : index
      %swap3A_199 = tpu.vector_load %arg6[%swap3A_198] {strides = array<i32>} : memref<64xi32, #tpu.memory_space<vmem>>, vector<16xi32>,
      tpu.vector_store %arg6[%swap3A_198], %select_n3A_197 {strides = array<i32>} : memref<64xi32, #tpu.memory_space<vmem>>, vector<16xi32>,
      %dma_start3A = arith.constant 0 : i32
      %dma_start3A_200 = tpu.memref_slice %arg6[%dma_start3A] : memref<64xi32, #tpu.memory_space<vmem>> -> memref<56xi32, #tpu.memory_space<vmem>>
      %dma_start3A_201 = arith.constant 0 : i32
      %dma_start3A_202 = arith.constant 0 : i32
      %dma_start3A_203 = tpu.memref_slice %arg16[%dma_start3A_201, %dma_start3A_202] : memref<20000x24xf32, #tpu.memory_space<vmem_shared>> -> memref<20000x24xf32, #tpu.memory_space<vmem_shared>>
      tpu.enqueue_indirect_dma source(%dma_start3A_203 : memref<20000x24xf32, #tpu.memory_space<vmem_shared>>) target(%arg10 : memref<56x24xf32, #tpu.memory_space<vmem>>) offsets(%dma_start3A_200 : memref<56xi32, #tpu.memory_space<vmem>>) semaphore(%arg17 : memref<!tpu.dma_semaphore, #tpu.memory_space<semaphore_mem>>)
      %mul3A_204 = arith.constant 4 : i32
      %mul3A_205 = arith.muli %scan3A_147, %mul3A_204 : i32
      %add3A_206 = arith.constant 1 : i32
      %add3A_207 = arith.addi %mul3A_205, %add3A_206 : i32
      %broadcast_in_dim3A_208 = vector.broadcast %add3A_207 : i32 to vector<16xi32>
      %gather3A_209 = tpu.vector_load_idx %arg5[%broadcast_in_dim3A_208, %select_n3A] : memref<512x128xf32, #tpu.memory_space<vmem>>[vector<16xi32>, vector<16xi32>], vector<16xf32>,
      %convert_element_type3A_210 = arith.fptosi %gather3A_209 : vector<16xf32> to vector<16xi32>
      %gather3A_211 = tpu.vector_load_idx %arg5[%broadcast_in_dim3A_208, %select_n3A_23] : memref<512x128xf32, #tpu.memory_space<vmem>>[vector<16xi32>, vector<16xi32>], vector<16xf32>,
      %convert_element_type3A_212 = arith.fptosi %gather3A_211 : vector<16xf32> to vector<16xi32>
      %mul3A_213 = arith.constant 20 : i32
      %mul3A_214 = vector.broadcast %mul3A_213 : i32 to vector<16xi32>
      %mul3A_215 = arith.muli %convert_element_type3A_210, %mul3A_214 : vector<16xi32>
      %add3A_216 = arith.addi %mul3A_215, %convert_element_type3A_212 : vector<16xi32>
      %add3A_217 = arith.addi %add3A_216, %mul3A_26 : vector<16xi32>
      %swap3A_218 = arith.constant 0 : index
      %swap3A_219 = tpu.vector_load %arg7[%swap3A_218] {strides = array<i32>} : memref<64xi32, #tpu.memory_space<vmem>>, vector<16xi32>,
      tpu.vector_store %arg7[%swap3A_218], %add3A_217 {strides = array<i32>} : memref<64xi32, #tpu.memory_space<vmem>>, vector<16xi32>,
      %gather3A_220 = tpu.vector_load_idx %arg5[%broadcast_in_dim3A_208, %select_n3A_36] : memref<512x128xf32, #tpu.memory_space<vmem>>[vector<16xi32>, vector<16xi32>], vector<16xf32>,
      %convert_element_type3A_221 = arith.fptosi %gather3A_220 : vector<16xf32> to vector<16xi32>
      %gather3A_222 = tpu.vector_load_idx %arg5[%broadcast_in_dim3A_208, %select_n3A_43] : memref<512x128xf32, #tpu.memory_space<vmem>>[vector<16xi32>, vector<16xi32>], vector<16xf32>,
      %convert_element_type3A_223 = arith.fptosi %gather3A_222 : vector<16xf32> to vector<16xi32>
      %mul3A_224 = arith.constant 20 : i32
      %mul3A_225 = vector.broadcast %mul3A_224 : i32 to vector<16xi32>
      %mul3A_226 = arith.muli %convert_element_type3A_221, %mul3A_225 : vector<16xi32>
      %add3A_227 = arith.addi %mul3A_226, %convert_element_type3A_223 : vector<16xi32>
      %add3A_228 = arith.addi %add3A_227, %mul3A_46 : vector<16xi32>
      %swap3A_229 = arith.constant 16 : index
      %swap3A_230 = tpu.vector_load %arg7[%swap3A_229] {strides = array<i32>} : memref<64xi32, #tpu.memory_space<vmem>>, vector<16xi32>,
      tpu.vector_store %arg7[%swap3A_229], %add3A_228 {strides = array<i32>} : memref<64xi32, #tpu.memory_space<vmem>>, vector<16xi32>,
      %gather3A_231 = tpu.vector_load_idx %arg5[%broadcast_in_dim3A_208, %select_n3A_56] : memref<512x128xf32, #tpu.memory_space<vmem>>[vector<16xi32>, vector<16xi32>], vector<16xf32>,
      %convert_element_type3A_232 = arith.fptosi %gather3A_231 : vector<16xf32> to vector<16xi32>
      %gather3A_233 = tpu.vector_load_idx %arg5[%broadcast_in_dim3A_208, %select_n3A_63] : memref<512x128xf32, #tpu.memory_space<vmem>>[vector<16xi32>, vector<16xi32>], vector<16xf32>,
      %convert_element_type3A_234 = arith.fptosi %gather3A_233 : vector<16xf32> to vector<16xi32>
      %mul3A_235 = arith.constant 20 : i32
      %mul3A_236 = vector.broadcast %mul3A_235 : i32 to vector<16xi32>
      %mul3A_237 = arith.muli %convert_element_type3A_232, %mul3A_236 : vector<16xi32>
      %add3A_238 = arith.addi %mul3A_237, %convert_element_type3A_234 : vector<16xi32>
      %add3A_239 = arith.addi %add3A_238, %mul3A_66 : vector<16xi32>
      %swap3A_240 = arith.constant 32 : index
      %swap3A_241 = tpu.vector_load %arg7[%swap3A_240] {strides = array<i32>} : memref<64xi32, #tpu.memory_space<vmem>>, vector<16xi32>,
      tpu.vector_store %arg7[%swap3A_240], %add3A_239 {strides = array<i32>} : memref<64xi32, #tpu.memory_space<vmem>>, vector<16xi32>,
      %gather3A_242 = tpu.vector_load_idx %arg5[%broadcast_in_dim3A_208, %select_n3A_76] : memref<512x128xf32, #tpu.memory_space<vmem>>[vector<16xi32>, vector<16xi32>], vector<16xf32>,
      %convert_element_type3A_243 = arith.fptosi %gather3A_242 : vector<16xf32> to vector<16xi32>
      %gather3A_244 = tpu.vector_load_idx %arg5[%broadcast_in_dim3A_208, %select_n3A_83] : memref<512x128xf32, #tpu.memory_space<vmem>>[vector<16xi32>, vector<16xi32>], vector<16xf32>,
      %convert_element_type3A_245 = arith.fptosi %gather3A_244 : vector<16xf32> to vector<16xi32>
      %mul3A_246 = arith.constant 20 : i32
      %mul3A_247 = vector.broadcast %mul3A_246 : i32 to vector<16xi32>
      %mul3A_248 = arith.muli %convert_element_type3A_243, %mul3A_247 : vector<16xi32>
      %add3A_249 = arith.addi %mul3A_248, %convert_element_type3A_245 : vector<16xi32>
      %add3A_250 = arith.addi %add3A_249, %mul3A_86 : vector<16xi32>
      %select_n3A_251 = arith.select %lt3A_7, %add3A_250, %broadcast_in_dim3A_5 : vector<16xi1>, vector<16xi32>
      %swap3A_252 = arith.constant 48 : index
      %swap3A_253 = tpu.vector_load %arg7[%swap3A_252] {strides = array<i32>} : memref<64xi32, #tpu.memory_space<vmem>>, vector<16xi32>,
      tpu.vector_store %arg7[%swap3A_252], %select_n3A_251 {strides = array<i32>} : memref<64xi32, #tpu.memory_space<vmem>>, vector<16xi32>,
      %dma_start3A_254 = arith.constant 0 : i32
      %dma_start3A_255 = tpu.memref_slice %arg7[%dma_start3A_254] : memref<64xi32, #tpu.memory_space<vmem>> -> memref<56xi32, #tpu.memory_space<vmem>>
      %dma_start3A_256 = arith.constant 0 : i32
      %dma_start3A_257 = arith.constant 0 : i32
      %dma_start3A_258 = tpu.memref_slice %arg16[%dma_start3A_256, %dma_start3A_257] : memref<20000x24xf32, #tpu.memory_space<vmem_shared>> -> memref<20000x24xf32, #tpu.memory_space<vmem_shared>>
      tpu.enqueue_indirect_dma source(%dma_start3A_258 : memref<20000x24xf32, #tpu.memory_space<vmem_shared>>) target(%arg11 : memref<56x24xf32, #tpu.memory_space<vmem>>) offsets(%dma_start3A_255 : memref<56xi32, #tpu.memory_space<vmem>>) semaphore(%arg17 : memref<!tpu.dma_semaphore, #tpu.memory_space<semaphore_mem>>)
      %mul3A_259 = arith.constant 4 : i32
      %mul3A_260 = arith.muli %scan3A_147, %mul3A_259 : i32
      %add3A_261 = arith.constant 2 : i32
      %add3A_262 = arith.addi %mul3A_260, %add3A_261 : i32
      %broadcast_in_dim3A_263 = vector.broadcast %add3A_262 : i32 to vector<16xi32>
      %gather3A_264 = tpu.vector_load_idx %arg5[%broadcast_in_dim3A_263, %select_n3A] : memref<512x128xf32, #tpu.memory_space<vmem>>[vector<16xi32>, vector<16xi32>], vector<16xf32>,
      %convert_element_type3A_265 = arith.fptosi %gather3A_264 : vector<16xf32> to vector<16xi32>
      %gather3A_266 = tpu.vector_load_idx %arg5[%broadcast_in_dim3A_263, %select_n3A_23] : memref<512x128xf32, #tpu.memory_space<vmem>>[vector<16xi32>, vector<16xi32>], vector<16xf32>,
      %convert_element_type3A_267 = arith.fptosi %gather3A_266 : vector<16xf32> to vector<16xi32>
      %mul3A_268 = arith.constant 20 : i32
      %mul3A_269 = vector.broadcast %mul3A_268 : i32 to vector<16xi32>
      %mul3A_270 = arith.muli %convert_element_type3A_265, %mul3A_269 : vector<16xi32>
      %add3A_271 = arith.addi %mul3A_270, %convert_element_type3A_267 : vector<16xi32>
      %add3A_272 = arith.addi %add3A_271, %mul3A_26 : vector<16xi32>
      %swap3A_273 = arith.constant 0 : index
      %swap3A_274 = tpu.vector_load %arg8[%swap3A_273] {strides = array<i32>} : memref<64xi32, #tpu.memory_space<vmem>>, vector<16xi32>,
      tpu.vector_store %arg8[%swap3A_273], %add3A_272 {strides = array<i32>} : memref<64xi32, #tpu.memory_space<vmem>>, vector<16xi32>,
      %gather3A_275 = tpu.vector_load_idx %arg5[%broadcast_in_dim3A_263, %select_n3A_36] : memref<512x128xf32, #tpu.memory_space<vmem>>[vector<16xi32>, vector<16xi32>], vector<16xf32>,
      %convert_element_type3A_276 = arith.fptosi %gather3A_275 : vector<16xf32> to vector<16xi32>
      %gather3A_277 = tpu.vector_load_idx %arg5[%broadcast_in_dim3A_263, %select_n3A_43] : memref<512x128xf32, #tpu.memory_space<vmem>>[vector<16xi32>, vector<16xi32>], vector<16xf32>,
      %convert_element_type3A_278 = arith.fptosi %gather3A_277 : vector<16xf32> to vector<16xi32>
      %mul3A_279 = arith.constant 20 : i32
      %mul3A_280 = vector.broadcast %mul3A_279 : i32 to vector<16xi32>
      %mul3A_281 = arith.muli %convert_element_type3A_276, %mul3A_280 : vector<16xi32>
      %add3A_282 = arith.addi %mul3A_281, %convert_element_type3A_278 : vector<16xi32>
      %add3A_283 = arith.addi %add3A_282, %mul3A_46 : vector<16xi32>
      %swap3A_284 = arith.constant 16 : index
      %swap3A_285 = tpu.vector_load %arg8[%swap3A_284] {strides = array<i32>} : memref<64xi32, #tpu.memory_space<vmem>>, vector<16xi32>,
      tpu.vector_store %arg8[%swap3A_284], %add3A_283 {strides = array<i32>} : memref<64xi32, #tpu.memory_space<vmem>>, vector<16xi32>,
      %gather3A_286 = tpu.vector_load_idx %arg5[%broadcast_in_dim3A_263, %select_n3A_56] : memref<512x128xf32, #tpu.memory_space<vmem>>[vector<16xi32>, vector<16xi32>], vector<16xf32>,
      %convert_element_type3A_287 = arith.fptosi %gather3A_286 : vector<16xf32> to vector<16xi32>
      %gather3A_288 = tpu.vector_load_idx %arg5[%broadcast_in_dim3A_263, %select_n3A_63] : memref<512x128xf32, #tpu.memory_space<vmem>>[vector<16xi32>, vector<16xi32>], vector<16xf32>,
      %convert_element_type3A_289 = arith.fptosi %gather3A_288 : vector<16xf32> to vector<16xi32>
      %mul3A_290 = arith.constant 20 : i32
      %mul3A_291 = vector.broadcast %mul3A_290 : i32 to vector<16xi32>
      %mul3A_292 = arith.muli %convert_element_type3A_287, %mul3A_291 : vector<16xi32>
      %add3A_293 = arith.addi %mul3A_292, %convert_element_type3A_289 : vector<16xi32>
      %add3A_294 = arith.addi %add3A_293, %mul3A_66 : vector<16xi32>
      %swap3A_295 = arith.constant 32 : index
      %swap3A_296 = tpu.vector_load %arg8[%swap3A_295] {strides = array<i32>} : memref<64xi32, #tpu.memory_space<vmem>>, vector<16xi32>,
      tpu.vector_store %arg8[%swap3A_295], %add3A_294 {strides = array<i32>} : memref<64xi32, #tpu.memory_space<vmem>>, vector<16xi32>,
      %gather3A_297 = tpu.vector_load_idx %arg5[%broadcast_in_dim3A_263, %select_n3A_76] : memref<512x128xf32, #tpu.memory_space<vmem>>[vector<16xi32>, vector<16xi32>], vector<16xf32>,
      %convert_element_type3A_298 = arith.fptosi %gather3A_297 : vector<16xf32> to vector<16xi32>
      %gather3A_299 = tpu.vector_load_idx %arg5[%broadcast_in_dim3A_263, %select_n3A_83] : memref<512x128xf32, #tpu.memory_space<vmem>>[vector<16xi32>, vector<16xi32>], vector<16xf32>,
      %convert_element_type3A_300 = arith.fptosi %gather3A_299 : vector<16xf32> to vector<16xi32>
      %mul3A_301 = arith.constant 20 : i32
      %mul3A_302 = vector.broadcast %mul3A_301 : i32 to vector<16xi32>
      %mul3A_303 = arith.muli %convert_element_type3A_298, %mul3A_302 : vector<16xi32>
      %add3A_304 = arith.addi %mul3A_303, %convert_element_type3A_300 : vector<16xi32>
      %add3A_305 = arith.addi %add3A_304, %mul3A_86 : vector<16xi32>
      %select_n3A_306 = arith.select %lt3A_7, %add3A_305, %broadcast_in_dim3A_5 : vector<16xi1>, vector<16xi32>
      %swap3A_307 = arith.constant 48 : index
      %swap3A_308 = tpu.vector_load %arg8[%swap3A_307] {strides = array<i32>} : memref<64xi32, #tpu.memory_space<vmem>>, vector<16xi32>,
      tpu.vector_store %arg8[%swap3A_307], %select_n3A_306 {strides = array<i32>} : memref<64xi32, #tpu.memory_space<vmem>>, vector<16xi32>,
      %dma_start3A_309 = arith.constant 0 : i32
      %dma_start3A_310 = tpu.memref_slice %arg8[%dma_start3A_309] : memref<64xi32, #tpu.memory_space<vmem>> -> memref<56xi32, #tpu.memory_space<vmem>>
      %dma_start3A_311 = arith.constant 0 : i32
      %dma_start3A_312 = arith.constant 0 : i32
      %dma_start3A_313 = tpu.memref_slice %arg16[%dma_start3A_311, %dma_start3A_312] : memref<20000x24xf32, #tpu.memory_space<vmem_shared>> -> memref<20000x24xf32, #tpu.memory_space<vmem_shared>>
      tpu.enqueue_indirect_dma source(%dma_start3A_313 : memref<20000x24xf32, #tpu.memory_space<vmem_shared>>) target(%arg12 : memref<56x24xf32, #tpu.memory_space<vmem>>) offsets(%dma_start3A_310 : memref<56xi32, #tpu.memory_space<vmem>>) semaphore(%arg17 : memref<!tpu.dma_semaphore, #tpu.memory_space<semaphore_mem>>)
      %mul3A_314 = arith.constant 4 : i32
      %mul3A_315 = arith.muli %scan3A_147, %mul3A_314 : i32
      %add3A_316 = arith.constant 3 : i32
      %add3A_317 = arith.addi %mul3A_315, %add3A_316 : i32
      %broadcast_in_dim3A_318 = vector.broadcast %add3A_317 : i32 to vector<16xi32>
      %gather3A_319 = tpu.vector_load_idx %arg5[%broadcast_in_dim3A_318, %select_n3A] : memref<512x128xf32, #tpu.memory_space<vmem>>[vector<16xi32>, vector<16xi32>], vector<16xf32>,
      %convert_element_type3A_320 = arith.fptosi %gather3A_319 : vector<16xf32> to vector<16xi32>
      %gather3A_321 = tpu.vector_load_idx %arg5[%broadcast_in_dim3A_318, %select_n3A_23] : memref<512x128xf32, #tpu.memory_space<vmem>>[vector<16xi32>, vector<16xi32>], vector<16xf32>,
      %convert_element_type3A_322 = arith.fptosi %gather3A_321 : vector<16xf32> to vector<16xi32>
      %mul3A_323 = arith.constant 20 : i32
      %mul3A_324 = vector.broadcast %mul3A_323 : i32 to vector<16xi32>
      %mul3A_325 = arith.muli %convert_element_type3A_320, %mul3A_324 : vector<16xi32>
      %add3A_326 = arith.addi %mul3A_325, %convert_element_type3A_322 : vector<16xi32>
      %add3A_327 = arith.addi %add3A_326, %mul3A_26 : vector<16xi32>
      %swap3A_328 = arith.constant 0 : index
      %swap3A_329 = tpu.vector_load %arg9[%swap3A_328] {strides = array<i32>} : memref<64xi32, #tpu.memory_space<vmem>>, vector<16xi32>,
      tpu.vector_store %arg9[%swap3A_328], %add3A_327 {strides = array<i32>} : memref<64xi32, #tpu.memory_space<vmem>>, vector<16xi32>,
      %gather3A_330 = tpu.vector_load_idx %arg5[%broadcast_in_dim3A_318, %select_n3A_36] : memref<512x128xf32, #tpu.memory_space<vmem>>[vector<16xi32>, vector<16xi32>], vector<16xf32>,
      %convert_element_type3A_331 = arith.fptosi %gather3A_330 : vector<16xf32> to vector<16xi32>
      %gather3A_332 = tpu.vector_load_idx %arg5[%broadcast_in_dim3A_318, %select_n3A_43] : memref<512x128xf32, #tpu.memory_space<vmem>>[vector<16xi32>, vector<16xi32>], vector<16xf32>,
      %convert_element_type3A_333 = arith.fptosi %gather3A_332 : vector<16xf32> to vector<16xi32>
      %mul3A_334 = arith.constant 20 : i32
      %mul3A_335 = vector.broadcast %mul3A_334 : i32 to vector<16xi32>
      %mul3A_336 = arith.muli %convert_element_type3A_331, %mul3A_335 : vector<16xi32>
      %add3A_337 = arith.addi %mul3A_336, %convert_element_type3A_333 : vector<16xi32>
      %add3A_338 = arith.addi %add3A_337, %mul3A_46 : vector<16xi32>
      %swap3A_339 = arith.constant 16 : index
      %swap3A_340 = tpu.vector_load %arg9[%swap3A_339] {strides = array<i32>} : memref<64xi32, #tpu.memory_space<vmem>>, vector<16xi32>,
      tpu.vector_store %arg9[%swap3A_339], %add3A_338 {strides = array<i32>} : memref<64xi32, #tpu.memory_space<vmem>>, vector<16xi32>,
      %gather3A_341 = tpu.vector_load_idx %arg5[%broadcast_in_dim3A_318, %select_n3A_56] : memref<512x128xf32, #tpu.memory_space<vmem>>[vector<16xi32>, vector<16xi32>], vector<16xf32>,
      %convert_element_type3A_342 = arith.fptosi %gather3A_341 : vector<16xf32> to vector<16xi32>
      %gather3A_343 = tpu.vector_load_idx %arg5[%broadcast_in_dim3A_318, %select_n3A_63] : memref<512x128xf32, #tpu.memory_space<vmem>>[vector<16xi32>, vector<16xi32>], vector<16xf32>,
      %convert_element_type3A_344 = arith.fptosi %gather3A_343 : vector<16xf32> to vector<16xi32>
      %mul3A_345 = arith.constant 20 : i32
      %mul3A_346 = vector.broadcast %mul3A_345 : i32 to vector<16xi32>
      %mul3A_347 = arith.muli %convert_element_type3A_342, %mul3A_346 : vector<16xi32>
      %add3A_348 = arith.addi %mul3A_347, %convert_element_type3A_344 : vector<16xi32>
      %add3A_349 = arith.addi %add3A_348, %mul3A_66 : vector<16xi32>
      %swap3A_350 = arith.constant 32 : index
      %swap3A_351 = tpu.vector_load %arg9[%swap3A_350] {strides = array<i32>} : memref<64xi32, #tpu.memory_space<vmem>>, vector<16xi32>,
      tpu.vector_store %arg9[%swap3A_350], %add3A_349 {strides = array<i32>} : memref<64xi32, #tpu.memory_space<vmem>>, vector<16xi32>,
      %gather3A_352 = tpu.vector_load_idx %arg5[%broadcast_in_dim3A_318, %select_n3A_76] : memref<512x128xf32, #tpu.memory_space<vmem>>[vector<16xi32>, vector<16xi32>], vector<16xf32>,
      %convert_element_type3A_353 = arith.fptosi %gather3A_352 : vector<16xf32> to vector<16xi32>
      %gather3A_354 = tpu.vector_load_idx %arg5[%broadcast_in_dim3A_318, %select_n3A_83] : memref<512x128xf32, #tpu.memory_space<vmem>>[vector<16xi32>, vector<16xi32>], vector<16xf32>,
      %convert_element_type3A_355 = arith.fptosi %gather3A_354 : vector<16xf32> to vector<16xi32>
      %mul3A_356 = arith.constant 20 : i32
      %mul3A_357 = vector.broadcast %mul3A_356 : i32 to vector<16xi32>
      %mul3A_358 = arith.muli %convert_element_type3A_353, %mul3A_357 : vector<16xi32>
      %add3A_359 = arith.addi %mul3A_358, %convert_element_type3A_355 : vector<16xi32>
      %add3A_360 = arith.addi %add3A_359, %mul3A_86 : vector<16xi32>
      %select_n3A_361 = arith.select %lt3A_7, %add3A_360, %broadcast_in_dim3A_5 : vector<16xi1>, vector<16xi32>
      %swap3A_362 = arith.constant 48 : index
      %swap3A_363 = tpu.vector_load %arg9[%swap3A_362] {strides = array<i32>} : memref<64xi32, #tpu.memory_space<vmem>>, vector<16xi32>,
      tpu.vector_store %arg9[%swap3A_362], %select_n3A_361 {strides = array<i32>} : memref<64xi32, #tpu.memory_space<vmem>>, vector<16xi32>,
      %dma_start3A_364 = arith.constant 0 : i32
      %dma_start3A_365 = tpu.memref_slice %arg9[%dma_start3A_364] : memref<64xi32, #tpu.memory_space<vmem>> -> memref<56xi32, #tpu.memory_space<vmem>>
      %dma_start3A_366 = arith.constant 0 : i32
      %dma_start3A_367 = arith.constant 0 : i32
      %dma_start3A_368 = tpu.memref_slice %arg16[%dma_start3A_366, %dma_start3A_367] : memref<20000x24xf32, #tpu.memory_space<vmem_shared>> -> memref<20000x24xf32, #tpu.memory_space<vmem_shared>>
      tpu.enqueue_indirect_dma source(%dma_start3A_368 : memref<20000x24xf32, #tpu.memory_space<vmem_shared>>) target(%arg13 : memref<56x24xf32, #tpu.memory_space<vmem>>) offsets(%dma_start3A_365 : memref<56xi32, #tpu.memory_space<vmem>>) semaphore(%arg17 : memref<!tpu.dma_semaphore, #tpu.memory_space<semaphore_mem>>)
      %dma_wait3A_369 = arith.constant 0 : i32
      %dma_wait3A_370 = tpu.memref_slice %arg6[%dma_wait3A_369] : memref<64xi32, #tpu.memory_space<vmem>> -> memref<56xi32, #tpu.memory_space<vmem>>
      %dma_wait3A_371 = arith.constant 0 : i32
      %dma_wait3A_372 = arith.constant 0 : i32
      %dma_wait3A_373 = tpu.memref_slice %arg16[%dma_wait3A_371, %dma_wait3A_372] : memref<20000x24xf32, #tpu.memory_space<vmem_shared>> -> memref<20000x24xf32, #tpu.memory_space<vmem_shared>>
      tpu.wait_indirect_dma semaphore(%arg17 : memref<!tpu.dma_semaphore, #tpu.memory_space<semaphore_mem>>) src(%dma_wait3A_373 : memref<20000x24xf32, #tpu.memory_space<vmem_shared>>) dst(%arg10 : memref<56x24xf32, #tpu.memory_space<vmem>>)
      %dma_wait3A_374 = arith.constant 0 : i32
      %dma_wait3A_375 = tpu.memref_slice %arg7[%dma_wait3A_374] : memref<64xi32, #tpu.memory_space<vmem>> -> memref<56xi32, #tpu.memory_space<vmem>>
      %dma_wait3A_376 = arith.constant 0 : i32
      %dma_wait3A_377 = arith.constant 0 : i32
      %dma_wait3A_378 = tpu.memref_slice %arg16[%dma_wait3A_376, %dma_wait3A_377] : memref<20000x24xf32, #tpu.memory_space<vmem_shared>> -> memref<20000x24xf32, #tpu.memory_space<vmem_shared>>
      tpu.wait_indirect_dma semaphore(%arg17 : memref<!tpu.dma_semaphore, #tpu.memory_space<semaphore_mem>>) src(%dma_wait3A_378 : memref<20000x24xf32, #tpu.memory_space<vmem_shared>>) dst(%arg11 : memref<56x24xf32, #tpu.memory_space<vmem>>)
      %get3A = arith.constant 0 : i32
      %get3A_379 = arith.index_cast %get3A : i32 to index
      %get3A_380 = arith.constant 0 : index
      %get3A_381 = tpu.vector_load %arg10[%get3A_379, %get3A_380] {strides = array<i32>} : memref<56x24xf32, #tpu.memory_space<vmem>>, vector<16xf32>,
      %swap3A_382 = arith.constant 0 : i32
      %swap3A_383 = arith.index_cast %swap3A_382 : i32 to index
      %swap3A_384 = arith.constant 0 : index
      %swap3A_385 = tpu.vector_load %arg14[%swap3A_383, %swap3A_384] {strides = array<i32>} : memref<2x1100xf32, #tpu.memory_space<vmem>>, vector<16xf32>,
      tpu.vector_store %arg14[%swap3A_383, %swap3A_384], %get3A_381 {strides = array<i32>} : memref<2x1100xf32, #tpu.memory_space<vmem>>, vector<16xf32>,
      %get3A_386 = arith.constant 0 : i32
      %get3A_387 = arith.index_cast %get3A_386 : i32 to index
      %get3A_388 = arith.constant 8 : index
      %get3A_389 = tpu.vector_load %arg10[%get3A_387, %get3A_388] {strides = array<i32>} : memref<56x24xf32, #tpu.memory_space<vmem>>, vector<16xf32>,
      %swap3A_390 = arith.constant 0 : i32
      %swap3A_391 = arith.index_cast %swap3A_390 : i32 to index
      %swap3A_392 = arith.constant 8 : index
      %swap3A_393 = tpu.vector_load %arg14[%swap3A_391, %swap3A_392] {strides = array<i32>} : memref<2x1100xf32, #tpu.memory_space<vmem>>, vector<16xf32>,
      tpu.vector_store %arg14[%swap3A_391, %swap3A_392], %get3A_389 {strides = array<i32>} : memref<2x1100xf32, #tpu.memory_space<vmem>>, vector<16xf32>,
      %get3A_394 = arith.constant 1 : i32
      %get3A_395 = arith.index_cast %get3A_394 : i32 to index
      %get3A_396 = arith.constant 0 : index
      %get3A_397 = tpu.vector_load %arg10[%get3A_395, %get3A_396] {strides = array<i32>} : memref<56x24xf32, #tpu.memory_space<vmem>>, vector<16xf32>,
      %swap3A_398 = arith.constant 0 : i32
      %swap3A_399 = arith.index_cast %swap3A_398 : i32 to index
      %swap3A_400 = arith.constant 22 : index
      %swap3A_401 = tpu.vector_load %arg14[%swap3A_399, %swap3A_400] {strides = array<i32>} : memref<2x1100xf32, #tpu.memory_space<vmem>>, vector<16xf32>,
      tpu.vector_store %arg14[%swap3A_399, %swap3A_400], %get3A_397 {strides = array<i32>} : memref<2x1100xf32, #tpu.memory_space<vmem>>, vector<16xf32>,
      %get3A_402 = arith.constant 1 : i32
      %get3A_403 = arith.index_cast %get3A_402 : i32 to index
      %get3A_404 = arith.constant 8 : index
      %get3A_405 = tpu.vector_load %arg10[%get3A_403, %get3A_404] {strides = array<i32>} : memref<56x24xf32, #tpu.memory_space<vmem>>, vector<16xf32>,
      %swap3A_406 = arith.constant 0 : i32
      %swap3A_407 = arith.index_cast %swap3A_406 : i32 to index
      %swap3A_408 = arith.constant 30 : index
      %swap3A_409 = tpu.vector_load %arg14[%swap3A_407, %swap3A_408] {strides = array<i32>} : memref<2x1100xf32, #tpu.memory_space<vmem>>, vector<16xf32>,
      tpu.vector_store %arg14[%swap3A_407, %swap3A_408], %get3A_405 {strides = array<i32>} : memref<2x1100xf32, #tpu.memory_space<vmem>>, vector<16xf32>,
      %get3A_410 = arith.constant 2 : i32
      %get3A_411 = arith.index_cast %get3A_410 : i32 to index
      %get3A_412 = arith.constant 0 : index
      %get3A_413 = tpu.vector_load %arg10[%get3A_411, %get3A_412] {strides = array<i32>} : memref<56x24xf32, #tpu.memory_space<vmem>>, vector<16xf32>,
      %swap3A_414 = arith.constant 0 : i32
      %swap3A_415 = arith.index_cast %swap3A_414 : i32 to index
      %swap3A_416 = arith.constant 44 : index
      %swap3A_417 = tpu.vector_load %arg14[%swap3A_415, %swap3A_416] {strides = array<i32>} : memref<2x1100xf32, #tpu.memory_space<vmem>>, vector<16xf32>,
      tpu.vector_store %arg14[%swap3A_415, %swap3A_416], %get3A_413 {strides = array<i32>} : memref<2x1100xf32, #tpu.memory_space<vmem>>, vector<16xf32>,
      %get3A_418 = arith.constant 2 : i32
      %get3A_419 = arith.index_cast %get3A_418 : i32 to index
      %get3A_420 = arith.constant 8 : index
      %get3A_421 = tpu.vector_load %arg10[%get3A_419, %get3A_420] {strides = array<i32>} : memref<56x24xf32, #tpu.memory_space<vmem>>, vector<16xf32>,
      %swap3A_422 = arith.constant 0 : i32
      %swap3A_423 = arith.index_cast %swap3A_422 : i32 to index
      %swap3A_424 = arith.constant 52 : index
      %swap3A_425 = tpu.vector_load %arg14[%swap3A_423, %swap3A_424] {strides = array<i32>} : memref<2x1100xf32, #tpu.memory_space<vmem>>, vector<16xf32>,
      tpu.vector_store %arg14[%swap3A_423, %swap3A_424], %get3A_421 {strides = array<i32>} : memref<2x1100xf32, #tpu.memory_space<vmem>>, vector<16xf32>,
      %get3A_426 = arith.constant 3 : i32
      %get3A_427 = arith.index_cast %get3A_426 : i32 to index
      %get3A_428 = arith.constant 0 : index
      %get3A_429 = tpu.vector_load %arg10[%get3A_427, %get3A_428] {strides = array<i32>} : memref<56x24xf32, #tpu.memory_space<vmem>>, vector<16xf32>,
      %swap3A_430 = arith.constant 0 : i32
      %swap3A_431 = arith.index_cast %swap3A_430 : i32 to index
      %swap3A_432 = arith.constant 66 : index
      %swap3A_433 = tpu.vector_load %arg14[%swap3A_431, %swap3A_432] {strides = array<i32>} : memref<2x1100xf32, #tpu.memory_space<vmem>>, vector<16xf32>,
      tpu.vector_store %arg14[%swap3A_431, %swap3A_432], %get3A_429 {strides = array<i32>} : memref<2x1100xf32, #tpu.memory_space<vmem>>, vector<16xf32>,
      %get3A_434 = arith.constant 3 : i32
      %get3A_435 = arith.index_cast %get3A_434 : i32 to index
      %get3A_436 = arith.constant 8 : index
      %get3A_437 = tpu.vector_load %arg10[%get3A_435, %get3A_436] {strides = array<i32>} : memref<56x24xf32, #tpu.memory_space<vmem>>, vector<16xf32>,
      %swap3A_438 = arith.constant 0 : i32
      %swap3A_439 = arith.index_cast %swap3A_438 : i32 to index
      %swap3A_440 = arith.constant 74 : index
      %swap3A_441 = tpu.vector_load %arg14[%swap3A_439, %swap3A_440] {strides = array<i32>} : memref<2x1100xf32, #tpu.memory_space<vmem>>, vector<16xf32>,
      tpu.vector_store %arg14[%swap3A_439, %swap3A_440], %get3A_437 {strides = array<i32>} : memref<2x1100xf32, #tpu.memory_space<vmem>>, vector<16xf32>,
      %get3A_442 = arith.constant 4 : i32
      %get3A_443 = arith.index_cast %get3A_442 : i32 to index
      %get3A_444 = arith.constant 0 : index
      %get3A_445 = tpu.vector_load %arg10[%get3A_443, %get3A_444] {strides = array<i32>} : memref<56x24xf32, #tpu.memory_space<vmem>>, vector<16xf32>,
      %swap3A_446 = arith.constant 0 : i32
      %swap3A_447 = arith.index_cast %swap3A_446 : i32 to index
      %swap3A_448 = arith.constant 88 : index
      %swap3A_449 = tpu.vector_load %arg14[%swap3A_447, %swap3A_448] {strides = array<i32>} : memref<2x1100xf32, #tpu.memory_space<vmem>>, vector<16xf32>,
      tpu.vector_store %arg14[%swap3A_447, %swap3A_448], %get3A_445 {strides = array<i32>} : memref<2x1100xf32, #tpu.memory_space<vmem>>, vector<16xf32>,
      %get3A_450 = arith.constant 4 : i32
      %get3A_451 = arith.index_cast %get3A_450 : i32 to index
      %get3A_452 = arith.constant 8 : index
      %get3A_453 = tpu.vector_load %arg10[%get3A_451, %get3A_452] {strides = array<i32>} : memref<56x24xf32, #tpu.memory_space<vmem>>, vector<16xf32>,
      %swap3A_454 = arith.constant 0 : i32
      %swap3A_455 = arith.index_cast %swap3A_454 : i32 to index
      %swap3A_456 = arith.constant 96 : index
      %swap3A_457 = tpu.vector_load %arg14[%swap3A_455, %swap3A_456] {strides = array<i32>} : memref<2x1100xf32, #tpu.memory_space<vmem>>, vector<16xf32>,
      tpu.vector_store %arg14[%swap3A_455, %swap3A_456], %get3A_453 {strides = array<i32>} : memref<2x1100xf32, #tpu.memory_space<vmem>>, vector<16xf32>,
      %get3A_458 = arith.constant 5 : i32
      %get3A_459 = arith.index_cast %get3A_458 : i32 to index
      %get3A_460 = arith.constant 0 : index
      %get3A_461 = tpu.vector_load %arg10[%get3A_459, %get3A_460] {strides = array<i32>} : memref<56x24xf32, #tpu.memory_space<vmem>>, vector<16xf32>,
      %swap3A_462 = arith.constant 0 : i32
      %swap3A_463 = arith.index_cast %swap3A_462 : i32 to index
      %swap3A_464 = arith.constant 110 : index
      %swap3A_465 = tpu.vector_load %arg14[%swap3A_463, %swap3A_464] {strides = array<i32>} : memref<2x1100xf32, #tpu.memory_space<vmem>>, vector<16xf32>,
      tpu.vector_store %arg14[%swap3A_463, %swap3A_464], %get3A_461 {strides = array<i32>} : memref<2x1100xf32, #tpu.memory_space<vmem>>, vector<16xf32>,
      %get3A_466 = arith.constant 5 : i32
      %get3A_467 = arith.index_cast %get3A_466 : i32 to index
      %get3A_468 = arith.constant 8 : index
      %get3A_469 = tpu.vector_load %arg10[%get3A_467, %get3A_468] {strides = array<i32>} : memref<56x24xf32, #tpu.memory_space<vmem>>, vector<16xf32>,
      %swap3A_470 = arith.constant 0 : i32
      %swap3A_471 = arith.index_cast %swap3A_470 : i32 to index
      %swap3A_472 = arith.constant 118 : index
      %swap3A_473 = tpu.vector_load %arg14[%swap3A_471, %swap3A_472] {strides = array<i32>} : memref<2x1100xf32, #tpu.memory_space<vmem>>, vector<16xf32>,
      tpu.vector_store %arg14[%swap3A_471, %swap3A_472], %get3A_469 {strides = array<i32>} : memref<2x1100xf32, #tpu.memory_space<vmem>>, vector<16xf32>,
      %get3A_474 = arith.constant 6 : i32
      %get3A_475 = arith.index_cast %get3A_474 : i32 to index
      %get3A_476 = arith.constant 0 : index
      %get3A_477 = tpu.vector_load %arg10[%get3A_475, %get3A_476] {strides = array<i32>} : memref<56x24xf32, #tpu.memory_space<vmem>>, vector<16xf32>,
      %swap3A_478 = arith.constant 0 : i32
      %swap3A_479 = arith.index_cast %swap3A_478 : i32 to index
      %swap3A_480 = arith.constant 132 : index
      %swap3A_481 = tpu.vector_load %arg14[%swap3A_479, %swap3A_480] {strides = array<i32>} : memref<2x1100xf32, #tpu.memory_space<vmem>>, vector<16xf32>,
      tpu.vector_store %arg14[%swap3A_479, %swap3A_480], %get3A_477 {strides = array<i32>} : memref<2x1100xf32, #tpu.memory_space<vmem>>, vector<16xf32>,
      %get3A_482 = arith.constant 6 : i32
      %get3A_483 = arith.index_cast %get3A_482 : i32 to index
      %get3A_484 = arith.constant 8 : index
      %get3A_485 = tpu.vector_load %arg10[%get3A_483, %get3A_484] {strides = array<i32>} : memref<56x24xf32, #tpu.memory_space<vmem>>, vector<16xf32>,
      %swap3A_486 = arith.constant 0 : i32
      %swap3A_487 = arith.index_cast %swap3A_486 : i32 to index
      %swap3A_488 = arith.constant 140 : index
      %swap3A_489 = tpu.vector_load %arg14[%swap3A_487, %swap3A_488] {strides = array<i32>} : memref<2x1100xf32, #tpu.memory_space<vmem>>, vector<16xf32>,
      tpu.vector_store %arg14[%swap3A_487, %swap3A_488], %get3A_485 {strides = array<i32>} : memref<2x1100xf32, #tpu.memory_space<vmem>>, vector<16xf32>,
      %get3A_490 = arith.constant 7 : i32
      %get3A_491 = arith.index_cast %get3A_490 : i32 to index
      %get3A_492 = arith.constant 0 : index
      %get3A_493 = tpu.vector_load %arg10[%get3A_491, %get3A_492] {strides = array<i32>} : memref<56x24xf32, #tpu.memory_space<vmem>>, vector<16xf32>,
      %swap3A_494 = arith.constant 0 : i32
      %swap3A_495 = arith.index_cast %swap3A_494 : i32 to index
      %swap3A_496 = arith.constant 154 : index
      %swap3A_497 = tpu.vector_load %arg14[%swap3A_495, %swap3A_496] {strides = array<i32>} : memref<2x1100xf32, #tpu.memory_space<vmem>>, vector<16xf32>,
      tpu.vector_store %arg14[%swap3A_495, %swap3A_496], %get3A_493 {strides = array<i32>} : memref<2x1100xf32, #tpu.memory_space<vmem>>, vector<16xf32>,
      %get3A_498 = arith.constant 7 : i32
      %get3A_499 = arith.index_cast %get3A_498 : i32 to index
      %get3A_500 = arith.constant 8 : index
      %get3A_501 = tpu.vector_load %arg10[%get3A_499, %get3A_500] {strides = array<i32>} : memref<56x24xf32, #tpu.memory_space<vmem>>, vector<16xf32>,
      %swap3A_502 = arith.constant 0 : i32
      %swap3A_503 = arith.index_cast %swap3A_502 : i32 to index
      %swap3A_504 = arith.constant 162 : index
      %swap3A_505 = tpu.vector_load %arg14[%swap3A_503, %swap3A_504] {strides = array<i32>} : memref<2x1100xf32, #tpu.memory_space<vmem>>, vector<16xf32>,
      tpu.vector_store %arg14[%swap3A_503, %swap3A_504], %get3A_501 {strides = array<i32>} : memref<2x1100xf32, #tpu.memory_space<vmem>>, vector<16xf32>,
      %get3A_506 = arith.constant 8 : i32
      %get3A_507 = arith.index_cast %get3A_506 : i32 to index
      %get3A_508 = arith.constant 0 : index
      %get3A_509 = tpu.vector_load %arg10[%get3A_507, %get3A_508] {strides = array<i32>} : memref<56x24xf32, #tpu.memory_space<vmem>>, vector<16xf32>,
      %swap3A_510 = arith.constant 0 : i32
      %swap3A_511 = arith.index_cast %swap3A_510 : i32 to index
      %swap3A_512 = arith.constant 176 : index
      %swap3A_513 = tpu.vector_load %arg14[%swap3A_511, %swap3A_512] {strides = array<i32>} : memref<2x1100xf32, #tpu.memory_space<vmem>>, vector<16xf32>,
      tpu.vector_store %arg14[%swap3A_511, %swap3A_512], %get3A_509 {strides = array<i32>} : memref<2x1100xf32, #tpu.memory_space<vmem>>, vector<16xf32>,
      %get3A_514 = arith.constant 8 : i32
      %get3A_515 = arith.index_cast %get3A_514 : i32 to index
      %get3A_516 = arith.constant 8 : index
      %get3A_517 = tpu.vector_load %arg10[%get3A_515, %get3A_516] {strides = array<i32>} : memref<56x24xf32, #tpu.memory_space<vmem>>, vector<16xf32>,
      %swap3A_518 = arith.constant 0 : i32
      %swap3A_519 = arith.index_cast %swap3A_518 : i32 to index
      %swap3A_520 = arith.constant 184 : index
      %swap3A_521 = tpu.vector_load %arg14[%swap3A_519, %swap3A_520] {strides = array<i32>} : memref<2x1100xf32, #tpu.memory_space<vmem>>, vector<16xf32>,
      tpu.vector_store %arg14[%swap3A_519, %swap3A_520], %get3A_517 {strides = array<i32>} : memref<2x1100xf32, #tpu.memory_space<vmem>>, vector<16xf32>,
      %get3A_522 = arith.constant 9 : i32
      %get3A_523 = arith.index_cast %get3A_522 : i32 to index
      %get3A_524 = arith.constant 0 : index
      %get3A_525 = tpu.vector_load %arg10[%get3A_523, %get3A_524] {strides = array<i32>} : memref<56x24xf32, #tpu.memory_space<vmem>>, vector<16xf32>,
      %swap3A_526 = arith.constant 0 : i32
      %swap3A_527 = arith.index_cast %swap3A_526 : i32 to index
      %swap3A_528 = arith.constant 198 : index
      %swap3A_529 = tpu.vector_load %arg14[%swap3A_527, %swap3A_528] {strides = array<i32>} : memref<2x1100xf32, #tpu.memory_space<vmem>>, vector<16xf32>,
      tpu.vector_store %arg14[%swap3A_527, %swap3A_528], %get3A_525 {strides = array<i32>} : memref<2x1100xf32, #tpu.memory_space<vmem>>, vector<16xf32>,
      %get3A_530 = arith.constant 9 : i32
      %get3A_531 = arith.index_cast %get3A_530 : i32 to index
      %get3A_532 = arith.constant 8 : index
      %get3A_533 = tpu.vector_load %arg10[%get3A_531, %get3A_532] {strides = array<i32>} : memref<56x24xf32, #tpu.memory_space<vmem>>, vector<16xf32>,
      %swap3A_534 = arith.constant 0 : i32
      %swap3A_535 = arith.index_cast %swap3A_534 : i32 to index
      %swap3A_536 = arith.constant 206 : index
      %swap3A_537 = tpu.vector_load %arg14[%swap3A_535, %swap3A_536] {strides = array<i32>} : memref<2x1100xf32, #tpu.memory_space<vmem>>, vector<16xf32>,
      tpu.vector_store %arg14[%swap3A_535, %swap3A_536], %get3A_533 {strides = array<i32>} : memref<2x1100xf32, #tpu.memory_space<vmem>>, vector<16xf32>,
      %get3A_538 = arith.constant 10 : i32
      %get3A_539 = arith.index_cast %get3A_538 : i32 to index
      %get3A_540 = arith.constant 0 : index
      %get3A_541 = tpu.vector_load %arg10[%get3A_539, %get3A_540] {strides = array<i32>} : memref<56x24xf32, #tpu.memory_space<vmem>>, vector<16xf32>,
      %swap3A_542 = arith.constant 0 : i32
      %swap3A_543 = arith.index_cast %swap3A_542 : i32 to index
      %swap3A_544 = arith.constant 220 : index
      %swap3A_545 = tpu.vector_load %arg14[%swap3A_543, %swap3A_544] {strides = array<i32>} : memref<2x1100xf32, #tpu.memory_space<vmem>>, vector<16xf32>,
      tpu.vector_store %arg14[%swap3A_543, %swap3A_544], %get3A_541 {strides = array<i32>} : memref<2x1100xf32, #tpu.memory_space<vmem>>, vector<16xf32>,
      %get3A_546 = arith.constant 10 : i32
      %get3A_547 = arith.index_cast %get3A_546 : i32 to index
      %get3A_548 = arith.constant 8 : index
      %get3A_549 = tpu.vector_load %arg10[%get3A_547, %get3A_548] {strides = array<i32>} : memref<56x24xf32, #tpu.memory_space<vmem>>, vector<16xf32>,
      %swap3A_550 = arith.constant 0 : i32
      %swap3A_551 = arith.index_cast %swap3A_550 : i32 to index
      %swap3A_552 = arith.constant 228 : index
      %swap3A_553 = tpu.vector_load %arg14[%swap3A_551, %swap3A_552] {strides = array<i32>} : memref<2x1100xf32, #tpu.memory_space<vmem>>, vector<16xf32>,
      tpu.vector_store %arg14[%swap3A_551, %swap3A_552], %get3A_549 {strides = array<i32>} : memref<2x1100xf32, #tpu.memory_space<vmem>>, vector<16xf32>,
      %get3A_554 = arith.constant 11 : i32
      %get3A_555 = arith.index_cast %get3A_554 : i32 to index
      %get3A_556 = arith.constant 0 : index
      %get3A_557 = tpu.vector_load %arg10[%get3A_555, %get3A_556] {strides = array<i32>} : memref<56x24xf32, #tpu.memory_space<vmem>>, vector<16xf32>,
      %swap3A_558 = arith.constant 0 : i32
      %swap3A_559 = arith.index_cast %swap3A_558 : i32 to index
      %swap3A_560 = arith.constant 242 : index
      %swap3A_561 = tpu.vector_load %arg14[%swap3A_559, %swap3A_560] {strides = array<i32>} : memref<2x1100xf32, #tpu.memory_space<vmem>>, vector<16xf32>,
      tpu.vector_store %arg14[%swap3A_559, %swap3A_560], %get3A_557 {strides = array<i32>} : memref<2x1100xf32, #tpu.memory_space<vmem>>, vector<16xf32>,
      %get3A_562 = arith.constant 11 : i32
      %get3A_563 = arith.index_cast %get3A_562 : i32 to index
      %get3A_564 = arith.constant 8 : index
      %get3A_565 = tpu.vector_load %arg10[%get3A_563, %get3A_564] {strides = array<i32>} : memref<56x24xf32, #tpu.memory_space<vmem>>, vector<16xf32>,
      %swap3A_566 = arith.constant 0 : i32
      %swap3A_567 = arith.index_cast %swap3A_566 : i32 to index
      %swap3A_568 = arith.constant 250 : index
      %swap3A_569 = tpu.vector_load %arg14[%swap3A_567, %swap3A_568] {strides = array<i32>} : memref<2x1100xf32, #tpu.memory_space<vmem>>, vector<16xf32>,
      tpu.vector_store %arg14[%swap3A_567, %swap3A_568], %get3A_565 {strides = array<i32>} : memref<2x1100xf32, #tpu.memory_space<vmem>>, vector<16xf32>,
      %get3A_570 = arith.constant 12 : i32
      %get3A_571 = arith.index_cast %get3A_570 : i32 to index
      %get3A_572 = arith.constant 0 : index
      %get3A_573 = tpu.vector_load %arg10[%get3A_571, %get3A_572] {strides = array<i32>} : memref<56x24xf32, #tpu.memory_space<vmem>>, vector<16xf32>,
      %swap3A_574 = arith.constant 0 : i32
      %swap3A_575 = arith.index_cast %swap3A_574 : i32 to index
      %swap3A_576 = arith.constant 264 : index
      %swap3A_577 = tpu.vector_load %arg14[%swap3A_575, %swap3A_576] {strides = array<i32>} : memref<2x1100xf32, #tpu.memory_space<vmem>>, vector<16xf32>,
      tpu.vector_store %arg14[%swap3A_575, %swap3A_576], %get3A_573 {strides = array<i32>} : memref<2x1100xf32, #tpu.memory_space<vmem>>, vector<16xf32>,
      %get3A_578 = arith.constant 12 : i32
      %get3A_579 = arith.index_cast %get3A_578 : i32 to index
      %get3A_580 = arith.constant 8 : index
      %get3A_581 = tpu.vector_load %arg10[%get3A_579, %get3A_580] {strides = array<i32>} : memref<56x24xf32, #tpu.memory_space<vmem>>, vector<16xf32>,
      %swap3A_582 = arith.constant 0 : i32
      %swap3A_583 = arith.index_cast %swap3A_582 : i32 to index
      %swap3A_584 = arith.constant 272 : index
      %swap3A_585 = tpu.vector_load %arg14[%swap3A_583, %swap3A_584] {strides = array<i32>} : memref<2x1100xf32, #tpu.memory_space<vmem>>, vector<16xf32>,
      tpu.vector_store %arg14[%swap3A_583, %swap3A_584], %get3A_581 {strides = array<i32>} : memref<2x1100xf32, #tpu.memory_space<vmem>>, vector<16xf32>,
      %get3A_586 = arith.constant 13 : i32
      %get3A_587 = arith.index_cast %get3A_586 : i32 to index
      %get3A_588 = arith.constant 0 : index
      %get3A_589 = tpu.vector_load %arg10[%get3A_587, %get3A_588] {strides = array<i32>} : memref<56x24xf32, #tpu.memory_space<vmem>>, vector<16xf32>,
      %swap3A_590 = arith.constant 0 : i32
      %swap3A_591 = arith.index_cast %swap3A_590 : i32 to index
      %swap3A_592 = arith.constant 286 : index
      %swap3A_593 = tpu.vector_load %arg14[%swap3A_591, %swap3A_592] {strides = array<i32>} : memref<2x1100xf32, #tpu.memory_space<vmem>>, vector<16xf32>,
      tpu.vector_store %arg14[%swap3A_591, %swap3A_592], %get3A_589 {strides = array<i32>} : memref<2x1100xf32, #tpu.memory_space<vmem>>, vector<16xf32>,
      %get3A_594 = arith.constant 13 : i32
      %get3A_595 = arith.index_cast %get3A_594 : i32 to index
      %get3A_596 = arith.constant 8 : index
      %get3A_597 = tpu.vector_load %arg10[%get3A_595, %get3A_596] {strides = array<i32>} : memref<56x24xf32, #tpu.memory_space<vmem>>, vector<16xf32>,
      %swap3A_598 = arith.constant 0 : i32
      %swap3A_599 = arith.index_cast %swap3A_598 : i32 to index
      %swap3A_600 = arith.constant 294 : index
      %swap3A_601 = tpu.vector_load %arg14[%swap3A_599, %swap3A_600] {strides = array<i32>} : memref<2x1100xf32, #tpu.memory_space<vmem>>, vector<16xf32>,
      tpu.vector_store %arg14[%swap3A_599, %swap3A_600], %get3A_597 {strides = array<i32>} : memref<2x1100xf32, #tpu.memory_space<vmem>>, vector<16xf32>,
      %get3A_602 = arith.constant 14 : i32
      %get3A_603 = arith.index_cast %get3A_602 : i32 to index
      %get3A_604 = arith.constant 0 : index
      %get3A_605 = tpu.vector_load %arg10[%get3A_603, %get3A_604] {strides = array<i32>} : memref<56x24xf32, #tpu.memory_space<vmem>>, vector<16xf32>,
      %swap3A_606 = arith.constant 0 : i32
      %swap3A_607 = arith.index_cast %swap3A_606 : i32 to index
      %swap3A_608 = arith.constant 308 : index
      %swap3A_609 = tpu.vector_load %arg14[%swap3A_607, %swap3A_608] {strides = array<i32>} : memref<2x1100xf32, #tpu.memory_space<vmem>>, vector<16xf32>,
      tpu.vector_store %arg14[%swap3A_607, %swap3A_608], %get3A_605 {strides = array<i32>} : memref<2x1100xf32, #tpu.memory_space<vmem>>, vector<16xf32>,
      %get3A_610 = arith.constant 14 : i32
      %get3A_611 = arith.index_cast %get3A_610 : i32 to index
      %get3A_612 = arith.constant 8 : index
      %get3A_613 = tpu.vector_load %arg10[%get3A_611, %get3A_612] {strides = array<i32>} : memref<56x24xf32, #tpu.memory_space<vmem>>, vector<16xf32>,
      %swap3A_614 = arith.constant 0 : i32
      %swap3A_615 = arith.index_cast %swap3A_614 : i32 to index
      %swap3A_616 = arith.constant 316 : index
      %swap3A_617 = tpu.vector_load %arg14[%swap3A_615, %swap3A_616] {strides = array<i32>} : memref<2x1100xf32, #tpu.memory_space<vmem>>, vector<16xf32>,
      tpu.vector_store %arg14[%swap3A_615, %swap3A_616], %get3A_613 {strides = array<i32>} : memref<2x1100xf32, #tpu.memory_space<vmem>>, vector<16xf32>,
      %get3A_618 = arith.constant 15 : i32
      %get3A_619 = arith.index_cast %get3A_618 : i32 to index
      %get3A_620 = arith.constant 0 : index
      %get3A_621 = tpu.vector_load %arg10[%get3A_619, %get3A_620] {strides = array<i32>} : memref<56x24xf32, #tpu.memory_space<vmem>>, vector<16xf32>,
      %swap3A_622 = arith.constant 0 : i32
      %swap3A_623 = arith.index_cast %swap3A_622 : i32 to index
      %swap3A_624 = arith.constant 330 : index
      %swap3A_625 = tpu.vector_load %arg14[%swap3A_623, %swap3A_624] {strides = array<i32>} : memref<2x1100xf32, #tpu.memory_space<vmem>>, vector<16xf32>,
      tpu.vector_store %arg14[%swap3A_623, %swap3A_624], %get3A_621 {strides = array<i32>} : memref<2x1100xf32, #tpu.memory_space<vmem>>, vector<16xf32>,
      %get3A_626 = arith.constant 15 : i32
      %get3A_627 = arith.index_cast %get3A_626 : i32 to index
      %get3A_628 = arith.constant 8 : index
      %get3A_629 = tpu.vector_load %arg10[%get3A_627, %get3A_628] {strides = array<i32>} : memref<56x24xf32, #tpu.memory_space<vmem>>, vector<16xf32>,
      %swap3A_630 = arith.constant 0 : i32
      %swap3A_631 = arith.index_cast %swap3A_630 : i32 to index
      %swap3A_632 = arith.constant 338 : index
      %swap3A_633 = tpu.vector_load %arg14[%swap3A_631, %swap3A_632] {strides = array<i32>} : memref<2x1100xf32, #tpu.memory_space<vmem>>, vector<16xf32>,
      tpu.vector_store %arg14[%swap3A_631, %swap3A_632], %get3A_629 {strides = array<i32>} : memref<2x1100xf32, #tpu.memory_space<vmem>>, vector<16xf32>,
      %get3A_634 = arith.constant 16 : i32
      %get3A_635 = arith.index_cast %get3A_634 : i32 to index
      %get3A_636 = arith.constant 0 : index
      %get3A_637 = tpu.vector_load %arg10[%get3A_635, %get3A_636] {strides = array<i32>} : memref<56x24xf32, #tpu.memory_space<vmem>>, vector<16xf32>,
      %swap3A_638 = arith.constant 0 : i32
      %swap3A_639 = arith.index_cast %swap3A_638 : i32 to index
      %swap3A_640 = arith.constant 352 : index
      %swap3A_641 = tpu.vector_load %arg14[%swap3A_639, %swap3A_640] {strides = array<i32>} : memref<2x1100xf32, #tpu.memory_space<vmem>>, vector<16xf32>,
      tpu.vector_store %arg14[%swap3A_639, %swap3A_640], %get3A_637 {strides = array<i32>} : memref<2x1100xf32, #tpu.memory_space<vmem>>, vector<16xf32>,
      %get3A_642 = arith.constant 16 : i32
      %get3A_643 = arith.index_cast %get3A_642 : i32 to index
      %get3A_644 = arith.constant 8 : index
      %get3A_645 = tpu.vector_load %arg10[%get3A_643, %get3A_644] {strides = array<i32>} : memref<56x24xf32, #tpu.memory_space<vmem>>, vector<16xf32>,
      %swap3A_646 = arith.constant 0 : i32
      %swap3A_647 = arith.index_cast %swap3A_646 : i32 to index
      %swap3A_648 = arith.constant 360 : index
      %swap3A_649 = tpu.vector_load %arg14[%swap3A_647, %swap3A_648] {strides = array<i32>} : memref<2x1100xf32, #tpu.memory_space<vmem>>, vector<16xf32>,
      tpu.vector_store %arg14[%swap3A_647, %swap3A_648], %get3A_645 {strides = array<i32>} : memref<2x1100xf32, #tpu.memory_space<vmem>>, vector<16xf32>,
      %get3A_650 = arith.constant 17 : i32
      %get3A_651 = arith.index_cast %get3A_650 : i32 to index
      %get3A_652 = arith.constant 0 : index
      %get3A_653 = tpu.vector_load %arg10[%get3A_651, %get3A_652] {strides = array<i32>} : memref<56x24xf32, #tpu.memory_space<vmem>>, vector<16xf32>,
      %swap3A_654 = arith.constant 0 : i32
      %swap3A_655 = arith.index_cast %swap3A_654 : i32 to index
      %swap3A_656 = arith.constant 374 : index
      %swap3A_657 = tpu.vector_load %arg14[%swap3A_655, %swap3A_656] {strides = array<i32>} : memref<2x1100xf32, #tpu.memory_space<vmem>>, vector<16xf32>,
      tpu.vector_store %arg14[%swap3A_655, %swap3A_656], %get3A_653 {strides = array<i32>} : memref<2x1100xf32, #tpu.memory_space<vmem>>, vector<16xf32>,
      %get3A_658 = arith.constant 17 : i32
      %get3A_659 = arith.index_cast %get3A_658 : i32 to index
      %get3A_660 = arith.constant 8 : index
      %get3A_661 = tpu.vector_load %arg10[%get3A_659, %get3A_660] {strides = array<i32>} : memref<56x24xf32, #tpu.memory_space<vmem>>, vector<16xf32>,
      %swap3A_662 = arith.constant 0 : i32
      %swap3A_663 = arith.index_cast %swap3A_662 : i32 to index
      %swap3A_664 = arith.constant 382 : index
      %swap3A_665 = tpu.vector_load %arg14[%swap3A_663, %swap3A_664] {strides = array<i32>} : memref<2x1100xf32, #tpu.memory_space<vmem>>, vector<16xf32>,
      tpu.vector_store %arg14[%swap3A_663, %swap3A_664], %get3A_661 {strides = array<i32>} : memref<2x1100xf32, #tpu.memory_space<vmem>>, vector<16xf32>,
      %get3A_666 = arith.constant 18 : i32
      %get3A_667 = arith.index_cast %get3A_666 : i32 to index
      %get3A_668 = arith.constant 0 : index
      %get3A_669 = tpu.vector_load %arg10[%get3A_667, %get3A_668] {strides = array<i32>} : memref<56x24xf32, #tpu.memory_space<vmem>>, vector<16xf32>,
      %swap3A_670 = arith.constant 0 : i32
      %swap3A_671 = arith.index_cast %swap3A_670 : i32 to index
      %swap3A_672 = arith.constant 396 : index
      %swap3A_673 = tpu.vector_load %arg14[%swap3A_671, %swap3A_672] {strides = array<i32>} : memref<2x1100xf32, #tpu.memory_space<vmem>>, vector<16xf32>,
      tpu.vector_store %arg14[%swap3A_671, %swap3A_672], %get3A_669 {strides = array<i32>} : memref<2x1100xf32, #tpu.memory_space<vmem>>, vector<16xf32>,
      %get3A_674 = arith.constant 18 : i32
      %get3A_675 = arith.index_cast %get3A_674 : i32 to index
      %get3A_676 = arith.constant 8 : index
      %get3A_677 = tpu.vector_load %arg10[%get3A_675, %get3A_676] {strides = array<i32>} : memref<56x24xf32, #tpu.memory_space<vmem>>, vector<16xf32>,
      %swap3A_678 = arith.constant 0 : i32
      %swap3A_679 = arith.index_cast %swap3A_678 : i32 to index
      %swap3A_680 = arith.constant 404 : index
      %swap3A_681 = tpu.vector_load %arg14[%swap3A_679, %swap3A_680] {strides = array<i32>} : memref<2x1100xf32, #tpu.memory_space<vmem>>, vector<16xf32>,
      tpu.vector_store %arg14[%swap3A_679, %swap3A_680], %get3A_677 {strides = array<i32>} : memref<2x1100xf32, #tpu.memory_space<vmem>>, vector<16xf32>,
      %get3A_682 = arith.constant 19 : i32
      %get3A_683 = arith.index_cast %get3A_682 : i32 to index
      %get3A_684 = arith.constant 0 : index
      %get3A_685 = tpu.vector_load %arg10[%get3A_683, %get3A_684] {strides = array<i32>} : memref<56x24xf32, #tpu.memory_space<vmem>>, vector<16xf32>,
      %swap3A_686 = arith.constant 0 : i32
      %swap3A_687 = arith.index_cast %swap3A_686 : i32 to index
      %swap3A_688 = arith.constant 418 : index
      %swap3A_689 = tpu.vector_load %arg14[%swap3A_687, %swap3A_688] {strides = array<i32>} : memref<2x1100xf32, #tpu.memory_space<vmem>>, vector<16xf32>,
      tpu.vector_store %arg14[%swap3A_687, %swap3A_688], %get3A_685 {strides = array<i32>} : memref<2x1100xf32, #tpu.memory_space<vmem>>, vector<16xf32>,
      %get3A_690 = arith.constant 19 : i32
      %get3A_691 = arith.index_cast %get3A_690 : i32 to index
      %get3A_692 = arith.constant 8 : index
      %get3A_693 = tpu.vector_load %arg10[%get3A_691, %get3A_692] {strides = array<i32>} : memref<56x24xf32, #tpu.memory_space<vmem>>, vector<16xf32>,
      %swap3A_694 = arith.constant 0 : i32
      %swap3A_695 = arith.index_cast %swap3A_694 : i32 to index
      %swap3A_696 = arith.constant 426 : index
      %swap3A_697 = tpu.vector_load %arg14[%swap3A_695, %swap3A_696] {strides = array<i32>} : memref<2x1100xf32, #tpu.memory_space<vmem>>, vector<16xf32>,
      tpu.vector_store %arg14[%swap3A_695, %swap3A_696], %get3A_693 {strides = array<i32>} : memref<2x1100xf32, #tpu.memory_space<vmem>>, vector<16xf32>,
      %get3A_698 = arith.constant 20 : i32
      %get3A_699 = arith.index_cast %get3A_698 : i32 to index
      %get3A_700 = arith.constant 0 : index
      %get3A_701 = tpu.vector_load %arg10[%get3A_699, %get3A_700] {strides = array<i32>} : memref<56x24xf32, #tpu.memory_space<vmem>>, vector<16xf32>,
      %swap3A_702 = arith.constant 0 : i32
      %swap3A_703 = arith.index_cast %swap3A_702 : i32 to index
      %swap3A_704 = arith.constant 440 : index
      %swap3A_705 = tpu.vector_load %arg14[%swap3A_703, %swap3A_704] {strides = array<i32>} : memref<2x1100xf32, #tpu.memory_space<vmem>>, vector<16xf32>,
      tpu.vector_store %arg14[%swap3A_703, %swap3A_704], %get3A_701 {strides = array<i32>} : memref<2x1100xf32, #tpu.memory_space<vmem>>, vector<16xf32>,
      %get3A_706 = arith.constant 20 : i32
      %get3A_707 = arith.index_cast %get3A_706 : i32 to index
      %get3A_708 = arith.constant 8 : index
      %get3A_709 = tpu.vector_load %arg10[%get3A_707, %get3A_708] {strides = array<i32>} : memref<56x24xf32, #tpu.memory_space<vmem>>, vector<16xf32>,
      %swap3A_710 = arith.constant 0 : i32
      %swap3A_711 = arith.index_cast %swap3A_710 : i32 to index
      %swap3A_712 = arith.constant 448 : index
      %swap3A_713 = tpu.vector_load %arg14[%swap3A_711, %swap3A_712] {strides = array<i32>} : memref<2x1100xf32, #tpu.memory_space<vmem>>, vector<16xf32>,
      tpu.vector_store %arg14[%swap3A_711, %swap3A_712], %get3A_709 {strides = array<i32>} : memref<2x1100xf32, #tpu.memory_space<vmem>>, vector<16xf32>,
      %get3A_714 = arith.constant 21 : i32
      %get3A_715 = arith.index_cast %get3A_714 : i32 to index
      %get3A_716 = arith.constant 0 : index
      %get3A_717 = tpu.vector_load %arg10[%get3A_715, %get3A_716] {strides = array<i32>} : memref<56x24xf32, #tpu.memory_space<vmem>>, vector<16xf32>,
      %swap3A_718 = arith.constant 0 : i32
      %swap3A_719 = arith.index_cast %swap3A_718 : i32 to index
      %swap3A_720 = arith.constant 462 : index
      %swap3A_721 = tpu.vector_load %arg14[%swap3A_719, %swap3A_720] {strides = array<i32>} : memref<2x1100xf32, #tpu.memory_space<vmem>>, vector<16xf32>,
      tpu.vector_store %arg14[%swap3A_719, %swap3A_720], %get3A_717 {strides = array<i32>} : memref<2x1100xf32, #tpu.memory_space<vmem>>, vector<16xf32>,
      %get3A_722 = arith.constant 21 : i32
      %get3A_723 = arith.index_cast %get3A_722 : i32 to index
      %get3A_724 = arith.constant 8 : index
      %get3A_725 = tpu.vector_load %arg10[%get3A_723, %get3A_724] {strides = array<i32>} : memref<56x24xf32, #tpu.memory_space<vmem>>, vector<16xf32>,
      %swap3A_726 = arith.constant 0 : i32
      %swap3A_727 = arith.index_cast %swap3A_726 : i32 to index
      %swap3A_728 = arith.constant 470 : index
      %swap3A_729 = tpu.vector_load %arg14[%swap3A_727, %swap3A_728] {strides = array<i32>} : memref<2x1100xf32, #tpu.memory_space<vmem>>, vector<16xf32>,
      tpu.vector_store %arg14[%swap3A_727, %swap3A_728], %get3A_725 {strides = array<i32>} : memref<2x1100xf32, #tpu.memory_space<vmem>>, vector<16xf32>,
      %get3A_730 = arith.constant 22 : i32
      %get3A_731 = arith.index_cast %get3A_730 : i32 to index
      %get3A_732 = arith.constant 0 : index
      %get3A_733 = tpu.vector_load %arg10[%get3A_731, %get3A_732] {strides = array<i32>} : memref<56x24xf32, #tpu.memory_space<vmem>>, vector<16xf32>,
      %swap3A_734 = arith.constant 0 : i32
      %swap3A_735 = arith.index_cast %swap3A_734 : i32 to index
      %swap3A_736 = arith.constant 484 : index
      %swap3A_737 = tpu.vector_load %arg14[%swap3A_735, %swap3A_736] {strides = array<i32>} : memref<2x1100xf32, #tpu.memory_space<vmem>>, vector<16xf32>,
      tpu.vector_store %arg14[%swap3A_735, %swap3A_736], %get3A_733 {strides = array<i32>} : memref<2x1100xf32, #tpu.memory_space<vmem>>, vector<16xf32>,
      %get3A_738 = arith.constant 22 : i32
      %get3A_739 = arith.index_cast %get3A_738 : i32 to index
      %get3A_740 = arith.constant 8 : index
      %get3A_741 = tpu.vector_load %arg10[%get3A_739, %get3A_740] {strides = array<i32>} : memref<56x24xf32, #tpu.memory_space<vmem>>, vector<16xf32>,
      %swap3A_742 = arith.constant 0 : i32
      %swap3A_743 = arith.index_cast %swap3A_742 : i32 to index
      %swap3A_744 = arith.constant 492 : index
      %swap3A_745 = tpu.vector_load %arg14[%swap3A_743, %swap3A_744] {strides = array<i32>} : memref<2x1100xf32, #tpu.memory_space<vmem>>, vector<16xf32>,
      tpu.vector_store %arg14[%swap3A_743, %swap3A_744], %get3A_741 {strides = array<i32>} : memref<2x1100xf32, #tpu.memory_space<vmem>>, vector<16xf32>,
      %get3A_746 = arith.constant 23 : i32
      %get3A_747 = arith.index_cast %get3A_746 : i32 to index
      %get3A_748 = arith.constant 0 : index
      %get3A_749 = tpu.vector_load %arg10[%get3A_747, %get3A_748] {strides = array<i32>} : memref<56x24xf32, #tpu.memory_space<vmem>>, vector<16xf32>,
      %swap3A_750 = arith.constant 0 : i32
      %swap3A_751 = arith.index_cast %swap3A_750 : i32 to index
      %swap3A_752 = arith.constant 506 : index
      %swap3A_753 = tpu.vector_load %arg14[%swap3A_751, %swap3A_752] {strides = array<i32>} : memref<2x1100xf32, #tpu.memory_space<vmem>>, vector<16xf32>,
      tpu.vector_store %arg14[%swap3A_751, %swap3A_752], %get3A_749 {strides = array<i32>} : memref<2x1100xf32, #tpu.memory_space<vmem>>, vector<16xf32>,
      %get3A_754 = arith.constant 23 : i32
      %get3A_755 = arith.index_cast %get3A_754 : i32 to index
      %get3A_756 = arith.constant 8 : index
      %get3A_757 = tpu.vector_load %arg10[%get3A_755, %get3A_756] {strides = array<i32>} : memref<56x24xf32, #tpu.memory_space<vmem>>, vector<16xf32>,
      %swap3A_758 = arith.constant 0 : i32
      %swap3A_759 = arith.index_cast %swap3A_758 : i32 to index
      %swap3A_760 = arith.constant 514 : index
      %swap3A_761 = tpu.vector_load %arg14[%swap3A_759, %swap3A_760] {strides = array<i32>} : memref<2x1100xf32, #tpu.memory_space<vmem>>, vector<16xf32>,
      tpu.vector_store %arg14[%swap3A_759, %swap3A_760], %get3A_757 {strides = array<i32>} : memref<2x1100xf32, #tpu.memory_space<vmem>>, vector<16xf32>,
      %get3A_762 = arith.constant 24 : i32
      %get3A_763 = arith.index_cast %get3A_762 : i32 to index
      %get3A_764 = arith.constant 0 : index
      %get3A_765 = tpu.vector_load %arg10[%get3A_763, %get3A_764] {strides = array<i32>} : memref<56x24xf32, #tpu.memory_space<vmem>>, vector<16xf32>,
      %swap3A_766 = arith.constant 0 : i32
      %swap3A_767 = arith.index_cast %swap3A_766 : i32 to index
      %swap3A_768 = arith.constant 528 : index
      %swap3A_769 = tpu.vector_load %arg14[%swap3A_767, %swap3A_768] {strides = array<i32>} : memref<2x1100xf32, #tpu.memory_space<vmem>>, vector<16xf32>,
      tpu.vector_store %arg14[%swap3A_767, %swap3A_768], %get3A_765 {strides = array<i32>} : memref<2x1100xf32, #tpu.memory_space<vmem>>, vector<16xf32>,
      %get3A_770 = arith.constant 24 : i32
      %get3A_771 = arith.index_cast %get3A_770 : i32 to index
      %get3A_772 = arith.constant 8 : index
      %get3A_773 = tpu.vector_load %arg10[%get3A_771, %get3A_772] {strides = array<i32>} : memref<56x24xf32, #tpu.memory_space<vmem>>, vector<16xf32>,
      %swap3A_774 = arith.constant 0 : i32
      %swap3A_775 = arith.index_cast %swap3A_774 : i32 to index
      %swap3A_776 = arith.constant 536 : index
      %swap3A_777 = tpu.vector_load %arg14[%swap3A_775, %swap3A_776] {strides = array<i32>} : memref<2x1100xf32, #tpu.memory_space<vmem>>, vector<16xf32>,
      tpu.vector_store %arg14[%swap3A_775, %swap3A_776], %get3A_773 {strides = array<i32>} : memref<2x1100xf32, #tpu.memory_space<vmem>>, vector<16xf32>,
      %get3A_778 = arith.constant 25 : i32
      %get3A_779 = arith.index_cast %get3A_778 : i32 to index
      %get3A_780 = arith.constant 0 : index
      %get3A_781 = tpu.vector_load %arg10[%get3A_779, %get3A_780] {strides = array<i32>} : memref<56x24xf32, #tpu.memory_space<vmem>>, vector<16xf32>,
      %swap3A_782 = arith.constant 0 : i32
      %swap3A_783 = arith.index_cast %swap3A_782 : i32 to index
      %swap3A_784 = arith.constant 550 : index
      %swap3A_785 = tpu.vector_load %arg14[%swap3A_783, %swap3A_784] {strides = array<i32>} : memref<2x1100xf32, #tpu.memory_space<vmem>>, vector<16xf32>,
      tpu.vector_store %arg14[%swap3A_783, %swap3A_784], %get3A_781 {strides = array<i32>} : memref<2x1100xf32, #tpu.memory_space<vmem>>, vector<16xf32>,
      %get3A_786 = arith.constant 25 : i32
      %get3A_787 = arith.index_cast %get3A_786 : i32 to index
      %get3A_788 = arith.constant 8 : index
      %get3A_789 = tpu.vector_load %arg10[%get3A_787, %get3A_788] {strides = array<i32>} : memref<56x24xf32, #tpu.memory_space<vmem>>, vector<16xf32>,
      %swap3A_790 = arith.constant 0 : i32
      %swap3A_791 = arith.index_cast %swap3A_790 : i32 to index
      %swap3A_792 = arith.constant 558 : index
      %swap3A_793 = tpu.vector_load %arg14[%swap3A_791, %swap3A_792] {strides = array<i32>} : memref<2x1100xf32, #tpu.memory_space<vmem>>, vector<16xf32>,
      tpu.vector_store %arg14[%swap3A_791, %swap3A_792], %get3A_789 {strides = array<i32>} : memref<2x1100xf32, #tpu.memory_space<vmem>>, vector<16xf32>,
      %get3A_794 = arith.constant 26 : i32
      %get3A_795 = arith.index_cast %get3A_794 : i32 to index
      %get3A_796 = arith.constant 0 : index
      %get3A_797 = tpu.vector_load %arg10[%get3A_795, %get3A_796] {strides = array<i32>} : memref<56x24xf32, #tpu.memory_space<vmem>>, vector<16xf32>,
      %swap3A_798 = arith.constant 0 : i32
      %swap3A_799 = arith.index_cast %swap3A_798 : i32 to index
      %swap3A_800 = arith.constant 572 : index
      %swap3A_801 = tpu.vector_load %arg14[%swap3A_799, %swap3A_800] {strides = array<i32>} : memref<2x1100xf32, #tpu.memory_space<vmem>>, vector<16xf32>,
      tpu.vector_store %arg14[%swap3A_799, %swap3A_800], %get3A_797 {strides = array<i32>} : memref<2x1100xf32, #tpu.memory_space<vmem>>, vector<16xf32>,
      %get3A_802 = arith.constant 26 : i32
      %get3A_803 = arith.index_cast %get3A_802 : i32 to index
      %get3A_804 = arith.constant 8 : index
      %get3A_805 = tpu.vector_load %arg10[%get3A_803, %get3A_804] {strides = array<i32>} : memref<56x24xf32, #tpu.memory_space<vmem>>, vector<16xf32>,
      %swap3A_806 = arith.constant 0 : i32
      %swap3A_807 = arith.index_cast %swap3A_806 : i32 to index
      %swap3A_808 = arith.constant 580 : index
      %swap3A_809 = tpu.vector_load %arg14[%swap3A_807, %swap3A_808] {strides = array<i32>} : memref<2x1100xf32, #tpu.memory_space<vmem>>, vector<16xf32>,
      tpu.vector_store %arg14[%swap3A_807, %swap3A_808], %get3A_805 {strides = array<i32>} : memref<2x1100xf32, #tpu.memory_space<vmem>>, vector<16xf32>,
      %get3A_810 = arith.constant 27 : i32
      %get3A_811 = arith.index_cast %get3A_810 : i32 to index
      %get3A_812 = arith.constant 0 : index
      %get3A_813 = tpu.vector_load %arg10[%get3A_811, %get3A_812] {strides = array<i32>} : memref<56x24xf32, #tpu.memory_space<vmem>>, vector<16xf32>,
      %swap3A_814 = arith.constant 0 : i32
      %swap3A_815 = arith.index_cast %swap3A_814 : i32 to index
      %swap3A_816 = arith.constant 594 : index
      %swap3A_817 = tpu.vector_load %arg14[%swap3A_815, %swap3A_816] {strides = array<i32>} : memref<2x1100xf32, #tpu.memory_space<vmem>>, vector<16xf32>,
      tpu.vector_store %arg14[%swap3A_815, %swap3A_816], %get3A_813 {strides = array<i32>} : memref<2x1100xf32, #tpu.memory_space<vmem>>, vector<16xf32>,
      %get3A_818 = arith.constant 27 : i32
      %get3A_819 = arith.index_cast %get3A_818 : i32 to index
      %get3A_820 = arith.constant 8 : index
      %get3A_821 = tpu.vector_load %arg10[%get3A_819, %get3A_820] {strides = array<i32>} : memref<56x24xf32, #tpu.memory_space<vmem>>, vector<16xf32>,
      %swap3A_822 = arith.constant 0 : i32
      %swap3A_823 = arith.index_cast %swap3A_822 : i32 to index
      %swap3A_824 = arith.constant 602 : index
      %swap3A_825 = tpu.vector_load %arg14[%swap3A_823, %swap3A_824] {strides = array<i32>} : memref<2x1100xf32, #tpu.memory_space<vmem>>, vector<16xf32>,
      tpu.vector_store %arg14[%swap3A_823, %swap3A_824], %get3A_821 {strides = array<i32>} : memref<2x1100xf32, #tpu.memory_space<vmem>>, vector<16xf32>,
      %get3A_826 = arith.constant 28 : i32
      %get3A_827 = arith.index_cast %get3A_826 : i32 to index
      %get3A_828 = arith.constant 0 : index
      %get3A_829 = tpu.vector_load %arg10[%get3A_827, %get3A_828] {strides = array<i32>} : memref<56x24xf32, #tpu.memory_space<vmem>>, vector<16xf32>,
      %swap3A_830 = arith.constant 0 : i32
      %swap3A_831 = arith.index_cast %swap3A_830 : i32 to index
      %swap3A_832 = arith.constant 616 : index
      %swap3A_833 = tpu.vector_load %arg14[%swap3A_831, %swap3A_832] {strides = array<i32>} : memref<2x1100xf32, #tpu.memory_space<vmem>>, vector<16xf32>,
      tpu.vector_store %arg14[%swap3A_831, %swap3A_832], %get3A_829 {strides = array<i32>} : memref<2x1100xf32, #tpu.memory_space<vmem>>, vector<16xf32>,
      %get3A_834 = arith.constant 28 : i32
      %get3A_835 = arith.index_cast %get3A_834 : i32 to index
      %get3A_836 = arith.constant 8 : index
      %get3A_837 = tpu.vector_load %arg10[%get3A_835, %get3A_836] {strides = array<i32>} : memref<56x24xf32, #tpu.memory_space<vmem>>, vector<16xf32>,
      %swap3A_838 = arith.constant 0 : i32
      %swap3A_839 = arith.index_cast %swap3A_838 : i32 to index
      %swap3A_840 = arith.constant 624 : index
      %swap3A_841 = tpu.vector_load %arg14[%swap3A_839, %swap3A_840] {strides = array<i32>} : memref<2x1100xf32, #tpu.memory_space<vmem>>, vector<16xf32>,
      tpu.vector_store %arg14[%swap3A_839, %swap3A_840], %get3A_837 {strides = array<i32>} : memref<2x1100xf32, #tpu.memory_space<vmem>>, vector<16xf32>,
      %get3A_842 = arith.constant 29 : i32
      %get3A_843 = arith.index_cast %get3A_842 : i32 to index
      %get3A_844 = arith.constant 0 : index
      %get3A_845 = tpu.vector_load %arg10[%get3A_843, %get3A_844] {strides = array<i32>} : memref<56x24xf32, #tpu.memory_space<vmem>>, vector<16xf32>,
      %swap3A_846 = arith.constant 0 : i32
      %swap3A_847 = arith.index_cast %swap3A_846 : i32 to index
      %swap3A_848 = arith.constant 638 : index
      %swap3A_849 = tpu.vector_load %arg14[%swap3A_847, %swap3A_848] {strides = array<i32>} : memref<2x1100xf32, #tpu.memory_space<vmem>>, vector<16xf32>,
      tpu.vector_store %arg14[%swap3A_847, %swap3A_848], %get3A_845 {strides = array<i32>} : memref<2x1100xf32, #tpu.memory_space<vmem>>, vector<16xf32>,
      %get3A_850 = arith.constant 29 : i32
      %get3A_851 = arith.index_cast %get3A_850 : i32 to index
      %get3A_852 = arith.constant 8 : index
      %get3A_853 = tpu.vector_load %arg10[%get3A_851, %get3A_852] {strides = array<i32>} : memref<56x24xf32, #tpu.memory_space<vmem>>, vector<16xf32>,
      %swap3A_854 = arith.constant 0 : i32
      %swap3A_855 = arith.index_cast %swap3A_854 : i32 to index
      %swap3A_856 = arith.constant 646 : index
      %swap3A_857 = tpu.vector_load %arg14[%swap3A_855, %swap3A_856] {strides = array<i32>} : memref<2x1100xf32, #tpu.memory_space<vmem>>, vector<16xf32>,
      tpu.vector_store %arg14[%swap3A_855, %swap3A_856], %get3A_853 {strides = array<i32>} : memref<2x1100xf32, #tpu.memory_space<vmem>>, vector<16xf32>,
      %get3A_858 = arith.constant 30 : i32
      %get3A_859 = arith.index_cast %get3A_858 : i32 to index
      %get3A_860 = arith.constant 0 : index
      %get3A_861 = tpu.vector_load %arg10[%get3A_859, %get3A_860] {strides = array<i32>} : memref<56x24xf32, #tpu.memory_space<vmem>>, vector<16xf32>,
      %swap3A_862 = arith.constant 0 : i32
      %swap3A_863 = arith.index_cast %swap3A_862 : i32 to index
      %swap3A_864 = arith.constant 660 : index
      %swap3A_865 = tpu.vector_load %arg14[%swap3A_863, %swap3A_864] {strides = array<i32>} : memref<2x1100xf32, #tpu.memory_space<vmem>>, vector<16xf32>,
      tpu.vector_store %arg14[%swap3A_863, %swap3A_864], %get3A_861 {strides = array<i32>} : memref<2x1100xf32, #tpu.memory_space<vmem>>, vector<16xf32>,
      %get3A_866 = arith.constant 30 : i32
      %get3A_867 = arith.index_cast %get3A_866 : i32 to index
      %get3A_868 = arith.constant 8 : index
      %get3A_869 = tpu.vector_load %arg10[%get3A_867, %get3A_868] {strides = array<i32>} : memref<56x24xf32, #tpu.memory_space<vmem>>, vector<16xf32>,
      %swap3A_870 = arith.constant 0 : i32
      %swap3A_871 = arith.index_cast %swap3A_870 : i32 to index
      %swap3A_872 = arith.constant 668 : index
      %swap3A_873 = tpu.vector_load %arg14[%swap3A_871, %swap3A_872] {strides = array<i32>} : memref<2x1100xf32, #tpu.memory_space<vmem>>, vector<16xf32>,
      tpu.vector_store %arg14[%swap3A_871, %swap3A_872], %get3A_869 {strides = array<i32>} : memref<2x1100xf32, #tpu.memory_space<vmem>>, vector<16xf32>,
      %get3A_874 = arith.constant 31 : i32
      %get3A_875 = arith.index_cast %get3A_874 : i32 to index
      %get3A_876 = arith.constant 0 : index
      %get3A_877 = tpu.vector_load %arg10[%get3A_875, %get3A_876] {strides = array<i32>} : memref<56x24xf32, #tpu.memory_space<vmem>>, vector<16xf32>,
      %swap3A_878 = arith.constant 0 : i32
      %swap3A_879 = arith.index_cast %swap3A_878 : i32 to index
      %swap3A_880 = arith.constant 682 : index
      %swap3A_881 = tpu.vector_load %arg14[%swap3A_879, %swap3A_880] {strides = array<i32>} : memref<2x1100xf32, #tpu.memory_space<vmem>>, vector<16xf32>,
      tpu.vector_store %arg14[%swap3A_879, %swap3A_880], %get3A_877 {strides = array<i32>} : memref<2x1100xf32, #tpu.memory_space<vmem>>, vector<16xf32>,
      %get3A_882 = arith.constant 31 : i32
      %get3A_883 = arith.index_cast %get3A_882 : i32 to index
      %get3A_884 = arith.constant 8 : index
      %get3A_885 = tpu.vector_load %arg10[%get3A_883, %get3A_884] {strides = array<i32>} : memref<56x24xf32, #tpu.memory_space<vmem>>, vector<16xf32>,
      %swap3A_886 = arith.constant 0 : i32
      %swap3A_887 = arith.index_cast %swap3A_886 : i32 to index
      %swap3A_888 = arith.constant 690 : index
      %swap3A_889 = tpu.vector_load %arg14[%swap3A_887, %swap3A_888] {strides = array<i32>} : memref<2x1100xf32, #tpu.memory_space<vmem>>, vector<16xf32>,
      tpu.vector_store %arg14[%swap3A_887, %swap3A_888], %get3A_885 {strides = array<i32>} : memref<2x1100xf32, #tpu.memory_space<vmem>>, vector<16xf32>,
      %get3A_890 = arith.constant 32 : i32
      %get3A_891 = arith.index_cast %get3A_890 : i32 to index
      %get3A_892 = arith.constant 0 : index
      %get3A_893 = tpu.vector_load %arg10[%get3A_891, %get3A_892] {strides = array<i32>} : memref<56x24xf32, #tpu.memory_space<vmem>>, vector<16xf32>,
      %swap3A_894 = arith.constant 0 : i32
      %swap3A_895 = arith.index_cast %swap3A_894 : i32 to index
      %swap3A_896 = arith.constant 704 : index
      %swap3A_897 = tpu.vector_load %arg14[%swap3A_895, %swap3A_896] {strides = array<i32>} : memref<2x1100xf32, #tpu.memory_space<vmem>>, vector<16xf32>,
      tpu.vector_store %arg14[%swap3A_895, %swap3A_896], %get3A_893 {strides = array<i32>} : memref<2x1100xf32, #tpu.memory_space<vmem>>, vector<16xf32>,
      %get3A_898 = arith.constant 32 : i32
      %get3A_899 = arith.index_cast %get3A_898 : i32 to index
      %get3A_900 = arith.constant 8 : index
      %get3A_901 = tpu.vector_load %arg10[%get3A_899, %get3A_900] {strides = array<i32>} : memref<56x24xf32, #tpu.memory_space<vmem>>, vector<16xf32>,
      %swap3A_902 = arith.constant 0 : i32
      %swap3A_903 = arith.index_cast %swap3A_902 : i32 to index
      %swap3A_904 = arith.constant 712 : index
      %swap3A_905 = tpu.vector_load %arg14[%swap3A_903, %swap3A_904] {strides = array<i32>} : memref<2x1100xf32, #tpu.memory_space<vmem>>, vector<16xf32>,
      tpu.vector_store %arg14[%swap3A_903, %swap3A_904], %get3A_901 {strides = array<i32>} : memref<2x1100xf32, #tpu.memory_space<vmem>>, vector<16xf32>,
      %get3A_906 = arith.constant 33 : i32
      %get3A_907 = arith.index_cast %get3A_906 : i32 to index
      %get3A_908 = arith.constant 0 : index
      %get3A_909 = tpu.vector_load %arg10[%get3A_907, %get3A_908] {strides = array<i32>} : memref<56x24xf32, #tpu.memory_space<vmem>>, vector<16xf32>,
      %swap3A_910 = arith.constant 0 : i32
      %swap3A_911 = arith.index_cast %swap3A_910 : i32 to index
      %swap3A_912 = arith.constant 726 : index
      %swap3A_913 = tpu.vector_load %arg14[%swap3A_911, %swap3A_912] {strides = array<i32>} : memref<2x1100xf32, #tpu.memory_space<vmem>>, vector<16xf32>,
      tpu.vector_store %arg14[%swap3A_911, %swap3A_912], %get3A_909 {strides = array<i32>} : memref<2x1100xf32, #tpu.memory_space<vmem>>, vector<16xf32>,
      %get3A_914 = arith.constant 33 : i32
      %get3A_915 = arith.index_cast %get3A_914 : i32 to index
      %get3A_916 = arith.constant 8 : index
      %get3A_917 = tpu.vector_load %arg10[%get3A_915, %get3A_916] {strides = array<i32>} : memref<56x24xf32, #tpu.memory_space<vmem>>, vector<16xf32>,
      %swap3A_918 = arith.constant 0 : i32
      %swap3A_919 = arith.index_cast %swap3A_918 : i32 to index
      %swap3A_920 = arith.constant 734 : index
      %swap3A_921 = tpu.vector_load %arg14[%swap3A_919, %swap3A_920] {strides = array<i32>} : memref<2x1100xf32, #tpu.memory_space<vmem>>, vector<16xf32>,
      tpu.vector_store %arg14[%swap3A_919, %swap3A_920], %get3A_917 {strides = array<i32>} : memref<2x1100xf32, #tpu.memory_space<vmem>>, vector<16xf32>,
      %get3A_922 = arith.constant 34 : i32
      %get3A_923 = arith.index_cast %get3A_922 : i32 to index
      %get3A_924 = arith.constant 0 : index
      %get3A_925 = tpu.vector_load %arg10[%get3A_923, %get3A_924] {strides = array<i32>} : memref<56x24xf32, #tpu.memory_space<vmem>>, vector<16xf32>,
      %swap3A_926 = arith.constant 0 : i32
      %swap3A_927 = arith.index_cast %swap3A_926 : i32 to index
      %swap3A_928 = arith.constant 748 : index
      %swap3A_929 = tpu.vector_load %arg14[%swap3A_927, %swap3A_928] {strides = array<i32>} : memref<2x1100xf32, #tpu.memory_space<vmem>>, vector<16xf32>,
      tpu.vector_store %arg14[%swap3A_927, %swap3A_928], %get3A_925 {strides = array<i32>} : memref<2x1100xf32, #tpu.memory_space<vmem>>, vector<16xf32>,
      %get3A_930 = arith.constant 34 : i32
      %get3A_931 = arith.index_cast %get3A_930 : i32 to index
      %get3A_932 = arith.constant 8 : index
      %get3A_933 = tpu.vector_load %arg10[%get3A_931, %get3A_932] {strides = array<i32>} : memref<56x24xf32, #tpu.memory_space<vmem>>, vector<16xf32>,
      %swap3A_934 = arith.constant 0 : i32
      %swap3A_935 = arith.index_cast %swap3A_934 : i32 to index
      %swap3A_936 = arith.constant 756 : index
      %swap3A_937 = tpu.vector_load %arg14[%swap3A_935, %swap3A_936] {strides = array<i32>} : memref<2x1100xf32, #tpu.memory_space<vmem>>, vector<16xf32>,
      tpu.vector_store %arg14[%swap3A_935, %swap3A_936], %get3A_933 {strides = array<i32>} : memref<2x1100xf32, #tpu.memory_space<vmem>>, vector<16xf32>,
      %get3A_938 = arith.constant 35 : i32
      %get3A_939 = arith.index_cast %get3A_938 : i32 to index
      %get3A_940 = arith.constant 0 : index
      %get3A_941 = tpu.vector_load %arg10[%get3A_939, %get3A_940] {strides = array<i32>} : memref<56x24xf32, #tpu.memory_space<vmem>>, vector<16xf32>,
      %swap3A_942 = arith.constant 0 : i32
      %swap3A_943 = arith.index_cast %swap3A_942 : i32 to index
      %swap3A_944 = arith.constant 770 : index
      %swap3A_945 = tpu.vector_load %arg14[%swap3A_943, %swap3A_944] {strides = array<i32>} : memref<2x1100xf32, #tpu.memory_space<vmem>>, vector<16xf32>,
      tpu.vector_store %arg14[%swap3A_943, %swap3A_944], %get3A_941 {strides = array<i32>} : memref<2x1100xf32, #tpu.memory_space<vmem>>, vector<16xf32>,
      %get3A_946 = arith.constant 35 : i32
      %get3A_947 = arith.index_cast %get3A_946 : i32 to index
      %get3A_948 = arith.constant 8 : index
      %get3A_949 = tpu.vector_load %arg10[%get3A_947, %get3A_948] {strides = array<i32>} : memref<56x24xf32, #tpu.memory_space<vmem>>, vector<16xf32>,
      %swap3A_950 = arith.constant 0 : i32
      %swap3A_951 = arith.index_cast %swap3A_950 : i32 to index
      %swap3A_952 = arith.constant 778 : index
      %swap3A_953 = tpu.vector_load %arg14[%swap3A_951, %swap3A_952] {strides = array<i32>} : memref<2x1100xf32, #tpu.memory_space<vmem>>, vector<16xf32>,
      tpu.vector_store %arg14[%swap3A_951, %swap3A_952], %get3A_949 {strides = array<i32>} : memref<2x1100xf32, #tpu.memory_space<vmem>>, vector<16xf32>,
      %get3A_954 = arith.constant 36 : i32
      %get3A_955 = arith.index_cast %get3A_954 : i32 to index
      %get3A_956 = arith.constant 0 : index
      %get3A_957 = tpu.vector_load %arg10[%get3A_955, %get3A_956] {strides = array<i32>} : memref<56x24xf32, #tpu.memory_space<vmem>>, vector<16xf32>,
      %swap3A_958 = arith.constant 0 : i32
      %swap3A_959 = arith.index_cast %swap3A_958 : i32 to index
      %swap3A_960 = arith.constant 792 : index
      %swap3A_961 = tpu.vector_load %arg14[%swap3A_959, %swap3A_960] {strides = array<i32>} : memref<2x1100xf32, #tpu.memory_space<vmem>>, vector<16xf32>,
      tpu.vector_store %arg14[%swap3A_959, %swap3A_960], %get3A_957 {strides = array<i32>} : memref<2x1100xf32, #tpu.memory_space<vmem>>, vector<16xf32>,
      %get3A_962 = arith.constant 36 : i32
      %get3A_963 = arith.index_cast %get3A_962 : i32 to index
      %get3A_964 = arith.constant 8 : index
      %get3A_965 = tpu.vector_load %arg10[%get3A_963, %get3A_964] {strides = array<i32>} : memref<56x24xf32, #tpu.memory_space<vmem>>, vector<16xf32>,
      %swap3A_966 = arith.constant 0 : i32
      %swap3A_967 = arith.index_cast %swap3A_966 : i32 to index
      %swap3A_968 = arith.constant 800 : index
      %swap3A_969 = tpu.vector_load %arg14[%swap3A_967, %swap3A_968] {strides = array<i32>} : memref<2x1100xf32, #tpu.memory_space<vmem>>, vector<16xf32>,
      tpu.vector_store %arg14[%swap3A_967, %swap3A_968], %get3A_965 {strides = array<i32>} : memref<2x1100xf32, #tpu.memory_space<vmem>>, vector<16xf32>,
      %get3A_970 = arith.constant 37 : i32
      %get3A_971 = arith.index_cast %get3A_970 : i32 to index
      %get3A_972 = arith.constant 0 : index
      %get3A_973 = tpu.vector_load %arg10[%get3A_971, %get3A_972] {strides = array<i32>} : memref<56x24xf32, #tpu.memory_space<vmem>>, vector<16xf32>,
      %swap3A_974 = arith.constant 0 : i32
      %swap3A_975 = arith.index_cast %swap3A_974 : i32 to index
      %swap3A_976 = arith.constant 814 : index
      %swap3A_977 = tpu.vector_load %arg14[%swap3A_975, %swap3A_976] {strides = array<i32>} : memref<2x1100xf32, #tpu.memory_space<vmem>>, vector<16xf32>,
      tpu.vector_store %arg14[%swap3A_975, %swap3A_976], %get3A_973 {strides = array<i32>} : memref<2x1100xf32, #tpu.memory_space<vmem>>, vector<16xf32>,
      %get3A_978 = arith.constant 37 : i32
      %get3A_979 = arith.index_cast %get3A_978 : i32 to index
      %get3A_980 = arith.constant 8 : index
      %get3A_981 = tpu.vector_load %arg10[%get3A_979, %get3A_980] {strides = array<i32>} : memref<56x24xf32, #tpu.memory_space<vmem>>, vector<16xf32>,
      %swap3A_982 = arith.constant 0 : i32
      %swap3A_983 = arith.index_cast %swap3A_982 : i32 to index
      %swap3A_984 = arith.constant 822 : index
      %swap3A_985 = tpu.vector_load %arg14[%swap3A_983, %swap3A_984] {strides = array<i32>} : memref<2x1100xf32, #tpu.memory_space<vmem>>, vector<16xf32>,
      tpu.vector_store %arg14[%swap3A_983, %swap3A_984], %get3A_981 {strides = array<i32>} : memref<2x1100xf32, #tpu.memory_space<vmem>>, vector<16xf32>,
      %get3A_986 = arith.constant 38 : i32
      %get3A_987 = arith.index_cast %get3A_986 : i32 to index
      %get3A_988 = arith.constant 0 : index
      %get3A_989 = tpu.vector_load %arg10[%get3A_987, %get3A_988] {strides = array<i32>} : memref<56x24xf32, #tpu.memory_space<vmem>>, vector<16xf32>,
      %swap3A_990 = arith.constant 0 : i32
      %swap3A_991 = arith.index_cast %swap3A_990 : i32 to index
      %swap3A_992 = arith.constant 836 : index
      %swap3A_993 = tpu.vector_load %arg14[%swap3A_991, %swap3A_992] {strides = array<i32>} : memref<2x1100xf32, #tpu.memory_space<vmem>>, vector<16xf32>,
      tpu.vector_store %arg14[%swap3A_991, %swap3A_992], %get3A_989 {strides = array<i32>} : memref<2x1100xf32, #tpu.memory_space<vmem>>, vector<16xf32>,
      %get3A_994 = arith.constant 38 : i32
      %get3A_995 = arith.index_cast %get3A_994 : i32 to index
      %get3A_996 = arith.constant 8 : index
      %get3A_997 = tpu.vector_load %arg10[%get3A_995, %get3A_996] {strides = array<i32>} : memref<56x24xf32, #tpu.memory_space<vmem>>, vector<16xf32>,
      %swap3A_998 = arith.constant 0 : i32
      %swap3A_999 = arith.index_cast %swap3A_998 : i32 to index
      %swap3A_1000 = arith.constant 844 : index
      %swap3A_1001 = tpu.vector_load %arg14[%swap3A_999, %swap3A_1000] {strides = array<i32>} : memref<2x1100xf32, #tpu.memory_space<vmem>>, vector<16xf32>,
      tpu.vector_store %arg14[%swap3A_999, %swap3A_1000], %get3A_997 {strides = array<i32>} : memref<2x1100xf32, #tpu.memory_space<vmem>>, vector<16xf32>,
      %get3A_1002 = arith.constant 39 : i32
      %get3A_1003 = arith.index_cast %get3A_1002 : i32 to index
      %get3A_1004 = arith.constant 0 : index
      %get3A_1005 = tpu.vector_load %arg10[%get3A_1003, %get3A_1004] {strides = array<i32>} : memref<56x24xf32, #tpu.memory_space<vmem>>, vector<16xf32>,
      %swap3A_1006 = arith.constant 0 : i32
      %swap3A_1007 = arith.index_cast %swap3A_1006 : i32 to index
      %swap3A_1008 = arith.constant 858 : index
      %swap3A_1009 = tpu.vector_load %arg14[%swap3A_1007, %swap3A_1008] {strides = array<i32>} : memref<2x1100xf32, #tpu.memory_space<vmem>>, vector<16xf32>,
      tpu.vector_store %arg14[%swap3A_1007, %swap3A_1008], %get3A_1005 {strides = array<i32>} : memref<2x1100xf32, #tpu.memory_space<vmem>>, vector<16xf32>,
      %get3A_1010 = arith.constant 39 : i32
      %get3A_1011 = arith.index_cast %get3A_1010 : i32 to index
      %get3A_1012 = arith.constant 8 : index
      %get3A_1013 = tpu.vector_load %arg10[%get3A_1011, %get3A_1012] {strides = array<i32>} : memref<56x24xf32, #tpu.memory_space<vmem>>, vector<16xf32>,
      %swap3A_1014 = arith.constant 0 : i32
      %swap3A_1015 = arith.index_cast %swap3A_1014 : i32 to index
      %swap3A_1016 = arith.constant 866 : index
      %swap3A_1017 = tpu.vector_load %arg14[%swap3A_1015, %swap3A_1016] {strides = array<i32>} : memref<2x1100xf32, #tpu.memory_space<vmem>>, vector<16xf32>,
      tpu.vector_store %arg14[%swap3A_1015, %swap3A_1016], %get3A_1013 {strides = array<i32>} : memref<2x1100xf32, #tpu.memory_space<vmem>>, vector<16xf32>,
      %get3A_1018 = arith.constant 40 : i32
      %get3A_1019 = arith.index_cast %get3A_1018 : i32 to index
      %get3A_1020 = arith.constant 0 : index
      %get3A_1021 = tpu.vector_load %arg10[%get3A_1019, %get3A_1020] {strides = array<i32>} : memref<56x24xf32, #tpu.memory_space<vmem>>, vector<16xf32>,
      %swap3A_1022 = arith.constant 0 : i32
      %swap3A_1023 = arith.index_cast %swap3A_1022 : i32 to index
      %swap3A_1024 = arith.constant 880 : index
      %swap3A_1025 = tpu.vector_load %arg14[%swap3A_1023, %swap3A_1024] {strides = array<i32>} : memref<2x1100xf32, #tpu.memory_space<vmem>>, vector<16xf32>,
      tpu.vector_store %arg14[%swap3A_1023, %swap3A_1024], %get3A_1021 {strides = array<i32>} : memref<2x1100xf32, #tpu.memory_space<vmem>>, vector<16xf32>,
      %get3A_1026 = arith.constant 40 : i32
      %get3A_1027 = arith.index_cast %get3A_1026 : i32 to index
      %get3A_1028 = arith.constant 8 : index
      %get3A_1029 = tpu.vector_load %arg10[%get3A_1027, %get3A_1028] {strides = array<i32>} : memref<56x24xf32, #tpu.memory_space<vmem>>, vector<16xf32>,
      %swap3A_1030 = arith.constant 0 : i32
      %swap3A_1031 = arith.index_cast %swap3A_1030 : i32 to index
      %swap3A_1032 = arith.constant 888 : index
      %swap3A_1033 = tpu.vector_load %arg14[%swap3A_1031, %swap3A_1032] {strides = array<i32>} : memref<2x1100xf32, #tpu.memory_space<vmem>>, vector<16xf32>,
      tpu.vector_store %arg14[%swap3A_1031, %swap3A_1032], %get3A_1029 {strides = array<i32>} : memref<2x1100xf32, #tpu.memory_space<vmem>>, vector<16xf32>,
      %get3A_1034 = arith.constant 41 : i32
      %get3A_1035 = arith.index_cast %get3A_1034 : i32 to index
      %get3A_1036 = arith.constant 0 : index
      %get3A_1037 = tpu.vector_load %arg10[%get3A_1035, %get3A_1036] {strides = array<i32>} : memref<56x24xf32, #tpu.memory_space<vmem>>, vector<16xf32>,
      %swap3A_1038 = arith.constant 0 : i32
      %swap3A_1039 = arith.index_cast %swap3A_1038 : i32 to index
      %swap3A_1040 = arith.constant 902 : index
      %swap3A_1041 = tpu.vector_load %arg14[%swap3A_1039, %swap3A_1040] {strides = array<i32>} : memref<2x1100xf32, #tpu.memory_space<vmem>>, vector<16xf32>,
      tpu.vector_store %arg14[%swap3A_1039, %swap3A_1040], %get3A_1037 {strides = array<i32>} : memref<2x1100xf32, #tpu.memory_space<vmem>>, vector<16xf32>,
      %get3A_1042 = arith.constant 41 : i32
      %get3A_1043 = arith.index_cast %get3A_1042 : i32 to index
      %get3A_1044 = arith.constant 8 : index
      %get3A_1045 = tpu.vector_load %arg10[%get3A_1043, %get3A_1044] {strides = array<i32>} : memref<56x24xf32, #tpu.memory_space<vmem>>, vector<16xf32>,
      %swap3A_1046 = arith.constant 0 : i32
      %swap3A_1047 = arith.index_cast %swap3A_1046 : i32 to index
      %swap3A_1048 = arith.constant 910 : index
      %swap3A_1049 = tpu.vector_load %arg14[%swap3A_1047, %swap3A_1048] {strides = array<i32>} : memref<2x1100xf32, #tpu.memory_space<vmem>>, vector<16xf32>,
      tpu.vector_store %arg14[%swap3A_1047, %swap3A_1048], %get3A_1045 {strides = array<i32>} : memref<2x1100xf32, #tpu.memory_space<vmem>>, vector<16xf32>,
      %get3A_1050 = arith.constant 42 : i32
      %get3A_1051 = arith.index_cast %get3A_1050 : i32 to index
      %get3A_1052 = arith.constant 0 : index
      %get3A_1053 = tpu.vector_load %arg10[%get3A_1051, %get3A_1052] {strides = array<i32>} : memref<56x24xf32, #tpu.memory_space<vmem>>, vector<16xf32>,
      %swap3A_1054 = arith.constant 0 : i32
      %swap3A_1055 = arith.index_cast %swap3A_1054 : i32 to index
      %swap3A_1056 = arith.constant 924 : index
      %swap3A_1057 = tpu.vector_load %arg14[%swap3A_1055, %swap3A_1056] {strides = array<i32>} : memref<2x1100xf32, #tpu.memory_space<vmem>>, vector<16xf32>,
      tpu.vector_store %arg14[%swap3A_1055, %swap3A_1056], %get3A_1053 {strides = array<i32>} : memref<2x1100xf32, #tpu.memory_space<vmem>>, vector<16xf32>,
      %get3A_1058 = arith.constant 42 : i32
      %get3A_1059 = arith.index_cast %get3A_1058 : i32 to index
      %get3A_1060 = arith.constant 8 : index
      %get3A_1061 = tpu.vector_load %arg10[%get3A_1059, %get3A_1060] {strides = array<i32>} : memref<56x24xf32, #tpu.memory_space<vmem>>, vector<16xf32>,
      %swap3A_1062 = arith.constant 0 : i32
      %swap3A_1063 = arith.index_cast %swap3A_1062 : i32 to index
      %swap3A_1064 = arith.constant 932 : index
      %swap3A_1065 = tpu.vector_load %arg14[%swap3A_1063, %swap3A_1064] {strides = array<i32>} : memref<2x1100xf32, #tpu.memory_space<vmem>>, vector<16xf32>,
      tpu.vector_store %arg14[%swap3A_1063, %swap3A_1064], %get3A_1061 {strides = array<i32>} : memref<2x1100xf32, #tpu.memory_space<vmem>>, vector<16xf32>,
      %get3A_1066 = arith.constant 43 : i32
      %get3A_1067 = arith.index_cast %get3A_1066 : i32 to index
      %get3A_1068 = arith.constant 0 : index
      %get3A_1069 = tpu.vector_load %arg10[%get3A_1067, %get3A_1068] {strides = array<i32>} : memref<56x24xf32, #tpu.memory_space<vmem>>, vector<16xf32>,
      %swap3A_1070 = arith.constant 0 : i32
      %swap3A_1071 = arith.index_cast %swap3A_1070 : i32 to index
      %swap3A_1072 = arith.constant 946 : index
      %swap3A_1073 = tpu.vector_load %arg14[%swap3A_1071, %swap3A_1072] {strides = array<i32>} : memref<2x1100xf32, #tpu.memory_space<vmem>>, vector<16xf32>,
      tpu.vector_store %arg14[%swap3A_1071, %swap3A_1072], %get3A_1069 {strides = array<i32>} : memref<2x1100xf32, #tpu.memory_space<vmem>>, vector<16xf32>,
      %get3A_1074 = arith.constant 43 : i32
      %get3A_1075 = arith.index_cast %get3A_1074 : i32 to index
      %get3A_1076 = arith.constant 8 : index
      %get3A_1077 = tpu.vector_load %arg10[%get3A_1075, %get3A_1076] {strides = array<i32>} : memref<56x24xf32, #tpu.memory_space<vmem>>, vector<16xf32>,
      %swap3A_1078 = arith.constant 0 : i32
      %swap3A_1079 = arith.index_cast %swap3A_1078 : i32 to index
      %swap3A_1080 = arith.constant 954 : index
      %swap3A_1081 = tpu.vector_load %arg14[%swap3A_1079, %swap3A_1080] {strides = array<i32>} : memref<2x1100xf32, #tpu.memory_space<vmem>>, vector<16xf32>,
      tpu.vector_store %arg14[%swap3A_1079, %swap3A_1080], %get3A_1077 {strides = array<i32>} : memref<2x1100xf32, #tpu.memory_space<vmem>>, vector<16xf32>,
      %get3A_1082 = arith.constant 44 : i32
      %get3A_1083 = arith.index_cast %get3A_1082 : i32 to index
      %get3A_1084 = arith.constant 0 : index
      %get3A_1085 = tpu.vector_load %arg10[%get3A_1083, %get3A_1084] {strides = array<i32>} : memref<56x24xf32, #tpu.memory_space<vmem>>, vector<16xf32>,
      %swap3A_1086 = arith.constant 0 : i32
      %swap3A_1087 = arith.index_cast %swap3A_1086 : i32 to index
      %swap3A_1088 = arith.constant 968 : index
      %swap3A_1089 = tpu.vector_load %arg14[%swap3A_1087, %swap3A_1088] {strides = array<i32>} : memref<2x1100xf32, #tpu.memory_space<vmem>>, vector<16xf32>,
      tpu.vector_store %arg14[%swap3A_1087, %swap3A_1088], %get3A_1085 {strides = array<i32>} : memref<2x1100xf32, #tpu.memory_space<vmem>>, vector<16xf32>,
      %get3A_1090 = arith.constant 44 : i32
      %get3A_1091 = arith.index_cast %get3A_1090 : i32 to index
      %get3A_1092 = arith.constant 8 : index
      %get3A_1093 = tpu.vector_load %arg10[%get3A_1091, %get3A_1092] {strides = array<i32>} : memref<56x24xf32, #tpu.memory_space<vmem>>, vector<16xf32>,
      %swap3A_1094 = arith.constant 0 : i32
      %swap3A_1095 = arith.index_cast %swap3A_1094 : i32 to index
      %swap3A_1096 = arith.constant 976 : index
      %swap3A_1097 = tpu.vector_load %arg14[%swap3A_1095, %swap3A_1096] {strides = array<i32>} : memref<2x1100xf32, #tpu.memory_space<vmem>>, vector<16xf32>,
      tpu.vector_store %arg14[%swap3A_1095, %swap3A_1096], %get3A_1093 {strides = array<i32>} : memref<2x1100xf32, #tpu.memory_space<vmem>>, vector<16xf32>,
      %get3A_1098 = arith.constant 45 : i32
      %get3A_1099 = arith.index_cast %get3A_1098 : i32 to index
      %get3A_1100 = arith.constant 0 : index
      %get3A_1101 = tpu.vector_load %arg10[%get3A_1099, %get3A_1100] {strides = array<i32>} : memref<56x24xf32, #tpu.memory_space<vmem>>, vector<16xf32>,
      %swap3A_1102 = arith.constant 0 : i32
      %swap3A_1103 = arith.index_cast %swap3A_1102 : i32 to index
      %swap3A_1104 = arith.constant 990 : index
      %swap3A_1105 = tpu.vector_load %arg14[%swap3A_1103, %swap3A_1104] {strides = array<i32>} : memref<2x1100xf32, #tpu.memory_space<vmem>>, vector<16xf32>,
      tpu.vector_store %arg14[%swap3A_1103, %swap3A_1104], %get3A_1101 {strides = array<i32>} : memref<2x1100xf32, #tpu.memory_space<vmem>>, vector<16xf32>,
      %get3A_1106 = arith.constant 45 : i32
      %get3A_1107 = arith.index_cast %get3A_1106 : i32 to index
      %get3A_1108 = arith.constant 8 : index
      %get3A_1109 = tpu.vector_load %arg10[%get3A_1107, %get3A_1108] {strides = array<i32>} : memref<56x24xf32, #tpu.memory_space<vmem>>, vector<16xf32>,
      %swap3A_1110 = arith.constant 0 : i32
      %swap3A_1111 = arith.index_cast %swap3A_1110 : i32 to index
      %swap3A_1112 = arith.constant 998 : index
      %swap3A_1113 = tpu.vector_load %arg14[%swap3A_1111, %swap3A_1112] {strides = array<i32>} : memref<2x1100xf32, #tpu.memory_space<vmem>>, vector<16xf32>,
      tpu.vector_store %arg14[%swap3A_1111, %swap3A_1112], %get3A_1109 {strides = array<i32>} : memref<2x1100xf32, #tpu.memory_space<vmem>>, vector<16xf32>,
      %get3A_1114 = arith.constant 46 : i32
      %get3A_1115 = arith.index_cast %get3A_1114 : i32 to index
      %get3A_1116 = arith.constant 0 : index
      %get3A_1117 = tpu.vector_load %arg10[%get3A_1115, %get3A_1116] {strides = array<i32>} : memref<56x24xf32, #tpu.memory_space<vmem>>, vector<16xf32>,
      %swap3A_1118 = arith.constant 0 : i32
      %swap3A_1119 = arith.index_cast %swap3A_1118 : i32 to index
      %swap3A_1120 = arith.constant 1012 : index
      %swap3A_1121 = tpu.vector_load %arg14[%swap3A_1119, %swap3A_1120] {strides = array<i32>} : memref<2x1100xf32, #tpu.memory_space<vmem>>, vector<16xf32>,
      tpu.vector_store %arg14[%swap3A_1119, %swap3A_1120], %get3A_1117 {strides = array<i32>} : memref<2x1100xf32, #tpu.memory_space<vmem>>, vector<16xf32>,
      %get3A_1122 = arith.constant 46 : i32
      %get3A_1123 = arith.index_cast %get3A_1122 : i32 to index
      %get3A_1124 = arith.constant 8 : index
      %get3A_1125 = tpu.vector_load %arg10[%get3A_1123, %get3A_1124] {strides = array<i32>} : memref<56x24xf32, #tpu.memory_space<vmem>>, vector<16xf32>,
      %swap3A_1126 = arith.constant 0 : i32
      %swap3A_1127 = arith.index_cast %swap3A_1126 : i32 to index
      %swap3A_1128 = arith.constant 1020 : index
      %swap3A_1129 = tpu.vector_load %arg14[%swap3A_1127, %swap3A_1128] {strides = array<i32>} : memref<2x1100xf32, #tpu.memory_space<vmem>>, vector<16xf32>,
      tpu.vector_store %arg14[%swap3A_1127, %swap3A_1128], %get3A_1125 {strides = array<i32>} : memref<2x1100xf32, #tpu.memory_space<vmem>>, vector<16xf32>,
      %get3A_1130 = arith.constant 47 : i32
      %get3A_1131 = arith.index_cast %get3A_1130 : i32 to index
      %get3A_1132 = arith.constant 0 : index
      %get3A_1133 = tpu.vector_load %arg10[%get3A_1131, %get3A_1132] {strides = array<i32>} : memref<56x24xf32, #tpu.memory_space<vmem>>, vector<16xf32>,
      %swap3A_1134 = arith.constant 0 : i32
      %swap3A_1135 = arith.index_cast %swap3A_1134 : i32 to index
      %swap3A_1136 = arith.constant 1034 : index
      %swap3A_1137 = tpu.vector_load %arg14[%swap3A_1135, %swap3A_1136] {strides = array<i32>} : memref<2x1100xf32, #tpu.memory_space<vmem>>, vector<16xf32>,
      tpu.vector_store %arg14[%swap3A_1135, %swap3A_1136], %get3A_1133 {strides = array<i32>} : memref<2x1100xf32, #tpu.memory_space<vmem>>, vector<16xf32>,
      %get3A_1138 = arith.constant 47 : i32
      %get3A_1139 = arith.index_cast %get3A_1138 : i32 to index
      %get3A_1140 = arith.constant 8 : index
      %get3A_1141 = tpu.vector_load %arg10[%get3A_1139, %get3A_1140] {strides = array<i32>} : memref<56x24xf32, #tpu.memory_space<vmem>>, vector<16xf32>,
      %swap3A_1142 = arith.constant 0 : i32
      %swap3A_1143 = arith.index_cast %swap3A_1142 : i32 to index
      %swap3A_1144 = arith.constant 1042 : index
      %swap3A_1145 = tpu.vector_load %arg14[%swap3A_1143, %swap3A_1144] {strides = array<i32>} : memref<2x1100xf32, #tpu.memory_space<vmem>>, vector<16xf32>,
      tpu.vector_store %arg14[%swap3A_1143, %swap3A_1144], %get3A_1141 {strides = array<i32>} : memref<2x1100xf32, #tpu.memory_space<vmem>>, vector<16xf32>,
      %get3A_1146 = arith.constant 48 : i32
      %get3A_1147 = arith.index_cast %get3A_1146 : i32 to index
      %get3A_1148 = arith.constant 0 : index
      %get3A_1149 = tpu.vector_load %arg10[%get3A_1147, %get3A_1148] {strides = array<i32>} : memref<56x24xf32, #tpu.memory_space<vmem>>, vector<16xf32>,
      %swap3A_1150 = arith.constant 0 : i32
      %swap3A_1151 = arith.index_cast %swap3A_1150 : i32 to index
      %swap3A_1152 = arith.constant 1056 : index
      %swap3A_1153 = tpu.vector_load %arg14[%swap3A_1151, %swap3A_1152] {strides = array<i32>} : memref<2x1100xf32, #tpu.memory_space<vmem>>, vector<16xf32>,
      tpu.vector_store %arg14[%swap3A_1151, %swap3A_1152], %get3A_1149 {strides = array<i32>} : memref<2x1100xf32, #tpu.memory_space<vmem>>, vector<16xf32>,
      %get3A_1154 = arith.constant 48 : i32
      %get3A_1155 = arith.index_cast %get3A_1154 : i32 to index
      %get3A_1156 = arith.constant 8 : index
      %get3A_1157 = tpu.vector_load %arg10[%get3A_1155, %get3A_1156] {strides = array<i32>} : memref<56x24xf32, #tpu.memory_space<vmem>>, vector<16xf32>,
      %swap3A_1158 = arith.constant 0 : i32
      %swap3A_1159 = arith.index_cast %swap3A_1158 : i32 to index
      %swap3A_1160 = arith.constant 1064 : index
      %swap3A_1161 = tpu.vector_load %arg14[%swap3A_1159, %swap3A_1160] {strides = array<i32>} : memref<2x1100xf32, #tpu.memory_space<vmem>>, vector<16xf32>,
      tpu.vector_store %arg14[%swap3A_1159, %swap3A_1160], %get3A_1157 {strides = array<i32>} : memref<2x1100xf32, #tpu.memory_space<vmem>>, vector<16xf32>,
      %get3A_1162 = arith.constant 49 : i32
      %get3A_1163 = arith.index_cast %get3A_1162 : i32 to index
      %get3A_1164 = arith.constant 0 : index
      %get3A_1165 = tpu.vector_load %arg10[%get3A_1163, %get3A_1164] {strides = array<i32>} : memref<56x24xf32, #tpu.memory_space<vmem>>, vector<16xf32>,
      %swap3A_1166 = arith.constant 0 : i32
      %swap3A_1167 = arith.index_cast %swap3A_1166 : i32 to index
      %swap3A_1168 = arith.constant 1078 : index
      %swap3A_1169 = tpu.vector_load %arg14[%swap3A_1167, %swap3A_1168] {strides = array<i32>} : memref<2x1100xf32, #tpu.memory_space<vmem>>, vector<16xf32>,
      tpu.vector_store %arg14[%swap3A_1167, %swap3A_1168], %get3A_1165 {strides = array<i32>} : memref<2x1100xf32, #tpu.memory_space<vmem>>, vector<16xf32>,
      %get3A_1170 = arith.constant 49 : i32
      %get3A_1171 = arith.index_cast %get3A_1170 : i32 to index
      %get3A_1172 = arith.constant 6 : index
      %get3A_1173 = tpu.vector_load %arg10[%get3A_1171, %get3A_1172] {strides = array<i32>} : memref<56x24xf32, #tpu.memory_space<vmem>>, vector<16xf32>,
      %swap3A_1174 = arith.constant 0 : i32
      %swap3A_1175 = arith.index_cast %swap3A_1174 : i32 to index
      %swap3A_1176 = arith.constant 1084 : index
      %swap3A_1177 = tpu.vector_load %arg14[%swap3A_1175, %swap3A_1176] {strides = array<i32>} : memref<2x1100xf32, #tpu.memory_space<vmem>>, vector<16xf32>,
      tpu.vector_store %arg14[%swap3A_1175, %swap3A_1176], %get3A_1173 {strides = array<i32>} : memref<2x1100xf32, #tpu.memory_space<vmem>>, vector<16xf32>,
      %get3A_1178 = arith.constant 0 : i32
      %get3A_1179 = arith.index_cast %get3A_1178 : i32 to index
      %get3A_1180 = arith.constant 0 : index
      %get3A_1181 = tpu.vector_load %arg11[%get3A_1179, %get3A_1180] {strides = array<i32>} : memref<56x24xf32, #tpu.memory_space<vmem>>, vector<16xf32>,
      %swap3A_1182 = arith.constant 1 : i32
      %swap3A_1183 = arith.index_cast %swap3A_1182 : i32 to index
      %swap3A_1184 = arith.constant 0 : index
      %swap3A_1185 = tpu.vector_load %arg14[%swap3A_1183, %swap3A_1184] {strides = array<i32>} : memref<2x1100xf32, #tpu.memory_space<vmem>>, vector<16xf32>,
      tpu.vector_store %arg14[%swap3A_1183, %swap3A_1184], %get3A_1181 {strides = array<i32>} : memref<2x1100xf32, #tpu.memory_space<vmem>>, vector<16xf32>,
      %get3A_1186 = arith.constant 0 : i32
      %get3A_1187 = arith.index_cast %get3A_1186 : i32 to index
      %get3A_1188 = arith.constant 8 : index
      %get3A_1189 = tpu.vector_load %arg11[%get3A_1187, %get3A_1188] {strides = array<i32>} : memref<56x24xf32, #tpu.memory_space<vmem>>, vector<16xf32>,
      %swap3A_1190 = arith.constant 1 : i32
      %swap3A_1191 = arith.index_cast %swap3A_1190 : i32 to index
      %swap3A_1192 = arith.constant 8 : index
      %swap3A_1193 = tpu.vector_load %arg14[%swap3A_1191, %swap3A_1192] {strides = array<i32>} : memref<2x1100xf32, #tpu.memory_space<vmem>>, vector<16xf32>,
      tpu.vector_store %arg14[%swap3A_1191, %swap3A_1192], %get3A_1189 {strides = array<i32>} : memref<2x1100xf32, #tpu.memory_space<vmem>>, vector<16xf32>,
      %get3A_1194 = arith.constant 1 : i32
      %get3A_1195 = arith.index_cast %get3A_1194 : i32 to index
      %get3A_1196 = arith.constant 0 : index
      %get3A_1197 = tpu.vector_load %arg11[%get3A_1195, %get3A_1196] {strides = array<i32>} : memref<56x24xf32, #tpu.memory_space<vmem>>, vector<16xf32>,
      %swap3A_1198 = arith.constant 1 : i32
      %swap3A_1199 = arith.index_cast %swap3A_1198 : i32 to index
      %swap3A_1200 = arith.constant 22 : index
      %swap3A_1201 = tpu.vector_load %arg14[%swap3A_1199, %swap3A_1200] {strides = array<i32>} : memref<2x1100xf32, #tpu.memory_space<vmem>>, vector<16xf32>,
      tpu.vector_store %arg14[%swap3A_1199, %swap3A_1200], %get3A_1197 {strides = array<i32>} : memref<2x1100xf32, #tpu.memory_space<vmem>>, vector<16xf32>,
      %get3A_1202 = arith.constant 1 : i32
      %get3A_1203 = arith.index_cast %get3A_1202 : i32 to index
      %get3A_1204 = arith.constant 8 : index
      %get3A_1205 = tpu.vector_load %arg11[%get3A_1203, %get3A_1204] {strides = array<i32>} : memref<56x24xf32, #tpu.memory_space<vmem>>, vector<16xf32>,
      %swap3A_1206 = arith.constant 1 : i32
      %swap3A_1207 = arith.index_cast %swap3A_1206 : i32 to index
      %swap3A_1208 = arith.constant 30 : index
      %swap3A_1209 = tpu.vector_load %arg14[%swap3A_1207, %swap3A_1208] {strides = array<i32>} : memref<2x1100xf32, #tpu.memory_space<vmem>>, vector<16xf32>,
      tpu.vector_store %arg14[%swap3A_1207, %swap3A_1208], %get3A_1205 {strides = array<i32>} : memref<2x1100xf32, #tpu.memory_space<vmem>>, vector<16xf32>,
      %get3A_1210 = arith.constant 2 : i32
      %get3A_1211 = arith.index_cast %get3A_1210 : i32 to index
      %get3A_1212 = arith.constant 0 : index
      %get3A_1213 = tpu.vector_load %arg11[%get3A_1211, %get3A_1212] {strides = array<i32>} : memref<56x24xf32, #tpu.memory_space<vmem>>, vector<16xf32>,
      %swap3A_1214 = arith.constant 1 : i32
      %swap3A_1215 = arith.index_cast %swap3A_1214 : i32 to index
      %swap3A_1216 = arith.constant 44 : index
      %swap3A_1217 = tpu.vector_load %arg14[%swap3A_1215, %swap3A_1216] {strides = array<i32>} : memref<2x1100xf32, #tpu.memory_space<vmem>>, vector<16xf32>,
      tpu.vector_store %arg14[%swap3A_1215, %swap3A_1216], %get3A_1213 {strides = array<i32>} : memref<2x1100xf32, #tpu.memory_space<vmem>>, vector<16xf32>,
      %get3A_1218 = arith.constant 2 : i32
      %get3A_1219 = arith.index_cast %get3A_1218 : i32 to index
      %get3A_1220 = arith.constant 8 : index
      %get3A_1221 = tpu.vector_load %arg11[%get3A_1219, %get3A_1220] {strides = array<i32>} : memref<56x24xf32, #tpu.memory_space<vmem>>, vector<16xf32>,
      %swap3A_1222 = arith.constant 1 : i32
      %swap3A_1223 = arith.index_cast %swap3A_1222 : i32 to index
      %swap3A_1224 = arith.constant 52 : index
      %swap3A_1225 = tpu.vector_load %arg14[%swap3A_1223, %swap3A_1224] {strides = array<i32>} : memref<2x1100xf32, #tpu.memory_space<vmem>>, vector<16xf32>,
      tpu.vector_store %arg14[%swap3A_1223, %swap3A_1224], %get3A_1221 {strides = array<i32>} : memref<2x1100xf32, #tpu.memory_space<vmem>>, vector<16xf32>,
      %get3A_1226 = arith.constant 3 : i32
      %get3A_1227 = arith.index_cast %get3A_1226 : i32 to index
      %get3A_1228 = arith.constant 0 : index
      %get3A_1229 = tpu.vector_load %arg11[%get3A_1227, %get3A_1228] {strides = array<i32>} : memref<56x24xf32, #tpu.memory_space<vmem>>, vector<16xf32>,
      %swap3A_1230 = arith.constant 1 : i32
      %swap3A_1231 = arith.index_cast %swap3A_1230 : i32 to index
      %swap3A_1232 = arith.constant 66 : index
      %swap3A_1233 = tpu.vector_load %arg14[%swap3A_1231, %swap3A_1232] {strides = array<i32>} : memref<2x1100xf32, #tpu.memory_space<vmem>>, vector<16xf32>,
      tpu.vector_store %arg14[%swap3A_1231, %swap3A_1232], %get3A_1229 {strides = array<i32>} : memref<2x1100xf32, #tpu.memory_space<vmem>>, vector<16xf32>,
      %get3A_1234 = arith.constant 3 : i32
      %get3A_1235 = arith.index_cast %get3A_1234 : i32 to index
      %get3A_1236 = arith.constant 8 : index
      %get3A_1237 = tpu.vector_load %arg11[%get3A_1235, %get3A_1236] {strides = array<i32>} : memref<56x24xf32, #tpu.memory_space<vmem>>, vector<16xf32>,
      %swap3A_1238 = arith.constant 1 : i32
      %swap3A_1239 = arith.index_cast %swap3A_1238 : i32 to index
      %swap3A_1240 = arith.constant 74 : index
      %swap3A_1241 = tpu.vector_load %arg14[%swap3A_1239, %swap3A_1240] {strides = array<i32>} : memref<2x1100xf32, #tpu.memory_space<vmem>>, vector<16xf32>,
      tpu.vector_store %arg14[%swap3A_1239, %swap3A_1240], %get3A_1237 {strides = array<i32>} : memref<2x1100xf32, #tpu.memory_space<vmem>>, vector<16xf32>,
      %get3A_1242 = arith.constant 4 : i32
      %get3A_1243 = arith.index_cast %get3A_1242 : i32 to index
      %get3A_1244 = arith.constant 0 : index
      %get3A_1245 = tpu.vector_load %arg11[%get3A_1243, %get3A_1244] {strides = array<i32>} : memref<56x24xf32, #tpu.memory_space<vmem>>, vector<16xf32>,
      %swap3A_1246 = arith.constant 1 : i32
      %swap3A_1247 = arith.index_cast %swap3A_1246 : i32 to index
      %swap3A_1248 = arith.constant 88 : index
      %swap3A_1249 = tpu.vector_load %arg14[%swap3A_1247, %swap3A_1248] {strides = array<i32>} : memref<2x1100xf32, #tpu.memory_space<vmem>>, vector<16xf32>,
      tpu.vector_store %arg14[%swap3A_1247, %swap3A_1248], %get3A_1245 {strides = array<i32>} : memref<2x1100xf32, #tpu.memory_space<vmem>>, vector<16xf32>,
      %get3A_1250 = arith.constant 4 : i32
      %get3A_1251 = arith.index_cast %get3A_1250 : i32 to index
      %get3A_1252 = arith.constant 8 : index
      %get3A_1253 = tpu.vector_load %arg11[%get3A_1251, %get3A_1252] {strides = array<i32>} : memref<56x24xf32, #tpu.memory_space<vmem>>, vector<16xf32>,
      %swap3A_1254 = arith.constant 1 : i32
      %swap3A_1255 = arith.index_cast %swap3A_1254 : i32 to index
      %swap3A_1256 = arith.constant 96 : index
      %swap3A_1257 = tpu.vector_load %arg14[%swap3A_1255, %swap3A_1256] {strides = array<i32>} : memref<2x1100xf32, #tpu.memory_space<vmem>>, vector<16xf32>,
      tpu.vector_store %arg14[%swap3A_1255, %swap3A_1256], %get3A_1253 {strides = array<i32>} : memref<2x1100xf32, #tpu.memory_space<vmem>>, vector<16xf32>,
      %get3A_1258 = arith.constant 5 : i32
      %get3A_1259 = arith.index_cast %get3A_1258 : i32 to index
      %get3A_1260 = arith.constant 0 : index
      %get3A_1261 = tpu.vector_load %arg11[%get3A_1259, %get3A_1260] {strides = array<i32>} : memref<56x24xf32, #tpu.memory_space<vmem>>, vector<16xf32>,
      %swap3A_1262 = arith.constant 1 : i32
      %swap3A_1263 = arith.index_cast %swap3A_1262 : i32 to index
      %swap3A_1264 = arith.constant 110 : index
      %swap3A_1265 = tpu.vector_load %arg14[%swap3A_1263, %swap3A_1264] {strides = array<i32>} : memref<2x1100xf32, #tpu.memory_space<vmem>>, vector<16xf32>,
      tpu.vector_store %arg14[%swap3A_1263, %swap3A_1264], %get3A_1261 {strides = array<i32>} : memref<2x1100xf32, #tpu.memory_space<vmem>>, vector<16xf32>,
      %get3A_1266 = arith.constant 5 : i32
      %get3A_1267 = arith.index_cast %get3A_1266 : i32 to index
      %get3A_1268 = arith.constant 8 : index
      %get3A_1269 = tpu.vector_load %arg11[%get3A_1267, %get3A_1268] {strides = array<i32>} : memref<56x24xf32, #tpu.memory_space<vmem>>, vector<16xf32>,
      %swap3A_1270 = arith.constant 1 : i32
      %swap3A_1271 = arith.index_cast %swap3A_1270 : i32 to index
      %swap3A_1272 = arith.constant 118 : index
      %swap3A_1273 = tpu.vector_load %arg14[%swap3A_1271, %swap3A_1272] {strides = array<i32>} : memref<2x1100xf32, #tpu.memory_space<vmem>>, vector<16xf32>,
      tpu.vector_store %arg14[%swap3A_1271, %swap3A_1272], %get3A_1269 {strides = array<i32>} : memref<2x1100xf32, #tpu.memory_space<vmem>>, vector<16xf32>,
      %get3A_1274 = arith.constant 6 : i32
      %get3A_1275 = arith.index_cast %get3A_1274 : i32 to index
      %get3A_1276 = arith.constant 0 : index
      %get3A_1277 = tpu.vector_load %arg11[%get3A_1275, %get3A_1276] {strides = array<i32>} : memref<56x24xf32, #tpu.memory_space<vmem>>, vector<16xf32>,
      %swap3A_1278 = arith.constant 1 : i32
      %swap3A_1279 = arith.index_cast %swap3A_1278 : i32 to index
      %swap3A_1280 = arith.constant 132 : index
      %swap3A_1281 = tpu.vector_load %arg14[%swap3A_1279, %swap3A_1280] {strides = array<i32>} : memref<2x1100xf32, #tpu.memory_space<vmem>>, vector<16xf32>,
      tpu.vector_store %arg14[%swap3A_1279, %swap3A_1280], %get3A_1277 {strides = array<i32>} : memref<2x1100xf32, #tpu.memory_space<vmem>>, vector<16xf32>,
      %get3A_1282 = arith.constant 6 : i32
      %get3A_1283 = arith.index_cast %get3A_1282 : i32 to index
      %get3A_1284 = arith.constant 8 : index
      %get3A_1285 = tpu.vector_load %arg11[%get3A_1283, %get3A_1284] {strides = array<i32>} : memref<56x24xf32, #tpu.memory_space<vmem>>, vector<16xf32>,
      %swap3A_1286 = arith.constant 1 : i32
      %swap3A_1287 = arith.index_cast %swap3A_1286 : i32 to index
      %swap3A_1288 = arith.constant 140 : index
      %swap3A_1289 = tpu.vector_load %arg14[%swap3A_1287, %swap3A_1288] {strides = array<i32>} : memref<2x1100xf32, #tpu.memory_space<vmem>>, vector<16xf32>,
      tpu.vector_store %arg14[%swap3A_1287, %swap3A_1288], %get3A_1285 {strides = array<i32>} : memref<2x1100xf32, #tpu.memory_space<vmem>>, vector<16xf32>,
      %get3A_1290 = arith.constant 7 : i32
      %get3A_1291 = arith.index_cast %get3A_1290 : i32 to index
      %get3A_1292 = arith.constant 0 : index
      %get3A_1293 = tpu.vector_load %arg11[%get3A_1291, %get3A_1292] {strides = array<i32>} : memref<56x24xf32, #tpu.memory_space<vmem>>, vector<16xf32>,
      %swap3A_1294 = arith.constant 1 : i32
      %swap3A_1295 = arith.index_cast %swap3A_1294 : i32 to index
      %swap3A_1296 = arith.constant 154 : index
      %swap3A_1297 = tpu.vector_load %arg14[%swap3A_1295, %swap3A_1296] {strides = array<i32>} : memref<2x1100xf32, #tpu.memory_space<vmem>>, vector<16xf32>,
      tpu.vector_store %arg14[%swap3A_1295, %swap3A_1296], %get3A_1293 {strides = array<i32>} : memref<2x1100xf32, #tpu.memory_space<vmem>>, vector<16xf32>,
      %get3A_1298 = arith.constant 7 : i32
      %get3A_1299 = arith.index_cast %get3A_1298 : i32 to index
      %get3A_1300 = arith.constant 8 : index
      %get3A_1301 = tpu.vector_load %arg11[%get3A_1299, %get3A_1300] {strides = array<i32>} : memref<56x24xf32, #tpu.memory_space<vmem>>, vector<16xf32>,
      %swap3A_1302 = arith.constant 1 : i32
      %swap3A_1303 = arith.index_cast %swap3A_1302 : i32 to index
      %swap3A_1304 = arith.constant 162 : index
      %swap3A_1305 = tpu.vector_load %arg14[%swap3A_1303, %swap3A_1304] {strides = array<i32>} : memref<2x1100xf32, #tpu.memory_space<vmem>>, vector<16xf32>,
      tpu.vector_store %arg14[%swap3A_1303, %swap3A_1304], %get3A_1301 {strides = array<i32>} : memref<2x1100xf32, #tpu.memory_space<vmem>>, vector<16xf32>,
      %get3A_1306 = arith.constant 8 : i32
      %get3A_1307 = arith.index_cast %get3A_1306 : i32 to index
      %get3A_1308 = arith.constant 0 : index
      %get3A_1309 = tpu.vector_load %arg11[%get3A_1307, %get3A_1308] {strides = array<i32>} : memref<56x24xf32, #tpu.memory_space<vmem>>, vector<16xf32>,
      %swap3A_1310 = arith.constant 1 : i32
      %swap3A_1311 = arith.index_cast %swap3A_1310 : i32 to index
      %swap3A_1312 = arith.constant 176 : index
      %swap3A_1313 = tpu.vector_load %arg14[%swap3A_1311, %swap3A_1312] {strides = array<i32>} : memref<2x1100xf32, #tpu.memory_space<vmem>>, vector<16xf32>,
      tpu.vector_store %arg14[%swap3A_1311, %swap3A_1312], %get3A_1309 {strides = array<i32>} : memref<2x1100xf32, #tpu.memory_space<vmem>>, vector<16xf32>,
      %get3A_1314 = arith.constant 8 : i32
      %get3A_1315 = arith.index_cast %get3A_1314 : i32 to index
      %get3A_1316 = arith.constant 8 : index
      %get3A_1317 = tpu.vector_load %arg11[%get3A_1315, %get3A_1316] {strides = array<i32>} : memref<56x24xf32, #tpu.memory_space<vmem>>, vector<16xf32>,
      %swap3A_1318 = arith.constant 1 : i32
      %swap3A_1319 = arith.index_cast %swap3A_1318 : i32 to index
      %swap3A_1320 = arith.constant 184 : index
      %swap3A_1321 = tpu.vector_load %arg14[%swap3A_1319, %swap3A_1320] {strides = array<i32>} : memref<2x1100xf32, #tpu.memory_space<vmem>>, vector<16xf32>,
      tpu.vector_store %arg14[%swap3A_1319, %swap3A_1320], %get3A_1317 {strides = array<i32>} : memref<2x1100xf32, #tpu.memory_space<vmem>>, vector<16xf32>,
      %get3A_1322 = arith.constant 9 : i32
      %get3A_1323 = arith.index_cast %get3A_1322 : i32 to index
      %get3A_1324 = arith.constant 0 : index
      %get3A_1325 = tpu.vector_load %arg11[%get3A_1323, %get3A_1324] {strides = array<i32>} : memref<56x24xf32, #tpu.memory_space<vmem>>, vector<16xf32>,
      %swap3A_1326 = arith.constant 1 : i32
      %swap3A_1327 = arith.index_cast %swap3A_1326 : i32 to index
      %swap3A_1328 = arith.constant 198 : index
      %swap3A_1329 = tpu.vector_load %arg14[%swap3A_1327, %swap3A_1328] {strides = array<i32>} : memref<2x1100xf32, #tpu.memory_space<vmem>>, vector<16xf32>,
      tpu.vector_store %arg14[%swap3A_1327, %swap3A_1328], %get3A_1325 {strides = array<i32>} : memref<2x1100xf32, #tpu.memory_space<vmem>>, vector<16xf32>,
      %get3A_1330 = arith.constant 9 : i32
      %get3A_1331 = arith.index_cast %get3A_1330 : i32 to index
      %get3A_1332 = arith.constant 8 : index
      %get3A_1333 = tpu.vector_load %arg11[%get3A_1331, %get3A_1332] {strides = array<i32>} : memref<56x24xf32, #tpu.memory_space<vmem>>, vector<16xf32>,
      %swap3A_1334 = arith.constant 1 : i32
      %swap3A_1335 = arith.index_cast %swap3A_1334 : i32 to index
      %swap3A_1336 = arith.constant 206 : index
      %swap3A_1337 = tpu.vector_load %arg14[%swap3A_1335, %swap3A_1336] {strides = array<i32>} : memref<2x1100xf32, #tpu.memory_space<vmem>>, vector<16xf32>,
      tpu.vector_store %arg14[%swap3A_1335, %swap3A_1336], %get3A_1333 {strides = array<i32>} : memref<2x1100xf32, #tpu.memory_space<vmem>>, vector<16xf32>,
      %get3A_1338 = arith.constant 10 : i32
      %get3A_1339 = arith.index_cast %get3A_1338 : i32 to index
      %get3A_1340 = arith.constant 0 : index
      %get3A_1341 = tpu.vector_load %arg11[%get3A_1339, %get3A_1340] {strides = array<i32>} : memref<56x24xf32, #tpu.memory_space<vmem>>, vector<16xf32>,
      %swap3A_1342 = arith.constant 1 : i32
      %swap3A_1343 = arith.index_cast %swap3A_1342 : i32 to index
      %swap3A_1344 = arith.constant 220 : index
      %swap3A_1345 = tpu.vector_load %arg14[%swap3A_1343, %swap3A_1344] {strides = array<i32>} : memref<2x1100xf32, #tpu.memory_space<vmem>>, vector<16xf32>,
      tpu.vector_store %arg14[%swap3A_1343, %swap3A_1344], %get3A_1341 {strides = array<i32>} : memref<2x1100xf32, #tpu.memory_space<vmem>>, vector<16xf32>,
      %get3A_1346 = arith.constant 10 : i32
      %get3A_1347 = arith.index_cast %get3A_1346 : i32 to index
      %get3A_1348 = arith.constant 8 : index
      %get3A_1349 = tpu.vector_load %arg11[%get3A_1347, %get3A_1348] {strides = array<i32>} : memref<56x24xf32, #tpu.memory_space<vmem>>, vector<16xf32>,
      %swap3A_1350 = arith.constant 1 : i32
      %swap3A_1351 = arith.index_cast %swap3A_1350 : i32 to index
      %swap3A_1352 = arith.constant 228 : index
      %swap3A_1353 = tpu.vector_load %arg14[%swap3A_1351, %swap3A_1352] {strides = array<i32>} : memref<2x1100xf32, #tpu.memory_space<vmem>>, vector<16xf32>,
      tpu.vector_store %arg14[%swap3A_1351, %swap3A_1352], %get3A_1349 {strides = array<i32>} : memref<2x1100xf32, #tpu.memory_space<vmem>>, vector<16xf32>,
      %get3A_1354 = arith.constant 11 : i32
      %get3A_1355 = arith.index_cast %get3A_1354 : i32 to index
      %get3A_1356 = arith.constant 0 : index
      %get3A_1357 = tpu.vector_load %arg11[%get3A_1355, %get3A_1356] {strides = array<i32>} : memref<56x24xf32, #tpu.memory_space<vmem>>, vector<16xf32>,
      %swap3A_1358 = arith.constant 1 : i32
      %swap3A_1359 = arith.index_cast %swap3A_1358 : i32 to index
      %swap3A_1360 = arith.constant 242 : index
      %swap3A_1361 = tpu.vector_load %arg14[%swap3A_1359, %swap3A_1360] {strides = array<i32>} : memref<2x1100xf32, #tpu.memory_space<vmem>>, vector<16xf32>,
      tpu.vector_store %arg14[%swap3A_1359, %swap3A_1360], %get3A_1357 {strides = array<i32>} : memref<2x1100xf32, #tpu.memory_space<vmem>>, vector<16xf32>,
      %get3A_1362 = arith.constant 11 : i32
      %get3A_1363 = arith.index_cast %get3A_1362 : i32 to index
      %get3A_1364 = arith.constant 8 : index
      %get3A_1365 = tpu.vector_load %arg11[%get3A_1363, %get3A_1364] {strides = array<i32>} : memref<56x24xf32, #tpu.memory_space<vmem>>, vector<16xf32>,
      %swap3A_1366 = arith.constant 1 : i32
      %swap3A_1367 = arith.index_cast %swap3A_1366 : i32 to index
      %swap3A_1368 = arith.constant 250 : index
      %swap3A_1369 = tpu.vector_load %arg14[%swap3A_1367, %swap3A_1368] {strides = array<i32>} : memref<2x1100xf32, #tpu.memory_space<vmem>>, vector<16xf32>,
      tpu.vector_store %arg14[%swap3A_1367, %swap3A_1368], %get3A_1365 {strides = array<i32>} : memref<2x1100xf32, #tpu.memory_space<vmem>>, vector<16xf32>,
      %get3A_1370 = arith.constant 12 : i32
      %get3A_1371 = arith.index_cast %get3A_1370 : i32 to index
      %get3A_1372 = arith.constant 0 : index
      %get3A_1373 = tpu.vector_load %arg11[%get3A_1371, %get3A_1372] {strides = array<i32>} : memref<56x24xf32, #tpu.memory_space<vmem>>, vector<16xf32>,
      %swap3A_1374 = arith.constant 1 : i32
      %swap3A_1375 = arith.index_cast %swap3A_1374 : i32 to index
      %swap3A_1376 = arith.constant 264 : index
      %swap3A_1377 = tpu.vector_load %arg14[%swap3A_1375, %swap3A_1376] {strides = array<i32>} : memref<2x1100xf32, #tpu.memory_space<vmem>>, vector<16xf32>,
      tpu.vector_store %arg14[%swap3A_1375, %swap3A_1376], %get3A_1373 {strides = array<i32>} : memref<2x1100xf32, #tpu.memory_space<vmem>>, vector<16xf32>,
      %get3A_1378 = arith.constant 12 : i32
      %get3A_1379 = arith.index_cast %get3A_1378 : i32 to index
      %get3A_1380 = arith.constant 8 : index
      %get3A_1381 = tpu.vector_load %arg11[%get3A_1379, %get3A_1380] {strides = array<i32>} : memref<56x24xf32, #tpu.memory_space<vmem>>, vector<16xf32>,
      %swap3A_1382 = arith.constant 1 : i32
      %swap3A_1383 = arith.index_cast %swap3A_1382 : i32 to index
      %swap3A_1384 = arith.constant 272 : index
      %swap3A_1385 = tpu.vector_load %arg14[%swap3A_1383, %swap3A_1384] {strides = array<i32>} : memref<2x1100xf32, #tpu.memory_space<vmem>>, vector<16xf32>,
      tpu.vector_store %arg14[%swap3A_1383, %swap3A_1384], %get3A_1381 {strides = array<i32>} : memref<2x1100xf32, #tpu.memory_space<vmem>>, vector<16xf32>,
      %get3A_1386 = arith.constant 13 : i32
      %get3A_1387 = arith.index_cast %get3A_1386 : i32 to index
      %get3A_1388 = arith.constant 0 : index
      %get3A_1389 = tpu.vector_load %arg11[%get3A_1387, %get3A_1388] {strides = array<i32>} : memref<56x24xf32, #tpu.memory_space<vmem>>, vector<16xf32>,
      %swap3A_1390 = arith.constant 1 : i32
      %swap3A_1391 = arith.index_cast %swap3A_1390 : i32 to index
      %swap3A_1392 = arith.constant 286 : index
      %swap3A_1393 = tpu.vector_load %arg14[%swap3A_1391, %swap3A_1392] {strides = array<i32>} : memref<2x1100xf32, #tpu.memory_space<vmem>>, vector<16xf32>,
      tpu.vector_store %arg14[%swap3A_1391, %swap3A_1392], %get3A_1389 {strides = array<i32>} : memref<2x1100xf32, #tpu.memory_space<vmem>>, vector<16xf32>,
      %get3A_1394 = arith.constant 13 : i32
      %get3A_1395 = arith.index_cast %get3A_1394 : i32 to index
      %get3A_1396 = arith.constant 8 : index
      %get3A_1397 = tpu.vector_load %arg11[%get3A_1395, %get3A_1396] {strides = array<i32>} : memref<56x24xf32, #tpu.memory_space<vmem>>, vector<16xf32>,
      %swap3A_1398 = arith.constant 1 : i32
      %swap3A_1399 = arith.index_cast %swap3A_1398 : i32 to index
      %swap3A_1400 = arith.constant 294 : index
      %swap3A_1401 = tpu.vector_load %arg14[%swap3A_1399, %swap3A_1400] {strides = array<i32>} : memref<2x1100xf32, #tpu.memory_space<vmem>>, vector<16xf32>,
      tpu.vector_store %arg14[%swap3A_1399, %swap3A_1400], %get3A_1397 {strides = array<i32>} : memref<2x1100xf32, #tpu.memory_space<vmem>>, vector<16xf32>,
      %get3A_1402 = arith.constant 14 : i32
      %get3A_1403 = arith.index_cast %get3A_1402 : i32 to index
      %get3A_1404 = arith.constant 0 : index
      %get3A_1405 = tpu.vector_load %arg11[%get3A_1403, %get3A_1404] {strides = array<i32>} : memref<56x24xf32, #tpu.memory_space<vmem>>, vector<16xf32>,
      %swap3A_1406 = arith.constant 1 : i32
      %swap3A_1407 = arith.index_cast %swap3A_1406 : i32 to index
      %swap3A_1408 = arith.constant 308 : index
      %swap3A_1409 = tpu.vector_load %arg14[%swap3A_1407, %swap3A_1408] {strides = array<i32>} : memref<2x1100xf32, #tpu.memory_space<vmem>>, vector<16xf32>,
      tpu.vector_store %arg14[%swap3A_1407, %swap3A_1408], %get3A_1405 {strides = array<i32>} : memref<2x1100xf32, #tpu.memory_space<vmem>>, vector<16xf32>,
      %get3A_1410 = arith.constant 14 : i32
      %get3A_1411 = arith.index_cast %get3A_1410 : i32 to index
      %get3A_1412 = arith.constant 8 : index
      %get3A_1413 = tpu.vector_load %arg11[%get3A_1411, %get3A_1412] {strides = array<i32>} : memref<56x24xf32, #tpu.memory_space<vmem>>, vector<16xf32>,
      %swap3A_1414 = arith.constant 1 : i32
      %swap3A_1415 = arith.index_cast %swap3A_1414 : i32 to index
      %swap3A_1416 = arith.constant 316 : index
      %swap3A_1417 = tpu.vector_load %arg14[%swap3A_1415, %swap3A_1416] {strides = array<i32>} : memref<2x1100xf32, #tpu.memory_space<vmem>>, vector<16xf32>,
      tpu.vector_store %arg14[%swap3A_1415, %swap3A_1416], %get3A_1413 {strides = array<i32>} : memref<2x1100xf32, #tpu.memory_space<vmem>>, vector<16xf32>,
      %get3A_1418 = arith.constant 15 : i32
      %get3A_1419 = arith.index_cast %get3A_1418 : i32 to index
      %get3A_1420 = arith.constant 0 : index
      %get3A_1421 = tpu.vector_load %arg11[%get3A_1419, %get3A_1420] {strides = array<i32>} : memref<56x24xf32, #tpu.memory_space<vmem>>, vector<16xf32>,
      %swap3A_1422 = arith.constant 1 : i32
      %swap3A_1423 = arith.index_cast %swap3A_1422 : i32 to index
      %swap3A_1424 = arith.constant 330 : index
      %swap3A_1425 = tpu.vector_load %arg14[%swap3A_1423, %swap3A_1424] {strides = array<i32>} : memref<2x1100xf32, #tpu.memory_space<vmem>>, vector<16xf32>,
      tpu.vector_store %arg14[%swap3A_1423, %swap3A_1424], %get3A_1421 {strides = array<i32>} : memref<2x1100xf32, #tpu.memory_space<vmem>>, vector<16xf32>,
      %get3A_1426 = arith.constant 15 : i32
      %get3A_1427 = arith.index_cast %get3A_1426 : i32 to index
      %get3A_1428 = arith.constant 8 : index
      %get3A_1429 = tpu.vector_load %arg11[%get3A_1427, %get3A_1428] {strides = array<i32>} : memref<56x24xf32, #tpu.memory_space<vmem>>, vector<16xf32>,
      %swap3A_1430 = arith.constant 1 : i32
      %swap3A_1431 = arith.index_cast %swap3A_1430 : i32 to index
      %swap3A_1432 = arith.constant 338 : index
      %swap3A_1433 = tpu.vector_load %arg14[%swap3A_1431, %swap3A_1432] {strides = array<i32>} : memref<2x1100xf32, #tpu.memory_space<vmem>>, vector<16xf32>,
      tpu.vector_store %arg14[%swap3A_1431, %swap3A_1432], %get3A_1429 {strides = array<i32>} : memref<2x1100xf32, #tpu.memory_space<vmem>>, vector<16xf32>,
      %get3A_1434 = arith.constant 16 : i32
      %get3A_1435 = arith.index_cast %get3A_1434 : i32 to index
      %get3A_1436 = arith.constant 0 : index
      %get3A_1437 = tpu.vector_load %arg11[%get3A_1435, %get3A_1436] {strides = array<i32>} : memref<56x24xf32, #tpu.memory_space<vmem>>, vector<16xf32>,
      %swap3A_1438 = arith.constant 1 : i32
      %swap3A_1439 = arith.index_cast %swap3A_1438 : i32 to index
      %swap3A_1440 = arith.constant 352 : index
      %swap3A_1441 = tpu.vector_load %arg14[%swap3A_1439, %swap3A_1440] {strides = array<i32>} : memref<2x1100xf32, #tpu.memory_space<vmem>>, vector<16xf32>,
      tpu.vector_store %arg14[%swap3A_1439, %swap3A_1440], %get3A_1437 {strides = array<i32>} : memref<2x1100xf32, #tpu.memory_space<vmem>>, vector<16xf32>,
      %get3A_1442 = arith.constant 16 : i32
      %get3A_1443 = arith.index_cast %get3A_1442 : i32 to index
      %get3A_1444 = arith.constant 8 : index
      %get3A_1445 = tpu.vector_load %arg11[%get3A_1443, %get3A_1444] {strides = array<i32>} : memref<56x24xf32, #tpu.memory_space<vmem>>, vector<16xf32>,
      %swap3A_1446 = arith.constant 1 : i32
      %swap3A_1447 = arith.index_cast %swap3A_1446 : i32 to index
      %swap3A_1448 = arith.constant 360 : index
      %swap3A_1449 = tpu.vector_load %arg14[%swap3A_1447, %swap3A_1448] {strides = array<i32>} : memref<2x1100xf32, #tpu.memory_space<vmem>>, vector<16xf32>,
      tpu.vector_store %arg14[%swap3A_1447, %swap3A_1448], %get3A_1445 {strides = array<i32>} : memref<2x1100xf32, #tpu.memory_space<vmem>>, vector<16xf32>,
      %get3A_1450 = arith.constant 17 : i32
      %get3A_1451 = arith.index_cast %get3A_1450 : i32 to index
      %get3A_1452 = arith.constant 0 : index
      %get3A_1453 = tpu.vector_load %arg11[%get3A_1451, %get3A_1452] {strides = array<i32>} : memref<56x24xf32, #tpu.memory_space<vmem>>, vector<16xf32>,
      %swap3A_1454 = arith.constant 1 : i32
      %swap3A_1455 = arith.index_cast %swap3A_1454 : i32 to index
      %swap3A_1456 = arith.constant 374 : index
      %swap3A_1457 = tpu.vector_load %arg14[%swap3A_1455, %swap3A_1456] {strides = array<i32>} : memref<2x1100xf32, #tpu.memory_space<vmem>>, vector<16xf32>,
      tpu.vector_store %arg14[%swap3A_1455, %swap3A_1456], %get3A_1453 {strides = array<i32>} : memref<2x1100xf32, #tpu.memory_space<vmem>>, vector<16xf32>,
      %get3A_1458 = arith.constant 17 : i32
      %get3A_1459 = arith.index_cast %get3A_1458 : i32 to index
      %get3A_1460 = arith.constant 8 : index
      %get3A_1461 = tpu.vector_load %arg11[%get3A_1459, %get3A_1460] {strides = array<i32>} : memref<56x24xf32, #tpu.memory_space<vmem>>, vector<16xf32>,
      %swap3A_1462 = arith.constant 1 : i32
      %swap3A_1463 = arith.index_cast %swap3A_1462 : i32 to index
      %swap3A_1464 = arith.constant 382 : index
      %swap3A_1465 = tpu.vector_load %arg14[%swap3A_1463, %swap3A_1464] {strides = array<i32>} : memref<2x1100xf32, #tpu.memory_space<vmem>>, vector<16xf32>,
      tpu.vector_store %arg14[%swap3A_1463, %swap3A_1464], %get3A_1461 {strides = array<i32>} : memref<2x1100xf32, #tpu.memory_space<vmem>>, vector<16xf32>,
      %get3A_1466 = arith.constant 18 : i32
      %get3A_1467 = arith.index_cast %get3A_1466 : i32 to index
      %get3A_1468 = arith.constant 0 : index
      %get3A_1469 = tpu.vector_load %arg11[%get3A_1467, %get3A_1468] {strides = array<i32>} : memref<56x24xf32, #tpu.memory_space<vmem>>, vector<16xf32>,
      %swap3A_1470 = arith.constant 1 : i32
      %swap3A_1471 = arith.index_cast %swap3A_1470 : i32 to index
      %swap3A_1472 = arith.constant 396 : index
      %swap3A_1473 = tpu.vector_load %arg14[%swap3A_1471, %swap3A_1472] {strides = array<i32>} : memref<2x1100xf32, #tpu.memory_space<vmem>>, vector<16xf32>,
      tpu.vector_store %arg14[%swap3A_1471, %swap3A_1472], %get3A_1469 {strides = array<i32>} : memref<2x1100xf32, #tpu.memory_space<vmem>>, vector<16xf32>,
      %get3A_1474 = arith.constant 18 : i32
      %get3A_1475 = arith.index_cast %get3A_1474 : i32 to index
      %get3A_1476 = arith.constant 8 : index
      %get3A_1477 = tpu.vector_load %arg11[%get3A_1475, %get3A_1476] {strides = array<i32>} : memref<56x24xf32, #tpu.memory_space<vmem>>, vector<16xf32>,
      %swap3A_1478 = arith.constant 1 : i32
      %swap3A_1479 = arith.index_cast %swap3A_1478 : i32 to index
      %swap3A_1480 = arith.constant 404 : index
      %swap3A_1481 = tpu.vector_load %arg14[%swap3A_1479, %swap3A_1480] {strides = array<i32>} : memref<2x1100xf32, #tpu.memory_space<vmem>>, vector<16xf32>,
      tpu.vector_store %arg14[%swap3A_1479, %swap3A_1480], %get3A_1477 {strides = array<i32>} : memref<2x1100xf32, #tpu.memory_space<vmem>>, vector<16xf32>,
      %get3A_1482 = arith.constant 19 : i32
      %get3A_1483 = arith.index_cast %get3A_1482 : i32 to index
      %get3A_1484 = arith.constant 0 : index
      %get3A_1485 = tpu.vector_load %arg11[%get3A_1483, %get3A_1484] {strides = array<i32>} : memref<56x24xf32, #tpu.memory_space<vmem>>, vector<16xf32>,
      %swap3A_1486 = arith.constant 1 : i32
      %swap3A_1487 = arith.index_cast %swap3A_1486 : i32 to index
      %swap3A_1488 = arith.constant 418 : index
      %swap3A_1489 = tpu.vector_load %arg14[%swap3A_1487, %swap3A_1488] {strides = array<i32>} : memref<2x1100xf32, #tpu.memory_space<vmem>>, vector<16xf32>,
      tpu.vector_store %arg14[%swap3A_1487, %swap3A_1488], %get3A_1485 {strides = array<i32>} : memref<2x1100xf32, #tpu.memory_space<vmem>>, vector<16xf32>,
      %get3A_1490 = arith.constant 19 : i32
      %get3A_1491 = arith.index_cast %get3A_1490 : i32 to index
      %get3A_1492 = arith.constant 8 : index
      %get3A_1493 = tpu.vector_load %arg11[%get3A_1491, %get3A_1492] {strides = array<i32>} : memref<56x24xf32, #tpu.memory_space<vmem>>, vector<16xf32>,
      %swap3A_1494 = arith.constant 1 : i32
      %swap3A_1495 = arith.index_cast %swap3A_1494 : i32 to index
      %swap3A_1496 = arith.constant 426 : index
      %swap3A_1497 = tpu.vector_load %arg14[%swap3A_1495, %swap3A_1496] {strides = array<i32>} : memref<2x1100xf32, #tpu.memory_space<vmem>>, vector<16xf32>,
      tpu.vector_store %arg14[%swap3A_1495, %swap3A_1496], %get3A_1493 {strides = array<i32>} : memref<2x1100xf32, #tpu.memory_space<vmem>>, vector<16xf32>,
      %get3A_1498 = arith.constant 20 : i32
      %get3A_1499 = arith.index_cast %get3A_1498 : i32 to index
      %get3A_1500 = arith.constant 0 : index
      %get3A_1501 = tpu.vector_load %arg11[%get3A_1499, %get3A_1500] {strides = array<i32>} : memref<56x24xf32, #tpu.memory_space<vmem>>, vector<16xf32>,
      %swap3A_1502 = arith.constant 1 : i32
      %swap3A_1503 = arith.index_cast %swap3A_1502 : i32 to index
      %swap3A_1504 = arith.constant 440 : index
      %swap3A_1505 = tpu.vector_load %arg14[%swap3A_1503, %swap3A_1504] {strides = array<i32>} : memref<2x1100xf32, #tpu.memory_space<vmem>>, vector<16xf32>,
      tpu.vector_store %arg14[%swap3A_1503, %swap3A_1504], %get3A_1501 {strides = array<i32>} : memref<2x1100xf32, #tpu.memory_space<vmem>>, vector<16xf32>,
      %get3A_1506 = arith.constant 20 : i32
      %get3A_1507 = arith.index_cast %get3A_1506 : i32 to index
      %get3A_1508 = arith.constant 8 : index
      %get3A_1509 = tpu.vector_load %arg11[%get3A_1507, %get3A_1508] {strides = array<i32>} : memref<56x24xf32, #tpu.memory_space<vmem>>, vector<16xf32>,
      %swap3A_1510 = arith.constant 1 : i32
      %swap3A_1511 = arith.index_cast %swap3A_1510 : i32 to index
      %swap3A_1512 = arith.constant 448 : index
      %swap3A_1513 = tpu.vector_load %arg14[%swap3A_1511, %swap3A_1512] {strides = array<i32>} : memref<2x1100xf32, #tpu.memory_space<vmem>>, vector<16xf32>,
      tpu.vector_store %arg14[%swap3A_1511, %swap3A_1512], %get3A_1509 {strides = array<i32>} : memref<2x1100xf32, #tpu.memory_space<vmem>>, vector<16xf32>,
      %get3A_1514 = arith.constant 21 : i32
      %get3A_1515 = arith.index_cast %get3A_1514 : i32 to index
      %get3A_1516 = arith.constant 0 : index
      %get3A_1517 = tpu.vector_load %arg11[%get3A_1515, %get3A_1516] {strides = array<i32>} : memref<56x24xf32, #tpu.memory_space<vmem>>, vector<16xf32>,
      %swap3A_1518 = arith.constant 1 : i32
      %swap3A_1519 = arith.index_cast %swap3A_1518 : i32 to index
      %swap3A_1520 = arith.constant 462 : index
      %swap3A_1521 = tpu.vector_load %arg14[%swap3A_1519, %swap3A_1520] {strides = array<i32>} : memref<2x1100xf32, #tpu.memory_space<vmem>>, vector<16xf32>,
      tpu.vector_store %arg14[%swap3A_1519, %swap3A_1520], %get3A_1517 {strides = array<i32>} : memref<2x1100xf32, #tpu.memory_space<vmem>>, vector<16xf32>,
      %get3A_1522 = arith.constant 21 : i32
      %get3A_1523 = arith.index_cast %get3A_1522 : i32 to index
      %get3A_1524 = arith.constant 8 : index
      %get3A_1525 = tpu.vector_load %arg11[%get3A_1523, %get3A_1524] {strides = array<i32>} : memref<56x24xf32, #tpu.memory_space<vmem>>, vector<16xf32>,
      %swap3A_1526 = arith.constant 1 : i32
      %swap3A_1527 = arith.index_cast %swap3A_1526 : i32 to index
      %swap3A_1528 = arith.constant 470 : index
      %swap3A_1529 = tpu.vector_load %arg14[%swap3A_1527, %swap3A_1528] {strides = array<i32>} : memref<2x1100xf32, #tpu.memory_space<vmem>>, vector<16xf32>,
      tpu.vector_store %arg14[%swap3A_1527, %swap3A_1528], %get3A_1525 {strides = array<i32>} : memref<2x1100xf32, #tpu.memory_space<vmem>>, vector<16xf32>,
      %get3A_1530 = arith.constant 22 : i32
      %get3A_1531 = arith.index_cast %get3A_1530 : i32 to index
      %get3A_1532 = arith.constant 0 : index
      %get3A_1533 = tpu.vector_load %arg11[%get3A_1531, %get3A_1532] {strides = array<i32>} : memref<56x24xf32, #tpu.memory_space<vmem>>, vector<16xf32>,
      %swap3A_1534 = arith.constant 1 : i32
      %swap3A_1535 = arith.index_cast %swap3A_1534 : i32 to index
      %swap3A_1536 = arith.constant 484 : index
      %swap3A_1537 = tpu.vector_load %arg14[%swap3A_1535, %swap3A_1536] {strides = array<i32>} : memref<2x1100xf32, #tpu.memory_space<vmem>>, vector<16xf32>,
      tpu.vector_store %arg14[%swap3A_1535, %swap3A_1536], %get3A_1533 {strides = array<i32>} : memref<2x1100xf32, #tpu.memory_space<vmem>>, vector<16xf32>,
      %get3A_1538 = arith.constant 22 : i32
      %get3A_1539 = arith.index_cast %get3A_1538 : i32 to index
      %get3A_1540 = arith.constant 8 : index
      %get3A_1541 = tpu.vector_load %arg11[%get3A_1539, %get3A_1540] {strides = array<i32>} : memref<56x24xf32, #tpu.memory_space<vmem>>, vector<16xf32>,
      %swap3A_1542 = arith.constant 1 : i32
      %swap3A_1543 = arith.index_cast %swap3A_1542 : i32 to index
      %swap3A_1544 = arith.constant 492 : index
      %swap3A_1545 = tpu.vector_load %arg14[%swap3A_1543, %swap3A_1544] {strides = array<i32>} : memref<2x1100xf32, #tpu.memory_space<vmem>>, vector<16xf32>,
      tpu.vector_store %arg14[%swap3A_1543, %swap3A_1544], %get3A_1541 {strides = array<i32>} : memref<2x1100xf32, #tpu.memory_space<vmem>>, vector<16xf32>,
      %get3A_1546 = arith.constant 23 : i32
      %get3A_1547 = arith.index_cast %get3A_1546 : i32 to index
      %get3A_1548 = arith.constant 0 : index
      %get3A_1549 = tpu.vector_load %arg11[%get3A_1547, %get3A_1548] {strides = array<i32>} : memref<56x24xf32, #tpu.memory_space<vmem>>, vector<16xf32>,
      %swap3A_1550 = arith.constant 1 : i32
      %swap3A_1551 = arith.index_cast %swap3A_1550 : i32 to index
      %swap3A_1552 = arith.constant 506 : index
      %swap3A_1553 = tpu.vector_load %arg14[%swap3A_1551, %swap3A_1552] {strides = array<i32>} : memref<2x1100xf32, #tpu.memory_space<vmem>>, vector<16xf32>,
      tpu.vector_store %arg14[%swap3A_1551, %swap3A_1552], %get3A_1549 {strides = array<i32>} : memref<2x1100xf32, #tpu.memory_space<vmem>>, vector<16xf32>,
      %get3A_1554 = arith.constant 23 : i32
      %get3A_1555 = arith.index_cast %get3A_1554 : i32 to index
      %get3A_1556 = arith.constant 8 : index
      %get3A_1557 = tpu.vector_load %arg11[%get3A_1555, %get3A_1556] {strides = array<i32>} : memref<56x24xf32, #tpu.memory_space<vmem>>, vector<16xf32>,
      %swap3A_1558 = arith.constant 1 : i32
      %swap3A_1559 = arith.index_cast %swap3A_1558 : i32 to index
      %swap3A_1560 = arith.constant 514 : index
      %swap3A_1561 = tpu.vector_load %arg14[%swap3A_1559, %swap3A_1560] {strides = array<i32>} : memref<2x1100xf32, #tpu.memory_space<vmem>>, vector<16xf32>,
      tpu.vector_store %arg14[%swap3A_1559, %swap3A_1560], %get3A_1557 {strides = array<i32>} : memref<2x1100xf32, #tpu.memory_space<vmem>>, vector<16xf32>,
      %get3A_1562 = arith.constant 24 : i32
      %get3A_1563 = arith.index_cast %get3A_1562 : i32 to index
      %get3A_1564 = arith.constant 0 : index
      %get3A_1565 = tpu.vector_load %arg11[%get3A_1563, %get3A_1564] {strides = array<i32>} : memref<56x24xf32, #tpu.memory_space<vmem>>, vector<16xf32>,
      %swap3A_1566 = arith.constant 1 : i32
      %swap3A_1567 = arith.index_cast %swap3A_1566 : i32 to index
      %swap3A_1568 = arith.constant 528 : index
      %swap3A_1569 = tpu.vector_load %arg14[%swap3A_1567, %swap3A_1568] {strides = array<i32>} : memref<2x1100xf32, #tpu.memory_space<vmem>>, vector<16xf32>,
      tpu.vector_store %arg14[%swap3A_1567, %swap3A_1568], %get3A_1565 {strides = array<i32>} : memref<2x1100xf32, #tpu.memory_space<vmem>>, vector<16xf32>,
      %get3A_1570 = arith.constant 24 : i32
      %get3A_1571 = arith.index_cast %get3A_1570 : i32 to index
      %get3A_1572 = arith.constant 8 : index
      %get3A_1573 = tpu.vector_load %arg11[%get3A_1571, %get3A_1572] {strides = array<i32>} : memref<56x24xf32, #tpu.memory_space<vmem>>, vector<16xf32>,
      %swap3A_1574 = arith.constant 1 : i32
      %swap3A_1575 = arith.index_cast %swap3A_1574 : i32 to index
      %swap3A_1576 = arith.constant 536 : index
      %swap3A_1577 = tpu.vector_load %arg14[%swap3A_1575, %swap3A_1576] {strides = array<i32>} : memref<2x1100xf32, #tpu.memory_space<vmem>>, vector<16xf32>,
      tpu.vector_store %arg14[%swap3A_1575, %swap3A_1576], %get3A_1573 {strides = array<i32>} : memref<2x1100xf32, #tpu.memory_space<vmem>>, vector<16xf32>,
      %get3A_1578 = arith.constant 25 : i32
      %get3A_1579 = arith.index_cast %get3A_1578 : i32 to index
      %get3A_1580 = arith.constant 0 : index
      %get3A_1581 = tpu.vector_load %arg11[%get3A_1579, %get3A_1580] {strides = array<i32>} : memref<56x24xf32, #tpu.memory_space<vmem>>, vector<16xf32>,
      %swap3A_1582 = arith.constant 1 : i32
      %swap3A_1583 = arith.index_cast %swap3A_1582 : i32 to index
      %swap3A_1584 = arith.constant 550 : index
      %swap3A_1585 = tpu.vector_load %arg14[%swap3A_1583, %swap3A_1584] {strides = array<i32>} : memref<2x1100xf32, #tpu.memory_space<vmem>>, vector<16xf32>,
      tpu.vector_store %arg14[%swap3A_1583, %swap3A_1584], %get3A_1581 {strides = array<i32>} : memref<2x1100xf32, #tpu.memory_space<vmem>>, vector<16xf32>,
      %get3A_1586 = arith.constant 25 : i32
      %get3A_1587 = arith.index_cast %get3A_1586 : i32 to index
      %get3A_1588 = arith.constant 8 : index
      %get3A_1589 = tpu.vector_load %arg11[%get3A_1587, %get3A_1588] {strides = array<i32>} : memref<56x24xf32, #tpu.memory_space<vmem>>, vector<16xf32>,
      %swap3A_1590 = arith.constant 1 : i32
      %swap3A_1591 = arith.index_cast %swap3A_1590 : i32 to index
      %swap3A_1592 = arith.constant 558 : index
      %swap3A_1593 = tpu.vector_load %arg14[%swap3A_1591, %swap3A_1592] {strides = array<i32>} : memref<2x1100xf32, #tpu.memory_space<vmem>>, vector<16xf32>,
      tpu.vector_store %arg14[%swap3A_1591, %swap3A_1592], %get3A_1589 {strides = array<i32>} : memref<2x1100xf32, #tpu.memory_space<vmem>>, vector<16xf32>,
      %get3A_1594 = arith.constant 26 : i32
      %get3A_1595 = arith.index_cast %get3A_1594 : i32 to index
      %get3A_1596 = arith.constant 0 : index
      %get3A_1597 = tpu.vector_load %arg11[%get3A_1595, %get3A_1596] {strides = array<i32>} : memref<56x24xf32, #tpu.memory_space<vmem>>, vector<16xf32>,
      %swap3A_1598 = arith.constant 1 : i32
      %swap3A_1599 = arith.index_cast %swap3A_1598 : i32 to index
      %swap3A_1600 = arith.constant 572 : index
      %swap3A_1601 = tpu.vector_load %arg14[%swap3A_1599, %swap3A_1600] {strides = array<i32>} : memref<2x1100xf32, #tpu.memory_space<vmem>>, vector<16xf32>,
      tpu.vector_store %arg14[%swap3A_1599, %swap3A_1600], %get3A_1597 {strides = array<i32>} : memref<2x1100xf32, #tpu.memory_space<vmem>>, vector<16xf32>,
      %get3A_1602 = arith.constant 26 : i32
      %get3A_1603 = arith.index_cast %get3A_1602 : i32 to index
      %get3A_1604 = arith.constant 8 : index
      %get3A_1605 = tpu.vector_load %arg11[%get3A_1603, %get3A_1604] {strides = array<i32>} : memref<56x24xf32, #tpu.memory_space<vmem>>, vector<16xf32>,
      %swap3A_1606 = arith.constant 1 : i32
      %swap3A_1607 = arith.index_cast %swap3A_1606 : i32 to index
      %swap3A_1608 = arith.constant 580 : index
      %swap3A_1609 = tpu.vector_load %arg14[%swap3A_1607, %swap3A_1608] {strides = array<i32>} : memref<2x1100xf32, #tpu.memory_space<vmem>>, vector<16xf32>,
      tpu.vector_store %arg14[%swap3A_1607, %swap3A_1608], %get3A_1605 {strides = array<i32>} : memref<2x1100xf32, #tpu.memory_space<vmem>>, vector<16xf32>,
      %get3A_1610 = arith.constant 27 : i32
      %get3A_1611 = arith.index_cast %get3A_1610 : i32 to index
      %get3A_1612 = arith.constant 0 : index
      %get3A_1613 = tpu.vector_load %arg11[%get3A_1611, %get3A_1612] {strides = array<i32>} : memref<56x24xf32, #tpu.memory_space<vmem>>, vector<16xf32>,
      %swap3A_1614 = arith.constant 1 : i32
      %swap3A_1615 = arith.index_cast %swap3A_1614 : i32 to index
      %swap3A_1616 = arith.constant 594 : index
      %swap3A_1617 = tpu.vector_load %arg14[%swap3A_1615, %swap3A_1616] {strides = array<i32>} : memref<2x1100xf32, #tpu.memory_space<vmem>>, vector<16xf32>,
      tpu.vector_store %arg14[%swap3A_1615, %swap3A_1616], %get3A_1613 {strides = array<i32>} : memref<2x1100xf32, #tpu.memory_space<vmem>>, vector<16xf32>,
      %get3A_1618 = arith.constant 27 : i32
      %get3A_1619 = arith.index_cast %get3A_1618 : i32 to index
      %get3A_1620 = arith.constant 8 : index
      %get3A_1621 = tpu.vector_load %arg11[%get3A_1619, %get3A_1620] {strides = array<i32>} : memref<56x24xf32, #tpu.memory_space<vmem>>, vector<16xf32>,
      %swap3A_1622 = arith.constant 1 : i32
      %swap3A_1623 = arith.index_cast %swap3A_1622 : i32 to index
      %swap3A_1624 = arith.constant 602 : index
      %swap3A_1625 = tpu.vector_load %arg14[%swap3A_1623, %swap3A_1624] {strides = array<i32>} : memref<2x1100xf32, #tpu.memory_space<vmem>>, vector<16xf32>,
      tpu.vector_store %arg14[%swap3A_1623, %swap3A_1624], %get3A_1621 {strides = array<i32>} : memref<2x1100xf32, #tpu.memory_space<vmem>>, vector<16xf32>,
      %get3A_1626 = arith.constant 28 : i32
      %get3A_1627 = arith.index_cast %get3A_1626 : i32 to index
      %get3A_1628 = arith.constant 0 : index
      %get3A_1629 = tpu.vector_load %arg11[%get3A_1627, %get3A_1628] {strides = array<i32>} : memref<56x24xf32, #tpu.memory_space<vmem>>, vector<16xf32>,
      %swap3A_1630 = arith.constant 1 : i32
      %swap3A_1631 = arith.index_cast %swap3A_1630 : i32 to index
      %swap3A_1632 = arith.constant 616 : index
      %swap3A_1633 = tpu.vector_load %arg14[%swap3A_1631, %swap3A_1632] {strides = array<i32>} : memref<2x1100xf32, #tpu.memory_space<vmem>>, vector<16xf32>,
      tpu.vector_store %arg14[%swap3A_1631, %swap3A_1632], %get3A_1629 {strides = array<i32>} : memref<2x1100xf32, #tpu.memory_space<vmem>>, vector<16xf32>,
      %get3A_1634 = arith.constant 28 : i32
      %get3A_1635 = arith.index_cast %get3A_1634 : i32 to index
      %get3A_1636 = arith.constant 8 : index
      %get3A_1637 = tpu.vector_load %arg11[%get3A_1635, %get3A_1636] {strides = array<i32>} : memref<56x24xf32, #tpu.memory_space<vmem>>, vector<16xf32>,
      %swap3A_1638 = arith.constant 1 : i32
      %swap3A_1639 = arith.index_cast %swap3A_1638 : i32 to index
      %swap3A_1640 = arith.constant 624 : index
      %swap3A_1641 = tpu.vector_load %arg14[%swap3A_1639, %swap3A_1640] {strides = array<i32>} : memref<2x1100xf32, #tpu.memory_space<vmem>>, vector<16xf32>,
      tpu.vector_store %arg14[%swap3A_1639, %swap3A_1640], %get3A_1637 {strides = array<i32>} : memref<2x1100xf32, #tpu.memory_space<vmem>>, vector<16xf32>,
      %get3A_1642 = arith.constant 29 : i32
      %get3A_1643 = arith.index_cast %get3A_1642 : i32 to index
      %get3A_1644 = arith.constant 0 : index
      %get3A_1645 = tpu.vector_load %arg11[%get3A_1643, %get3A_1644] {strides = array<i32>} : memref<56x24xf32, #tpu.memory_space<vmem>>, vector<16xf32>,
      %swap3A_1646 = arith.constant 1 : i32
      %swap3A_1647 = arith.index_cast %swap3A_1646 : i32 to index
      %swap3A_1648 = arith.constant 638 : index
      %swap3A_1649 = tpu.vector_load %arg14[%swap3A_1647, %swap3A_1648] {strides = array<i32>} : memref<2x1100xf32, #tpu.memory_space<vmem>>, vector<16xf32>,
      tpu.vector_store %arg14[%swap3A_1647, %swap3A_1648], %get3A_1645 {strides = array<i32>} : memref<2x1100xf32, #tpu.memory_space<vmem>>, vector<16xf32>,
      %get3A_1650 = arith.constant 29 : i32
      %get3A_1651 = arith.index_cast %get3A_1650 : i32 to index
      %get3A_1652 = arith.constant 8 : index
      %get3A_1653 = tpu.vector_load %arg11[%get3A_1651, %get3A_1652] {strides = array<i32>} : memref<56x24xf32, #tpu.memory_space<vmem>>, vector<16xf32>,
      %swap3A_1654 = arith.constant 1 : i32
      %swap3A_1655 = arith.index_cast %swap3A_1654 : i32 to index
      %swap3A_1656 = arith.constant 646 : index
      %swap3A_1657 = tpu.vector_load %arg14[%swap3A_1655, %swap3A_1656] {strides = array<i32>} : memref<2x1100xf32, #tpu.memory_space<vmem>>, vector<16xf32>,
      tpu.vector_store %arg14[%swap3A_1655, %swap3A_1656], %get3A_1653 {strides = array<i32>} : memref<2x1100xf32, #tpu.memory_space<vmem>>, vector<16xf32>,
      %get3A_1658 = arith.constant 30 : i32
      %get3A_1659 = arith.index_cast %get3A_1658 : i32 to index
      %get3A_1660 = arith.constant 0 : index
      %get3A_1661 = tpu.vector_load %arg11[%get3A_1659, %get3A_1660] {strides = array<i32>} : memref<56x24xf32, #tpu.memory_space<vmem>>, vector<16xf32>,
      %swap3A_1662 = arith.constant 1 : i32
      %swap3A_1663 = arith.index_cast %swap3A_1662 : i32 to index
      %swap3A_1664 = arith.constant 660 : index
      %swap3A_1665 = tpu.vector_load %arg14[%swap3A_1663, %swap3A_1664] {strides = array<i32>} : memref<2x1100xf32, #tpu.memory_space<vmem>>, vector<16xf32>,
      tpu.vector_store %arg14[%swap3A_1663, %swap3A_1664], %get3A_1661 {strides = array<i32>} : memref<2x1100xf32, #tpu.memory_space<vmem>>, vector<16xf32>,
      %get3A_1666 = arith.constant 30 : i32
      %get3A_1667 = arith.index_cast %get3A_1666 : i32 to index
      %get3A_1668 = arith.constant 8 : index
      %get3A_1669 = tpu.vector_load %arg11[%get3A_1667, %get3A_1668] {strides = array<i32>} : memref<56x24xf32, #tpu.memory_space<vmem>>, vector<16xf32>,
      %swap3A_1670 = arith.constant 1 : i32
      %swap3A_1671 = arith.index_cast %swap3A_1670 : i32 to index
      %swap3A_1672 = arith.constant 668 : index
      %swap3A_1673 = tpu.vector_load %arg14[%swap3A_1671, %swap3A_1672] {strides = array<i32>} : memref<2x1100xf32, #tpu.memory_space<vmem>>, vector<16xf32>,
      tpu.vector_store %arg14[%swap3A_1671, %swap3A_1672], %get3A_1669 {strides = array<i32>} : memref<2x1100xf32, #tpu.memory_space<vmem>>, vector<16xf32>,
      %get3A_1674 = arith.constant 31 : i32
      %get3A_1675 = arith.index_cast %get3A_1674 : i32 to index
      %get3A_1676 = arith.constant 0 : index
      %get3A_1677 = tpu.vector_load %arg11[%get3A_1675, %get3A_1676] {strides = array<i32>} : memref<56x24xf32, #tpu.memory_space<vmem>>, vector<16xf32>,
      %swap3A_1678 = arith.constant 1 : i32
      %swap3A_1679 = arith.index_cast %swap3A_1678 : i32 to index
      %swap3A_1680 = arith.constant 682 : index
      %swap3A_1681 = tpu.vector_load %arg14[%swap3A_1679, %swap3A_1680] {strides = array<i32>} : memref<2x1100xf32, #tpu.memory_space<vmem>>, vector<16xf32>,
      tpu.vector_store %arg14[%swap3A_1679, %swap3A_1680], %get3A_1677 {strides = array<i32>} : memref<2x1100xf32, #tpu.memory_space<vmem>>, vector<16xf32>,
      %get3A_1682 = arith.constant 31 : i32
      %get3A_1683 = arith.index_cast %get3A_1682 : i32 to index
      %get3A_1684 = arith.constant 8 : index
      %get3A_1685 = tpu.vector_load %arg11[%get3A_1683, %get3A_1684] {strides = array<i32>} : memref<56x24xf32, #tpu.memory_space<vmem>>, vector<16xf32>,
      %swap3A_1686 = arith.constant 1 : i32
      %swap3A_1687 = arith.index_cast %swap3A_1686 : i32 to index
      %swap3A_1688 = arith.constant 690 : index
      %swap3A_1689 = tpu.vector_load %arg14[%swap3A_1687, %swap3A_1688] {strides = array<i32>} : memref<2x1100xf32, #tpu.memory_space<vmem>>, vector<16xf32>,
      tpu.vector_store %arg14[%swap3A_1687, %swap3A_1688], %get3A_1685 {strides = array<i32>} : memref<2x1100xf32, #tpu.memory_space<vmem>>, vector<16xf32>,
      %get3A_1690 = arith.constant 32 : i32
      %get3A_1691 = arith.index_cast %get3A_1690 : i32 to index
      %get3A_1692 = arith.constant 0 : index
      %get3A_1693 = tpu.vector_load %arg11[%get3A_1691, %get3A_1692] {strides = array<i32>} : memref<56x24xf32, #tpu.memory_space<vmem>>, vector<16xf32>,
      %swap3A_1694 = arith.constant 1 : i32
      %swap3A_1695 = arith.index_cast %swap3A_1694 : i32 to index
      %swap3A_1696 = arith.constant 704 : index
      %swap3A_1697 = tpu.vector_load %arg14[%swap3A_1695, %swap3A_1696] {strides = array<i32>} : memref<2x1100xf32, #tpu.memory_space<vmem>>, vector<16xf32>,
      tpu.vector_store %arg14[%swap3A_1695, %swap3A_1696], %get3A_1693 {strides = array<i32>} : memref<2x1100xf32, #tpu.memory_space<vmem>>, vector<16xf32>,
      %get3A_1698 = arith.constant 32 : i32
      %get3A_1699 = arith.index_cast %get3A_1698 : i32 to index
      %get3A_1700 = arith.constant 8 : index
      %get3A_1701 = tpu.vector_load %arg11[%get3A_1699, %get3A_1700] {strides = array<i32>} : memref<56x24xf32, #tpu.memory_space<vmem>>, vector<16xf32>,
      %swap3A_1702 = arith.constant 1 : i32
      %swap3A_1703 = arith.index_cast %swap3A_1702 : i32 to index
      %swap3A_1704 = arith.constant 712 : index
      %swap3A_1705 = tpu.vector_load %arg14[%swap3A_1703, %swap3A_1704] {strides = array<i32>} : memref<2x1100xf32, #tpu.memory_space<vmem>>, vector<16xf32>,
      tpu.vector_store %arg14[%swap3A_1703, %swap3A_1704], %get3A_1701 {strides = array<i32>} : memref<2x1100xf32, #tpu.memory_space<vmem>>, vector<16xf32>,
      %get3A_1706 = arith.constant 33 : i32
      %get3A_1707 = arith.index_cast %get3A_1706 : i32 to index
      %get3A_1708 = arith.constant 0 : index
      %get3A_1709 = tpu.vector_load %arg11[%get3A_1707, %get3A_1708] {strides = array<i32>} : memref<56x24xf32, #tpu.memory_space<vmem>>, vector<16xf32>,
      %swap3A_1710 = arith.constant 1 : i32
      %swap3A_1711 = arith.index_cast %swap3A_1710 : i32 to index
      %swap3A_1712 = arith.constant 726 : index
      %swap3A_1713 = tpu.vector_load %arg14[%swap3A_1711, %swap3A_1712] {strides = array<i32>} : memref<2x1100xf32, #tpu.memory_space<vmem>>, vector<16xf32>,
      tpu.vector_store %arg14[%swap3A_1711, %swap3A_1712], %get3A_1709 {strides = array<i32>} : memref<2x1100xf32, #tpu.memory_space<vmem>>, vector<16xf32>,
      %get3A_1714 = arith.constant 33 : i32
      %get3A_1715 = arith.index_cast %get3A_1714 : i32 to index
      %get3A_1716 = arith.constant 8 : index
      %get3A_1717 = tpu.vector_load %arg11[%get3A_1715, %get3A_1716] {strides = array<i32>} : memref<56x24xf32, #tpu.memory_space<vmem>>, vector<16xf32>,
      %swap3A_1718 = arith.constant 1 : i32
      %swap3A_1719 = arith.index_cast %swap3A_1718 : i32 to index
      %swap3A_1720 = arith.constant 734 : index
      %swap3A_1721 = tpu.vector_load %arg14[%swap3A_1719, %swap3A_1720] {strides = array<i32>} : memref<2x1100xf32, #tpu.memory_space<vmem>>, vector<16xf32>,
      tpu.vector_store %arg14[%swap3A_1719, %swap3A_1720], %get3A_1717 {strides = array<i32>} : memref<2x1100xf32, #tpu.memory_space<vmem>>, vector<16xf32>,
      %get3A_1722 = arith.constant 34 : i32
      %get3A_1723 = arith.index_cast %get3A_1722 : i32 to index
      %get3A_1724 = arith.constant 0 : index
      %get3A_1725 = tpu.vector_load %arg11[%get3A_1723, %get3A_1724] {strides = array<i32>} : memref<56x24xf32, #tpu.memory_space<vmem>>, vector<16xf32>,
      %swap3A_1726 = arith.constant 1 : i32
      %swap3A_1727 = arith.index_cast %swap3A_1726 : i32 to index
      %swap3A_1728 = arith.constant 748 : index
      %swap3A_1729 = tpu.vector_load %arg14[%swap3A_1727, %swap3A_1728] {strides = array<i32>} : memref<2x1100xf32, #tpu.memory_space<vmem>>, vector<16xf32>,
      tpu.vector_store %arg14[%swap3A_1727, %swap3A_1728], %get3A_1725 {strides = array<i32>} : memref<2x1100xf32, #tpu.memory_space<vmem>>, vector<16xf32>,
      %get3A_1730 = arith.constant 34 : i32
      %get3A_1731 = arith.index_cast %get3A_1730 : i32 to index
      %get3A_1732 = arith.constant 8 : index
      %get3A_1733 = tpu.vector_load %arg11[%get3A_1731, %get3A_1732] {strides = array<i32>} : memref<56x24xf32, #tpu.memory_space<vmem>>, vector<16xf32>,
      %swap3A_1734 = arith.constant 1 : i32
      %swap3A_1735 = arith.index_cast %swap3A_1734 : i32 to index
      %swap3A_1736 = arith.constant 756 : index
      %swap3A_1737 = tpu.vector_load %arg14[%swap3A_1735, %swap3A_1736] {strides = array<i32>} : memref<2x1100xf32, #tpu.memory_space<vmem>>, vector<16xf32>,
      tpu.vector_store %arg14[%swap3A_1735, %swap3A_1736], %get3A_1733 {strides = array<i32>} : memref<2x1100xf32, #tpu.memory_space<vmem>>, vector<16xf32>,
      %get3A_1738 = arith.constant 35 : i32
      %get3A_1739 = arith.index_cast %get3A_1738 : i32 to index
      %get3A_1740 = arith.constant 0 : index
      %get3A_1741 = tpu.vector_load %arg11[%get3A_1739, %get3A_1740] {strides = array<i32>} : memref<56x24xf32, #tpu.memory_space<vmem>>, vector<16xf32>,
      %swap3A_1742 = arith.constant 1 : i32
      %swap3A_1743 = arith.index_cast %swap3A_1742 : i32 to index
      %swap3A_1744 = arith.constant 770 : index
      %swap3A_1745 = tpu.vector_load %arg14[%swap3A_1743, %swap3A_1744] {strides = array<i32>} : memref<2x1100xf32, #tpu.memory_space<vmem>>, vector<16xf32>,
      tpu.vector_store %arg14[%swap3A_1743, %swap3A_1744], %get3A_1741 {strides = array<i32>} : memref<2x1100xf32, #tpu.memory_space<vmem>>, vector<16xf32>,
      %get3A_1746 = arith.constant 35 : i32
      %get3A_1747 = arith.index_cast %get3A_1746 : i32 to index
      %get3A_1748 = arith.constant 8 : index
      %get3A_1749 = tpu.vector_load %arg11[%get3A_1747, %get3A_1748] {strides = array<i32>} : memref<56x24xf32, #tpu.memory_space<vmem>>, vector<16xf32>,
      %swap3A_1750 = arith.constant 1 : i32
      %swap3A_1751 = arith.index_cast %swap3A_1750 : i32 to index
      %swap3A_1752 = arith.constant 778 : index
      %swap3A_1753 = tpu.vector_load %arg14[%swap3A_1751, %swap3A_1752] {strides = array<i32>} : memref<2x1100xf32, #tpu.memory_space<vmem>>, vector<16xf32>,
      tpu.vector_store %arg14[%swap3A_1751, %swap3A_1752], %get3A_1749 {strides = array<i32>} : memref<2x1100xf32, #tpu.memory_space<vmem>>, vector<16xf32>,
      %get3A_1754 = arith.constant 36 : i32
      %get3A_1755 = arith.index_cast %get3A_1754 : i32 to index
      %get3A_1756 = arith.constant 0 : index
      %get3A_1757 = tpu.vector_load %arg11[%get3A_1755, %get3A_1756] {strides = array<i32>} : memref<56x24xf32, #tpu.memory_space<vmem>>, vector<16xf32>,
      %swap3A_1758 = arith.constant 1 : i32
      %swap3A_1759 = arith.index_cast %swap3A_1758 : i32 to index
      %swap3A_1760 = arith.constant 792 : index
      %swap3A_1761 = tpu.vector_load %arg14[%swap3A_1759, %swap3A_1760] {strides = array<i32>} : memref<2x1100xf32, #tpu.memory_space<vmem>>, vector<16xf32>,
      tpu.vector_store %arg14[%swap3A_1759, %swap3A_1760], %get3A_1757 {strides = array<i32>} : memref<2x1100xf32, #tpu.memory_space<vmem>>, vector<16xf32>,
      %get3A_1762 = arith.constant 36 : i32
      %get3A_1763 = arith.index_cast %get3A_1762 : i32 to index
      %get3A_1764 = arith.constant 8 : index
      %get3A_1765 = tpu.vector_load %arg11[%get3A_1763, %get3A_1764] {strides = array<i32>} : memref<56x24xf32, #tpu.memory_space<vmem>>, vector<16xf32>,
      %swap3A_1766 = arith.constant 1 : i32
      %swap3A_1767 = arith.index_cast %swap3A_1766 : i32 to index
      %swap3A_1768 = arith.constant 800 : index
      %swap3A_1769 = tpu.vector_load %arg14[%swap3A_1767, %swap3A_1768] {strides = array<i32>} : memref<2x1100xf32, #tpu.memory_space<vmem>>, vector<16xf32>,
      tpu.vector_store %arg14[%swap3A_1767, %swap3A_1768], %get3A_1765 {strides = array<i32>} : memref<2x1100xf32, #tpu.memory_space<vmem>>, vector<16xf32>,
      %get3A_1770 = arith.constant 37 : i32
      %get3A_1771 = arith.index_cast %get3A_1770 : i32 to index
      %get3A_1772 = arith.constant 0 : index
      %get3A_1773 = tpu.vector_load %arg11[%get3A_1771, %get3A_1772] {strides = array<i32>} : memref<56x24xf32, #tpu.memory_space<vmem>>, vector<16xf32>,
      %swap3A_1774 = arith.constant 1 : i32
      %swap3A_1775 = arith.index_cast %swap3A_1774 : i32 to index
      %swap3A_1776 = arith.constant 814 : index
      %swap3A_1777 = tpu.vector_load %arg14[%swap3A_1775, %swap3A_1776] {strides = array<i32>} : memref<2x1100xf32, #tpu.memory_space<vmem>>, vector<16xf32>,
      tpu.vector_store %arg14[%swap3A_1775, %swap3A_1776], %get3A_1773 {strides = array<i32>} : memref<2x1100xf32, #tpu.memory_space<vmem>>, vector<16xf32>,
      %get3A_1778 = arith.constant 37 : i32
      %get3A_1779 = arith.index_cast %get3A_1778 : i32 to index
      %get3A_1780 = arith.constant 8 : index
      %get3A_1781 = tpu.vector_load %arg11[%get3A_1779, %get3A_1780] {strides = array<i32>} : memref<56x24xf32, #tpu.memory_space<vmem>>, vector<16xf32>,
      %swap3A_1782 = arith.constant 1 : i32
      %swap3A_1783 = arith.index_cast %swap3A_1782 : i32 to index
      %swap3A_1784 = arith.constant 822 : index
      %swap3A_1785 = tpu.vector_load %arg14[%swap3A_1783, %swap3A_1784] {strides = array<i32>} : memref<2x1100xf32, #tpu.memory_space<vmem>>, vector<16xf32>,
      tpu.vector_store %arg14[%swap3A_1783, %swap3A_1784], %get3A_1781 {strides = array<i32>} : memref<2x1100xf32, #tpu.memory_space<vmem>>, vector<16xf32>,
      %get3A_1786 = arith.constant 38 : i32
      %get3A_1787 = arith.index_cast %get3A_1786 : i32 to index
      %get3A_1788 = arith.constant 0 : index
      %get3A_1789 = tpu.vector_load %arg11[%get3A_1787, %get3A_1788] {strides = array<i32>} : memref<56x24xf32, #tpu.memory_space<vmem>>, vector<16xf32>,
      %swap3A_1790 = arith.constant 1 : i32
      %swap3A_1791 = arith.index_cast %swap3A_1790 : i32 to index
      %swap3A_1792 = arith.constant 836 : index
      %swap3A_1793 = tpu.vector_load %arg14[%swap3A_1791, %swap3A_1792] {strides = array<i32>} : memref<2x1100xf32, #tpu.memory_space<vmem>>, vector<16xf32>,
      tpu.vector_store %arg14[%swap3A_1791, %swap3A_1792], %get3A_1789 {strides = array<i32>} : memref<2x1100xf32, #tpu.memory_space<vmem>>, vector<16xf32>,
      %get3A_1794 = arith.constant 38 : i32
      %get3A_1795 = arith.index_cast %get3A_1794 : i32 to index
      %get3A_1796 = arith.constant 8 : index
      %get3A_1797 = tpu.vector_load %arg11[%get3A_1795, %get3A_1796] {strides = array<i32>} : memref<56x24xf32, #tpu.memory_space<vmem>>, vector<16xf32>,
      %swap3A_1798 = arith.constant 1 : i32
      %swap3A_1799 = arith.index_cast %swap3A_1798 : i32 to index
      %swap3A_1800 = arith.constant 844 : index
      %swap3A_1801 = tpu.vector_load %arg14[%swap3A_1799, %swap3A_1800] {strides = array<i32>} : memref<2x1100xf32, #tpu.memory_space<vmem>>, vector<16xf32>,
      tpu.vector_store %arg14[%swap3A_1799, %swap3A_1800], %get3A_1797 {strides = array<i32>} : memref<2x1100xf32, #tpu.memory_space<vmem>>, vector<16xf32>,
      %get3A_1802 = arith.constant 39 : i32
      %get3A_1803 = arith.index_cast %get3A_1802 : i32 to index
      %get3A_1804 = arith.constant 0 : index
      %get3A_1805 = tpu.vector_load %arg11[%get3A_1803, %get3A_1804] {strides = array<i32>} : memref<56x24xf32, #tpu.memory_space<vmem>>, vector<16xf32>,
      %swap3A_1806 = arith.constant 1 : i32
      %swap3A_1807 = arith.index_cast %swap3A_1806 : i32 to index
      %swap3A_1808 = arith.constant 858 : index
      %swap3A_1809 = tpu.vector_load %arg14[%swap3A_1807, %swap3A_1808] {strides = array<i32>} : memref<2x1100xf32, #tpu.memory_space<vmem>>, vector<16xf32>,
      tpu.vector_store %arg14[%swap3A_1807, %swap3A_1808], %get3A_1805 {strides = array<i32>} : memref<2x1100xf32, #tpu.memory_space<vmem>>, vector<16xf32>,
      %get3A_1810 = arith.constant 39 : i32
      %get3A_1811 = arith.index_cast %get3A_1810 : i32 to index
      %get3A_1812 = arith.constant 8 : index
      %get3A_1813 = tpu.vector_load %arg11[%get3A_1811, %get3A_1812] {strides = array<i32>} : memref<56x24xf32, #tpu.memory_space<vmem>>, vector<16xf32>,
      %swap3A_1814 = arith.constant 1 : i32
      %swap3A_1815 = arith.index_cast %swap3A_1814 : i32 to index
      %swap3A_1816 = arith.constant 866 : index
      %swap3A_1817 = tpu.vector_load %arg14[%swap3A_1815, %swap3A_1816] {strides = array<i32>} : memref<2x1100xf32, #tpu.memory_space<vmem>>, vector<16xf32>,
      tpu.vector_store %arg14[%swap3A_1815, %swap3A_1816], %get3A_1813 {strides = array<i32>} : memref<2x1100xf32, #tpu.memory_space<vmem>>, vector<16xf32>,
      %get3A_1818 = arith.constant 40 : i32
      %get3A_1819 = arith.index_cast %get3A_1818 : i32 to index
      %get3A_1820 = arith.constant 0 : index
      %get3A_1821 = tpu.vector_load %arg11[%get3A_1819, %get3A_1820] {strides = array<i32>} : memref<56x24xf32, #tpu.memory_space<vmem>>, vector<16xf32>,
      %swap3A_1822 = arith.constant 1 : i32
      %swap3A_1823 = arith.index_cast %swap3A_1822 : i32 to index
      %swap3A_1824 = arith.constant 880 : index
      %swap3A_1825 = tpu.vector_load %arg14[%swap3A_1823, %swap3A_1824] {strides = array<i32>} : memref<2x1100xf32, #tpu.memory_space<vmem>>, vector<16xf32>,
      tpu.vector_store %arg14[%swap3A_1823, %swap3A_1824], %get3A_1821 {strides = array<i32>} : memref<2x1100xf32, #tpu.memory_space<vmem>>, vector<16xf32>,
      %get3A_1826 = arith.constant 40 : i32
      %get3A_1827 = arith.index_cast %get3A_1826 : i32 to index
      %get3A_1828 = arith.constant 8 : index
      %get3A_1829 = tpu.vector_load %arg11[%get3A_1827, %get3A_1828] {strides = array<i32>} : memref<56x24xf32, #tpu.memory_space<vmem>>, vector<16xf32>,
      %swap3A_1830 = arith.constant 1 : i32
      %swap3A_1831 = arith.index_cast %swap3A_1830 : i32 to index
      %swap3A_1832 = arith.constant 888 : index
      %swap3A_1833 = tpu.vector_load %arg14[%swap3A_1831, %swap3A_1832] {strides = array<i32>} : memref<2x1100xf32, #tpu.memory_space<vmem>>, vector<16xf32>,
      tpu.vector_store %arg14[%swap3A_1831, %swap3A_1832], %get3A_1829 {strides = array<i32>} : memref<2x1100xf32, #tpu.memory_space<vmem>>, vector<16xf32>,
      %get3A_1834 = arith.constant 41 : i32
      %get3A_1835 = arith.index_cast %get3A_1834 : i32 to index
      %get3A_1836 = arith.constant 0 : index
      %get3A_1837 = tpu.vector_load %arg11[%get3A_1835, %get3A_1836] {strides = array<i32>} : memref<56x24xf32, #tpu.memory_space<vmem>>, vector<16xf32>,
      %swap3A_1838 = arith.constant 1 : i32
      %swap3A_1839 = arith.index_cast %swap3A_1838 : i32 to index
      %swap3A_1840 = arith.constant 902 : index
      %swap3A_1841 = tpu.vector_load %arg14[%swap3A_1839, %swap3A_1840] {strides = array<i32>} : memref<2x1100xf32, #tpu.memory_space<vmem>>, vector<16xf32>,
      tpu.vector_store %arg14[%swap3A_1839, %swap3A_1840], %get3A_1837 {strides = array<i32>} : memref<2x1100xf32, #tpu.memory_space<vmem>>, vector<16xf32>,
      %get3A_1842 = arith.constant 41 : i32
      %get3A_1843 = arith.index_cast %get3A_1842 : i32 to index
      %get3A_1844 = arith.constant 8 : index
      %get3A_1845 = tpu.vector_load %arg11[%get3A_1843, %get3A_1844] {strides = array<i32>} : memref<56x24xf32, #tpu.memory_space<vmem>>, vector<16xf32>,
      %swap3A_1846 = arith.constant 1 : i32
      %swap3A_1847 = arith.index_cast %swap3A_1846 : i32 to index
      %swap3A_1848 = arith.constant 910 : index
      %swap3A_1849 = tpu.vector_load %arg14[%swap3A_1847, %swap3A_1848] {strides = array<i32>} : memref<2x1100xf32, #tpu.memory_space<vmem>>, vector<16xf32>,
      tpu.vector_store %arg14[%swap3A_1847, %swap3A_1848], %get3A_1845 {strides = array<i32>} : memref<2x1100xf32, #tpu.memory_space<vmem>>, vector<16xf32>,
      %get3A_1850 = arith.constant 42 : i32
      %get3A_1851 = arith.index_cast %get3A_1850 : i32 to index
      %get3A_1852 = arith.constant 0 : index
      %get3A_1853 = tpu.vector_load %arg11[%get3A_1851, %get3A_1852] {strides = array<i32>} : memref<56x24xf32, #tpu.memory_space<vmem>>, vector<16xf32>,
      %swap3A_1854 = arith.constant 1 : i32
      %swap3A_1855 = arith.index_cast %swap3A_1854 : i32 to index
      %swap3A_1856 = arith.constant 924 : index
      %swap3A_1857 = tpu.vector_load %arg14[%swap3A_1855, %swap3A_1856] {strides = array<i32>} : memref<2x1100xf32, #tpu.memory_space<vmem>>, vector<16xf32>,
      tpu.vector_store %arg14[%swap3A_1855, %swap3A_1856], %get3A_1853 {strides = array<i32>} : memref<2x1100xf32, #tpu.memory_space<vmem>>, vector<16xf32>,
      %get3A_1858 = arith.constant 42 : i32
      %get3A_1859 = arith.index_cast %get3A_1858 : i32 to index
      %get3A_1860 = arith.constant 8 : index
      %get3A_1861 = tpu.vector_load %arg11[%get3A_1859, %get3A_1860] {strides = array<i32>} : memref<56x24xf32, #tpu.memory_space<vmem>>, vector<16xf32>,
      %swap3A_1862 = arith.constant 1 : i32
      %swap3A_1863 = arith.index_cast %swap3A_1862 : i32 to index
      %swap3A_1864 = arith.constant 932 : index
      %swap3A_1865 = tpu.vector_load %arg14[%swap3A_1863, %swap3A_1864] {strides = array<i32>} : memref<2x1100xf32, #tpu.memory_space<vmem>>, vector<16xf32>,
      tpu.vector_store %arg14[%swap3A_1863, %swap3A_1864], %get3A_1861 {strides = array<i32>} : memref<2x1100xf32, #tpu.memory_space<vmem>>, vector<16xf32>,
      %get3A_1866 = arith.constant 43 : i32
      %get3A_1867 = arith.index_cast %get3A_1866 : i32 to index
      %get3A_1868 = arith.constant 0 : index
      %get3A_1869 = tpu.vector_load %arg11[%get3A_1867, %get3A_1868] {strides = array<i32>} : memref<56x24xf32, #tpu.memory_space<vmem>>, vector<16xf32>,
      %swap3A_1870 = arith.constant 1 : i32
      %swap3A_1871 = arith.index_cast %swap3A_1870 : i32 to index
      %swap3A_1872 = arith.constant 946 : index
      %swap3A_1873 = tpu.vector_load %arg14[%swap3A_1871, %swap3A_1872] {strides = array<i32>} : memref<2x1100xf32, #tpu.memory_space<vmem>>, vector<16xf32>,
      tpu.vector_store %arg14[%swap3A_1871, %swap3A_1872], %get3A_1869 {strides = array<i32>} : memref<2x1100xf32, #tpu.memory_space<vmem>>, vector<16xf32>,
      %get3A_1874 = arith.constant 43 : i32
      %get3A_1875 = arith.index_cast %get3A_1874 : i32 to index
      %get3A_1876 = arith.constant 8 : index
      %get3A_1877 = tpu.vector_load %arg11[%get3A_1875, %get3A_1876] {strides = array<i32>} : memref<56x24xf32, #tpu.memory_space<vmem>>, vector<16xf32>,
      %swap3A_1878 = arith.constant 1 : i32
      %swap3A_1879 = arith.index_cast %swap3A_1878 : i32 to index
      %swap3A_1880 = arith.constant 954 : index
      %swap3A_1881 = tpu.vector_load %arg14[%swap3A_1879, %swap3A_1880] {strides = array<i32>} : memref<2x1100xf32, #tpu.memory_space<vmem>>, vector<16xf32>,
      tpu.vector_store %arg14[%swap3A_1879, %swap3A_1880], %get3A_1877 {strides = array<i32>} : memref<2x1100xf32, #tpu.memory_space<vmem>>, vector<16xf32>,
      %get3A_1882 = arith.constant 44 : i32
      %get3A_1883 = arith.index_cast %get3A_1882 : i32 to index
      %get3A_1884 = arith.constant 0 : index
      %get3A_1885 = tpu.vector_load %arg11[%get3A_1883, %get3A_1884] {strides = array<i32>} : memref<56x24xf32, #tpu.memory_space<vmem>>, vector<16xf32>,
      %swap3A_1886 = arith.constant 1 : i32
      %swap3A_1887 = arith.index_cast %swap3A_1886 : i32 to index
      %swap3A_1888 = arith.constant 968 : index
      %swap3A_1889 = tpu.vector_load %arg14[%swap3A_1887, %swap3A_1888] {strides = array<i32>} : memref<2x1100xf32, #tpu.memory_space<vmem>>, vector<16xf32>,
      tpu.vector_store %arg14[%swap3A_1887, %swap3A_1888], %get3A_1885 {strides = array<i32>} : memref<2x1100xf32, #tpu.memory_space<vmem>>, vector<16xf32>,
      %get3A_1890 = arith.constant 44 : i32
      %get3A_1891 = arith.index_cast %get3A_1890 : i32 to index
      %get3A_1892 = arith.constant 8 : index
      %get3A_1893 = tpu.vector_load %arg11[%get3A_1891, %get3A_1892] {strides = array<i32>} : memref<56x24xf32, #tpu.memory_space<vmem>>, vector<16xf32>,
      %swap3A_1894 = arith.constant 1 : i32
      %swap3A_1895 = arith.index_cast %swap3A_1894 : i32 to index
      %swap3A_1896 = arith.constant 976 : index
      %swap3A_1897 = tpu.vector_load %arg14[%swap3A_1895, %swap3A_1896] {strides = array<i32>} : memref<2x1100xf32, #tpu.memory_space<vmem>>, vector<16xf32>,
      tpu.vector_store %arg14[%swap3A_1895, %swap3A_1896], %get3A_1893 {strides = array<i32>} : memref<2x1100xf32, #tpu.memory_space<vmem>>, vector<16xf32>,
      %get3A_1898 = arith.constant 45 : i32
      %get3A_1899 = arith.index_cast %get3A_1898 : i32 to index
      %get3A_1900 = arith.constant 0 : index
      %get3A_1901 = tpu.vector_load %arg11[%get3A_1899, %get3A_1900] {strides = array<i32>} : memref<56x24xf32, #tpu.memory_space<vmem>>, vector<16xf32>,
      %swap3A_1902 = arith.constant 1 : i32
      %swap3A_1903 = arith.index_cast %swap3A_1902 : i32 to index
      %swap3A_1904 = arith.constant 990 : index
      %swap3A_1905 = tpu.vector_load %arg14[%swap3A_1903, %swap3A_1904] {strides = array<i32>} : memref<2x1100xf32, #tpu.memory_space<vmem>>, vector<16xf32>,
      tpu.vector_store %arg14[%swap3A_1903, %swap3A_1904], %get3A_1901 {strides = array<i32>} : memref<2x1100xf32, #tpu.memory_space<vmem>>, vector<16xf32>,
      %get3A_1906 = arith.constant 45 : i32
      %get3A_1907 = arith.index_cast %get3A_1906 : i32 to index
      %get3A_1908 = arith.constant 8 : index
      %get3A_1909 = tpu.vector_load %arg11[%get3A_1907, %get3A_1908] {strides = array<i32>} : memref<56x24xf32, #tpu.memory_space<vmem>>, vector<16xf32>,
      %swap3A_1910 = arith.constant 1 : i32
      %swap3A_1911 = arith.index_cast %swap3A_1910 : i32 to index
      %swap3A_1912 = arith.constant 998 : index
      %swap3A_1913 = tpu.vector_load %arg14[%swap3A_1911, %swap3A_1912] {strides = array<i32>} : memref<2x1100xf32, #tpu.memory_space<vmem>>, vector<16xf32>,
      tpu.vector_store %arg14[%swap3A_1911, %swap3A_1912], %get3A_1909 {strides = array<i32>} : memref<2x1100xf32, #tpu.memory_space<vmem>>, vector<16xf32>,
      %get3A_1914 = arith.constant 46 : i32
      %get3A_1915 = arith.index_cast %get3A_1914 : i32 to index
      %get3A_1916 = arith.constant 0 : index
      %get3A_1917 = tpu.vector_load %arg11[%get3A_1915, %get3A_1916] {strides = array<i32>} : memref<56x24xf32, #tpu.memory_space<vmem>>, vector<16xf32>,
      %swap3A_1918 = arith.constant 1 : i32
      %swap3A_1919 = arith.index_cast %swap3A_1918 : i32 to index
      %swap3A_1920 = arith.constant 1012 : index
      %swap3A_1921 = tpu.vector_load %arg14[%swap3A_1919, %swap3A_1920] {strides = array<i32>} : memref<2x1100xf32, #tpu.memory_space<vmem>>, vector<16xf32>,
      tpu.vector_store %arg14[%swap3A_1919, %swap3A_1920], %get3A_1917 {strides = array<i32>} : memref<2x1100xf32, #tpu.memory_space<vmem>>, vector<16xf32>,
      %get3A_1922 = arith.constant 46 : i32
      %get3A_1923 = arith.index_cast %get3A_1922 : i32 to index
      %get3A_1924 = arith.constant 8 : index
      %get3A_1925 = tpu.vector_load %arg11[%get3A_1923, %get3A_1924] {strides = array<i32>} : memref<56x24xf32, #tpu.memory_space<vmem>>, vector<16xf32>,
      %swap3A_1926 = arith.constant 1 : i32
      %swap3A_1927 = arith.index_cast %swap3A_1926 : i32 to index
      %swap3A_1928 = arith.constant 1020 : index
      %swap3A_1929 = tpu.vector_load %arg14[%swap3A_1927, %swap3A_1928] {strides = array<i32>} : memref<2x1100xf32, #tpu.memory_space<vmem>>, vector<16xf32>,
      tpu.vector_store %arg14[%swap3A_1927, %swap3A_1928], %get3A_1925 {strides = array<i32>} : memref<2x1100xf32, #tpu.memory_space<vmem>>, vector<16xf32>,
      %get3A_1930 = arith.constant 47 : i32
      %get3A_1931 = arith.index_cast %get3A_1930 : i32 to index
      %get3A_1932 = arith.constant 0 : index
      %get3A_1933 = tpu.vector_load %arg11[%get3A_1931, %get3A_1932] {strides = array<i32>} : memref<56x24xf32, #tpu.memory_space<vmem>>, vector<16xf32>,
      %swap3A_1934 = arith.constant 1 : i32
      %swap3A_1935 = arith.index_cast %swap3A_1934 : i32 to index
      %swap3A_1936 = arith.constant 1034 : index
      %swap3A_1937 = tpu.vector_load %arg14[%swap3A_1935, %swap3A_1936] {strides = array<i32>} : memref<2x1100xf32, #tpu.memory_space<vmem>>, vector<16xf32>,
      tpu.vector_store %arg14[%swap3A_1935, %swap3A_1936], %get3A_1933 {strides = array<i32>} : memref<2x1100xf32, #tpu.memory_space<vmem>>, vector<16xf32>,
      %get3A_1938 = arith.constant 47 : i32
      %get3A_1939 = arith.index_cast %get3A_1938 : i32 to index
      %get3A_1940 = arith.constant 8 : index
      %get3A_1941 = tpu.vector_load %arg11[%get3A_1939, %get3A_1940] {strides = array<i32>} : memref<56x24xf32, #tpu.memory_space<vmem>>, vector<16xf32>,
      %swap3A_1942 = arith.constant 1 : i32
      %swap3A_1943 = arith.index_cast %swap3A_1942 : i32 to index
      %swap3A_1944 = arith.constant 1042 : index
      %swap3A_1945 = tpu.vector_load %arg14[%swap3A_1943, %swap3A_1944] {strides = array<i32>} : memref<2x1100xf32, #tpu.memory_space<vmem>>, vector<16xf32>,
      tpu.vector_store %arg14[%swap3A_1943, %swap3A_1944], %get3A_1941 {strides = array<i32>} : memref<2x1100xf32, #tpu.memory_space<vmem>>, vector<16xf32>,
      %get3A_1946 = arith.constant 48 : i32
      %get3A_1947 = arith.index_cast %get3A_1946 : i32 to index
      %get3A_1948 = arith.constant 0 : index
      %get3A_1949 = tpu.vector_load %arg11[%get3A_1947, %get3A_1948] {strides = array<i32>} : memref<56x24xf32, #tpu.memory_space<vmem>>, vector<16xf32>,
      %swap3A_1950 = arith.constant 1 : i32
      %swap3A_1951 = arith.index_cast %swap3A_1950 : i32 to index
      %swap3A_1952 = arith.constant 1056 : index
      %swap3A_1953 = tpu.vector_load %arg14[%swap3A_1951, %swap3A_1952] {strides = array<i32>} : memref<2x1100xf32, #tpu.memory_space<vmem>>, vector<16xf32>,
      tpu.vector_store %arg14[%swap3A_1951, %swap3A_1952], %get3A_1949 {strides = array<i32>} : memref<2x1100xf32, #tpu.memory_space<vmem>>, vector<16xf32>,
      %get3A_1954 = arith.constant 48 : i32
      %get3A_1955 = arith.index_cast %get3A_1954 : i32 to index
      %get3A_1956 = arith.constant 8 : index
      %get3A_1957 = tpu.vector_load %arg11[%get3A_1955, %get3A_1956] {strides = array<i32>} : memref<56x24xf32, #tpu.memory_space<vmem>>, vector<16xf32>,
      %swap3A_1958 = arith.constant 1 : i32
      %swap3A_1959 = arith.index_cast %swap3A_1958 : i32 to index
      %swap3A_1960 = arith.constant 1064 : index
      %swap3A_1961 = tpu.vector_load %arg14[%swap3A_1959, %swap3A_1960] {strides = array<i32>} : memref<2x1100xf32, #tpu.memory_space<vmem>>, vector<16xf32>,
      tpu.vector_store %arg14[%swap3A_1959, %swap3A_1960], %get3A_1957 {strides = array<i32>} : memref<2x1100xf32, #tpu.memory_space<vmem>>, vector<16xf32>,
      %get3A_1962 = arith.constant 49 : i32
      %get3A_1963 = arith.index_cast %get3A_1962 : i32 to index
      %get3A_1964 = arith.constant 0 : index
      %get3A_1965 = tpu.vector_load %arg11[%get3A_1963, %get3A_1964] {strides = array<i32>} : memref<56x24xf32, #tpu.memory_space<vmem>>, vector<16xf32>,
      %swap3A_1966 = arith.constant 1 : i32
      %swap3A_1967 = arith.index_cast %swap3A_1966 : i32 to index
      %swap3A_1968 = arith.constant 1078 : index
      %swap3A_1969 = tpu.vector_load %arg14[%swap3A_1967, %swap3A_1968] {strides = array<i32>} : memref<2x1100xf32, #tpu.memory_space<vmem>>, vector<16xf32>,
      tpu.vector_store %arg14[%swap3A_1967, %swap3A_1968], %get3A_1965 {strides = array<i32>} : memref<2x1100xf32, #tpu.memory_space<vmem>>, vector<16xf32>,
      %get3A_1970 = arith.constant 49 : i32
      %get3A_1971 = arith.index_cast %get3A_1970 : i32 to index
      %get3A_1972 = arith.constant 6 : index
      %get3A_1973 = tpu.vector_load %arg11[%get3A_1971, %get3A_1972] {strides = array<i32>} : memref<56x24xf32, #tpu.memory_space<vmem>>, vector<16xf32>,
      %swap3A_1974 = arith.constant 1 : i32
      %swap3A_1975 = arith.index_cast %swap3A_1974 : i32 to index
      %swap3A_1976 = arith.constant 1084 : index
      %swap3A_1977 = tpu.vector_load %arg14[%swap3A_1975, %swap3A_1976] {strides = array<i32>} : memref<2x1100xf32, #tpu.memory_space<vmem>>, vector<16xf32>,
      tpu.vector_store %arg14[%swap3A_1975, %swap3A_1976], %get3A_1973 {strides = array<i32>} : memref<2x1100xf32, #tpu.memory_space<vmem>>, vector<16xf32>,
      %mul3A_1978 = arith.constant 4 : i32
      %mul3A_1979 = arith.muli %scan3A_147, %mul3A_1978 : i32
      %add3A_1980 = arith.addi %mul3A_2, %mul3A_1979 : i32
      %add3A_1981 = arith.constant 0 : i32
      %add3A_1982 = arith.addi %add3A_1980, %add3A_1981 : i32
      %dma_start3A_1983 = arith.constant 0 : i32
      %dma_start3A_1984 = arith.constant 0 : i32
      %dma_start3A_1985 = tpu.memref_slice %arg14[%dma_start3A_1983, %dma_start3A_1984] : memref<2x1100xf32, #tpu.memory_space<vmem>> -> memref<1x1100xf32, #tpu.memory_space<vmem>>
      %dma_start3A_1986 = tpu.memref_squeeze %dma_start3A_1985 : memref<1x1100xf32, #tpu.memory_space<vmem>> -> memref<1100xf32, #tpu.memory_space<vmem>>
      %dma_start3A_1987 = arith.constant 0 : i32
      %dma_start3A_1988 = tpu.memref_slice %arg4[%add3A_1982, %dma_start3A_1987] : memref<16384x1100xf32, #tpu.memory_space<hbm>> -> memref<1x1100xf32, #tpu.memory_space<hbm>>
      %dma_start3A_1989 = tpu.memref_squeeze %dma_start3A_1988 : memref<1x1100xf32, #tpu.memory_space<hbm>> -> memref<1100xf32, #tpu.memory_space<hbm>>
      %dma_start3A_1990 = arith.constant 0 : i32
      %dma_start3A_1991 = tpu.memref_slice %arg4[%add3A_1982, %dma_start3A_1990] : memref<16384x1100xf32, #tpu.memory_space<hbm>> -> memref<1x1100xf32, #tpu.memory_space<hbm>>
      %dma_start3A_1992 = tpu.memref_squeeze %dma_start3A_1991 : memref<1x1100xf32, #tpu.memory_space<hbm>> -> memref<1100xf32, #tpu.memory_space<hbm>>
      %dma_start3A_1993 = arith.constant 0 : i32
      %dma_start3A_1994 = tpu.memref_slice %arg14[%dma_start3A_1983, %dma_start3A_1993] : memref<2x1100xf32, #tpu.memory_space<vmem>> -> memref<1x1100xf32, #tpu.memory_space<vmem>>
      %dma_start3A_1995 = tpu.memref_squeeze %dma_start3A_1994 : memref<1x1100xf32, #tpu.memory_space<vmem>> -> memref<1100xf32, #tpu.memory_space<vmem>>
      tpu.enqueue_dma source(%dma_start3A_1995 : memref<1100xf32, #tpu.memory_space<vmem>>) target(%dma_start3A_1992 : memref<1100xf32, #tpu.memory_space<hbm>>) target_semaphore(%arg18 : memref<!tpu.dma_semaphore, #tpu.memory_space<semaphore_mem>>)
      %add3A_1996 = arith.constant 1 : i32
      %add3A_1997 = arith.addi %add3A_1982, %add3A_1996 : i32
      %dma_start3A_1998 = arith.constant 1 : i32
      %dma_start3A_1999 = arith.constant 0 : i32
      %dma_start3A_2000 = tpu.memref_slice %arg14[%dma_start3A_1998, %dma_start3A_1999] : memref<2x1100xf32, #tpu.memory_space<vmem>> -> memref<1x1100xf32, #tpu.memory_space<vmem>>
      %dma_start3A_2001 = tpu.memref_squeeze %dma_start3A_2000 : memref<1x1100xf32, #tpu.memory_space<vmem>> -> memref<1100xf32, #tpu.memory_space<vmem>>
      %dma_start3A_2002 = arith.constant 0 : i32
      %dma_start3A_2003 = tpu.memref_slice %arg4[%add3A_1997, %dma_start3A_2002] : memref<16384x1100xf32, #tpu.memory_space<hbm>> -> memref<1x1100xf32, #tpu.memory_space<hbm>>
      %dma_start3A_2004 = tpu.memref_squeeze %dma_start3A_2003 : memref<1x1100xf32, #tpu.memory_space<hbm>> -> memref<1100xf32, #tpu.memory_space<hbm>>
      %dma_start3A_2005 = arith.constant 0 : i32
      %dma_start3A_2006 = tpu.memref_slice %arg4[%add3A_1997, %dma_start3A_2005] : memref<16384x1100xf32, #tpu.memory_space<hbm>> -> memref<1x1100xf32, #tpu.memory_space<hbm>>
      %dma_start3A_2007 = tpu.memref_squeeze %dma_start3A_2006 : memref<1x1100xf32, #tpu.memory_space<hbm>> -> memref<1100xf32, #tpu.memory_space<hbm>>
      %dma_start3A_2008 = arith.constant 0 : i32
      %dma_start3A_2009 = tpu.memref_slice %arg14[%dma_start3A_1998, %dma_start3A_2008] : memref<2x1100xf32, #tpu.memory_space<vmem>> -> memref<1x1100xf32, #tpu.memory_space<vmem>>
      %dma_start3A_2010 = tpu.memref_squeeze %dma_start3A_2009 : memref<1x1100xf32, #tpu.memory_space<vmem>> -> memref<1100xf32, #tpu.memory_space<vmem>>
      tpu.enqueue_dma source(%dma_start3A_2010 : memref<1100xf32, #tpu.memory_space<vmem>>) target(%dma_start3A_2007 : memref<1100xf32, #tpu.memory_space<hbm>>) target_semaphore(%arg18 : memref<!tpu.dma_semaphore, #tpu.memory_space<semaphore_mem>>)
      %dma_wait3A_2011 = arith.constant 0 : i32
      %dma_wait3A_2012 = tpu.memref_slice %arg8[%dma_wait3A_2011] : memref<64xi32, #tpu.memory_space<vmem>> -> memref<56xi32, #tpu.memory_space<vmem>>
      %dma_wait3A_2013 = arith.constant 0 : i32
      %dma_wait3A_2014 = arith.constant 0 : i32
      %dma_wait3A_2015 = tpu.memref_slice %arg16[%dma_wait3A_2013, %dma_wait3A_2014] : memref<20000x24xf32, #tpu.memory_space<vmem_shared>> -> memref<20000x24xf32, #tpu.memory_space<vmem_shared>>
      tpu.wait_indirect_dma semaphore(%arg17 : memref<!tpu.dma_semaphore, #tpu.memory_space<semaphore_mem>>) src(%dma_wait3A_2015 : memref<20000x24xf32, #tpu.memory_space<vmem_shared>>) dst(%arg12 : memref<56x24xf32, #tpu.memory_space<vmem>>)
      %dma_wait3A_2016 = arith.constant 0 : i32
      %dma_wait3A_2017 = tpu.memref_slice %arg9[%dma_wait3A_2016] : memref<64xi32, #tpu.memory_space<vmem>> -> memref<56xi32, #tpu.memory_space<vmem>>
      %dma_wait3A_2018 = arith.constant 0 : i32
      %dma_wait3A_2019 = arith.constant 0 : i32
      %dma_wait3A_2020 = tpu.memref_slice %arg16[%dma_wait3A_2018, %dma_wait3A_2019] : memref<20000x24xf32, #tpu.memory_space<vmem_shared>> -> memref<20000x24xf32, #tpu.memory_space<vmem_shared>>
      tpu.wait_indirect_dma semaphore(%arg17 : memref<!tpu.dma_semaphore, #tpu.memory_space<semaphore_mem>>) src(%dma_wait3A_2020 : memref<20000x24xf32, #tpu.memory_space<vmem_shared>>) dst(%arg13 : memref<56x24xf32, #tpu.memory_space<vmem>>)
      %get3A_2021 = arith.constant 0 : i32
      %get3A_2022 = arith.index_cast %get3A_2021 : i32 to index
      %get3A_2023 = arith.constant 0 : index
      %get3A_2024 = tpu.vector_load %arg12[%get3A_2022, %get3A_2023] {strides = array<i32>} : memref<56x24xf32, #tpu.memory_space<vmem>>, vector<16xf32>,
      %swap3A_2025 = arith.constant 0 : i32
      %swap3A_2026 = arith.index_cast %swap3A_2025 : i32 to index
      %swap3A_2027 = arith.constant 0 : index
      %swap3A_2028 = tpu.vector_load %arg15[%swap3A_2026, %swap3A_2027] {strides = array<i32>} : memref<2x1100xf32, #tpu.memory_space<vmem>>, vector<16xf32>,
      tpu.vector_store %arg15[%swap3A_2026, %swap3A_2027], %get3A_2024 {strides = array<i32>} : memref<2x1100xf32, #tpu.memory_space<vmem>>, vector<16xf32>,
      %get3A_2029 = arith.constant 0 : i32
      %get3A_2030 = arith.index_cast %get3A_2029 : i32 to index
      %get3A_2031 = arith.constant 8 : index
      %get3A_2032 = tpu.vector_load %arg12[%get3A_2030, %get3A_2031] {strides = array<i32>} : memref<56x24xf32, #tpu.memory_space<vmem>>, vector<16xf32>,
      %swap3A_2033 = arith.constant 0 : i32
      %swap3A_2034 = arith.index_cast %swap3A_2033 : i32 to index
      %swap3A_2035 = arith.constant 8 : index
      %swap3A_2036 = tpu.vector_load %arg15[%swap3A_2034, %swap3A_2035] {strides = array<i32>} : memref<2x1100xf32, #tpu.memory_space<vmem>>, vector<16xf32>,
      tpu.vector_store %arg15[%swap3A_2034, %swap3A_2035], %get3A_2032 {strides = array<i32>} : memref<2x1100xf32, #tpu.memory_space<vmem>>, vector<16xf32>,
      %get3A_2037 = arith.constant 1 : i32
      %get3A_2038 = arith.index_cast %get3A_2037 : i32 to index
      %get3A_2039 = arith.constant 0 : index
      %get3A_2040 = tpu.vector_load %arg12[%get3A_2038, %get3A_2039] {strides = array<i32>} : memref<56x24xf32, #tpu.memory_space<vmem>>, vector<16xf32>,
      %swap3A_2041 = arith.constant 0 : i32
      %swap3A_2042 = arith.index_cast %swap3A_2041 : i32 to index
      %swap3A_2043 = arith.constant 22 : index
      %swap3A_2044 = tpu.vector_load %arg15[%swap3A_2042, %swap3A_2043] {strides = array<i32>} : memref<2x1100xf32, #tpu.memory_space<vmem>>, vector<16xf32>,
      tpu.vector_store %arg15[%swap3A_2042, %swap3A_2043], %get3A_2040 {strides = array<i32>} : memref<2x1100xf32, #tpu.memory_space<vmem>>, vector<16xf32>,
      %get3A_2045 = arith.constant 1 : i32
      %get3A_2046 = arith.index_cast %get3A_2045 : i32 to index
      %get3A_2047 = arith.constant 8 : index
      %get3A_2048 = tpu.vector_load %arg12[%get3A_2046, %get3A_2047] {strides = array<i32>} : memref<56x24xf32, #tpu.memory_space<vmem>>, vector<16xf32>,
      %swap3A_2049 = arith.constant 0 : i32
      %swap3A_2050 = arith.index_cast %swap3A_2049 : i32 to index
      %swap3A_2051 = arith.constant 30 : index
      %swap3A_2052 = tpu.vector_load %arg15[%swap3A_2050, %swap3A_2051] {strides = array<i32>} : memref<2x1100xf32, #tpu.memory_space<vmem>>, vector<16xf32>,
      tpu.vector_store %arg15[%swap3A_2050, %swap3A_2051], %get3A_2048 {strides = array<i32>} : memref<2x1100xf32, #tpu.memory_space<vmem>>, vector<16xf32>,
      %get3A_2053 = arith.constant 2 : i32
      %get3A_2054 = arith.index_cast %get3A_2053 : i32 to index
      %get3A_2055 = arith.constant 0 : index
      %get3A_2056 = tpu.vector_load %arg12[%get3A_2054, %get3A_2055] {strides = array<i32>} : memref<56x24xf32, #tpu.memory_space<vmem>>, vector<16xf32>,
      %swap3A_2057 = arith.constant 0 : i32
      %swap3A_2058 = arith.index_cast %swap3A_2057 : i32 to index
      %swap3A_2059 = arith.constant 44 : index
      %swap3A_2060 = tpu.vector_load %arg15[%swap3A_2058, %swap3A_2059] {strides = array<i32>} : memref<2x1100xf32, #tpu.memory_space<vmem>>, vector<16xf32>,
      tpu.vector_store %arg15[%swap3A_2058, %swap3A_2059], %get3A_2056 {strides = array<i32>} : memref<2x1100xf32, #tpu.memory_space<vmem>>, vector<16xf32>,
      %get3A_2061 = arith.constant 2 : i32
      %get3A_2062 = arith.index_cast %get3A_2061 : i32 to index
      %get3A_2063 = arith.constant 8 : index
      %get3A_2064 = tpu.vector_load %arg12[%get3A_2062, %get3A_2063] {strides = array<i32>} : memref<56x24xf32, #tpu.memory_space<vmem>>, vector<16xf32>,
      %swap3A_2065 = arith.constant 0 : i32
      %swap3A_2066 = arith.index_cast %swap3A_2065 : i32 to index
      %swap3A_2067 = arith.constant 52 : index
      %swap3A_2068 = tpu.vector_load %arg15[%swap3A_2066, %swap3A_2067] {strides = array<i32>} : memref<2x1100xf32, #tpu.memory_space<vmem>>, vector<16xf32>,
      tpu.vector_store %arg15[%swap3A_2066, %swap3A_2067], %get3A_2064 {strides = array<i32>} : memref<2x1100xf32, #tpu.memory_space<vmem>>, vector<16xf32>,
      %get3A_2069 = arith.constant 3 : i32
      %get3A_2070 = arith.index_cast %get3A_2069 : i32 to index
      %get3A_2071 = arith.constant 0 : index
      %get3A_2072 = tpu.vector_load %arg12[%get3A_2070, %get3A_2071] {strides = array<i32>} : memref<56x24xf32, #tpu.memory_space<vmem>>, vector<16xf32>,
      %swap3A_2073 = arith.constant 0 : i32
      %swap3A_2074 = arith.index_cast %swap3A_2073 : i32 to index
      %swap3A_2075 = arith.constant 66 : index
      %swap3A_2076 = tpu.vector_load %arg15[%swap3A_2074, %swap3A_2075] {strides = array<i32>} : memref<2x1100xf32, #tpu.memory_space<vmem>>, vector<16xf32>,
      tpu.vector_store %arg15[%swap3A_2074, %swap3A_2075], %get3A_2072 {strides = array<i32>} : memref<2x1100xf32, #tpu.memory_space<vmem>>, vector<16xf32>,
      %get3A_2077 = arith.constant 3 : i32
      %get3A_2078 = arith.index_cast %get3A_2077 : i32 to index
      %get3A_2079 = arith.constant 8 : index
      %get3A_2080 = tpu.vector_load %arg12[%get3A_2078, %get3A_2079] {strides = array<i32>} : memref<56x24xf32, #tpu.memory_space<vmem>>, vector<16xf32>,
      %swap3A_2081 = arith.constant 0 : i32
      %swap3A_2082 = arith.index_cast %swap3A_2081 : i32 to index
      %swap3A_2083 = arith.constant 74 : index
      %swap3A_2084 = tpu.vector_load %arg15[%swap3A_2082, %swap3A_2083] {strides = array<i32>} : memref<2x1100xf32, #tpu.memory_space<vmem>>, vector<16xf32>,
      tpu.vector_store %arg15[%swap3A_2082, %swap3A_2083], %get3A_2080 {strides = array<i32>} : memref<2x1100xf32, #tpu.memory_space<vmem>>, vector<16xf32>,
      %get3A_2085 = arith.constant 4 : i32
      %get3A_2086 = arith.index_cast %get3A_2085 : i32 to index
      %get3A_2087 = arith.constant 0 : index
      %get3A_2088 = tpu.vector_load %arg12[%get3A_2086, %get3A_2087] {strides = array<i32>} : memref<56x24xf32, #tpu.memory_space<vmem>>, vector<16xf32>,
      %swap3A_2089 = arith.constant 0 : i32
      %swap3A_2090 = arith.index_cast %swap3A_2089 : i32 to index
      %swap3A_2091 = arith.constant 88 : index
      %swap3A_2092 = tpu.vector_load %arg15[%swap3A_2090, %swap3A_2091] {strides = array<i32>} : memref<2x1100xf32, #tpu.memory_space<vmem>>, vector<16xf32>,
      tpu.vector_store %arg15[%swap3A_2090, %swap3A_2091], %get3A_2088 {strides = array<i32>} : memref<2x1100xf32, #tpu.memory_space<vmem>>, vector<16xf32>,
      %get3A_2093 = arith.constant 4 : i32
      %get3A_2094 = arith.index_cast %get3A_2093 : i32 to index
      %get3A_2095 = arith.constant 8 : index
      %get3A_2096 = tpu.vector_load %arg12[%get3A_2094, %get3A_2095] {strides = array<i32>} : memref<56x24xf32, #tpu.memory_space<vmem>>, vector<16xf32>,
      %swap3A_2097 = arith.constant 0 : i32
      %swap3A_2098 = arith.index_cast %swap3A_2097 : i32 to index
      %swap3A_2099 = arith.constant 96 : index
      %swap3A_2100 = tpu.vector_load %arg15[%swap3A_2098, %swap3A_2099] {strides = array<i32>} : memref<2x1100xf32, #tpu.memory_space<vmem>>, vector<16xf32>,
      tpu.vector_store %arg15[%swap3A_2098, %swap3A_2099], %get3A_2096 {strides = array<i32>} : memref<2x1100xf32, #tpu.memory_space<vmem>>, vector<16xf32>,
      %get3A_2101 = arith.constant 5 : i32
      %get3A_2102 = arith.index_cast %get3A_2101 : i32 to index
      %get3A_2103 = arith.constant 0 : index
      %get3A_2104 = tpu.vector_load %arg12[%get3A_2102, %get3A_2103] {strides = array<i32>} : memref<56x24xf32, #tpu.memory_space<vmem>>, vector<16xf32>,
      %swap3A_2105 = arith.constant 0 : i32
      %swap3A_2106 = arith.index_cast %swap3A_2105 : i32 to index
      %swap3A_2107 = arith.constant 110 : index
      %swap3A_2108 = tpu.vector_load %arg15[%swap3A_2106, %swap3A_2107] {strides = array<i32>} : memref<2x1100xf32, #tpu.memory_space<vmem>>, vector<16xf32>,
      tpu.vector_store %arg15[%swap3A_2106, %swap3A_2107], %get3A_2104 {strides = array<i32>} : memref<2x1100xf32, #tpu.memory_space<vmem>>, vector<16xf32>,
      %get3A_2109 = arith.constant 5 : i32
      %get3A_2110 = arith.index_cast %get3A_2109 : i32 to index
      %get3A_2111 = arith.constant 8 : index
      %get3A_2112 = tpu.vector_load %arg12[%get3A_2110, %get3A_2111] {strides = array<i32>} : memref<56x24xf32, #tpu.memory_space<vmem>>, vector<16xf32>,
      %swap3A_2113 = arith.constant 0 : i32
      %swap3A_2114 = arith.index_cast %swap3A_2113 : i32 to index
      %swap3A_2115 = arith.constant 118 : index
      %swap3A_2116 = tpu.vector_load %arg15[%swap3A_2114, %swap3A_2115] {strides = array<i32>} : memref<2x1100xf32, #tpu.memory_space<vmem>>, vector<16xf32>,
      tpu.vector_store %arg15[%swap3A_2114, %swap3A_2115], %get3A_2112 {strides = array<i32>} : memref<2x1100xf32, #tpu.memory_space<vmem>>, vector<16xf32>,
      %get3A_2117 = arith.constant 6 : i32
      %get3A_2118 = arith.index_cast %get3A_2117 : i32 to index
      %get3A_2119 = arith.constant 0 : index
      %get3A_2120 = tpu.vector_load %arg12[%get3A_2118, %get3A_2119] {strides = array<i32>} : memref<56x24xf32, #tpu.memory_space<vmem>>, vector<16xf32>,
      %swap3A_2121 = arith.constant 0 : i32
      %swap3A_2122 = arith.index_cast %swap3A_2121 : i32 to index
      %swap3A_2123 = arith.constant 132 : index
      %swap3A_2124 = tpu.vector_load %arg15[%swap3A_2122, %swap3A_2123] {strides = array<i32>} : memref<2x1100xf32, #tpu.memory_space<vmem>>, vector<16xf32>,
      tpu.vector_store %arg15[%swap3A_2122, %swap3A_2123], %get3A_2120 {strides = array<i32>} : memref<2x1100xf32, #tpu.memory_space<vmem>>, vector<16xf32>,
      %get3A_2125 = arith.constant 6 : i32
      %get3A_2126 = arith.index_cast %get3A_2125 : i32 to index
      %get3A_2127 = arith.constant 8 : index
      %get3A_2128 = tpu.vector_load %arg12[%get3A_2126, %get3A_2127] {strides = array<i32>} : memref<56x24xf32, #tpu.memory_space<vmem>>, vector<16xf32>,
      %swap3A_2129 = arith.constant 0 : i32
      %swap3A_2130 = arith.index_cast %swap3A_2129 : i32 to index
      %swap3A_2131 = arith.constant 140 : index
      %swap3A_2132 = tpu.vector_load %arg15[%swap3A_2130, %swap3A_2131] {strides = array<i32>} : memref<2x1100xf32, #tpu.memory_space<vmem>>, vector<16xf32>,
      tpu.vector_store %arg15[%swap3A_2130, %swap3A_2131], %get3A_2128 {strides = array<i32>} : memref<2x1100xf32, #tpu.memory_space<vmem>>, vector<16xf32>,
      %get3A_2133 = arith.constant 7 : i32
      %get3A_2134 = arith.index_cast %get3A_2133 : i32 to index
      %get3A_2135 = arith.constant 0 : index
      %get3A_2136 = tpu.vector_load %arg12[%get3A_2134, %get3A_2135] {strides = array<i32>} : memref<56x24xf32, #tpu.memory_space<vmem>>, vector<16xf32>,
      %swap3A_2137 = arith.constant 0 : i32
      %swap3A_2138 = arith.index_cast %swap3A_2137 : i32 to index
      %swap3A_2139 = arith.constant 154 : index
      %swap3A_2140 = tpu.vector_load %arg15[%swap3A_2138, %swap3A_2139] {strides = array<i32>} : memref<2x1100xf32, #tpu.memory_space<vmem>>, vector<16xf32>,
      tpu.vector_store %arg15[%swap3A_2138, %swap3A_2139], %get3A_2136 {strides = array<i32>} : memref<2x1100xf32, #tpu.memory_space<vmem>>, vector<16xf32>,
      %get3A_2141 = arith.constant 7 : i32
      %get3A_2142 = arith.index_cast %get3A_2141 : i32 to index
      %get3A_2143 = arith.constant 8 : index
      %get3A_2144 = tpu.vector_load %arg12[%get3A_2142, %get3A_2143] {strides = array<i32>} : memref<56x24xf32, #tpu.memory_space<vmem>>, vector<16xf32>,
      %swap3A_2145 = arith.constant 0 : i32
      %swap3A_2146 = arith.index_cast %swap3A_2145 : i32 to index
      %swap3A_2147 = arith.constant 162 : index
      %swap3A_2148 = tpu.vector_load %arg15[%swap3A_2146, %swap3A_2147] {strides = array<i32>} : memref<2x1100xf32, #tpu.memory_space<vmem>>, vector<16xf32>,
      tpu.vector_store %arg15[%swap3A_2146, %swap3A_2147], %get3A_2144 {strides = array<i32>} : memref<2x1100xf32, #tpu.memory_space<vmem>>, vector<16xf32>,
      %get3A_2149 = arith.constant 8 : i32
      %get3A_2150 = arith.index_cast %get3A_2149 : i32 to index
      %get3A_2151 = arith.constant 0 : index
      %get3A_2152 = tpu.vector_load %arg12[%get3A_2150, %get3A_2151] {strides = array<i32>} : memref<56x24xf32, #tpu.memory_space<vmem>>, vector<16xf32>,
      %swap3A_2153 = arith.constant 0 : i32
      %swap3A_2154 = arith.index_cast %swap3A_2153 : i32 to index
      %swap3A_2155 = arith.constant 176 : index
      %swap3A_2156 = tpu.vector_load %arg15[%swap3A_2154, %swap3A_2155] {strides = array<i32>} : memref<2x1100xf32, #tpu.memory_space<vmem>>, vector<16xf32>,
      tpu.vector_store %arg15[%swap3A_2154, %swap3A_2155], %get3A_2152 {strides = array<i32>} : memref<2x1100xf32, #tpu.memory_space<vmem>>, vector<16xf32>,
      %get3A_2157 = arith.constant 8 : i32
      %get3A_2158 = arith.index_cast %get3A_2157 : i32 to index
      %get3A_2159 = arith.constant 8 : index
      %get3A_2160 = tpu.vector_load %arg12[%get3A_2158, %get3A_2159] {strides = array<i32>} : memref<56x24xf32, #tpu.memory_space<vmem>>, vector<16xf32>,
      %swap3A_2161 = arith.constant 0 : i32
      %swap3A_2162 = arith.index_cast %swap3A_2161 : i32 to index
      %swap3A_2163 = arith.constant 184 : index
      %swap3A_2164 = tpu.vector_load %arg15[%swap3A_2162, %swap3A_2163] {strides = array<i32>} : memref<2x1100xf32, #tpu.memory_space<vmem>>, vector<16xf32>,
      tpu.vector_store %arg15[%swap3A_2162, %swap3A_2163], %get3A_2160 {strides = array<i32>} : memref<2x1100xf32, #tpu.memory_space<vmem>>, vector<16xf32>,
      %get3A_2165 = arith.constant 9 : i32
      %get3A_2166 = arith.index_cast %get3A_2165 : i32 to index
      %get3A_2167 = arith.constant 0 : index
      %get3A_2168 = tpu.vector_load %arg12[%get3A_2166, %get3A_2167] {strides = array<i32>} : memref<56x24xf32, #tpu.memory_space<vmem>>, vector<16xf32>,
      %swap3A_2169 = arith.constant 0 : i32
      %swap3A_2170 = arith.index_cast %swap3A_2169 : i32 to index
      %swap3A_2171 = arith.constant 198 : index
      %swap3A_2172 = tpu.vector_load %arg15[%swap3A_2170, %swap3A_2171] {strides = array<i32>} : memref<2x1100xf32, #tpu.memory_space<vmem>>, vector<16xf32>,
      tpu.vector_store %arg15[%swap3A_2170, %swap3A_2171], %get3A_2168 {strides = array<i32>} : memref<2x1100xf32, #tpu.memory_space<vmem>>, vector<16xf32>,
      %get3A_2173 = arith.constant 9 : i32
      %get3A_2174 = arith.index_cast %get3A_2173 : i32 to index
      %get3A_2175 = arith.constant 8 : index
      %get3A_2176 = tpu.vector_load %arg12[%get3A_2174, %get3A_2175] {strides = array<i32>} : memref<56x24xf32, #tpu.memory_space<vmem>>, vector<16xf32>,
      %swap3A_2177 = arith.constant 0 : i32
      %swap3A_2178 = arith.index_cast %swap3A_2177 : i32 to index
      %swap3A_2179 = arith.constant 206 : index
      %swap3A_2180 = tpu.vector_load %arg15[%swap3A_2178, %swap3A_2179] {strides = array<i32>} : memref<2x1100xf32, #tpu.memory_space<vmem>>, vector<16xf32>,
      tpu.vector_store %arg15[%swap3A_2178, %swap3A_2179], %get3A_2176 {strides = array<i32>} : memref<2x1100xf32, #tpu.memory_space<vmem>>, vector<16xf32>,
      %get3A_2181 = arith.constant 10 : i32
      %get3A_2182 = arith.index_cast %get3A_2181 : i32 to index
      %get3A_2183 = arith.constant 0 : index
      %get3A_2184 = tpu.vector_load %arg12[%get3A_2182, %get3A_2183] {strides = array<i32>} : memref<56x24xf32, #tpu.memory_space<vmem>>, vector<16xf32>,
      %swap3A_2185 = arith.constant 0 : i32
      %swap3A_2186 = arith.index_cast %swap3A_2185 : i32 to index
      %swap3A_2187 = arith.constant 220 : index
      %swap3A_2188 = tpu.vector_load %arg15[%swap3A_2186, %swap3A_2187] {strides = array<i32>} : memref<2x1100xf32, #tpu.memory_space<vmem>>, vector<16xf32>,
      tpu.vector_store %arg15[%swap3A_2186, %swap3A_2187], %get3A_2184 {strides = array<i32>} : memref<2x1100xf32, #tpu.memory_space<vmem>>, vector<16xf32>,
      %get3A_2189 = arith.constant 10 : i32
      %get3A_2190 = arith.index_cast %get3A_2189 : i32 to index
      %get3A_2191 = arith.constant 8 : index
      %get3A_2192 = tpu.vector_load %arg12[%get3A_2190, %get3A_2191] {strides = array<i32>} : memref<56x24xf32, #tpu.memory_space<vmem>>, vector<16xf32>,
      %swap3A_2193 = arith.constant 0 : i32
      %swap3A_2194 = arith.index_cast %swap3A_2193 : i32 to index
      %swap3A_2195 = arith.constant 228 : index
      %swap3A_2196 = tpu.vector_load %arg15[%swap3A_2194, %swap3A_2195] {strides = array<i32>} : memref<2x1100xf32, #tpu.memory_space<vmem>>, vector<16xf32>,
      tpu.vector_store %arg15[%swap3A_2194, %swap3A_2195], %get3A_2192 {strides = array<i32>} : memref<2x1100xf32, #tpu.memory_space<vmem>>, vector<16xf32>,
      %get3A_2197 = arith.constant 11 : i32
      %get3A_2198 = arith.index_cast %get3A_2197 : i32 to index
      %get3A_2199 = arith.constant 0 : index
      %get3A_2200 = tpu.vector_load %arg12[%get3A_2198, %get3A_2199] {strides = array<i32>} : memref<56x24xf32, #tpu.memory_space<vmem>>, vector<16xf32>,
      %swap3A_2201 = arith.constant 0 : i32
      %swap3A_2202 = arith.index_cast %swap3A_2201 : i32 to index
      %swap3A_2203 = arith.constant 242 : index
      %swap3A_2204 = tpu.vector_load %arg15[%swap3A_2202, %swap3A_2203] {strides = array<i32>} : memref<2x1100xf32, #tpu.memory_space<vmem>>, vector<16xf32>,
      tpu.vector_store %arg15[%swap3A_2202, %swap3A_2203], %get3A_2200 {strides = array<i32>} : memref<2x1100xf32, #tpu.memory_space<vmem>>, vector<16xf32>,
      %get3A_2205 = arith.constant 11 : i32
      %get3A_2206 = arith.index_cast %get3A_2205 : i32 to index
      %get3A_2207 = arith.constant 8 : index
      %get3A_2208 = tpu.vector_load %arg12[%get3A_2206, %get3A_2207] {strides = array<i32>} : memref<56x24xf32, #tpu.memory_space<vmem>>, vector<16xf32>,
      %swap3A_2209 = arith.constant 0 : i32
      %swap3A_2210 = arith.index_cast %swap3A_2209 : i32 to index
      %swap3A_2211 = arith.constant 250 : index
      %swap3A_2212 = tpu.vector_load %arg15[%swap3A_2210, %swap3A_2211] {strides = array<i32>} : memref<2x1100xf32, #tpu.memory_space<vmem>>, vector<16xf32>,
      tpu.vector_store %arg15[%swap3A_2210, %swap3A_2211], %get3A_2208 {strides = array<i32>} : memref<2x1100xf32, #tpu.memory_space<vmem>>, vector<16xf32>,
      %get3A_2213 = arith.constant 12 : i32
      %get3A_2214 = arith.index_cast %get3A_2213 : i32 to index
      %get3A_2215 = arith.constant 0 : index
      %get3A_2216 = tpu.vector_load %arg12[%get3A_2214, %get3A_2215] {strides = array<i32>} : memref<56x24xf32, #tpu.memory_space<vmem>>, vector<16xf32>,
      %swap3A_2217 = arith.constant 0 : i32
      %swap3A_2218 = arith.index_cast %swap3A_2217 : i32 to index
      %swap3A_2219 = arith.constant 264 : index
      %swap3A_2220 = tpu.vector_load %arg15[%swap3A_2218, %swap3A_2219] {strides = array<i32>} : memref<2x1100xf32, #tpu.memory_space<vmem>>, vector<16xf32>,
      tpu.vector_store %arg15[%swap3A_2218, %swap3A_2219], %get3A_2216 {strides = array<i32>} : memref<2x1100xf32, #tpu.memory_space<vmem>>, vector<16xf32>,
      %get3A_2221 = arith.constant 12 : i32
      %get3A_2222 = arith.index_cast %get3A_2221 : i32 to index
      %get3A_2223 = arith.constant 8 : index
      %get3A_2224 = tpu.vector_load %arg12[%get3A_2222, %get3A_2223] {strides = array<i32>} : memref<56x24xf32, #tpu.memory_space<vmem>>, vector<16xf32>,
      %swap3A_2225 = arith.constant 0 : i32
      %swap3A_2226 = arith.index_cast %swap3A_2225 : i32 to index
      %swap3A_2227 = arith.constant 272 : index
      %swap3A_2228 = tpu.vector_load %arg15[%swap3A_2226, %swap3A_2227] {strides = array<i32>} : memref<2x1100xf32, #tpu.memory_space<vmem>>, vector<16xf32>,
      tpu.vector_store %arg15[%swap3A_2226, %swap3A_2227], %get3A_2224 {strides = array<i32>} : memref<2x1100xf32, #tpu.memory_space<vmem>>, vector<16xf32>,
      %get3A_2229 = arith.constant 13 : i32
      %get3A_2230 = arith.index_cast %get3A_2229 : i32 to index
      %get3A_2231 = arith.constant 0 : index
      %get3A_2232 = tpu.vector_load %arg12[%get3A_2230, %get3A_2231] {strides = array<i32>} : memref<56x24xf32, #tpu.memory_space<vmem>>, vector<16xf32>,
      %swap3A_2233 = arith.constant 0 : i32
      %swap3A_2234 = arith.index_cast %swap3A_2233 : i32 to index
      %swap3A_2235 = arith.constant 286 : index
      %swap3A_2236 = tpu.vector_load %arg15[%swap3A_2234, %swap3A_2235] {strides = array<i32>} : memref<2x1100xf32, #tpu.memory_space<vmem>>, vector<16xf32>,
      tpu.vector_store %arg15[%swap3A_2234, %swap3A_2235], %get3A_2232 {strides = array<i32>} : memref<2x1100xf32, #tpu.memory_space<vmem>>, vector<16xf32>,
      %get3A_2237 = arith.constant 13 : i32
      %get3A_2238 = arith.index_cast %get3A_2237 : i32 to index
      %get3A_2239 = arith.constant 8 : index
      %get3A_2240 = tpu.vector_load %arg12[%get3A_2238, %get3A_2239] {strides = array<i32>} : memref<56x24xf32, #tpu.memory_space<vmem>>, vector<16xf32>,
      %swap3A_2241 = arith.constant 0 : i32
      %swap3A_2242 = arith.index_cast %swap3A_2241 : i32 to index
      %swap3A_2243 = arith.constant 294 : index
      %swap3A_2244 = tpu.vector_load %arg15[%swap3A_2242, %swap3A_2243] {strides = array<i32>} : memref<2x1100xf32, #tpu.memory_space<vmem>>, vector<16xf32>,
      tpu.vector_store %arg15[%swap3A_2242, %swap3A_2243], %get3A_2240 {strides = array<i32>} : memref<2x1100xf32, #tpu.memory_space<vmem>>, vector<16xf32>,
      %get3A_2245 = arith.constant 14 : i32
      %get3A_2246 = arith.index_cast %get3A_2245 : i32 to index
      %get3A_2247 = arith.constant 0 : index
      %get3A_2248 = tpu.vector_load %arg12[%get3A_2246, %get3A_2247] {strides = array<i32>} : memref<56x24xf32, #tpu.memory_space<vmem>>, vector<16xf32>,
      %swap3A_2249 = arith.constant 0 : i32
      %swap3A_2250 = arith.index_cast %swap3A_2249 : i32 to index
      %swap3A_2251 = arith.constant 308 : index
      %swap3A_2252 = tpu.vector_load %arg15[%swap3A_2250, %swap3A_2251] {strides = array<i32>} : memref<2x1100xf32, #tpu.memory_space<vmem>>, vector<16xf32>,
      tpu.vector_store %arg15[%swap3A_2250, %swap3A_2251], %get3A_2248 {strides = array<i32>} : memref<2x1100xf32, #tpu.memory_space<vmem>>, vector<16xf32>,
      %get3A_2253 = arith.constant 14 : i32
      %get3A_2254 = arith.index_cast %get3A_2253 : i32 to index
      %get3A_2255 = arith.constant 8 : index
      %get3A_2256 = tpu.vector_load %arg12[%get3A_2254, %get3A_2255] {strides = array<i32>} : memref<56x24xf32, #tpu.memory_space<vmem>>, vector<16xf32>,
      %swap3A_2257 = arith.constant 0 : i32
      %swap3A_2258 = arith.index_cast %swap3A_2257 : i32 to index
      %swap3A_2259 = arith.constant 316 : index
      %swap3A_2260 = tpu.vector_load %arg15[%swap3A_2258, %swap3A_2259] {strides = array<i32>} : memref<2x1100xf32, #tpu.memory_space<vmem>>, vector<16xf32>,
      tpu.vector_store %arg15[%swap3A_2258, %swap3A_2259], %get3A_2256 {strides = array<i32>} : memref<2x1100xf32, #tpu.memory_space<vmem>>, vector<16xf32>,
      %get3A_2261 = arith.constant 15 : i32
      %get3A_2262 = arith.index_cast %get3A_2261 : i32 to index
      %get3A_2263 = arith.constant 0 : index
      %get3A_2264 = tpu.vector_load %arg12[%get3A_2262, %get3A_2263] {strides = array<i32>} : memref<56x24xf32, #tpu.memory_space<vmem>>, vector<16xf32>,
      %swap3A_2265 = arith.constant 0 : i32
      %swap3A_2266 = arith.index_cast %swap3A_2265 : i32 to index
      %swap3A_2267 = arith.constant 330 : index
      %swap3A_2268 = tpu.vector_load %arg15[%swap3A_2266, %swap3A_2267] {strides = array<i32>} : memref<2x1100xf32, #tpu.memory_space<vmem>>, vector<16xf32>,
      tpu.vector_store %arg15[%swap3A_2266, %swap3A_2267], %get3A_2264 {strides = array<i32>} : memref<2x1100xf32, #tpu.memory_space<vmem>>, vector<16xf32>,
      %get3A_2269 = arith.constant 15 : i32
      %get3A_2270 = arith.index_cast %get3A_2269 : i32 to index
      %get3A_2271 = arith.constant 8 : index
      %get3A_2272 = tpu.vector_load %arg12[%get3A_2270, %get3A_2271] {strides = array<i32>} : memref<56x24xf32, #tpu.memory_space<vmem>>, vector<16xf32>,
      %swap3A_2273 = arith.constant 0 : i32
      %swap3A_2274 = arith.index_cast %swap3A_2273 : i32 to index
      %swap3A_2275 = arith.constant 338 : index
      %swap3A_2276 = tpu.vector_load %arg15[%swap3A_2274, %swap3A_2275] {strides = array<i32>} : memref<2x1100xf32, #tpu.memory_space<vmem>>, vector<16xf32>,
      tpu.vector_store %arg15[%swap3A_2274, %swap3A_2275], %get3A_2272 {strides = array<i32>} : memref<2x1100xf32, #tpu.memory_space<vmem>>, vector<16xf32>,
      %get3A_2277 = arith.constant 16 : i32
      %get3A_2278 = arith.index_cast %get3A_2277 : i32 to index
      %get3A_2279 = arith.constant 0 : index
      %get3A_2280 = tpu.vector_load %arg12[%get3A_2278, %get3A_2279] {strides = array<i32>} : memref<56x24xf32, #tpu.memory_space<vmem>>, vector<16xf32>,
      %swap3A_2281 = arith.constant 0 : i32
      %swap3A_2282 = arith.index_cast %swap3A_2281 : i32 to index
      %swap3A_2283 = arith.constant 352 : index
      %swap3A_2284 = tpu.vector_load %arg15[%swap3A_2282, %swap3A_2283] {strides = array<i32>} : memref<2x1100xf32, #tpu.memory_space<vmem>>, vector<16xf32>,
      tpu.vector_store %arg15[%swap3A_2282, %swap3A_2283], %get3A_2280 {strides = array<i32>} : memref<2x1100xf32, #tpu.memory_space<vmem>>, vector<16xf32>,
      %get3A_2285 = arith.constant 16 : i32
      %get3A_2286 = arith.index_cast %get3A_2285 : i32 to index
      %get3A_2287 = arith.constant 8 : index
      %get3A_2288 = tpu.vector_load %arg12[%get3A_2286, %get3A_2287] {strides = array<i32>} : memref<56x24xf32, #tpu.memory_space<vmem>>, vector<16xf32>,
      %swap3A_2289 = arith.constant 0 : i32
      %swap3A_2290 = arith.index_cast %swap3A_2289 : i32 to index
      %swap3A_2291 = arith.constant 360 : index
      %swap3A_2292 = tpu.vector_load %arg15[%swap3A_2290, %swap3A_2291] {strides = array<i32>} : memref<2x1100xf32, #tpu.memory_space<vmem>>, vector<16xf32>,
      tpu.vector_store %arg15[%swap3A_2290, %swap3A_2291], %get3A_2288 {strides = array<i32>} : memref<2x1100xf32, #tpu.memory_space<vmem>>, vector<16xf32>,
      %get3A_2293 = arith.constant 17 : i32
      %get3A_2294 = arith.index_cast %get3A_2293 : i32 to index
      %get3A_2295 = arith.constant 0 : index
      %get3A_2296 = tpu.vector_load %arg12[%get3A_2294, %get3A_2295] {strides = array<i32>} : memref<56x24xf32, #tpu.memory_space<vmem>>, vector<16xf32>,
      %swap3A_2297 = arith.constant 0 : i32
      %swap3A_2298 = arith.index_cast %swap3A_2297 : i32 to index
      %swap3A_2299 = arith.constant 374 : index
      %swap3A_2300 = tpu.vector_load %arg15[%swap3A_2298, %swap3A_2299] {strides = array<i32>} : memref<2x1100xf32, #tpu.memory_space<vmem>>, vector<16xf32>,
      tpu.vector_store %arg15[%swap3A_2298, %swap3A_2299], %get3A_2296 {strides = array<i32>} : memref<2x1100xf32, #tpu.memory_space<vmem>>, vector<16xf32>,
      %get3A_2301 = arith.constant 17 : i32
      %get3A_2302 = arith.index_cast %get3A_2301 : i32 to index
      %get3A_2303 = arith.constant 8 : index
      %get3A_2304 = tpu.vector_load %arg12[%get3A_2302, %get3A_2303] {strides = array<i32>} : memref<56x24xf32, #tpu.memory_space<vmem>>, vector<16xf32>,
      %swap3A_2305 = arith.constant 0 : i32
      %swap3A_2306 = arith.index_cast %swap3A_2305 : i32 to index
      %swap3A_2307 = arith.constant 382 : index
      %swap3A_2308 = tpu.vector_load %arg15[%swap3A_2306, %swap3A_2307] {strides = array<i32>} : memref<2x1100xf32, #tpu.memory_space<vmem>>, vector<16xf32>,
      tpu.vector_store %arg15[%swap3A_2306, %swap3A_2307], %get3A_2304 {strides = array<i32>} : memref<2x1100xf32, #tpu.memory_space<vmem>>, vector<16xf32>,
      %get3A_2309 = arith.constant 18 : i32
      %get3A_2310 = arith.index_cast %get3A_2309 : i32 to index
      %get3A_2311 = arith.constant 0 : index
      %get3A_2312 = tpu.vector_load %arg12[%get3A_2310, %get3A_2311] {strides = array<i32>} : memref<56x24xf32, #tpu.memory_space<vmem>>, vector<16xf32>,
      %swap3A_2313 = arith.constant 0 : i32
      %swap3A_2314 = arith.index_cast %swap3A_2313 : i32 to index
      %swap3A_2315 = arith.constant 396 : index
      %swap3A_2316 = tpu.vector_load %arg15[%swap3A_2314, %swap3A_2315] {strides = array<i32>} : memref<2x1100xf32, #tpu.memory_space<vmem>>, vector<16xf32>,
      tpu.vector_store %arg15[%swap3A_2314, %swap3A_2315], %get3A_2312 {strides = array<i32>} : memref<2x1100xf32, #tpu.memory_space<vmem>>, vector<16xf32>,
      %get3A_2317 = arith.constant 18 : i32
      %get3A_2318 = arith.index_cast %get3A_2317 : i32 to index
      %get3A_2319 = arith.constant 8 : index
      %get3A_2320 = tpu.vector_load %arg12[%get3A_2318, %get3A_2319] {strides = array<i32>} : memref<56x24xf32, #tpu.memory_space<vmem>>, vector<16xf32>,
      %swap3A_2321 = arith.constant 0 : i32
      %swap3A_2322 = arith.index_cast %swap3A_2321 : i32 to index
      %swap3A_2323 = arith.constant 404 : index
      %swap3A_2324 = tpu.vector_load %arg15[%swap3A_2322, %swap3A_2323] {strides = array<i32>} : memref<2x1100xf32, #tpu.memory_space<vmem>>, vector<16xf32>,
      tpu.vector_store %arg15[%swap3A_2322, %swap3A_2323], %get3A_2320 {strides = array<i32>} : memref<2x1100xf32, #tpu.memory_space<vmem>>, vector<16xf32>,
      %get3A_2325 = arith.constant 19 : i32
      %get3A_2326 = arith.index_cast %get3A_2325 : i32 to index
      %get3A_2327 = arith.constant 0 : index
      %get3A_2328 = tpu.vector_load %arg12[%get3A_2326, %get3A_2327] {strides = array<i32>} : memref<56x24xf32, #tpu.memory_space<vmem>>, vector<16xf32>,
      %swap3A_2329 = arith.constant 0 : i32
      %swap3A_2330 = arith.index_cast %swap3A_2329 : i32 to index
      %swap3A_2331 = arith.constant 418 : index
      %swap3A_2332 = tpu.vector_load %arg15[%swap3A_2330, %swap3A_2331] {strides = array<i32>} : memref<2x1100xf32, #tpu.memory_space<vmem>>, vector<16xf32>,
      tpu.vector_store %arg15[%swap3A_2330, %swap3A_2331], %get3A_2328 {strides = array<i32>} : memref<2x1100xf32, #tpu.memory_space<vmem>>, vector<16xf32>,
      %get3A_2333 = arith.constant 19 : i32
      %get3A_2334 = arith.index_cast %get3A_2333 : i32 to index
      %get3A_2335 = arith.constant 8 : index
      %get3A_2336 = tpu.vector_load %arg12[%get3A_2334, %get3A_2335] {strides = array<i32>} : memref<56x24xf32, #tpu.memory_space<vmem>>, vector<16xf32>,
      %swap3A_2337 = arith.constant 0 : i32
      %swap3A_2338 = arith.index_cast %swap3A_2337 : i32 to index
      %swap3A_2339 = arith.constant 426 : index
      %swap3A_2340 = tpu.vector_load %arg15[%swap3A_2338, %swap3A_2339] {strides = array<i32>} : memref<2x1100xf32, #tpu.memory_space<vmem>>, vector<16xf32>,
      tpu.vector_store %arg15[%swap3A_2338, %swap3A_2339], %get3A_2336 {strides = array<i32>} : memref<2x1100xf32, #tpu.memory_space<vmem>>, vector<16xf32>,
      %get3A_2341 = arith.constant 20 : i32
      %get3A_2342 = arith.index_cast %get3A_2341 : i32 to index
      %get3A_2343 = arith.constant 0 : index
      %get3A_2344 = tpu.vector_load %arg12[%get3A_2342, %get3A_2343] {strides = array<i32>} : memref<56x24xf32, #tpu.memory_space<vmem>>, vector<16xf32>,
      %swap3A_2345 = arith.constant 0 : i32
      %swap3A_2346 = arith.index_cast %swap3A_2345 : i32 to index
      %swap3A_2347 = arith.constant 440 : index
      %swap3A_2348 = tpu.vector_load %arg15[%swap3A_2346, %swap3A_2347] {strides = array<i32>} : memref<2x1100xf32, #tpu.memory_space<vmem>>, vector<16xf32>,
      tpu.vector_store %arg15[%swap3A_2346, %swap3A_2347], %get3A_2344 {strides = array<i32>} : memref<2x1100xf32, #tpu.memory_space<vmem>>, vector<16xf32>,
      %get3A_2349 = arith.constant 20 : i32
      %get3A_2350 = arith.index_cast %get3A_2349 : i32 to index
      %get3A_2351 = arith.constant 8 : index
      %get3A_2352 = tpu.vector_load %arg12[%get3A_2350, %get3A_2351] {strides = array<i32>} : memref<56x24xf32, #tpu.memory_space<vmem>>, vector<16xf32>,
      %swap3A_2353 = arith.constant 0 : i32
      %swap3A_2354 = arith.index_cast %swap3A_2353 : i32 to index
      %swap3A_2355 = arith.constant 448 : index
      %swap3A_2356 = tpu.vector_load %arg15[%swap3A_2354, %swap3A_2355] {strides = array<i32>} : memref<2x1100xf32, #tpu.memory_space<vmem>>, vector<16xf32>,
      tpu.vector_store %arg15[%swap3A_2354, %swap3A_2355], %get3A_2352 {strides = array<i32>} : memref<2x1100xf32, #tpu.memory_space<vmem>>, vector<16xf32>,
      %get3A_2357 = arith.constant 21 : i32
      %get3A_2358 = arith.index_cast %get3A_2357 : i32 to index
      %get3A_2359 = arith.constant 0 : index
      %get3A_2360 = tpu.vector_load %arg12[%get3A_2358, %get3A_2359] {strides = array<i32>} : memref<56x24xf32, #tpu.memory_space<vmem>>, vector<16xf32>,
      %swap3A_2361 = arith.constant 0 : i32
      %swap3A_2362 = arith.index_cast %swap3A_2361 : i32 to index
      %swap3A_2363 = arith.constant 462 : index
      %swap3A_2364 = tpu.vector_load %arg15[%swap3A_2362, %swap3A_2363] {strides = array<i32>} : memref<2x1100xf32, #tpu.memory_space<vmem>>, vector<16xf32>,
      tpu.vector_store %arg15[%swap3A_2362, %swap3A_2363], %get3A_2360 {strides = array<i32>} : memref<2x1100xf32, #tpu.memory_space<vmem>>, vector<16xf32>,
      %get3A_2365 = arith.constant 21 : i32
      %get3A_2366 = arith.index_cast %get3A_2365 : i32 to index
      %get3A_2367 = arith.constant 8 : index
      %get3A_2368 = tpu.vector_load %arg12[%get3A_2366, %get3A_2367] {strides = array<i32>} : memref<56x24xf32, #tpu.memory_space<vmem>>, vector<16xf32>,
      %swap3A_2369 = arith.constant 0 : i32
      %swap3A_2370 = arith.index_cast %swap3A_2369 : i32 to index
      %swap3A_2371 = arith.constant 470 : index
      %swap3A_2372 = tpu.vector_load %arg15[%swap3A_2370, %swap3A_2371] {strides = array<i32>} : memref<2x1100xf32, #tpu.memory_space<vmem>>, vector<16xf32>,
      tpu.vector_store %arg15[%swap3A_2370, %swap3A_2371], %get3A_2368 {strides = array<i32>} : memref<2x1100xf32, #tpu.memory_space<vmem>>, vector<16xf32>,
      %get3A_2373 = arith.constant 22 : i32
      %get3A_2374 = arith.index_cast %get3A_2373 : i32 to index
      %get3A_2375 = arith.constant 0 : index
      %get3A_2376 = tpu.vector_load %arg12[%get3A_2374, %get3A_2375] {strides = array<i32>} : memref<56x24xf32, #tpu.memory_space<vmem>>, vector<16xf32>,
      %swap3A_2377 = arith.constant 0 : i32
      %swap3A_2378 = arith.index_cast %swap3A_2377 : i32 to index
      %swap3A_2379 = arith.constant 484 : index
      %swap3A_2380 = tpu.vector_load %arg15[%swap3A_2378, %swap3A_2379] {strides = array<i32>} : memref<2x1100xf32, #tpu.memory_space<vmem>>, vector<16xf32>,
      tpu.vector_store %arg15[%swap3A_2378, %swap3A_2379], %get3A_2376 {strides = array<i32>} : memref<2x1100xf32, #tpu.memory_space<vmem>>, vector<16xf32>,
      %get3A_2381 = arith.constant 22 : i32
      %get3A_2382 = arith.index_cast %get3A_2381 : i32 to index
      %get3A_2383 = arith.constant 8 : index
      %get3A_2384 = tpu.vector_load %arg12[%get3A_2382, %get3A_2383] {strides = array<i32>} : memref<56x24xf32, #tpu.memory_space<vmem>>, vector<16xf32>,
      %swap3A_2385 = arith.constant 0 : i32
      %swap3A_2386 = arith.index_cast %swap3A_2385 : i32 to index
      %swap3A_2387 = arith.constant 492 : index
      %swap3A_2388 = tpu.vector_load %arg15[%swap3A_2386, %swap3A_2387] {strides = array<i32>} : memref<2x1100xf32, #tpu.memory_space<vmem>>, vector<16xf32>,
      tpu.vector_store %arg15[%swap3A_2386, %swap3A_2387], %get3A_2384 {strides = array<i32>} : memref<2x1100xf32, #tpu.memory_space<vmem>>, vector<16xf32>,
      %get3A_2389 = arith.constant 23 : i32
      %get3A_2390 = arith.index_cast %get3A_2389 : i32 to index
      %get3A_2391 = arith.constant 0 : index
      %get3A_2392 = tpu.vector_load %arg12[%get3A_2390, %get3A_2391] {strides = array<i32>} : memref<56x24xf32, #tpu.memory_space<vmem>>, vector<16xf32>,
      %swap3A_2393 = arith.constant 0 : i32
      %swap3A_2394 = arith.index_cast %swap3A_2393 : i32 to index
      %swap3A_2395 = arith.constant 506 : index
      %swap3A_2396 = tpu.vector_load %arg15[%swap3A_2394, %swap3A_2395] {strides = array<i32>} : memref<2x1100xf32, #tpu.memory_space<vmem>>, vector<16xf32>,
      tpu.vector_store %arg15[%swap3A_2394, %swap3A_2395], %get3A_2392 {strides = array<i32>} : memref<2x1100xf32, #tpu.memory_space<vmem>>, vector<16xf32>,
      %get3A_2397 = arith.constant 23 : i32
      %get3A_2398 = arith.index_cast %get3A_2397 : i32 to index
      %get3A_2399 = arith.constant 8 : index
      %get3A_2400 = tpu.vector_load %arg12[%get3A_2398, %get3A_2399] {strides = array<i32>} : memref<56x24xf32, #tpu.memory_space<vmem>>, vector<16xf32>,
      %swap3A_2401 = arith.constant 0 : i32
      %swap3A_2402 = arith.index_cast %swap3A_2401 : i32 to index
      %swap3A_2403 = arith.constant 514 : index
      %swap3A_2404 = tpu.vector_load %arg15[%swap3A_2402, %swap3A_2403] {strides = array<i32>} : memref<2x1100xf32, #tpu.memory_space<vmem>>, vector<16xf32>,
      tpu.vector_store %arg15[%swap3A_2402, %swap3A_2403], %get3A_2400 {strides = array<i32>} : memref<2x1100xf32, #tpu.memory_space<vmem>>, vector<16xf32>,
      %get3A_2405 = arith.constant 24 : i32
      %get3A_2406 = arith.index_cast %get3A_2405 : i32 to index
      %get3A_2407 = arith.constant 0 : index
      %get3A_2408 = tpu.vector_load %arg12[%get3A_2406, %get3A_2407] {strides = array<i32>} : memref<56x24xf32, #tpu.memory_space<vmem>>, vector<16xf32>,
      %swap3A_2409 = arith.constant 0 : i32
      %swap3A_2410 = arith.index_cast %swap3A_2409 : i32 to index
      %swap3A_2411 = arith.constant 528 : index
      %swap3A_2412 = tpu.vector_load %arg15[%swap3A_2410, %swap3A_2411] {strides = array<i32>} : memref<2x1100xf32, #tpu.memory_space<vmem>>, vector<16xf32>,
      tpu.vector_store %arg15[%swap3A_2410, %swap3A_2411], %get3A_2408 {strides = array<i32>} : memref<2x1100xf32, #tpu.memory_space<vmem>>, vector<16xf32>,
      %get3A_2413 = arith.constant 24 : i32
      %get3A_2414 = arith.index_cast %get3A_2413 : i32 to index
      %get3A_2415 = arith.constant 8 : index
      %get3A_2416 = tpu.vector_load %arg12[%get3A_2414, %get3A_2415] {strides = array<i32>} : memref<56x24xf32, #tpu.memory_space<vmem>>, vector<16xf32>,
      %swap3A_2417 = arith.constant 0 : i32
      %swap3A_2418 = arith.index_cast %swap3A_2417 : i32 to index
      %swap3A_2419 = arith.constant 536 : index
      %swap3A_2420 = tpu.vector_load %arg15[%swap3A_2418, %swap3A_2419] {strides = array<i32>} : memref<2x1100xf32, #tpu.memory_space<vmem>>, vector<16xf32>,
      tpu.vector_store %arg15[%swap3A_2418, %swap3A_2419], %get3A_2416 {strides = array<i32>} : memref<2x1100xf32, #tpu.memory_space<vmem>>, vector<16xf32>,
      %get3A_2421 = arith.constant 25 : i32
      %get3A_2422 = arith.index_cast %get3A_2421 : i32 to index
      %get3A_2423 = arith.constant 0 : index
      %get3A_2424 = tpu.vector_load %arg12[%get3A_2422, %get3A_2423] {strides = array<i32>} : memref<56x24xf32, #tpu.memory_space<vmem>>, vector<16xf32>,
      %swap3A_2425 = arith.constant 0 : i32
      %swap3A_2426 = arith.index_cast %swap3A_2425 : i32 to index
      %swap3A_2427 = arith.constant 550 : index
      %swap3A_2428 = tpu.vector_load %arg15[%swap3A_2426, %swap3A_2427] {strides = array<i32>} : memref<2x1100xf32, #tpu.memory_space<vmem>>, vector<16xf32>,
      tpu.vector_store %arg15[%swap3A_2426, %swap3A_2427], %get3A_2424 {strides = array<i32>} : memref<2x1100xf32, #tpu.memory_space<vmem>>, vector<16xf32>,
      %get3A_2429 = arith.constant 25 : i32
      %get3A_2430 = arith.index_cast %get3A_2429 : i32 to index
      %get3A_2431 = arith.constant 8 : index
      %get3A_2432 = tpu.vector_load %arg12[%get3A_2430, %get3A_2431] {strides = array<i32>} : memref<56x24xf32, #tpu.memory_space<vmem>>, vector<16xf32>,
      %swap3A_2433 = arith.constant 0 : i32
      %swap3A_2434 = arith.index_cast %swap3A_2433 : i32 to index
      %swap3A_2435 = arith.constant 558 : index
      %swap3A_2436 = tpu.vector_load %arg15[%swap3A_2434, %swap3A_2435] {strides = array<i32>} : memref<2x1100xf32, #tpu.memory_space<vmem>>, vector<16xf32>,
      tpu.vector_store %arg15[%swap3A_2434, %swap3A_2435], %get3A_2432 {strides = array<i32>} : memref<2x1100xf32, #tpu.memory_space<vmem>>, vector<16xf32>,
      %get3A_2437 = arith.constant 26 : i32
      %get3A_2438 = arith.index_cast %get3A_2437 : i32 to index
      %get3A_2439 = arith.constant 0 : index
      %get3A_2440 = tpu.vector_load %arg12[%get3A_2438, %get3A_2439] {strides = array<i32>} : memref<56x24xf32, #tpu.memory_space<vmem>>, vector<16xf32>,
      %swap3A_2441 = arith.constant 0 : i32
      %swap3A_2442 = arith.index_cast %swap3A_2441 : i32 to index
      %swap3A_2443 = arith.constant 572 : index
      %swap3A_2444 = tpu.vector_load %arg15[%swap3A_2442, %swap3A_2443] {strides = array<i32>} : memref<2x1100xf32, #tpu.memory_space<vmem>>, vector<16xf32>,
      tpu.vector_store %arg15[%swap3A_2442, %swap3A_2443], %get3A_2440 {strides = array<i32>} : memref<2x1100xf32, #tpu.memory_space<vmem>>, vector<16xf32>,
      %get3A_2445 = arith.constant 26 : i32
      %get3A_2446 = arith.index_cast %get3A_2445 : i32 to index
      %get3A_2447 = arith.constant 8 : index
      %get3A_2448 = tpu.vector_load %arg12[%get3A_2446, %get3A_2447] {strides = array<i32>} : memref<56x24xf32, #tpu.memory_space<vmem>>, vector<16xf32>,
      %swap3A_2449 = arith.constant 0 : i32
      %swap3A_2450 = arith.index_cast %swap3A_2449 : i32 to index
      %swap3A_2451 = arith.constant 580 : index
      %swap3A_2452 = tpu.vector_load %arg15[%swap3A_2450, %swap3A_2451] {strides = array<i32>} : memref<2x1100xf32, #tpu.memory_space<vmem>>, vector<16xf32>,
      tpu.vector_store %arg15[%swap3A_2450, %swap3A_2451], %get3A_2448 {strides = array<i32>} : memref<2x1100xf32, #tpu.memory_space<vmem>>, vector<16xf32>,
      %get3A_2453 = arith.constant 27 : i32
      %get3A_2454 = arith.index_cast %get3A_2453 : i32 to index
      %get3A_2455 = arith.constant 0 : index
      %get3A_2456 = tpu.vector_load %arg12[%get3A_2454, %get3A_2455] {strides = array<i32>} : memref<56x24xf32, #tpu.memory_space<vmem>>, vector<16xf32>,
      %swap3A_2457 = arith.constant 0 : i32
      %swap3A_2458 = arith.index_cast %swap3A_2457 : i32 to index
      %swap3A_2459 = arith.constant 594 : index
      %swap3A_2460 = tpu.vector_load %arg15[%swap3A_2458, %swap3A_2459] {strides = array<i32>} : memref<2x1100xf32, #tpu.memory_space<vmem>>, vector<16xf32>,
      tpu.vector_store %arg15[%swap3A_2458, %swap3A_2459], %get3A_2456 {strides = array<i32>} : memref<2x1100xf32, #tpu.memory_space<vmem>>, vector<16xf32>,
      %get3A_2461 = arith.constant 27 : i32
      %get3A_2462 = arith.index_cast %get3A_2461 : i32 to index
      %get3A_2463 = arith.constant 8 : index
      %get3A_2464 = tpu.vector_load %arg12[%get3A_2462, %get3A_2463] {strides = array<i32>} : memref<56x24xf32, #tpu.memory_space<vmem>>, vector<16xf32>,
      %swap3A_2465 = arith.constant 0 : i32
      %swap3A_2466 = arith.index_cast %swap3A_2465 : i32 to index
      %swap3A_2467 = arith.constant 602 : index
      %swap3A_2468 = tpu.vector_load %arg15[%swap3A_2466, %swap3A_2467] {strides = array<i32>} : memref<2x1100xf32, #tpu.memory_space<vmem>>, vector<16xf32>,
      tpu.vector_store %arg15[%swap3A_2466, %swap3A_2467], %get3A_2464 {strides = array<i32>} : memref<2x1100xf32, #tpu.memory_space<vmem>>, vector<16xf32>,
      %get3A_2469 = arith.constant 28 : i32
      %get3A_2470 = arith.index_cast %get3A_2469 : i32 to index
      %get3A_2471 = arith.constant 0 : index
      %get3A_2472 = tpu.vector_load %arg12[%get3A_2470, %get3A_2471] {strides = array<i32>} : memref<56x24xf32, #tpu.memory_space<vmem>>, vector<16xf32>,
      %swap3A_2473 = arith.constant 0 : i32
      %swap3A_2474 = arith.index_cast %swap3A_2473 : i32 to index
      %swap3A_2475 = arith.constant 616 : index
      %swap3A_2476 = tpu.vector_load %arg15[%swap3A_2474, %swap3A_2475] {strides = array<i32>} : memref<2x1100xf32, #tpu.memory_space<vmem>>, vector<16xf32>,
      tpu.vector_store %arg15[%swap3A_2474, %swap3A_2475], %get3A_2472 {strides = array<i32>} : memref<2x1100xf32, #tpu.memory_space<vmem>>, vector<16xf32>,
      %get3A_2477 = arith.constant 28 : i32
      %get3A_2478 = arith.index_cast %get3A_2477 : i32 to index
      %get3A_2479 = arith.constant 8 : index
      %get3A_2480 = tpu.vector_load %arg12[%get3A_2478, %get3A_2479] {strides = array<i32>} : memref<56x24xf32, #tpu.memory_space<vmem>>, vector<16xf32>,
      %swap3A_2481 = arith.constant 0 : i32
      %swap3A_2482 = arith.index_cast %swap3A_2481 : i32 to index
      %swap3A_2483 = arith.constant 624 : index
      %swap3A_2484 = tpu.vector_load %arg15[%swap3A_2482, %swap3A_2483] {strides = array<i32>} : memref<2x1100xf32, #tpu.memory_space<vmem>>, vector<16xf32>,
      tpu.vector_store %arg15[%swap3A_2482, %swap3A_2483], %get3A_2480 {strides = array<i32>} : memref<2x1100xf32, #tpu.memory_space<vmem>>, vector<16xf32>,
      %get3A_2485 = arith.constant 29 : i32
      %get3A_2486 = arith.index_cast %get3A_2485 : i32 to index
      %get3A_2487 = arith.constant 0 : index
      %get3A_2488 = tpu.vector_load %arg12[%get3A_2486, %get3A_2487] {strides = array<i32>} : memref<56x24xf32, #tpu.memory_space<vmem>>, vector<16xf32>,
      %swap3A_2489 = arith.constant 0 : i32
      %swap3A_2490 = arith.index_cast %swap3A_2489 : i32 to index
      %swap3A_2491 = arith.constant 638 : index
      %swap3A_2492 = tpu.vector_load %arg15[%swap3A_2490, %swap3A_2491] {strides = array<i32>} : memref<2x1100xf32, #tpu.memory_space<vmem>>, vector<16xf32>,
      tpu.vector_store %arg15[%swap3A_2490, %swap3A_2491], %get3A_2488 {strides = array<i32>} : memref<2x1100xf32, #tpu.memory_space<vmem>>, vector<16xf32>,
      %get3A_2493 = arith.constant 29 : i32
      %get3A_2494 = arith.index_cast %get3A_2493 : i32 to index
      %get3A_2495 = arith.constant 8 : index
      %get3A_2496 = tpu.vector_load %arg12[%get3A_2494, %get3A_2495] {strides = array<i32>} : memref<56x24xf32, #tpu.memory_space<vmem>>, vector<16xf32>,
      %swap3A_2497 = arith.constant 0 : i32
      %swap3A_2498 = arith.index_cast %swap3A_2497 : i32 to index
      %swap3A_2499 = arith.constant 646 : index
      %swap3A_2500 = tpu.vector_load %arg15[%swap3A_2498, %swap3A_2499] {strides = array<i32>} : memref<2x1100xf32, #tpu.memory_space<vmem>>, vector<16xf32>,
      tpu.vector_store %arg15[%swap3A_2498, %swap3A_2499], %get3A_2496 {strides = array<i32>} : memref<2x1100xf32, #tpu.memory_space<vmem>>, vector<16xf32>,
      %get3A_2501 = arith.constant 30 : i32
      %get3A_2502 = arith.index_cast %get3A_2501 : i32 to index
      %get3A_2503 = arith.constant 0 : index
      %get3A_2504 = tpu.vector_load %arg12[%get3A_2502, %get3A_2503] {strides = array<i32>} : memref<56x24xf32, #tpu.memory_space<vmem>>, vector<16xf32>,
      %swap3A_2505 = arith.constant 0 : i32
      %swap3A_2506 = arith.index_cast %swap3A_2505 : i32 to index
      %swap3A_2507 = arith.constant 660 : index
      %swap3A_2508 = tpu.vector_load %arg15[%swap3A_2506, %swap3A_2507] {strides = array<i32>} : memref<2x1100xf32, #tpu.memory_space<vmem>>, vector<16xf32>,
      tpu.vector_store %arg15[%swap3A_2506, %swap3A_2507], %get3A_2504 {strides = array<i32>} : memref<2x1100xf32, #tpu.memory_space<vmem>>, vector<16xf32>,
      %get3A_2509 = arith.constant 30 : i32
      %get3A_2510 = arith.index_cast %get3A_2509 : i32 to index
      %get3A_2511 = arith.constant 8 : index
      %get3A_2512 = tpu.vector_load %arg12[%get3A_2510, %get3A_2511] {strides = array<i32>} : memref<56x24xf32, #tpu.memory_space<vmem>>, vector<16xf32>,
      %swap3A_2513 = arith.constant 0 : i32
      %swap3A_2514 = arith.index_cast %swap3A_2513 : i32 to index
      %swap3A_2515 = arith.constant 668 : index
      %swap3A_2516 = tpu.vector_load %arg15[%swap3A_2514, %swap3A_2515] {strides = array<i32>} : memref<2x1100xf32, #tpu.memory_space<vmem>>, vector<16xf32>,
      tpu.vector_store %arg15[%swap3A_2514, %swap3A_2515], %get3A_2512 {strides = array<i32>} : memref<2x1100xf32, #tpu.memory_space<vmem>>, vector<16xf32>,
      %get3A_2517 = arith.constant 31 : i32
      %get3A_2518 = arith.index_cast %get3A_2517 : i32 to index
      %get3A_2519 = arith.constant 0 : index
      %get3A_2520 = tpu.vector_load %arg12[%get3A_2518, %get3A_2519] {strides = array<i32>} : memref<56x24xf32, #tpu.memory_space<vmem>>, vector<16xf32>,
      %swap3A_2521 = arith.constant 0 : i32
      %swap3A_2522 = arith.index_cast %swap3A_2521 : i32 to index
      %swap3A_2523 = arith.constant 682 : index
      %swap3A_2524 = tpu.vector_load %arg15[%swap3A_2522, %swap3A_2523] {strides = array<i32>} : memref<2x1100xf32, #tpu.memory_space<vmem>>, vector<16xf32>,
      tpu.vector_store %arg15[%swap3A_2522, %swap3A_2523], %get3A_2520 {strides = array<i32>} : memref<2x1100xf32, #tpu.memory_space<vmem>>, vector<16xf32>,
      %get3A_2525 = arith.constant 31 : i32
      %get3A_2526 = arith.index_cast %get3A_2525 : i32 to index
      %get3A_2527 = arith.constant 8 : index
      %get3A_2528 = tpu.vector_load %arg12[%get3A_2526, %get3A_2527] {strides = array<i32>} : memref<56x24xf32, #tpu.memory_space<vmem>>, vector<16xf32>,
      %swap3A_2529 = arith.constant 0 : i32
      %swap3A_2530 = arith.index_cast %swap3A_2529 : i32 to index
      %swap3A_2531 = arith.constant 690 : index
      %swap3A_2532 = tpu.vector_load %arg15[%swap3A_2530, %swap3A_2531] {strides = array<i32>} : memref<2x1100xf32, #tpu.memory_space<vmem>>, vector<16xf32>,
      tpu.vector_store %arg15[%swap3A_2530, %swap3A_2531], %get3A_2528 {strides = array<i32>} : memref<2x1100xf32, #tpu.memory_space<vmem>>, vector<16xf32>,
      %get3A_2533 = arith.constant 32 : i32
      %get3A_2534 = arith.index_cast %get3A_2533 : i32 to index
      %get3A_2535 = arith.constant 0 : index
      %get3A_2536 = tpu.vector_load %arg12[%get3A_2534, %get3A_2535] {strides = array<i32>} : memref<56x24xf32, #tpu.memory_space<vmem>>, vector<16xf32>,
      %swap3A_2537 = arith.constant 0 : i32
      %swap3A_2538 = arith.index_cast %swap3A_2537 : i32 to index
      %swap3A_2539 = arith.constant 704 : index
      %swap3A_2540 = tpu.vector_load %arg15[%swap3A_2538, %swap3A_2539] {strides = array<i32>} : memref<2x1100xf32, #tpu.memory_space<vmem>>, vector<16xf32>,
      tpu.vector_store %arg15[%swap3A_2538, %swap3A_2539], %get3A_2536 {strides = array<i32>} : memref<2x1100xf32, #tpu.memory_space<vmem>>, vector<16xf32>,
      %get3A_2541 = arith.constant 32 : i32
      %get3A_2542 = arith.index_cast %get3A_2541 : i32 to index
      %get3A_2543 = arith.constant 8 : index
      %get3A_2544 = tpu.vector_load %arg12[%get3A_2542, %get3A_2543] {strides = array<i32>} : memref<56x24xf32, #tpu.memory_space<vmem>>, vector<16xf32>,
      %swap3A_2545 = arith.constant 0 : i32
      %swap3A_2546 = arith.index_cast %swap3A_2545 : i32 to index
      %swap3A_2547 = arith.constant 712 : index
      %swap3A_2548 = tpu.vector_load %arg15[%swap3A_2546, %swap3A_2547] {strides = array<i32>} : memref<2x1100xf32, #tpu.memory_space<vmem>>, vector<16xf32>,
      tpu.vector_store %arg15[%swap3A_2546, %swap3A_2547], %get3A_2544 {strides = array<i32>} : memref<2x1100xf32, #tpu.memory_space<vmem>>, vector<16xf32>,
      %get3A_2549 = arith.constant 33 : i32
      %get3A_2550 = arith.index_cast %get3A_2549 : i32 to index
      %get3A_2551 = arith.constant 0 : index
      %get3A_2552 = tpu.vector_load %arg12[%get3A_2550, %get3A_2551] {strides = array<i32>} : memref<56x24xf32, #tpu.memory_space<vmem>>, vector<16xf32>,
      %swap3A_2553 = arith.constant 0 : i32
      %swap3A_2554 = arith.index_cast %swap3A_2553 : i32 to index
      %swap3A_2555 = arith.constant 726 : index
      %swap3A_2556 = tpu.vector_load %arg15[%swap3A_2554, %swap3A_2555] {strides = array<i32>} : memref<2x1100xf32, #tpu.memory_space<vmem>>, vector<16xf32>,
      tpu.vector_store %arg15[%swap3A_2554, %swap3A_2555], %get3A_2552 {strides = array<i32>} : memref<2x1100xf32, #tpu.memory_space<vmem>>, vector<16xf32>,
      %get3A_2557 = arith.constant 33 : i32
      %get3A_2558 = arith.index_cast %get3A_2557 : i32 to index
      %get3A_2559 = arith.constant 8 : index
      %get3A_2560 = tpu.vector_load %arg12[%get3A_2558, %get3A_2559] {strides = array<i32>} : memref<56x24xf32, #tpu.memory_space<vmem>>, vector<16xf32>,
      %swap3A_2561 = arith.constant 0 : i32
      %swap3A_2562 = arith.index_cast %swap3A_2561 : i32 to index
      %swap3A_2563 = arith.constant 734 : index
      %swap3A_2564 = tpu.vector_load %arg15[%swap3A_2562, %swap3A_2563] {strides = array<i32>} : memref<2x1100xf32, #tpu.memory_space<vmem>>, vector<16xf32>,
      tpu.vector_store %arg15[%swap3A_2562, %swap3A_2563], %get3A_2560 {strides = array<i32>} : memref<2x1100xf32, #tpu.memory_space<vmem>>, vector<16xf32>,
      %get3A_2565 = arith.constant 34 : i32
      %get3A_2566 = arith.index_cast %get3A_2565 : i32 to index
      %get3A_2567 = arith.constant 0 : index
      %get3A_2568 = tpu.vector_load %arg12[%get3A_2566, %get3A_2567] {strides = array<i32>} : memref<56x24xf32, #tpu.memory_space<vmem>>, vector<16xf32>,
      %swap3A_2569 = arith.constant 0 : i32
      %swap3A_2570 = arith.index_cast %swap3A_2569 : i32 to index
      %swap3A_2571 = arith.constant 748 : index
      %swap3A_2572 = tpu.vector_load %arg15[%swap3A_2570, %swap3A_2571] {strides = array<i32>} : memref<2x1100xf32, #tpu.memory_space<vmem>>, vector<16xf32>,
      tpu.vector_store %arg15[%swap3A_2570, %swap3A_2571], %get3A_2568 {strides = array<i32>} : memref<2x1100xf32, #tpu.memory_space<vmem>>, vector<16xf32>,
      %get3A_2573 = arith.constant 34 : i32
      %get3A_2574 = arith.index_cast %get3A_2573 : i32 to index
      %get3A_2575 = arith.constant 8 : index
      %get3A_2576 = tpu.vector_load %arg12[%get3A_2574, %get3A_2575] {strides = array<i32>} : memref<56x24xf32, #tpu.memory_space<vmem>>, vector<16xf32>,
      %swap3A_2577 = arith.constant 0 : i32
      %swap3A_2578 = arith.index_cast %swap3A_2577 : i32 to index
      %swap3A_2579 = arith.constant 756 : index
      %swap3A_2580 = tpu.vector_load %arg15[%swap3A_2578, %swap3A_2579] {strides = array<i32>} : memref<2x1100xf32, #tpu.memory_space<vmem>>, vector<16xf32>,
      tpu.vector_store %arg15[%swap3A_2578, %swap3A_2579], %get3A_2576 {strides = array<i32>} : memref<2x1100xf32, #tpu.memory_space<vmem>>, vector<16xf32>,
      %get3A_2581 = arith.constant 35 : i32
      %get3A_2582 = arith.index_cast %get3A_2581 : i32 to index
      %get3A_2583 = arith.constant 0 : index
      %get3A_2584 = tpu.vector_load %arg12[%get3A_2582, %get3A_2583] {strides = array<i32>} : memref<56x24xf32, #tpu.memory_space<vmem>>, vector<16xf32>,
      %swap3A_2585 = arith.constant 0 : i32
      %swap3A_2586 = arith.index_cast %swap3A_2585 : i32 to index
      %swap3A_2587 = arith.constant 770 : index
      %swap3A_2588 = tpu.vector_load %arg15[%swap3A_2586, %swap3A_2587] {strides = array<i32>} : memref<2x1100xf32, #tpu.memory_space<vmem>>, vector<16xf32>,
      tpu.vector_store %arg15[%swap3A_2586, %swap3A_2587], %get3A_2584 {strides = array<i32>} : memref<2x1100xf32, #tpu.memory_space<vmem>>, vector<16xf32>,
      %get3A_2589 = arith.constant 35 : i32
      %get3A_2590 = arith.index_cast %get3A_2589 : i32 to index
      %get3A_2591 = arith.constant 8 : index
      %get3A_2592 = tpu.vector_load %arg12[%get3A_2590, %get3A_2591] {strides = array<i32>} : memref<56x24xf32, #tpu.memory_space<vmem>>, vector<16xf32>,
      %swap3A_2593 = arith.constant 0 : i32
      %swap3A_2594 = arith.index_cast %swap3A_2593 : i32 to index
      %swap3A_2595 = arith.constant 778 : index
      %swap3A_2596 = tpu.vector_load %arg15[%swap3A_2594, %swap3A_2595] {strides = array<i32>} : memref<2x1100xf32, #tpu.memory_space<vmem>>, vector<16xf32>,
      tpu.vector_store %arg15[%swap3A_2594, %swap3A_2595], %get3A_2592 {strides = array<i32>} : memref<2x1100xf32, #tpu.memory_space<vmem>>, vector<16xf32>,
      %get3A_2597 = arith.constant 36 : i32
      %get3A_2598 = arith.index_cast %get3A_2597 : i32 to index
      %get3A_2599 = arith.constant 0 : index
      %get3A_2600 = tpu.vector_load %arg12[%get3A_2598, %get3A_2599] {strides = array<i32>} : memref<56x24xf32, #tpu.memory_space<vmem>>, vector<16xf32>,
      %swap3A_2601 = arith.constant 0 : i32
      %swap3A_2602 = arith.index_cast %swap3A_2601 : i32 to index
      %swap3A_2603 = arith.constant 792 : index
      %swap3A_2604 = tpu.vector_load %arg15[%swap3A_2602, %swap3A_2603] {strides = array<i32>} : memref<2x1100xf32, #tpu.memory_space<vmem>>, vector<16xf32>,
      tpu.vector_store %arg15[%swap3A_2602, %swap3A_2603], %get3A_2600 {strides = array<i32>} : memref<2x1100xf32, #tpu.memory_space<vmem>>, vector<16xf32>,
      %get3A_2605 = arith.constant 36 : i32
      %get3A_2606 = arith.index_cast %get3A_2605 : i32 to index
      %get3A_2607 = arith.constant 8 : index
      %get3A_2608 = tpu.vector_load %arg12[%get3A_2606, %get3A_2607] {strides = array<i32>} : memref<56x24xf32, #tpu.memory_space<vmem>>, vector<16xf32>,
      %swap3A_2609 = arith.constant 0 : i32
      %swap3A_2610 = arith.index_cast %swap3A_2609 : i32 to index
      %swap3A_2611 = arith.constant 800 : index
      %swap3A_2612 = tpu.vector_load %arg15[%swap3A_2610, %swap3A_2611] {strides = array<i32>} : memref<2x1100xf32, #tpu.memory_space<vmem>>, vector<16xf32>,
      tpu.vector_store %arg15[%swap3A_2610, %swap3A_2611], %get3A_2608 {strides = array<i32>} : memref<2x1100xf32, #tpu.memory_space<vmem>>, vector<16xf32>,
      %get3A_2613 = arith.constant 37 : i32
      %get3A_2614 = arith.index_cast %get3A_2613 : i32 to index
      %get3A_2615 = arith.constant 0 : index
      %get3A_2616 = tpu.vector_load %arg12[%get3A_2614, %get3A_2615] {strides = array<i32>} : memref<56x24xf32, #tpu.memory_space<vmem>>, vector<16xf32>,
      %swap3A_2617 = arith.constant 0 : i32
      %swap3A_2618 = arith.index_cast %swap3A_2617 : i32 to index
      %swap3A_2619 = arith.constant 814 : index
      %swap3A_2620 = tpu.vector_load %arg15[%swap3A_2618, %swap3A_2619] {strides = array<i32>} : memref<2x1100xf32, #tpu.memory_space<vmem>>, vector<16xf32>,
      tpu.vector_store %arg15[%swap3A_2618, %swap3A_2619], %get3A_2616 {strides = array<i32>} : memref<2x1100xf32, #tpu.memory_space<vmem>>, vector<16xf32>,
      %get3A_2621 = arith.constant 37 : i32
      %get3A_2622 = arith.index_cast %get3A_2621 : i32 to index
      %get3A_2623 = arith.constant 8 : index
      %get3A_2624 = tpu.vector_load %arg12[%get3A_2622, %get3A_2623] {strides = array<i32>} : memref<56x24xf32, #tpu.memory_space<vmem>>, vector<16xf32>,
      %swap3A_2625 = arith.constant 0 : i32
      %swap3A_2626 = arith.index_cast %swap3A_2625 : i32 to index
      %swap3A_2627 = arith.constant 822 : index
      %swap3A_2628 = tpu.vector_load %arg15[%swap3A_2626, %swap3A_2627] {strides = array<i32>} : memref<2x1100xf32, #tpu.memory_space<vmem>>, vector<16xf32>,
      tpu.vector_store %arg15[%swap3A_2626, %swap3A_2627], %get3A_2624 {strides = array<i32>} : memref<2x1100xf32, #tpu.memory_space<vmem>>, vector<16xf32>,
      %get3A_2629 = arith.constant 38 : i32
      %get3A_2630 = arith.index_cast %get3A_2629 : i32 to index
      %get3A_2631 = arith.constant 0 : index
      %get3A_2632 = tpu.vector_load %arg12[%get3A_2630, %get3A_2631] {strides = array<i32>} : memref<56x24xf32, #tpu.memory_space<vmem>>, vector<16xf32>,
      %swap3A_2633 = arith.constant 0 : i32
      %swap3A_2634 = arith.index_cast %swap3A_2633 : i32 to index
      %swap3A_2635 = arith.constant 836 : index
      %swap3A_2636 = tpu.vector_load %arg15[%swap3A_2634, %swap3A_2635] {strides = array<i32>} : memref<2x1100xf32, #tpu.memory_space<vmem>>, vector<16xf32>,
      tpu.vector_store %arg15[%swap3A_2634, %swap3A_2635], %get3A_2632 {strides = array<i32>} : memref<2x1100xf32, #tpu.memory_space<vmem>>, vector<16xf32>,
      %get3A_2637 = arith.constant 38 : i32
      %get3A_2638 = arith.index_cast %get3A_2637 : i32 to index
      %get3A_2639 = arith.constant 8 : index
      %get3A_2640 = tpu.vector_load %arg12[%get3A_2638, %get3A_2639] {strides = array<i32>} : memref<56x24xf32, #tpu.memory_space<vmem>>, vector<16xf32>,
      %swap3A_2641 = arith.constant 0 : i32
      %swap3A_2642 = arith.index_cast %swap3A_2641 : i32 to index
      %swap3A_2643 = arith.constant 844 : index
      %swap3A_2644 = tpu.vector_load %arg15[%swap3A_2642, %swap3A_2643] {strides = array<i32>} : memref<2x1100xf32, #tpu.memory_space<vmem>>, vector<16xf32>,
      tpu.vector_store %arg15[%swap3A_2642, %swap3A_2643], %get3A_2640 {strides = array<i32>} : memref<2x1100xf32, #tpu.memory_space<vmem>>, vector<16xf32>,
      %get3A_2645 = arith.constant 39 : i32
      %get3A_2646 = arith.index_cast %get3A_2645 : i32 to index
      %get3A_2647 = arith.constant 0 : index
      %get3A_2648 = tpu.vector_load %arg12[%get3A_2646, %get3A_2647] {strides = array<i32>} : memref<56x24xf32, #tpu.memory_space<vmem>>, vector<16xf32>,
      %swap3A_2649 = arith.constant 0 : i32
      %swap3A_2650 = arith.index_cast %swap3A_2649 : i32 to index
      %swap3A_2651 = arith.constant 858 : index
      %swap3A_2652 = tpu.vector_load %arg15[%swap3A_2650, %swap3A_2651] {strides = array<i32>} : memref<2x1100xf32, #tpu.memory_space<vmem>>, vector<16xf32>,
      tpu.vector_store %arg15[%swap3A_2650, %swap3A_2651], %get3A_2648 {strides = array<i32>} : memref<2x1100xf32, #tpu.memory_space<vmem>>, vector<16xf32>,
      %get3A_2653 = arith.constant 39 : i32
      %get3A_2654 = arith.index_cast %get3A_2653 : i32 to index
      %get3A_2655 = arith.constant 8 : index
      %get3A_2656 = tpu.vector_load %arg12[%get3A_2654, %get3A_2655] {strides = array<i32>} : memref<56x24xf32, #tpu.memory_space<vmem>>, vector<16xf32>,
      %swap3A_2657 = arith.constant 0 : i32
      %swap3A_2658 = arith.index_cast %swap3A_2657 : i32 to index
      %swap3A_2659 = arith.constant 866 : index
      %swap3A_2660 = tpu.vector_load %arg15[%swap3A_2658, %swap3A_2659] {strides = array<i32>} : memref<2x1100xf32, #tpu.memory_space<vmem>>, vector<16xf32>,
      tpu.vector_store %arg15[%swap3A_2658, %swap3A_2659], %get3A_2656 {strides = array<i32>} : memref<2x1100xf32, #tpu.memory_space<vmem>>, vector<16xf32>,
      %get3A_2661 = arith.constant 40 : i32
      %get3A_2662 = arith.index_cast %get3A_2661 : i32 to index
      %get3A_2663 = arith.constant 0 : index
      %get3A_2664 = tpu.vector_load %arg12[%get3A_2662, %get3A_2663] {strides = array<i32>} : memref<56x24xf32, #tpu.memory_space<vmem>>, vector<16xf32>,
      %swap3A_2665 = arith.constant 0 : i32
      %swap3A_2666 = arith.index_cast %swap3A_2665 : i32 to index
      %swap3A_2667 = arith.constant 880 : index
      %swap3A_2668 = tpu.vector_load %arg15[%swap3A_2666, %swap3A_2667] {strides = array<i32>} : memref<2x1100xf32, #tpu.memory_space<vmem>>, vector<16xf32>,
      tpu.vector_store %arg15[%swap3A_2666, %swap3A_2667], %get3A_2664 {strides = array<i32>} : memref<2x1100xf32, #tpu.memory_space<vmem>>, vector<16xf32>,
      %get3A_2669 = arith.constant 40 : i32
      %get3A_2670 = arith.index_cast %get3A_2669 : i32 to index
      %get3A_2671 = arith.constant 8 : index
      %get3A_2672 = tpu.vector_load %arg12[%get3A_2670, %get3A_2671] {strides = array<i32>} : memref<56x24xf32, #tpu.memory_space<vmem>>, vector<16xf32>,
      %swap3A_2673 = arith.constant 0 : i32
      %swap3A_2674 = arith.index_cast %swap3A_2673 : i32 to index
      %swap3A_2675 = arith.constant 888 : index
      %swap3A_2676 = tpu.vector_load %arg15[%swap3A_2674, %swap3A_2675] {strides = array<i32>} : memref<2x1100xf32, #tpu.memory_space<vmem>>, vector<16xf32>,
      tpu.vector_store %arg15[%swap3A_2674, %swap3A_2675], %get3A_2672 {strides = array<i32>} : memref<2x1100xf32, #tpu.memory_space<vmem>>, vector<16xf32>,
      %get3A_2677 = arith.constant 41 : i32
      %get3A_2678 = arith.index_cast %get3A_2677 : i32 to index
      %get3A_2679 = arith.constant 0 : index
      %get3A_2680 = tpu.vector_load %arg12[%get3A_2678, %get3A_2679] {strides = array<i32>} : memref<56x24xf32, #tpu.memory_space<vmem>>, vector<16xf32>,
      %swap3A_2681 = arith.constant 0 : i32
      %swap3A_2682 = arith.index_cast %swap3A_2681 : i32 to index
      %swap3A_2683 = arith.constant 902 : index
      %swap3A_2684 = tpu.vector_load %arg15[%swap3A_2682, %swap3A_2683] {strides = array<i32>} : memref<2x1100xf32, #tpu.memory_space<vmem>>, vector<16xf32>,
      tpu.vector_store %arg15[%swap3A_2682, %swap3A_2683], %get3A_2680 {strides = array<i32>} : memref<2x1100xf32, #tpu.memory_space<vmem>>, vector<16xf32>,
      %get3A_2685 = arith.constant 41 : i32
      %get3A_2686 = arith.index_cast %get3A_2685 : i32 to index
      %get3A_2687 = arith.constant 8 : index
      %get3A_2688 = tpu.vector_load %arg12[%get3A_2686, %get3A_2687] {strides = array<i32>} : memref<56x24xf32, #tpu.memory_space<vmem>>, vector<16xf32>,
      %swap3A_2689 = arith.constant 0 : i32
      %swap3A_2690 = arith.index_cast %swap3A_2689 : i32 to index
      %swap3A_2691 = arith.constant 910 : index
      %swap3A_2692 = tpu.vector_load %arg15[%swap3A_2690, %swap3A_2691] {strides = array<i32>} : memref<2x1100xf32, #tpu.memory_space<vmem>>, vector<16xf32>,
      tpu.vector_store %arg15[%swap3A_2690, %swap3A_2691], %get3A_2688 {strides = array<i32>} : memref<2x1100xf32, #tpu.memory_space<vmem>>, vector<16xf32>,
      %get3A_2693 = arith.constant 42 : i32
      %get3A_2694 = arith.index_cast %get3A_2693 : i32 to index
      %get3A_2695 = arith.constant 0 : index
      %get3A_2696 = tpu.vector_load %arg12[%get3A_2694, %get3A_2695] {strides = array<i32>} : memref<56x24xf32, #tpu.memory_space<vmem>>, vector<16xf32>,
      %swap3A_2697 = arith.constant 0 : i32
      %swap3A_2698 = arith.index_cast %swap3A_2697 : i32 to index
      %swap3A_2699 = arith.constant 924 : index
      %swap3A_2700 = tpu.vector_load %arg15[%swap3A_2698, %swap3A_2699] {strides = array<i32>} : memref<2x1100xf32, #tpu.memory_space<vmem>>, vector<16xf32>,
      tpu.vector_store %arg15[%swap3A_2698, %swap3A_2699], %get3A_2696 {strides = array<i32>} : memref<2x1100xf32, #tpu.memory_space<vmem>>, vector<16xf32>,
      %get3A_2701 = arith.constant 42 : i32
      %get3A_2702 = arith.index_cast %get3A_2701 : i32 to index
      %get3A_2703 = arith.constant 8 : index
      %get3A_2704 = tpu.vector_load %arg12[%get3A_2702, %get3A_2703] {strides = array<i32>} : memref<56x24xf32, #tpu.memory_space<vmem>>, vector<16xf32>,
      %swap3A_2705 = arith.constant 0 : i32
      %swap3A_2706 = arith.index_cast %swap3A_2705 : i32 to index
      %swap3A_2707 = arith.constant 932 : index
      %swap3A_2708 = tpu.vector_load %arg15[%swap3A_2706, %swap3A_2707] {strides = array<i32>} : memref<2x1100xf32, #tpu.memory_space<vmem>>, vector<16xf32>,
      tpu.vector_store %arg15[%swap3A_2706, %swap3A_2707], %get3A_2704 {strides = array<i32>} : memref<2x1100xf32, #tpu.memory_space<vmem>>, vector<16xf32>,
      %get3A_2709 = arith.constant 43 : i32
      %get3A_2710 = arith.index_cast %get3A_2709 : i32 to index
      %get3A_2711 = arith.constant 0 : index
      %get3A_2712 = tpu.vector_load %arg12[%get3A_2710, %get3A_2711] {strides = array<i32>} : memref<56x24xf32, #tpu.memory_space<vmem>>, vector<16xf32>,
      %swap3A_2713 = arith.constant 0 : i32
      %swap3A_2714 = arith.index_cast %swap3A_2713 : i32 to index
      %swap3A_2715 = arith.constant 946 : index
      %swap3A_2716 = tpu.vector_load %arg15[%swap3A_2714, %swap3A_2715] {strides = array<i32>} : memref<2x1100xf32, #tpu.memory_space<vmem>>, vector<16xf32>,
      tpu.vector_store %arg15[%swap3A_2714, %swap3A_2715], %get3A_2712 {strides = array<i32>} : memref<2x1100xf32, #tpu.memory_space<vmem>>, vector<16xf32>,
      %get3A_2717 = arith.constant 43 : i32
      %get3A_2718 = arith.index_cast %get3A_2717 : i32 to index
      %get3A_2719 = arith.constant 8 : index
      %get3A_2720 = tpu.vector_load %arg12[%get3A_2718, %get3A_2719] {strides = array<i32>} : memref<56x24xf32, #tpu.memory_space<vmem>>, vector<16xf32>,
      %swap3A_2721 = arith.constant 0 : i32
      %swap3A_2722 = arith.index_cast %swap3A_2721 : i32 to index
      %swap3A_2723 = arith.constant 954 : index
      %swap3A_2724 = tpu.vector_load %arg15[%swap3A_2722, %swap3A_2723] {strides = array<i32>} : memref<2x1100xf32, #tpu.memory_space<vmem>>, vector<16xf32>,
      tpu.vector_store %arg15[%swap3A_2722, %swap3A_2723], %get3A_2720 {strides = array<i32>} : memref<2x1100xf32, #tpu.memory_space<vmem>>, vector<16xf32>,
      %get3A_2725 = arith.constant 44 : i32
      %get3A_2726 = arith.index_cast %get3A_2725 : i32 to index
      %get3A_2727 = arith.constant 0 : index
      %get3A_2728 = tpu.vector_load %arg12[%get3A_2726, %get3A_2727] {strides = array<i32>} : memref<56x24xf32, #tpu.memory_space<vmem>>, vector<16xf32>,
      %swap3A_2729 = arith.constant 0 : i32
      %swap3A_2730 = arith.index_cast %swap3A_2729 : i32 to index
      %swap3A_2731 = arith.constant 968 : index
      %swap3A_2732 = tpu.vector_load %arg15[%swap3A_2730, %swap3A_2731] {strides = array<i32>} : memref<2x1100xf32, #tpu.memory_space<vmem>>, vector<16xf32>,
      tpu.vector_store %arg15[%swap3A_2730, %swap3A_2731], %get3A_2728 {strides = array<i32>} : memref<2x1100xf32, #tpu.memory_space<vmem>>, vector<16xf32>,
      %get3A_2733 = arith.constant 44 : i32
      %get3A_2734 = arith.index_cast %get3A_2733 : i32 to index
      %get3A_2735 = arith.constant 8 : index
      %get3A_2736 = tpu.vector_load %arg12[%get3A_2734, %get3A_2735] {strides = array<i32>} : memref<56x24xf32, #tpu.memory_space<vmem>>, vector<16xf32>,
      %swap3A_2737 = arith.constant 0 : i32
      %swap3A_2738 = arith.index_cast %swap3A_2737 : i32 to index
      %swap3A_2739 = arith.constant 976 : index
      %swap3A_2740 = tpu.vector_load %arg15[%swap3A_2738, %swap3A_2739] {strides = array<i32>} : memref<2x1100xf32, #tpu.memory_space<vmem>>, vector<16xf32>,
      tpu.vector_store %arg15[%swap3A_2738, %swap3A_2739], %get3A_2736 {strides = array<i32>} : memref<2x1100xf32, #tpu.memory_space<vmem>>, vector<16xf32>,
      %get3A_2741 = arith.constant 45 : i32
      %get3A_2742 = arith.index_cast %get3A_2741 : i32 to index
      %get3A_2743 = arith.constant 0 : index
      %get3A_2744 = tpu.vector_load %arg12[%get3A_2742, %get3A_2743] {strides = array<i32>} : memref<56x24xf32, #tpu.memory_space<vmem>>, vector<16xf32>,
      %swap3A_2745 = arith.constant 0 : i32
      %swap3A_2746 = arith.index_cast %swap3A_2745 : i32 to index
      %swap3A_2747 = arith.constant 990 : index
      %swap3A_2748 = tpu.vector_load %arg15[%swap3A_2746, %swap3A_2747] {strides = array<i32>} : memref<2x1100xf32, #tpu.memory_space<vmem>>, vector<16xf32>,
      tpu.vector_store %arg15[%swap3A_2746, %swap3A_2747], %get3A_2744 {strides = array<i32>} : memref<2x1100xf32, #tpu.memory_space<vmem>>, vector<16xf32>,
      %get3A_2749 = arith.constant 45 : i32
      %get3A_2750 = arith.index_cast %get3A_2749 : i32 to index
      %get3A_2751 = arith.constant 8 : index
      %get3A_2752 = tpu.vector_load %arg12[%get3A_2750, %get3A_2751] {strides = array<i32>} : memref<56x24xf32, #tpu.memory_space<vmem>>, vector<16xf32>,
      %swap3A_2753 = arith.constant 0 : i32
      %swap3A_2754 = arith.index_cast %swap3A_2753 : i32 to index
      %swap3A_2755 = arith.constant 998 : index
      %swap3A_2756 = tpu.vector_load %arg15[%swap3A_2754, %swap3A_2755] {strides = array<i32>} : memref<2x1100xf32, #tpu.memory_space<vmem>>, vector<16xf32>,
      tpu.vector_store %arg15[%swap3A_2754, %swap3A_2755], %get3A_2752 {strides = array<i32>} : memref<2x1100xf32, #tpu.memory_space<vmem>>, vector<16xf32>,
      %get3A_2757 = arith.constant 46 : i32
      %get3A_2758 = arith.index_cast %get3A_2757 : i32 to index
      %get3A_2759 = arith.constant 0 : index
      %get3A_2760 = tpu.vector_load %arg12[%get3A_2758, %get3A_2759] {strides = array<i32>} : memref<56x24xf32, #tpu.memory_space<vmem>>, vector<16xf32>,
      %swap3A_2761 = arith.constant 0 : i32
      %swap3A_2762 = arith.index_cast %swap3A_2761 : i32 to index
      %swap3A_2763 = arith.constant 1012 : index
      %swap3A_2764 = tpu.vector_load %arg15[%swap3A_2762, %swap3A_2763] {strides = array<i32>} : memref<2x1100xf32, #tpu.memory_space<vmem>>, vector<16xf32>,
      tpu.vector_store %arg15[%swap3A_2762, %swap3A_2763], %get3A_2760 {strides = array<i32>} : memref<2x1100xf32, #tpu.memory_space<vmem>>, vector<16xf32>,
      %get3A_2765 = arith.constant 46 : i32
      %get3A_2766 = arith.index_cast %get3A_2765 : i32 to index
      %get3A_2767 = arith.constant 8 : index
      %get3A_2768 = tpu.vector_load %arg12[%get3A_2766, %get3A_2767] {strides = array<i32>} : memref<56x24xf32, #tpu.memory_space<vmem>>, vector<16xf32>,
      %swap3A_2769 = arith.constant 0 : i32
      %swap3A_2770 = arith.index_cast %swap3A_2769 : i32 to index
      %swap3A_2771 = arith.constant 1020 : index
      %swap3A_2772 = tpu.vector_load %arg15[%swap3A_2770, %swap3A_2771] {strides = array<i32>} : memref<2x1100xf32, #tpu.memory_space<vmem>>, vector<16xf32>,
      tpu.vector_store %arg15[%swap3A_2770, %swap3A_2771], %get3A_2768 {strides = array<i32>} : memref<2x1100xf32, #tpu.memory_space<vmem>>, vector<16xf32>,
      %get3A_2773 = arith.constant 47 : i32
      %get3A_2774 = arith.index_cast %get3A_2773 : i32 to index
      %get3A_2775 = arith.constant 0 : index
      %get3A_2776 = tpu.vector_load %arg12[%get3A_2774, %get3A_2775] {strides = array<i32>} : memref<56x24xf32, #tpu.memory_space<vmem>>, vector<16xf32>,
      %swap3A_2777 = arith.constant 0 : i32
      %swap3A_2778 = arith.index_cast %swap3A_2777 : i32 to index
      %swap3A_2779 = arith.constant 1034 : index
      %swap3A_2780 = tpu.vector_load %arg15[%swap3A_2778, %swap3A_2779] {strides = array<i32>} : memref<2x1100xf32, #tpu.memory_space<vmem>>, vector<16xf32>,
      tpu.vector_store %arg15[%swap3A_2778, %swap3A_2779], %get3A_2776 {strides = array<i32>} : memref<2x1100xf32, #tpu.memory_space<vmem>>, vector<16xf32>,
      %get3A_2781 = arith.constant 47 : i32
      %get3A_2782 = arith.index_cast %get3A_2781 : i32 to index
      %get3A_2783 = arith.constant 8 : index
      %get3A_2784 = tpu.vector_load %arg12[%get3A_2782, %get3A_2783] {strides = array<i32>} : memref<56x24xf32, #tpu.memory_space<vmem>>, vector<16xf32>,
      %swap3A_2785 = arith.constant 0 : i32
      %swap3A_2786 = arith.index_cast %swap3A_2785 : i32 to index
      %swap3A_2787 = arith.constant 1042 : index
      %swap3A_2788 = tpu.vector_load %arg15[%swap3A_2786, %swap3A_2787] {strides = array<i32>} : memref<2x1100xf32, #tpu.memory_space<vmem>>, vector<16xf32>,
      tpu.vector_store %arg15[%swap3A_2786, %swap3A_2787], %get3A_2784 {strides = array<i32>} : memref<2x1100xf32, #tpu.memory_space<vmem>>, vector<16xf32>,
      %get3A_2789 = arith.constant 48 : i32
      %get3A_2790 = arith.index_cast %get3A_2789 : i32 to index
      %get3A_2791 = arith.constant 0 : index
      %get3A_2792 = tpu.vector_load %arg12[%get3A_2790, %get3A_2791] {strides = array<i32>} : memref<56x24xf32, #tpu.memory_space<vmem>>, vector<16xf32>,
      %swap3A_2793 = arith.constant 0 : i32
      %swap3A_2794 = arith.index_cast %swap3A_2793 : i32 to index
      %swap3A_2795 = arith.constant 1056 : index
      %swap3A_2796 = tpu.vector_load %arg15[%swap3A_2794, %swap3A_2795] {strides = array<i32>} : memref<2x1100xf32, #tpu.memory_space<vmem>>, vector<16xf32>,
      tpu.vector_store %arg15[%swap3A_2794, %swap3A_2795], %get3A_2792 {strides = array<i32>} : memref<2x1100xf32, #tpu.memory_space<vmem>>, vector<16xf32>,
      %get3A_2797 = arith.constant 48 : i32
      %get3A_2798 = arith.index_cast %get3A_2797 : i32 to index
      %get3A_2799 = arith.constant 8 : index
      %get3A_2800 = tpu.vector_load %arg12[%get3A_2798, %get3A_2799] {strides = array<i32>} : memref<56x24xf32, #tpu.memory_space<vmem>>, vector<16xf32>,
      %swap3A_2801 = arith.constant 0 : i32
      %swap3A_2802 = arith.index_cast %swap3A_2801 : i32 to index
      %swap3A_2803 = arith.constant 1064 : index
      %swap3A_2804 = tpu.vector_load %arg15[%swap3A_2802, %swap3A_2803] {strides = array<i32>} : memref<2x1100xf32, #tpu.memory_space<vmem>>, vector<16xf32>,
      tpu.vector_store %arg15[%swap3A_2802, %swap3A_2803], %get3A_2800 {strides = array<i32>} : memref<2x1100xf32, #tpu.memory_space<vmem>>, vector<16xf32>,
      %get3A_2805 = arith.constant 49 : i32
      %get3A_2806 = arith.index_cast %get3A_2805 : i32 to index
      %get3A_2807 = arith.constant 0 : index
      %get3A_2808 = tpu.vector_load %arg12[%get3A_2806, %get3A_2807] {strides = array<i32>} : memref<56x24xf32, #tpu.memory_space<vmem>>, vector<16xf32>,
      %swap3A_2809 = arith.constant 0 : i32
      %swap3A_2810 = arith.index_cast %swap3A_2809 : i32 to index
      %swap3A_2811 = arith.constant 1078 : index
      %swap3A_2812 = tpu.vector_load %arg15[%swap3A_2810, %swap3A_2811] {strides = array<i32>} : memref<2x1100xf32, #tpu.memory_space<vmem>>, vector<16xf32>,
      tpu.vector_store %arg15[%swap3A_2810, %swap3A_2811], %get3A_2808 {strides = array<i32>} : memref<2x1100xf32, #tpu.memory_space<vmem>>, vector<16xf32>,
      %get3A_2813 = arith.constant 49 : i32
      %get3A_2814 = arith.index_cast %get3A_2813 : i32 to index
      %get3A_2815 = arith.constant 6 : index
      %get3A_2816 = tpu.vector_load %arg12[%get3A_2814, %get3A_2815] {strides = array<i32>} : memref<56x24xf32, #tpu.memory_space<vmem>>, vector<16xf32>,
      %swap3A_2817 = arith.constant 0 : i32
      %swap3A_2818 = arith.index_cast %swap3A_2817 : i32 to index
      %swap3A_2819 = arith.constant 1084 : index
      %swap3A_2820 = tpu.vector_load %arg15[%swap3A_2818, %swap3A_2819] {strides = array<i32>} : memref<2x1100xf32, #tpu.memory_space<vmem>>, vector<16xf32>,
      tpu.vector_store %arg15[%swap3A_2818, %swap3A_2819], %get3A_2816 {strides = array<i32>} : memref<2x1100xf32, #tpu.memory_space<vmem>>, vector<16xf32>,
      %get3A_2821 = arith.constant 0 : i32
      %get3A_2822 = arith.index_cast %get3A_2821 : i32 to index
      %get3A_2823 = arith.constant 0 : index
      %get3A_2824 = tpu.vector_load %arg13[%get3A_2822, %get3A_2823] {strides = array<i32>} : memref<56x24xf32, #tpu.memory_space<vmem>>, vector<16xf32>,
      %swap3A_2825 = arith.constant 1 : i32
      %swap3A_2826 = arith.index_cast %swap3A_2825 : i32 to index
      %swap3A_2827 = arith.constant 0 : index
      %swap3A_2828 = tpu.vector_load %arg15[%swap3A_2826, %swap3A_2827] {strides = array<i32>} : memref<2x1100xf32, #tpu.memory_space<vmem>>, vector<16xf32>,
      tpu.vector_store %arg15[%swap3A_2826, %swap3A_2827], %get3A_2824 {strides = array<i32>} : memref<2x1100xf32, #tpu.memory_space<vmem>>, vector<16xf32>,
      %get3A_2829 = arith.constant 0 : i32
      %get3A_2830 = arith.index_cast %get3A_2829 : i32 to index
      %get3A_2831 = arith.constant 8 : index
      %get3A_2832 = tpu.vector_load %arg13[%get3A_2830, %get3A_2831] {strides = array<i32>} : memref<56x24xf32, #tpu.memory_space<vmem>>, vector<16xf32>,
      %swap3A_2833 = arith.constant 1 : i32
      %swap3A_2834 = arith.index_cast %swap3A_2833 : i32 to index
      %swap3A_2835 = arith.constant 8 : index
      %swap3A_2836 = tpu.vector_load %arg15[%swap3A_2834, %swap3A_2835] {strides = array<i32>} : memref<2x1100xf32, #tpu.memory_space<vmem>>, vector<16xf32>,
      tpu.vector_store %arg15[%swap3A_2834, %swap3A_2835], %get3A_2832 {strides = array<i32>} : memref<2x1100xf32, #tpu.memory_space<vmem>>, vector<16xf32>,
      %get3A_2837 = arith.constant 1 : i32
      %get3A_2838 = arith.index_cast %get3A_2837 : i32 to index
      %get3A_2839 = arith.constant 0 : index
      %get3A_2840 = tpu.vector_load %arg13[%get3A_2838, %get3A_2839] {strides = array<i32>} : memref<56x24xf32, #tpu.memory_space<vmem>>, vector<16xf32>,
      %swap3A_2841 = arith.constant 1 : i32
      %swap3A_2842 = arith.index_cast %swap3A_2841 : i32 to index
      %swap3A_2843 = arith.constant 22 : index
      %swap3A_2844 = tpu.vector_load %arg15[%swap3A_2842, %swap3A_2843] {strides = array<i32>} : memref<2x1100xf32, #tpu.memory_space<vmem>>, vector<16xf32>,
      tpu.vector_store %arg15[%swap3A_2842, %swap3A_2843], %get3A_2840 {strides = array<i32>} : memref<2x1100xf32, #tpu.memory_space<vmem>>, vector<16xf32>,
      %get3A_2845 = arith.constant 1 : i32
      %get3A_2846 = arith.index_cast %get3A_2845 : i32 to index
      %get3A_2847 = arith.constant 8 : index
      %get3A_2848 = tpu.vector_load %arg13[%get3A_2846, %get3A_2847] {strides = array<i32>} : memref<56x24xf32, #tpu.memory_space<vmem>>, vector<16xf32>,
      %swap3A_2849 = arith.constant 1 : i32
      %swap3A_2850 = arith.index_cast %swap3A_2849 : i32 to index
      %swap3A_2851 = arith.constant 30 : index
      %swap3A_2852 = tpu.vector_load %arg15[%swap3A_2850, %swap3A_2851] {strides = array<i32>} : memref<2x1100xf32, #tpu.memory_space<vmem>>, vector<16xf32>,
      tpu.vector_store %arg15[%swap3A_2850, %swap3A_2851], %get3A_2848 {strides = array<i32>} : memref<2x1100xf32, #tpu.memory_space<vmem>>, vector<16xf32>,
      %get3A_2853 = arith.constant 2 : i32
      %get3A_2854 = arith.index_cast %get3A_2853 : i32 to index
      %get3A_2855 = arith.constant 0 : index
      %get3A_2856 = tpu.vector_load %arg13[%get3A_2854, %get3A_2855] {strides = array<i32>} : memref<56x24xf32, #tpu.memory_space<vmem>>, vector<16xf32>,
      %swap3A_2857 = arith.constant 1 : i32
      %swap3A_2858 = arith.index_cast %swap3A_2857 : i32 to index
      %swap3A_2859 = arith.constant 44 : index
      %swap3A_2860 = tpu.vector_load %arg15[%swap3A_2858, %swap3A_2859] {strides = array<i32>} : memref<2x1100xf32, #tpu.memory_space<vmem>>, vector<16xf32>,
      tpu.vector_store %arg15[%swap3A_2858, %swap3A_2859], %get3A_2856 {strides = array<i32>} : memref<2x1100xf32, #tpu.memory_space<vmem>>, vector<16xf32>,
      %get3A_2861 = arith.constant 2 : i32
      %get3A_2862 = arith.index_cast %get3A_2861 : i32 to index
      %get3A_2863 = arith.constant 8 : index
      %get3A_2864 = tpu.vector_load %arg13[%get3A_2862, %get3A_2863] {strides = array<i32>} : memref<56x24xf32, #tpu.memory_space<vmem>>, vector<16xf32>,
      %swap3A_2865 = arith.constant 1 : i32
      %swap3A_2866 = arith.index_cast %swap3A_2865 : i32 to index
      %swap3A_2867 = arith.constant 52 : index
      %swap3A_2868 = tpu.vector_load %arg15[%swap3A_2866, %swap3A_2867] {strides = array<i32>} : memref<2x1100xf32, #tpu.memory_space<vmem>>, vector<16xf32>,
      tpu.vector_store %arg15[%swap3A_2866, %swap3A_2867], %get3A_2864 {strides = array<i32>} : memref<2x1100xf32, #tpu.memory_space<vmem>>, vector<16xf32>,
      %get3A_2869 = arith.constant 3 : i32
      %get3A_2870 = arith.index_cast %get3A_2869 : i32 to index
      %get3A_2871 = arith.constant 0 : index
      %get3A_2872 = tpu.vector_load %arg13[%get3A_2870, %get3A_2871] {strides = array<i32>} : memref<56x24xf32, #tpu.memory_space<vmem>>, vector<16xf32>,
      %swap3A_2873 = arith.constant 1 : i32
      %swap3A_2874 = arith.index_cast %swap3A_2873 : i32 to index
      %swap3A_2875 = arith.constant 66 : index
      %swap3A_2876 = tpu.vector_load %arg15[%swap3A_2874, %swap3A_2875] {strides = array<i32>} : memref<2x1100xf32, #tpu.memory_space<vmem>>, vector<16xf32>,
      tpu.vector_store %arg15[%swap3A_2874, %swap3A_2875], %get3A_2872 {strides = array<i32>} : memref<2x1100xf32, #tpu.memory_space<vmem>>, vector<16xf32>,
      %get3A_2877 = arith.constant 3 : i32
      %get3A_2878 = arith.index_cast %get3A_2877 : i32 to index
      %get3A_2879 = arith.constant 8 : index
      %get3A_2880 = tpu.vector_load %arg13[%get3A_2878, %get3A_2879] {strides = array<i32>} : memref<56x24xf32, #tpu.memory_space<vmem>>, vector<16xf32>,
      %swap3A_2881 = arith.constant 1 : i32
      %swap3A_2882 = arith.index_cast %swap3A_2881 : i32 to index
      %swap3A_2883 = arith.constant 74 : index
      %swap3A_2884 = tpu.vector_load %arg15[%swap3A_2882, %swap3A_2883] {strides = array<i32>} : memref<2x1100xf32, #tpu.memory_space<vmem>>, vector<16xf32>,
      tpu.vector_store %arg15[%swap3A_2882, %swap3A_2883], %get3A_2880 {strides = array<i32>} : memref<2x1100xf32, #tpu.memory_space<vmem>>, vector<16xf32>,
      %get3A_2885 = arith.constant 4 : i32
      %get3A_2886 = arith.index_cast %get3A_2885 : i32 to index
      %get3A_2887 = arith.constant 0 : index
      %get3A_2888 = tpu.vector_load %arg13[%get3A_2886, %get3A_2887] {strides = array<i32>} : memref<56x24xf32, #tpu.memory_space<vmem>>, vector<16xf32>,
      %swap3A_2889 = arith.constant 1 : i32
      %swap3A_2890 = arith.index_cast %swap3A_2889 : i32 to index
      %swap3A_2891 = arith.constant 88 : index
      %swap3A_2892 = tpu.vector_load %arg15[%swap3A_2890, %swap3A_2891] {strides = array<i32>} : memref<2x1100xf32, #tpu.memory_space<vmem>>, vector<16xf32>,
      tpu.vector_store %arg15[%swap3A_2890, %swap3A_2891], %get3A_2888 {strides = array<i32>} : memref<2x1100xf32, #tpu.memory_space<vmem>>, vector<16xf32>,
      %get3A_2893 = arith.constant 4 : i32
      %get3A_2894 = arith.index_cast %get3A_2893 : i32 to index
      %get3A_2895 = arith.constant 8 : index
      %get3A_2896 = tpu.vector_load %arg13[%get3A_2894, %get3A_2895] {strides = array<i32>} : memref<56x24xf32, #tpu.memory_space<vmem>>, vector<16xf32>,
      %swap3A_2897 = arith.constant 1 : i32
      %swap3A_2898 = arith.index_cast %swap3A_2897 : i32 to index
      %swap3A_2899 = arith.constant 96 : index
      %swap3A_2900 = tpu.vector_load %arg15[%swap3A_2898, %swap3A_2899] {strides = array<i32>} : memref<2x1100xf32, #tpu.memory_space<vmem>>, vector<16xf32>,
      tpu.vector_store %arg15[%swap3A_2898, %swap3A_2899], %get3A_2896 {strides = array<i32>} : memref<2x1100xf32, #tpu.memory_space<vmem>>, vector<16xf32>,
      %get3A_2901 = arith.constant 5 : i32
      %get3A_2902 = arith.index_cast %get3A_2901 : i32 to index
      %get3A_2903 = arith.constant 0 : index
      %get3A_2904 = tpu.vector_load %arg13[%get3A_2902, %get3A_2903] {strides = array<i32>} : memref<56x24xf32, #tpu.memory_space<vmem>>, vector<16xf32>,
      %swap3A_2905 = arith.constant 1 : i32
      %swap3A_2906 = arith.index_cast %swap3A_2905 : i32 to index
      %swap3A_2907 = arith.constant 110 : index
      %swap3A_2908 = tpu.vector_load %arg15[%swap3A_2906, %swap3A_2907] {strides = array<i32>} : memref<2x1100xf32, #tpu.memory_space<vmem>>, vector<16xf32>,
      tpu.vector_store %arg15[%swap3A_2906, %swap3A_2907], %get3A_2904 {strides = array<i32>} : memref<2x1100xf32, #tpu.memory_space<vmem>>, vector<16xf32>,
      %get3A_2909 = arith.constant 5 : i32
      %get3A_2910 = arith.index_cast %get3A_2909 : i32 to index
      %get3A_2911 = arith.constant 8 : index
      %get3A_2912 = tpu.vector_load %arg13[%get3A_2910, %get3A_2911] {strides = array<i32>} : memref<56x24xf32, #tpu.memory_space<vmem>>, vector<16xf32>,
      %swap3A_2913 = arith.constant 1 : i32
      %swap3A_2914 = arith.index_cast %swap3A_2913 : i32 to index
      %swap3A_2915 = arith.constant 118 : index
      %swap3A_2916 = tpu.vector_load %arg15[%swap3A_2914, %swap3A_2915] {strides = array<i32>} : memref<2x1100xf32, #tpu.memory_space<vmem>>, vector<16xf32>,
      tpu.vector_store %arg15[%swap3A_2914, %swap3A_2915], %get3A_2912 {strides = array<i32>} : memref<2x1100xf32, #tpu.memory_space<vmem>>, vector<16xf32>,
      %get3A_2917 = arith.constant 6 : i32
      %get3A_2918 = arith.index_cast %get3A_2917 : i32 to index
      %get3A_2919 = arith.constant 0 : index
      %get3A_2920 = tpu.vector_load %arg13[%get3A_2918, %get3A_2919] {strides = array<i32>} : memref<56x24xf32, #tpu.memory_space<vmem>>, vector<16xf32>,
      %swap3A_2921 = arith.constant 1 : i32
      %swap3A_2922 = arith.index_cast %swap3A_2921 : i32 to index
      %swap3A_2923 = arith.constant 132 : index
      %swap3A_2924 = tpu.vector_load %arg15[%swap3A_2922, %swap3A_2923] {strides = array<i32>} : memref<2x1100xf32, #tpu.memory_space<vmem>>, vector<16xf32>,
      tpu.vector_store %arg15[%swap3A_2922, %swap3A_2923], %get3A_2920 {strides = array<i32>} : memref<2x1100xf32, #tpu.memory_space<vmem>>, vector<16xf32>,
      %get3A_2925 = arith.constant 6 : i32
      %get3A_2926 = arith.index_cast %get3A_2925 : i32 to index
      %get3A_2927 = arith.constant 8 : index
      %get3A_2928 = tpu.vector_load %arg13[%get3A_2926, %get3A_2927] {strides = array<i32>} : memref<56x24xf32, #tpu.memory_space<vmem>>, vector<16xf32>,
      %swap3A_2929 = arith.constant 1 : i32
      %swap3A_2930 = arith.index_cast %swap3A_2929 : i32 to index
      %swap3A_2931 = arith.constant 140 : index
      %swap3A_2932 = tpu.vector_load %arg15[%swap3A_2930, %swap3A_2931] {strides = array<i32>} : memref<2x1100xf32, #tpu.memory_space<vmem>>, vector<16xf32>,
      tpu.vector_store %arg15[%swap3A_2930, %swap3A_2931], %get3A_2928 {strides = array<i32>} : memref<2x1100xf32, #tpu.memory_space<vmem>>, vector<16xf32>,
      %get3A_2933 = arith.constant 7 : i32
      %get3A_2934 = arith.index_cast %get3A_2933 : i32 to index
      %get3A_2935 = arith.constant 0 : index
      %get3A_2936 = tpu.vector_load %arg13[%get3A_2934, %get3A_2935] {strides = array<i32>} : memref<56x24xf32, #tpu.memory_space<vmem>>, vector<16xf32>,
      %swap3A_2937 = arith.constant 1 : i32
      %swap3A_2938 = arith.index_cast %swap3A_2937 : i32 to index
      %swap3A_2939 = arith.constant 154 : index
      %swap3A_2940 = tpu.vector_load %arg15[%swap3A_2938, %swap3A_2939] {strides = array<i32>} : memref<2x1100xf32, #tpu.memory_space<vmem>>, vector<16xf32>,
      tpu.vector_store %arg15[%swap3A_2938, %swap3A_2939], %get3A_2936 {strides = array<i32>} : memref<2x1100xf32, #tpu.memory_space<vmem>>, vector<16xf32>,
      %get3A_2941 = arith.constant 7 : i32
      %get3A_2942 = arith.index_cast %get3A_2941 : i32 to index
      %get3A_2943 = arith.constant 8 : index
      %get3A_2944 = tpu.vector_load %arg13[%get3A_2942, %get3A_2943] {strides = array<i32>} : memref<56x24xf32, #tpu.memory_space<vmem>>, vector<16xf32>,
      %swap3A_2945 = arith.constant 1 : i32
      %swap3A_2946 = arith.index_cast %swap3A_2945 : i32 to index
      %swap3A_2947 = arith.constant 162 : index
      %swap3A_2948 = tpu.vector_load %arg15[%swap3A_2946, %swap3A_2947] {strides = array<i32>} : memref<2x1100xf32, #tpu.memory_space<vmem>>, vector<16xf32>,
      tpu.vector_store %arg15[%swap3A_2946, %swap3A_2947], %get3A_2944 {strides = array<i32>} : memref<2x1100xf32, #tpu.memory_space<vmem>>, vector<16xf32>,
      %get3A_2949 = arith.constant 8 : i32
      %get3A_2950 = arith.index_cast %get3A_2949 : i32 to index
      %get3A_2951 = arith.constant 0 : index
      %get3A_2952 = tpu.vector_load %arg13[%get3A_2950, %get3A_2951] {strides = array<i32>} : memref<56x24xf32, #tpu.memory_space<vmem>>, vector<16xf32>,
      %swap3A_2953 = arith.constant 1 : i32
      %swap3A_2954 = arith.index_cast %swap3A_2953 : i32 to index
      %swap3A_2955 = arith.constant 176 : index
      %swap3A_2956 = tpu.vector_load %arg15[%swap3A_2954, %swap3A_2955] {strides = array<i32>} : memref<2x1100xf32, #tpu.memory_space<vmem>>, vector<16xf32>,
      tpu.vector_store %arg15[%swap3A_2954, %swap3A_2955], %get3A_2952 {strides = array<i32>} : memref<2x1100xf32, #tpu.memory_space<vmem>>, vector<16xf32>,
      %get3A_2957 = arith.constant 8 : i32
      %get3A_2958 = arith.index_cast %get3A_2957 : i32 to index
      %get3A_2959 = arith.constant 8 : index
      %get3A_2960 = tpu.vector_load %arg13[%get3A_2958, %get3A_2959] {strides = array<i32>} : memref<56x24xf32, #tpu.memory_space<vmem>>, vector<16xf32>,
      %swap3A_2961 = arith.constant 1 : i32
      %swap3A_2962 = arith.index_cast %swap3A_2961 : i32 to index
      %swap3A_2963 = arith.constant 184 : index
      %swap3A_2964 = tpu.vector_load %arg15[%swap3A_2962, %swap3A_2963] {strides = array<i32>} : memref<2x1100xf32, #tpu.memory_space<vmem>>, vector<16xf32>,
      tpu.vector_store %arg15[%swap3A_2962, %swap3A_2963], %get3A_2960 {strides = array<i32>} : memref<2x1100xf32, #tpu.memory_space<vmem>>, vector<16xf32>,
      %get3A_2965 = arith.constant 9 : i32
      %get3A_2966 = arith.index_cast %get3A_2965 : i32 to index
      %get3A_2967 = arith.constant 0 : index
      %get3A_2968 = tpu.vector_load %arg13[%get3A_2966, %get3A_2967] {strides = array<i32>} : memref<56x24xf32, #tpu.memory_space<vmem>>, vector<16xf32>,
      %swap3A_2969 = arith.constant 1 : i32
      %swap3A_2970 = arith.index_cast %swap3A_2969 : i32 to index
      %swap3A_2971 = arith.constant 198 : index
      %swap3A_2972 = tpu.vector_load %arg15[%swap3A_2970, %swap3A_2971] {strides = array<i32>} : memref<2x1100xf32, #tpu.memory_space<vmem>>, vector<16xf32>,
      tpu.vector_store %arg15[%swap3A_2970, %swap3A_2971], %get3A_2968 {strides = array<i32>} : memref<2x1100xf32, #tpu.memory_space<vmem>>, vector<16xf32>,
      %get3A_2973 = arith.constant 9 : i32
      %get3A_2974 = arith.index_cast %get3A_2973 : i32 to index
      %get3A_2975 = arith.constant 8 : index
      %get3A_2976 = tpu.vector_load %arg13[%get3A_2974, %get3A_2975] {strides = array<i32>} : memref<56x24xf32, #tpu.memory_space<vmem>>, vector<16xf32>,
      %swap3A_2977 = arith.constant 1 : i32
      %swap3A_2978 = arith.index_cast %swap3A_2977 : i32 to index
      %swap3A_2979 = arith.constant 206 : index
      %swap3A_2980 = tpu.vector_load %arg15[%swap3A_2978, %swap3A_2979] {strides = array<i32>} : memref<2x1100xf32, #tpu.memory_space<vmem>>, vector<16xf32>,
      tpu.vector_store %arg15[%swap3A_2978, %swap3A_2979], %get3A_2976 {strides = array<i32>} : memref<2x1100xf32, #tpu.memory_space<vmem>>, vector<16xf32>,
      %get3A_2981 = arith.constant 10 : i32
      %get3A_2982 = arith.index_cast %get3A_2981 : i32 to index
      %get3A_2983 = arith.constant 0 : index
      %get3A_2984 = tpu.vector_load %arg13[%get3A_2982, %get3A_2983] {strides = array<i32>} : memref<56x24xf32, #tpu.memory_space<vmem>>, vector<16xf32>,
      %swap3A_2985 = arith.constant 1 : i32
      %swap3A_2986 = arith.index_cast %swap3A_2985 : i32 to index
      %swap3A_2987 = arith.constant 220 : index
      %swap3A_2988 = tpu.vector_load %arg15[%swap3A_2986, %swap3A_2987] {strides = array<i32>} : memref<2x1100xf32, #tpu.memory_space<vmem>>, vector<16xf32>,
      tpu.vector_store %arg15[%swap3A_2986, %swap3A_2987], %get3A_2984 {strides = array<i32>} : memref<2x1100xf32, #tpu.memory_space<vmem>>, vector<16xf32>,
      %get3A_2989 = arith.constant 10 : i32
      %get3A_2990 = arith.index_cast %get3A_2989 : i32 to index
      %get3A_2991 = arith.constant 8 : index
      %get3A_2992 = tpu.vector_load %arg13[%get3A_2990, %get3A_2991] {strides = array<i32>} : memref<56x24xf32, #tpu.memory_space<vmem>>, vector<16xf32>,
      %swap3A_2993 = arith.constant 1 : i32
      %swap3A_2994 = arith.index_cast %swap3A_2993 : i32 to index
      %swap3A_2995 = arith.constant 228 : index
      %swap3A_2996 = tpu.vector_load %arg15[%swap3A_2994, %swap3A_2995] {strides = array<i32>} : memref<2x1100xf32, #tpu.memory_space<vmem>>, vector<16xf32>,
      tpu.vector_store %arg15[%swap3A_2994, %swap3A_2995], %get3A_2992 {strides = array<i32>} : memref<2x1100xf32, #tpu.memory_space<vmem>>, vector<16xf32>,
      %get3A_2997 = arith.constant 11 : i32
      %get3A_2998 = arith.index_cast %get3A_2997 : i32 to index
      %get3A_2999 = arith.constant 0 : index
      %get3A_3000 = tpu.vector_load %arg13[%get3A_2998, %get3A_2999] {strides = array<i32>} : memref<56x24xf32, #tpu.memory_space<vmem>>, vector<16xf32>,
      %swap3A_3001 = arith.constant 1 : i32
      %swap3A_3002 = arith.index_cast %swap3A_3001 : i32 to index
      %swap3A_3003 = arith.constant 242 : index
      %swap3A_3004 = tpu.vector_load %arg15[%swap3A_3002, %swap3A_3003] {strides = array<i32>} : memref<2x1100xf32, #tpu.memory_space<vmem>>, vector<16xf32>,
      tpu.vector_store %arg15[%swap3A_3002, %swap3A_3003], %get3A_3000 {strides = array<i32>} : memref<2x1100xf32, #tpu.memory_space<vmem>>, vector<16xf32>,
      %get3A_3005 = arith.constant 11 : i32
      %get3A_3006 = arith.index_cast %get3A_3005 : i32 to index
      %get3A_3007 = arith.constant 8 : index
      %get3A_3008 = tpu.vector_load %arg13[%get3A_3006, %get3A_3007] {strides = array<i32>} : memref<56x24xf32, #tpu.memory_space<vmem>>, vector<16xf32>,
      %swap3A_3009 = arith.constant 1 : i32
      %swap3A_3010 = arith.index_cast %swap3A_3009 : i32 to index
      %swap3A_3011 = arith.constant 250 : index
      %swap3A_3012 = tpu.vector_load %arg15[%swap3A_3010, %swap3A_3011] {strides = array<i32>} : memref<2x1100xf32, #tpu.memory_space<vmem>>, vector<16xf32>,
      tpu.vector_store %arg15[%swap3A_3010, %swap3A_3011], %get3A_3008 {strides = array<i32>} : memref<2x1100xf32, #tpu.memory_space<vmem>>, vector<16xf32>,
      %get3A_3013 = arith.constant 12 : i32
      %get3A_3014 = arith.index_cast %get3A_3013 : i32 to index
      %get3A_3015 = arith.constant 0 : index
      %get3A_3016 = tpu.vector_load %arg13[%get3A_3014, %get3A_3015] {strides = array<i32>} : memref<56x24xf32, #tpu.memory_space<vmem>>, vector<16xf32>,
      %swap3A_3017 = arith.constant 1 : i32
      %swap3A_3018 = arith.index_cast %swap3A_3017 : i32 to index
      %swap3A_3019 = arith.constant 264 : index
      %swap3A_3020 = tpu.vector_load %arg15[%swap3A_3018, %swap3A_3019] {strides = array<i32>} : memref<2x1100xf32, #tpu.memory_space<vmem>>, vector<16xf32>,
      tpu.vector_store %arg15[%swap3A_3018, %swap3A_3019], %get3A_3016 {strides = array<i32>} : memref<2x1100xf32, #tpu.memory_space<vmem>>, vector<16xf32>,
      %get3A_3021 = arith.constant 12 : i32
      %get3A_3022 = arith.index_cast %get3A_3021 : i32 to index
      %get3A_3023 = arith.constant 8 : index
      %get3A_3024 = tpu.vector_load %arg13[%get3A_3022, %get3A_3023] {strides = array<i32>} : memref<56x24xf32, #tpu.memory_space<vmem>>, vector<16xf32>,
      %swap3A_3025 = arith.constant 1 : i32
      %swap3A_3026 = arith.index_cast %swap3A_3025 : i32 to index
      %swap3A_3027 = arith.constant 272 : index
      %swap3A_3028 = tpu.vector_load %arg15[%swap3A_3026, %swap3A_3027] {strides = array<i32>} : memref<2x1100xf32, #tpu.memory_space<vmem>>, vector<16xf32>,
      tpu.vector_store %arg15[%swap3A_3026, %swap3A_3027], %get3A_3024 {strides = array<i32>} : memref<2x1100xf32, #tpu.memory_space<vmem>>, vector<16xf32>,
      %get3A_3029 = arith.constant 13 : i32
      %get3A_3030 = arith.index_cast %get3A_3029 : i32 to index
      %get3A_3031 = arith.constant 0 : index
      %get3A_3032 = tpu.vector_load %arg13[%get3A_3030, %get3A_3031] {strides = array<i32>} : memref<56x24xf32, #tpu.memory_space<vmem>>, vector<16xf32>,
      %swap3A_3033 = arith.constant 1 : i32
      %swap3A_3034 = arith.index_cast %swap3A_3033 : i32 to index
      %swap3A_3035 = arith.constant 286 : index
      %swap3A_3036 = tpu.vector_load %arg15[%swap3A_3034, %swap3A_3035] {strides = array<i32>} : memref<2x1100xf32, #tpu.memory_space<vmem>>, vector<16xf32>,
      tpu.vector_store %arg15[%swap3A_3034, %swap3A_3035], %get3A_3032 {strides = array<i32>} : memref<2x1100xf32, #tpu.memory_space<vmem>>, vector<16xf32>,
      %get3A_3037 = arith.constant 13 : i32
      %get3A_3038 = arith.index_cast %get3A_3037 : i32 to index
      %get3A_3039 = arith.constant 8 : index
      %get3A_3040 = tpu.vector_load %arg13[%get3A_3038, %get3A_3039] {strides = array<i32>} : memref<56x24xf32, #tpu.memory_space<vmem>>, vector<16xf32>,
      %swap3A_3041 = arith.constant 1 : i32
      %swap3A_3042 = arith.index_cast %swap3A_3041 : i32 to index
      %swap3A_3043 = arith.constant 294 : index
      %swap3A_3044 = tpu.vector_load %arg15[%swap3A_3042, %swap3A_3043] {strides = array<i32>} : memref<2x1100xf32, #tpu.memory_space<vmem>>, vector<16xf32>,
      tpu.vector_store %arg15[%swap3A_3042, %swap3A_3043], %get3A_3040 {strides = array<i32>} : memref<2x1100xf32, #tpu.memory_space<vmem>>, vector<16xf32>,
      %get3A_3045 = arith.constant 14 : i32
      %get3A_3046 = arith.index_cast %get3A_3045 : i32 to index
      %get3A_3047 = arith.constant 0 : index
      %get3A_3048 = tpu.vector_load %arg13[%get3A_3046, %get3A_3047] {strides = array<i32>} : memref<56x24xf32, #tpu.memory_space<vmem>>, vector<16xf32>,
      %swap3A_3049 = arith.constant 1 : i32
      %swap3A_3050 = arith.index_cast %swap3A_3049 : i32 to index
      %swap3A_3051 = arith.constant 308 : index
      %swap3A_3052 = tpu.vector_load %arg15[%swap3A_3050, %swap3A_3051] {strides = array<i32>} : memref<2x1100xf32, #tpu.memory_space<vmem>>, vector<16xf32>,
      tpu.vector_store %arg15[%swap3A_3050, %swap3A_3051], %get3A_3048 {strides = array<i32>} : memref<2x1100xf32, #tpu.memory_space<vmem>>, vector<16xf32>,
      %get3A_3053 = arith.constant 14 : i32
      %get3A_3054 = arith.index_cast %get3A_3053 : i32 to index
      %get3A_3055 = arith.constant 8 : index
      %get3A_3056 = tpu.vector_load %arg13[%get3A_3054, %get3A_3055] {strides = array<i32>} : memref<56x24xf32, #tpu.memory_space<vmem>>, vector<16xf32>,
      %swap3A_3057 = arith.constant 1 : i32
      %swap3A_3058 = arith.index_cast %swap3A_3057 : i32 to index
      %swap3A_3059 = arith.constant 316 : index
      %swap3A_3060 = tpu.vector_load %arg15[%swap3A_3058, %swap3A_3059] {strides = array<i32>} : memref<2x1100xf32, #tpu.memory_space<vmem>>, vector<16xf32>,
      tpu.vector_store %arg15[%swap3A_3058, %swap3A_3059], %get3A_3056 {strides = array<i32>} : memref<2x1100xf32, #tpu.memory_space<vmem>>, vector<16xf32>,
      %get3A_3061 = arith.constant 15 : i32
      %get3A_3062 = arith.index_cast %get3A_3061 : i32 to index
      %get3A_3063 = arith.constant 0 : index
      %get3A_3064 = tpu.vector_load %arg13[%get3A_3062, %get3A_3063] {strides = array<i32>} : memref<56x24xf32, #tpu.memory_space<vmem>>, vector<16xf32>,
      %swap3A_3065 = arith.constant 1 : i32
      %swap3A_3066 = arith.index_cast %swap3A_3065 : i32 to index
      %swap3A_3067 = arith.constant 330 : index
      %swap3A_3068 = tpu.vector_load %arg15[%swap3A_3066, %swap3A_3067] {strides = array<i32>} : memref<2x1100xf32, #tpu.memory_space<vmem>>, vector<16xf32>,
      tpu.vector_store %arg15[%swap3A_3066, %swap3A_3067], %get3A_3064 {strides = array<i32>} : memref<2x1100xf32, #tpu.memory_space<vmem>>, vector<16xf32>,
      %get3A_3069 = arith.constant 15 : i32
      %get3A_3070 = arith.index_cast %get3A_3069 : i32 to index
      %get3A_3071 = arith.constant 8 : index
      %get3A_3072 = tpu.vector_load %arg13[%get3A_3070, %get3A_3071] {strides = array<i32>} : memref<56x24xf32, #tpu.memory_space<vmem>>, vector<16xf32>,
      %swap3A_3073 = arith.constant 1 : i32
      %swap3A_3074 = arith.index_cast %swap3A_3073 : i32 to index
      %swap3A_3075 = arith.constant 338 : index
      %swap3A_3076 = tpu.vector_load %arg15[%swap3A_3074, %swap3A_3075] {strides = array<i32>} : memref<2x1100xf32, #tpu.memory_space<vmem>>, vector<16xf32>,
      tpu.vector_store %arg15[%swap3A_3074, %swap3A_3075], %get3A_3072 {strides = array<i32>} : memref<2x1100xf32, #tpu.memory_space<vmem>>, vector<16xf32>,
      %get3A_3077 = arith.constant 16 : i32
      %get3A_3078 = arith.index_cast %get3A_3077 : i32 to index
      %get3A_3079 = arith.constant 0 : index
      %get3A_3080 = tpu.vector_load %arg13[%get3A_3078, %get3A_3079] {strides = array<i32>} : memref<56x24xf32, #tpu.memory_space<vmem>>, vector<16xf32>,
      %swap3A_3081 = arith.constant 1 : i32
      %swap3A_3082 = arith.index_cast %swap3A_3081 : i32 to index
      %swap3A_3083 = arith.constant 352 : index
      %swap3A_3084 = tpu.vector_load %arg15[%swap3A_3082, %swap3A_3083] {strides = array<i32>} : memref<2x1100xf32, #tpu.memory_space<vmem>>, vector<16xf32>,
      tpu.vector_store %arg15[%swap3A_3082, %swap3A_3083], %get3A_3080 {strides = array<i32>} : memref<2x1100xf32, #tpu.memory_space<vmem>>, vector<16xf32>,
      %get3A_3085 = arith.constant 16 : i32
      %get3A_3086 = arith.index_cast %get3A_3085 : i32 to index
      %get3A_3087 = arith.constant 8 : index
      %get3A_3088 = tpu.vector_load %arg13[%get3A_3086, %get3A_3087] {strides = array<i32>} : memref<56x24xf32, #tpu.memory_space<vmem>>, vector<16xf32>,
      %swap3A_3089 = arith.constant 1 : i32
      %swap3A_3090 = arith.index_cast %swap3A_3089 : i32 to index
      %swap3A_3091 = arith.constant 360 : index
      %swap3A_3092 = tpu.vector_load %arg15[%swap3A_3090, %swap3A_3091] {strides = array<i32>} : memref<2x1100xf32, #tpu.memory_space<vmem>>, vector<16xf32>,
      tpu.vector_store %arg15[%swap3A_3090, %swap3A_3091], %get3A_3088 {strides = array<i32>} : memref<2x1100xf32, #tpu.memory_space<vmem>>, vector<16xf32>,
      %get3A_3093 = arith.constant 17 : i32
      %get3A_3094 = arith.index_cast %get3A_3093 : i32 to index
      %get3A_3095 = arith.constant 0 : index
      %get3A_3096 = tpu.vector_load %arg13[%get3A_3094, %get3A_3095] {strides = array<i32>} : memref<56x24xf32, #tpu.memory_space<vmem>>, vector<16xf32>,
      %swap3A_3097 = arith.constant 1 : i32
      %swap3A_3098 = arith.index_cast %swap3A_3097 : i32 to index
      %swap3A_3099 = arith.constant 374 : index
      %swap3A_3100 = tpu.vector_load %arg15[%swap3A_3098, %swap3A_3099] {strides = array<i32>} : memref<2x1100xf32, #tpu.memory_space<vmem>>, vector<16xf32>,
      tpu.vector_store %arg15[%swap3A_3098, %swap3A_3099], %get3A_3096 {strides = array<i32>} : memref<2x1100xf32, #tpu.memory_space<vmem>>, vector<16xf32>,
      %get3A_3101 = arith.constant 17 : i32
      %get3A_3102 = arith.index_cast %get3A_3101 : i32 to index
      %get3A_3103 = arith.constant 8 : index
      %get3A_3104 = tpu.vector_load %arg13[%get3A_3102, %get3A_3103] {strides = array<i32>} : memref<56x24xf32, #tpu.memory_space<vmem>>, vector<16xf32>,
      %swap3A_3105 = arith.constant 1 : i32
      %swap3A_3106 = arith.index_cast %swap3A_3105 : i32 to index
      %swap3A_3107 = arith.constant 382 : index
      %swap3A_3108 = tpu.vector_load %arg15[%swap3A_3106, %swap3A_3107] {strides = array<i32>} : memref<2x1100xf32, #tpu.memory_space<vmem>>, vector<16xf32>,
      tpu.vector_store %arg15[%swap3A_3106, %swap3A_3107], %get3A_3104 {strides = array<i32>} : memref<2x1100xf32, #tpu.memory_space<vmem>>, vector<16xf32>,
      %get3A_3109 = arith.constant 18 : i32
      %get3A_3110 = arith.index_cast %get3A_3109 : i32 to index
      %get3A_3111 = arith.constant 0 : index
      %get3A_3112 = tpu.vector_load %arg13[%get3A_3110, %get3A_3111] {strides = array<i32>} : memref<56x24xf32, #tpu.memory_space<vmem>>, vector<16xf32>,
      %swap3A_3113 = arith.constant 1 : i32
      %swap3A_3114 = arith.index_cast %swap3A_3113 : i32 to index
      %swap3A_3115 = arith.constant 396 : index
      %swap3A_3116 = tpu.vector_load %arg15[%swap3A_3114, %swap3A_3115] {strides = array<i32>} : memref<2x1100xf32, #tpu.memory_space<vmem>>, vector<16xf32>,
      tpu.vector_store %arg15[%swap3A_3114, %swap3A_3115], %get3A_3112 {strides = array<i32>} : memref<2x1100xf32, #tpu.memory_space<vmem>>, vector<16xf32>,
      %get3A_3117 = arith.constant 18 : i32
      %get3A_3118 = arith.index_cast %get3A_3117 : i32 to index
      %get3A_3119 = arith.constant 8 : index
      %get3A_3120 = tpu.vector_load %arg13[%get3A_3118, %get3A_3119] {strides = array<i32>} : memref<56x24xf32, #tpu.memory_space<vmem>>, vector<16xf32>,
      %swap3A_3121 = arith.constant 1 : i32
      %swap3A_3122 = arith.index_cast %swap3A_3121 : i32 to index
      %swap3A_3123 = arith.constant 404 : index
      %swap3A_3124 = tpu.vector_load %arg15[%swap3A_3122, %swap3A_3123] {strides = array<i32>} : memref<2x1100xf32, #tpu.memory_space<vmem>>, vector<16xf32>,
      tpu.vector_store %arg15[%swap3A_3122, %swap3A_3123], %get3A_3120 {strides = array<i32>} : memref<2x1100xf32, #tpu.memory_space<vmem>>, vector<16xf32>,
      %get3A_3125 = arith.constant 19 : i32
      %get3A_3126 = arith.index_cast %get3A_3125 : i32 to index
      %get3A_3127 = arith.constant 0 : index
      %get3A_3128 = tpu.vector_load %arg13[%get3A_3126, %get3A_3127] {strides = array<i32>} : memref<56x24xf32, #tpu.memory_space<vmem>>, vector<16xf32>,
      %swap3A_3129 = arith.constant 1 : i32
      %swap3A_3130 = arith.index_cast %swap3A_3129 : i32 to index
      %swap3A_3131 = arith.constant 418 : index
      %swap3A_3132 = tpu.vector_load %arg15[%swap3A_3130, %swap3A_3131] {strides = array<i32>} : memref<2x1100xf32, #tpu.memory_space<vmem>>, vector<16xf32>,
      tpu.vector_store %arg15[%swap3A_3130, %swap3A_3131], %get3A_3128 {strides = array<i32>} : memref<2x1100xf32, #tpu.memory_space<vmem>>, vector<16xf32>,
      %get3A_3133 = arith.constant 19 : i32
      %get3A_3134 = arith.index_cast %get3A_3133 : i32 to index
      %get3A_3135 = arith.constant 8 : index
      %get3A_3136 = tpu.vector_load %arg13[%get3A_3134, %get3A_3135] {strides = array<i32>} : memref<56x24xf32, #tpu.memory_space<vmem>>, vector<16xf32>,
      %swap3A_3137 = arith.constant 1 : i32
      %swap3A_3138 = arith.index_cast %swap3A_3137 : i32 to index
      %swap3A_3139 = arith.constant 426 : index
      %swap3A_3140 = tpu.vector_load %arg15[%swap3A_3138, %swap3A_3139] {strides = array<i32>} : memref<2x1100xf32, #tpu.memory_space<vmem>>, vector<16xf32>,
      tpu.vector_store %arg15[%swap3A_3138, %swap3A_3139], %get3A_3136 {strides = array<i32>} : memref<2x1100xf32, #tpu.memory_space<vmem>>, vector<16xf32>,
      %get3A_3141 = arith.constant 20 : i32
      %get3A_3142 = arith.index_cast %get3A_3141 : i32 to index
      %get3A_3143 = arith.constant 0 : index
      %get3A_3144 = tpu.vector_load %arg13[%get3A_3142, %get3A_3143] {strides = array<i32>} : memref<56x24xf32, #tpu.memory_space<vmem>>, vector<16xf32>,
      %swap3A_3145 = arith.constant 1 : i32
      %swap3A_3146 = arith.index_cast %swap3A_3145 : i32 to index
      %swap3A_3147 = arith.constant 440 : index
      %swap3A_3148 = tpu.vector_load %arg15[%swap3A_3146, %swap3A_3147] {strides = array<i32>} : memref<2x1100xf32, #tpu.memory_space<vmem>>, vector<16xf32>,
      tpu.vector_store %arg15[%swap3A_3146, %swap3A_3147], %get3A_3144 {strides = array<i32>} : memref<2x1100xf32, #tpu.memory_space<vmem>>, vector<16xf32>,
      %get3A_3149 = arith.constant 20 : i32
      %get3A_3150 = arith.index_cast %get3A_3149 : i32 to index
      %get3A_3151 = arith.constant 8 : index
      %get3A_3152 = tpu.vector_load %arg13[%get3A_3150, %get3A_3151] {strides = array<i32>} : memref<56x24xf32, #tpu.memory_space<vmem>>, vector<16xf32>,
      %swap3A_3153 = arith.constant 1 : i32
      %swap3A_3154 = arith.index_cast %swap3A_3153 : i32 to index
      %swap3A_3155 = arith.constant 448 : index
      %swap3A_3156 = tpu.vector_load %arg15[%swap3A_3154, %swap3A_3155] {strides = array<i32>} : memref<2x1100xf32, #tpu.memory_space<vmem>>, vector<16xf32>,
      tpu.vector_store %arg15[%swap3A_3154, %swap3A_3155], %get3A_3152 {strides = array<i32>} : memref<2x1100xf32, #tpu.memory_space<vmem>>, vector<16xf32>,
      %get3A_3157 = arith.constant 21 : i32
      %get3A_3158 = arith.index_cast %get3A_3157 : i32 to index
      %get3A_3159 = arith.constant 0 : index
      %get3A_3160 = tpu.vector_load %arg13[%get3A_3158, %get3A_3159] {strides = array<i32>} : memref<56x24xf32, #tpu.memory_space<vmem>>, vector<16xf32>,
      %swap3A_3161 = arith.constant 1 : i32
      %swap3A_3162 = arith.index_cast %swap3A_3161 : i32 to index
      %swap3A_3163 = arith.constant 462 : index
      %swap3A_3164 = tpu.vector_load %arg15[%swap3A_3162, %swap3A_3163] {strides = array<i32>} : memref<2x1100xf32, #tpu.memory_space<vmem>>, vector<16xf32>,
      tpu.vector_store %arg15[%swap3A_3162, %swap3A_3163], %get3A_3160 {strides = array<i32>} : memref<2x1100xf32, #tpu.memory_space<vmem>>, vector<16xf32>,
      %get3A_3165 = arith.constant 21 : i32
      %get3A_3166 = arith.index_cast %get3A_3165 : i32 to index
      %get3A_3167 = arith.constant 8 : index
      %get3A_3168 = tpu.vector_load %arg13[%get3A_3166, %get3A_3167] {strides = array<i32>} : memref<56x24xf32, #tpu.memory_space<vmem>>, vector<16xf32>,
      %swap3A_3169 = arith.constant 1 : i32
      %swap3A_3170 = arith.index_cast %swap3A_3169 : i32 to index
      %swap3A_3171 = arith.constant 470 : index
      %swap3A_3172 = tpu.vector_load %arg15[%swap3A_3170, %swap3A_3171] {strides = array<i32>} : memref<2x1100xf32, #tpu.memory_space<vmem>>, vector<16xf32>,
      tpu.vector_store %arg15[%swap3A_3170, %swap3A_3171], %get3A_3168 {strides = array<i32>} : memref<2x1100xf32, #tpu.memory_space<vmem>>, vector<16xf32>,
      %get3A_3173 = arith.constant 22 : i32
      %get3A_3174 = arith.index_cast %get3A_3173 : i32 to index
      %get3A_3175 = arith.constant 0 : index
      %get3A_3176 = tpu.vector_load %arg13[%get3A_3174, %get3A_3175] {strides = array<i32>} : memref<56x24xf32, #tpu.memory_space<vmem>>, vector<16xf32>,
      %swap3A_3177 = arith.constant 1 : i32
      %swap3A_3178 = arith.index_cast %swap3A_3177 : i32 to index
      %swap3A_3179 = arith.constant 484 : index
      %swap3A_3180 = tpu.vector_load %arg15[%swap3A_3178, %swap3A_3179] {strides = array<i32>} : memref<2x1100xf32, #tpu.memory_space<vmem>>, vector<16xf32>,
      tpu.vector_store %arg15[%swap3A_3178, %swap3A_3179], %get3A_3176 {strides = array<i32>} : memref<2x1100xf32, #tpu.memory_space<vmem>>, vector<16xf32>,
      %get3A_3181 = arith.constant 22 : i32
      %get3A_3182 = arith.index_cast %get3A_3181 : i32 to index
      %get3A_3183 = arith.constant 8 : index
      %get3A_3184 = tpu.vector_load %arg13[%get3A_3182, %get3A_3183] {strides = array<i32>} : memref<56x24xf32, #tpu.memory_space<vmem>>, vector<16xf32>,
      %swap3A_3185 = arith.constant 1 : i32
      %swap3A_3186 = arith.index_cast %swap3A_3185 : i32 to index
      %swap3A_3187 = arith.constant 492 : index
      %swap3A_3188 = tpu.vector_load %arg15[%swap3A_3186, %swap3A_3187] {strides = array<i32>} : memref<2x1100xf32, #tpu.memory_space<vmem>>, vector<16xf32>,
      tpu.vector_store %arg15[%swap3A_3186, %swap3A_3187], %get3A_3184 {strides = array<i32>} : memref<2x1100xf32, #tpu.memory_space<vmem>>, vector<16xf32>,
      %get3A_3189 = arith.constant 23 : i32
      %get3A_3190 = arith.index_cast %get3A_3189 : i32 to index
      %get3A_3191 = arith.constant 0 : index
      %get3A_3192 = tpu.vector_load %arg13[%get3A_3190, %get3A_3191] {strides = array<i32>} : memref<56x24xf32, #tpu.memory_space<vmem>>, vector<16xf32>,
      %swap3A_3193 = arith.constant 1 : i32
      %swap3A_3194 = arith.index_cast %swap3A_3193 : i32 to index
      %swap3A_3195 = arith.constant 506 : index
      %swap3A_3196 = tpu.vector_load %arg15[%swap3A_3194, %swap3A_3195] {strides = array<i32>} : memref<2x1100xf32, #tpu.memory_space<vmem>>, vector<16xf32>,
      tpu.vector_store %arg15[%swap3A_3194, %swap3A_3195], %get3A_3192 {strides = array<i32>} : memref<2x1100xf32, #tpu.memory_space<vmem>>, vector<16xf32>,
      %get3A_3197 = arith.constant 23 : i32
      %get3A_3198 = arith.index_cast %get3A_3197 : i32 to index
      %get3A_3199 = arith.constant 8 : index
      %get3A_3200 = tpu.vector_load %arg13[%get3A_3198, %get3A_3199] {strides = array<i32>} : memref<56x24xf32, #tpu.memory_space<vmem>>, vector<16xf32>,
      %swap3A_3201 = arith.constant 1 : i32
      %swap3A_3202 = arith.index_cast %swap3A_3201 : i32 to index
      %swap3A_3203 = arith.constant 514 : index
      %swap3A_3204 = tpu.vector_load %arg15[%swap3A_3202, %swap3A_3203] {strides = array<i32>} : memref<2x1100xf32, #tpu.memory_space<vmem>>, vector<16xf32>,
      tpu.vector_store %arg15[%swap3A_3202, %swap3A_3203], %get3A_3200 {strides = array<i32>} : memref<2x1100xf32, #tpu.memory_space<vmem>>, vector<16xf32>,
      %get3A_3205 = arith.constant 24 : i32
      %get3A_3206 = arith.index_cast %get3A_3205 : i32 to index
      %get3A_3207 = arith.constant 0 : index
      %get3A_3208 = tpu.vector_load %arg13[%get3A_3206, %get3A_3207] {strides = array<i32>} : memref<56x24xf32, #tpu.memory_space<vmem>>, vector<16xf32>,
      %swap3A_3209 = arith.constant 1 : i32
      %swap3A_3210 = arith.index_cast %swap3A_3209 : i32 to index
      %swap3A_3211 = arith.constant 528 : index
      %swap3A_3212 = tpu.vector_load %arg15[%swap3A_3210, %swap3A_3211] {strides = array<i32>} : memref<2x1100xf32, #tpu.memory_space<vmem>>, vector<16xf32>,
      tpu.vector_store %arg15[%swap3A_3210, %swap3A_3211], %get3A_3208 {strides = array<i32>} : memref<2x1100xf32, #tpu.memory_space<vmem>>, vector<16xf32>,
      %get3A_3213 = arith.constant 24 : i32
      %get3A_3214 = arith.index_cast %get3A_3213 : i32 to index
      %get3A_3215 = arith.constant 8 : index
      %get3A_3216 = tpu.vector_load %arg13[%get3A_3214, %get3A_3215] {strides = array<i32>} : memref<56x24xf32, #tpu.memory_space<vmem>>, vector<16xf32>,
      %swap3A_3217 = arith.constant 1 : i32
      %swap3A_3218 = arith.index_cast %swap3A_3217 : i32 to index
      %swap3A_3219 = arith.constant 536 : index
      %swap3A_3220 = tpu.vector_load %arg15[%swap3A_3218, %swap3A_3219] {strides = array<i32>} : memref<2x1100xf32, #tpu.memory_space<vmem>>, vector<16xf32>,
      tpu.vector_store %arg15[%swap3A_3218, %swap3A_3219], %get3A_3216 {strides = array<i32>} : memref<2x1100xf32, #tpu.memory_space<vmem>>, vector<16xf32>,
      %get3A_3221 = arith.constant 25 : i32
      %get3A_3222 = arith.index_cast %get3A_3221 : i32 to index
      %get3A_3223 = arith.constant 0 : index
      %get3A_3224 = tpu.vector_load %arg13[%get3A_3222, %get3A_3223] {strides = array<i32>} : memref<56x24xf32, #tpu.memory_space<vmem>>, vector<16xf32>,
      %swap3A_3225 = arith.constant 1 : i32
      %swap3A_3226 = arith.index_cast %swap3A_3225 : i32 to index
      %swap3A_3227 = arith.constant 550 : index
      %swap3A_3228 = tpu.vector_load %arg15[%swap3A_3226, %swap3A_3227] {strides = array<i32>} : memref<2x1100xf32, #tpu.memory_space<vmem>>, vector<16xf32>,
      tpu.vector_store %arg15[%swap3A_3226, %swap3A_3227], %get3A_3224 {strides = array<i32>} : memref<2x1100xf32, #tpu.memory_space<vmem>>, vector<16xf32>,
      %get3A_3229 = arith.constant 25 : i32
      %get3A_3230 = arith.index_cast %get3A_3229 : i32 to index
      %get3A_3231 = arith.constant 8 : index
      %get3A_3232 = tpu.vector_load %arg13[%get3A_3230, %get3A_3231] {strides = array<i32>} : memref<56x24xf32, #tpu.memory_space<vmem>>, vector<16xf32>,
      %swap3A_3233 = arith.constant 1 : i32
      %swap3A_3234 = arith.index_cast %swap3A_3233 : i32 to index
      %swap3A_3235 = arith.constant 558 : index
      %swap3A_3236 = tpu.vector_load %arg15[%swap3A_3234, %swap3A_3235] {strides = array<i32>} : memref<2x1100xf32, #tpu.memory_space<vmem>>, vector<16xf32>,
      tpu.vector_store %arg15[%swap3A_3234, %swap3A_3235], %get3A_3232 {strides = array<i32>} : memref<2x1100xf32, #tpu.memory_space<vmem>>, vector<16xf32>,
      %get3A_3237 = arith.constant 26 : i32
      %get3A_3238 = arith.index_cast %get3A_3237 : i32 to index
      %get3A_3239 = arith.constant 0 : index
      %get3A_3240 = tpu.vector_load %arg13[%get3A_3238, %get3A_3239] {strides = array<i32>} : memref<56x24xf32, #tpu.memory_space<vmem>>, vector<16xf32>,
      %swap3A_3241 = arith.constant 1 : i32
      %swap3A_3242 = arith.index_cast %swap3A_3241 : i32 to index
      %swap3A_3243 = arith.constant 572 : index
      %swap3A_3244 = tpu.vector_load %arg15[%swap3A_3242, %swap3A_3243] {strides = array<i32>} : memref<2x1100xf32, #tpu.memory_space<vmem>>, vector<16xf32>,
      tpu.vector_store %arg15[%swap3A_3242, %swap3A_3243], %get3A_3240 {strides = array<i32>} : memref<2x1100xf32, #tpu.memory_space<vmem>>, vector<16xf32>,
      %get3A_3245 = arith.constant 26 : i32
      %get3A_3246 = arith.index_cast %get3A_3245 : i32 to index
      %get3A_3247 = arith.constant 8 : index
      %get3A_3248 = tpu.vector_load %arg13[%get3A_3246, %get3A_3247] {strides = array<i32>} : memref<56x24xf32, #tpu.memory_space<vmem>>, vector<16xf32>,
      %swap3A_3249 = arith.constant 1 : i32
      %swap3A_3250 = arith.index_cast %swap3A_3249 : i32 to index
      %swap3A_3251 = arith.constant 580 : index
      %swap3A_3252 = tpu.vector_load %arg15[%swap3A_3250, %swap3A_3251] {strides = array<i32>} : memref<2x1100xf32, #tpu.memory_space<vmem>>, vector<16xf32>,
      tpu.vector_store %arg15[%swap3A_3250, %swap3A_3251], %get3A_3248 {strides = array<i32>} : memref<2x1100xf32, #tpu.memory_space<vmem>>, vector<16xf32>,
      %get3A_3253 = arith.constant 27 : i32
      %get3A_3254 = arith.index_cast %get3A_3253 : i32 to index
      %get3A_3255 = arith.constant 0 : index
      %get3A_3256 = tpu.vector_load %arg13[%get3A_3254, %get3A_3255] {strides = array<i32>} : memref<56x24xf32, #tpu.memory_space<vmem>>, vector<16xf32>,
      %swap3A_3257 = arith.constant 1 : i32
      %swap3A_3258 = arith.index_cast %swap3A_3257 : i32 to index
      %swap3A_3259 = arith.constant 594 : index
      %swap3A_3260 = tpu.vector_load %arg15[%swap3A_3258, %swap3A_3259] {strides = array<i32>} : memref<2x1100xf32, #tpu.memory_space<vmem>>, vector<16xf32>,
      tpu.vector_store %arg15[%swap3A_3258, %swap3A_3259], %get3A_3256 {strides = array<i32>} : memref<2x1100xf32, #tpu.memory_space<vmem>>, vector<16xf32>,
      %get3A_3261 = arith.constant 27 : i32
      %get3A_3262 = arith.index_cast %get3A_3261 : i32 to index
      %get3A_3263 = arith.constant 8 : index
      %get3A_3264 = tpu.vector_load %arg13[%get3A_3262, %get3A_3263] {strides = array<i32>} : memref<56x24xf32, #tpu.memory_space<vmem>>, vector<16xf32>,
      %swap3A_3265 = arith.constant 1 : i32
      %swap3A_3266 = arith.index_cast %swap3A_3265 : i32 to index
      %swap3A_3267 = arith.constant 602 : index
      %swap3A_3268 = tpu.vector_load %arg15[%swap3A_3266, %swap3A_3267] {strides = array<i32>} : memref<2x1100xf32, #tpu.memory_space<vmem>>, vector<16xf32>,
      tpu.vector_store %arg15[%swap3A_3266, %swap3A_3267], %get3A_3264 {strides = array<i32>} : memref<2x1100xf32, #tpu.memory_space<vmem>>, vector<16xf32>,
      %get3A_3269 = arith.constant 28 : i32
      %get3A_3270 = arith.index_cast %get3A_3269 : i32 to index
      %get3A_3271 = arith.constant 0 : index
      %get3A_3272 = tpu.vector_load %arg13[%get3A_3270, %get3A_3271] {strides = array<i32>} : memref<56x24xf32, #tpu.memory_space<vmem>>, vector<16xf32>,
      %swap3A_3273 = arith.constant 1 : i32
      %swap3A_3274 = arith.index_cast %swap3A_3273 : i32 to index
      %swap3A_3275 = arith.constant 616 : index
      %swap3A_3276 = tpu.vector_load %arg15[%swap3A_3274, %swap3A_3275] {strides = array<i32>} : memref<2x1100xf32, #tpu.memory_space<vmem>>, vector<16xf32>,
      tpu.vector_store %arg15[%swap3A_3274, %swap3A_3275], %get3A_3272 {strides = array<i32>} : memref<2x1100xf32, #tpu.memory_space<vmem>>, vector<16xf32>,
      %get3A_3277 = arith.constant 28 : i32
      %get3A_3278 = arith.index_cast %get3A_3277 : i32 to index
      %get3A_3279 = arith.constant 8 : index
      %get3A_3280 = tpu.vector_load %arg13[%get3A_3278, %get3A_3279] {strides = array<i32>} : memref<56x24xf32, #tpu.memory_space<vmem>>, vector<16xf32>,
      %swap3A_3281 = arith.constant 1 : i32
      %swap3A_3282 = arith.index_cast %swap3A_3281 : i32 to index
      %swap3A_3283 = arith.constant 624 : index
      %swap3A_3284 = tpu.vector_load %arg15[%swap3A_3282, %swap3A_3283] {strides = array<i32>} : memref<2x1100xf32, #tpu.memory_space<vmem>>, vector<16xf32>,
      tpu.vector_store %arg15[%swap3A_3282, %swap3A_3283], %get3A_3280 {strides = array<i32>} : memref<2x1100xf32, #tpu.memory_space<vmem>>, vector<16xf32>,
      %get3A_3285 = arith.constant 29 : i32
      %get3A_3286 = arith.index_cast %get3A_3285 : i32 to index
      %get3A_3287 = arith.constant 0 : index
      %get3A_3288 = tpu.vector_load %arg13[%get3A_3286, %get3A_3287] {strides = array<i32>} : memref<56x24xf32, #tpu.memory_space<vmem>>, vector<16xf32>,
      %swap3A_3289 = arith.constant 1 : i32
      %swap3A_3290 = arith.index_cast %swap3A_3289 : i32 to index
      %swap3A_3291 = arith.constant 638 : index
      %swap3A_3292 = tpu.vector_load %arg15[%swap3A_3290, %swap3A_3291] {strides = array<i32>} : memref<2x1100xf32, #tpu.memory_space<vmem>>, vector<16xf32>,
      tpu.vector_store %arg15[%swap3A_3290, %swap3A_3291], %get3A_3288 {strides = array<i32>} : memref<2x1100xf32, #tpu.memory_space<vmem>>, vector<16xf32>,
      %get3A_3293 = arith.constant 29 : i32
      %get3A_3294 = arith.index_cast %get3A_3293 : i32 to index
      %get3A_3295 = arith.constant 8 : index
      %get3A_3296 = tpu.vector_load %arg13[%get3A_3294, %get3A_3295] {strides = array<i32>} : memref<56x24xf32, #tpu.memory_space<vmem>>, vector<16xf32>,
      %swap3A_3297 = arith.constant 1 : i32
      %swap3A_3298 = arith.index_cast %swap3A_3297 : i32 to index
      %swap3A_3299 = arith.constant 646 : index
      %swap3A_3300 = tpu.vector_load %arg15[%swap3A_3298, %swap3A_3299] {strides = array<i32>} : memref<2x1100xf32, #tpu.memory_space<vmem>>, vector<16xf32>,
      tpu.vector_store %arg15[%swap3A_3298, %swap3A_3299], %get3A_3296 {strides = array<i32>} : memref<2x1100xf32, #tpu.memory_space<vmem>>, vector<16xf32>,
      %get3A_3301 = arith.constant 30 : i32
      %get3A_3302 = arith.index_cast %get3A_3301 : i32 to index
      %get3A_3303 = arith.constant 0 : index
      %get3A_3304 = tpu.vector_load %arg13[%get3A_3302, %get3A_3303] {strides = array<i32>} : memref<56x24xf32, #tpu.memory_space<vmem>>, vector<16xf32>,
      %swap3A_3305 = arith.constant 1 : i32
      %swap3A_3306 = arith.index_cast %swap3A_3305 : i32 to index
      %swap3A_3307 = arith.constant 660 : index
      %swap3A_3308 = tpu.vector_load %arg15[%swap3A_3306, %swap3A_3307] {strides = array<i32>} : memref<2x1100xf32, #tpu.memory_space<vmem>>, vector<16xf32>,
      tpu.vector_store %arg15[%swap3A_3306, %swap3A_3307], %get3A_3304 {strides = array<i32>} : memref<2x1100xf32, #tpu.memory_space<vmem>>, vector<16xf32>,
      %get3A_3309 = arith.constant 30 : i32
      %get3A_3310 = arith.index_cast %get3A_3309 : i32 to index
      %get3A_3311 = arith.constant 8 : index
      %get3A_3312 = tpu.vector_load %arg13[%get3A_3310, %get3A_3311] {strides = array<i32>} : memref<56x24xf32, #tpu.memory_space<vmem>>, vector<16xf32>,
      %swap3A_3313 = arith.constant 1 : i32
      %swap3A_3314 = arith.index_cast %swap3A_3313 : i32 to index
      %swap3A_3315 = arith.constant 668 : index
      %swap3A_3316 = tpu.vector_load %arg15[%swap3A_3314, %swap3A_3315] {strides = array<i32>} : memref<2x1100xf32, #tpu.memory_space<vmem>>, vector<16xf32>,
      tpu.vector_store %arg15[%swap3A_3314, %swap3A_3315], %get3A_3312 {strides = array<i32>} : memref<2x1100xf32, #tpu.memory_space<vmem>>, vector<16xf32>,
      %get3A_3317 = arith.constant 31 : i32
      %get3A_3318 = arith.index_cast %get3A_3317 : i32 to index
      %get3A_3319 = arith.constant 0 : index
      %get3A_3320 = tpu.vector_load %arg13[%get3A_3318, %get3A_3319] {strides = array<i32>} : memref<56x24xf32, #tpu.memory_space<vmem>>, vector<16xf32>,
      %swap3A_3321 = arith.constant 1 : i32
      %swap3A_3322 = arith.index_cast %swap3A_3321 : i32 to index
      %swap3A_3323 = arith.constant 682 : index
      %swap3A_3324 = tpu.vector_load %arg15[%swap3A_3322, %swap3A_3323] {strides = array<i32>} : memref<2x1100xf32, #tpu.memory_space<vmem>>, vector<16xf32>,
      tpu.vector_store %arg15[%swap3A_3322, %swap3A_3323], %get3A_3320 {strides = array<i32>} : memref<2x1100xf32, #tpu.memory_space<vmem>>, vector<16xf32>,
      %get3A_3325 = arith.constant 31 : i32
      %get3A_3326 = arith.index_cast %get3A_3325 : i32 to index
      %get3A_3327 = arith.constant 8 : index
      %get3A_3328 = tpu.vector_load %arg13[%get3A_3326, %get3A_3327] {strides = array<i32>} : memref<56x24xf32, #tpu.memory_space<vmem>>, vector<16xf32>,
      %swap3A_3329 = arith.constant 1 : i32
      %swap3A_3330 = arith.index_cast %swap3A_3329 : i32 to index
      %swap3A_3331 = arith.constant 690 : index
      %swap3A_3332 = tpu.vector_load %arg15[%swap3A_3330, %swap3A_3331] {strides = array<i32>} : memref<2x1100xf32, #tpu.memory_space<vmem>>, vector<16xf32>,
      tpu.vector_store %arg15[%swap3A_3330, %swap3A_3331], %get3A_3328 {strides = array<i32>} : memref<2x1100xf32, #tpu.memory_space<vmem>>, vector<16xf32>,
      %get3A_3333 = arith.constant 32 : i32
      %get3A_3334 = arith.index_cast %get3A_3333 : i32 to index
      %get3A_3335 = arith.constant 0 : index
      %get3A_3336 = tpu.vector_load %arg13[%get3A_3334, %get3A_3335] {strides = array<i32>} : memref<56x24xf32, #tpu.memory_space<vmem>>, vector<16xf32>,
      %swap3A_3337 = arith.constant 1 : i32
      %swap3A_3338 = arith.index_cast %swap3A_3337 : i32 to index
      %swap3A_3339 = arith.constant 704 : index
      %swap3A_3340 = tpu.vector_load %arg15[%swap3A_3338, %swap3A_3339] {strides = array<i32>} : memref<2x1100xf32, #tpu.memory_space<vmem>>, vector<16xf32>,
      tpu.vector_store %arg15[%swap3A_3338, %swap3A_3339], %get3A_3336 {strides = array<i32>} : memref<2x1100xf32, #tpu.memory_space<vmem>>, vector<16xf32>,
      %get3A_3341 = arith.constant 32 : i32
      %get3A_3342 = arith.index_cast %get3A_3341 : i32 to index
      %get3A_3343 = arith.constant 8 : index
      %get3A_3344 = tpu.vector_load %arg13[%get3A_3342, %get3A_3343] {strides = array<i32>} : memref<56x24xf32, #tpu.memory_space<vmem>>, vector<16xf32>,
      %swap3A_3345 = arith.constant 1 : i32
      %swap3A_3346 = arith.index_cast %swap3A_3345 : i32 to index
      %swap3A_3347 = arith.constant 712 : index
      %swap3A_3348 = tpu.vector_load %arg15[%swap3A_3346, %swap3A_3347] {strides = array<i32>} : memref<2x1100xf32, #tpu.memory_space<vmem>>, vector<16xf32>,
      tpu.vector_store %arg15[%swap3A_3346, %swap3A_3347], %get3A_3344 {strides = array<i32>} : memref<2x1100xf32, #tpu.memory_space<vmem>>, vector<16xf32>,
      %get3A_3349 = arith.constant 33 : i32
      %get3A_3350 = arith.index_cast %get3A_3349 : i32 to index
      %get3A_3351 = arith.constant 0 : index
      %get3A_3352 = tpu.vector_load %arg13[%get3A_3350, %get3A_3351] {strides = array<i32>} : memref<56x24xf32, #tpu.memory_space<vmem>>, vector<16xf32>,
      %swap3A_3353 = arith.constant 1 : i32
      %swap3A_3354 = arith.index_cast %swap3A_3353 : i32 to index
      %swap3A_3355 = arith.constant 726 : index
      %swap3A_3356 = tpu.vector_load %arg15[%swap3A_3354, %swap3A_3355] {strides = array<i32>} : memref<2x1100xf32, #tpu.memory_space<vmem>>, vector<16xf32>,
      tpu.vector_store %arg15[%swap3A_3354, %swap3A_3355], %get3A_3352 {strides = array<i32>} : memref<2x1100xf32, #tpu.memory_space<vmem>>, vector<16xf32>,
      %get3A_3357 = arith.constant 33 : i32
      %get3A_3358 = arith.index_cast %get3A_3357 : i32 to index
      %get3A_3359 = arith.constant 8 : index
      %get3A_3360 = tpu.vector_load %arg13[%get3A_3358, %get3A_3359] {strides = array<i32>} : memref<56x24xf32, #tpu.memory_space<vmem>>, vector<16xf32>,
      %swap3A_3361 = arith.constant 1 : i32
      %swap3A_3362 = arith.index_cast %swap3A_3361 : i32 to index
      %swap3A_3363 = arith.constant 734 : index
      %swap3A_3364 = tpu.vector_load %arg15[%swap3A_3362, %swap3A_3363] {strides = array<i32>} : memref<2x1100xf32, #tpu.memory_space<vmem>>, vector<16xf32>,
      tpu.vector_store %arg15[%swap3A_3362, %swap3A_3363], %get3A_3360 {strides = array<i32>} : memref<2x1100xf32, #tpu.memory_space<vmem>>, vector<16xf32>,
      %get3A_3365 = arith.constant 34 : i32
      %get3A_3366 = arith.index_cast %get3A_3365 : i32 to index
      %get3A_3367 = arith.constant 0 : index
      %get3A_3368 = tpu.vector_load %arg13[%get3A_3366, %get3A_3367] {strides = array<i32>} : memref<56x24xf32, #tpu.memory_space<vmem>>, vector<16xf32>,
      %swap3A_3369 = arith.constant 1 : i32
      %swap3A_3370 = arith.index_cast %swap3A_3369 : i32 to index
      %swap3A_3371 = arith.constant 748 : index
      %swap3A_3372 = tpu.vector_load %arg15[%swap3A_3370, %swap3A_3371] {strides = array<i32>} : memref<2x1100xf32, #tpu.memory_space<vmem>>, vector<16xf32>,
      tpu.vector_store %arg15[%swap3A_3370, %swap3A_3371], %get3A_3368 {strides = array<i32>} : memref<2x1100xf32, #tpu.memory_space<vmem>>, vector<16xf32>,
      %get3A_3373 = arith.constant 34 : i32
      %get3A_3374 = arith.index_cast %get3A_3373 : i32 to index
      %get3A_3375 = arith.constant 8 : index
      %get3A_3376 = tpu.vector_load %arg13[%get3A_3374, %get3A_3375] {strides = array<i32>} : memref<56x24xf32, #tpu.memory_space<vmem>>, vector<16xf32>,
      %swap3A_3377 = arith.constant 1 : i32
      %swap3A_3378 = arith.index_cast %swap3A_3377 : i32 to index
      %swap3A_3379 = arith.constant 756 : index
      %swap3A_3380 = tpu.vector_load %arg15[%swap3A_3378, %swap3A_3379] {strides = array<i32>} : memref<2x1100xf32, #tpu.memory_space<vmem>>, vector<16xf32>,
      tpu.vector_store %arg15[%swap3A_3378, %swap3A_3379], %get3A_3376 {strides = array<i32>} : memref<2x1100xf32, #tpu.memory_space<vmem>>, vector<16xf32>,
      %get3A_3381 = arith.constant 35 : i32
      %get3A_3382 = arith.index_cast %get3A_3381 : i32 to index
      %get3A_3383 = arith.constant 0 : index
      %get3A_3384 = tpu.vector_load %arg13[%get3A_3382, %get3A_3383] {strides = array<i32>} : memref<56x24xf32, #tpu.memory_space<vmem>>, vector<16xf32>,
      %swap3A_3385 = arith.constant 1 : i32
      %swap3A_3386 = arith.index_cast %swap3A_3385 : i32 to index
      %swap3A_3387 = arith.constant 770 : index
      %swap3A_3388 = tpu.vector_load %arg15[%swap3A_3386, %swap3A_3387] {strides = array<i32>} : memref<2x1100xf32, #tpu.memory_space<vmem>>, vector<16xf32>,
      tpu.vector_store %arg15[%swap3A_3386, %swap3A_3387], %get3A_3384 {strides = array<i32>} : memref<2x1100xf32, #tpu.memory_space<vmem>>, vector<16xf32>,
      %get3A_3389 = arith.constant 35 : i32
      %get3A_3390 = arith.index_cast %get3A_3389 : i32 to index
      %get3A_3391 = arith.constant 8 : index
      %get3A_3392 = tpu.vector_load %arg13[%get3A_3390, %get3A_3391] {strides = array<i32>} : memref<56x24xf32, #tpu.memory_space<vmem>>, vector<16xf32>,
      %swap3A_3393 = arith.constant 1 : i32
      %swap3A_3394 = arith.index_cast %swap3A_3393 : i32 to index
      %swap3A_3395 = arith.constant 778 : index
      %swap3A_3396 = tpu.vector_load %arg15[%swap3A_3394, %swap3A_3395] {strides = array<i32>} : memref<2x1100xf32, #tpu.memory_space<vmem>>, vector<16xf32>,
      tpu.vector_store %arg15[%swap3A_3394, %swap3A_3395], %get3A_3392 {strides = array<i32>} : memref<2x1100xf32, #tpu.memory_space<vmem>>, vector<16xf32>,
      %get3A_3397 = arith.constant 36 : i32
      %get3A_3398 = arith.index_cast %get3A_3397 : i32 to index
      %get3A_3399 = arith.constant 0 : index
      %get3A_3400 = tpu.vector_load %arg13[%get3A_3398, %get3A_3399] {strides = array<i32>} : memref<56x24xf32, #tpu.memory_space<vmem>>, vector<16xf32>,
      %swap3A_3401 = arith.constant 1 : i32
      %swap3A_3402 = arith.index_cast %swap3A_3401 : i32 to index
      %swap3A_3403 = arith.constant 792 : index
      %swap3A_3404 = tpu.vector_load %arg15[%swap3A_3402, %swap3A_3403] {strides = array<i32>} : memref<2x1100xf32, #tpu.memory_space<vmem>>, vector<16xf32>,
      tpu.vector_store %arg15[%swap3A_3402, %swap3A_3403], %get3A_3400 {strides = array<i32>} : memref<2x1100xf32, #tpu.memory_space<vmem>>, vector<16xf32>,
      %get3A_3405 = arith.constant 36 : i32
      %get3A_3406 = arith.index_cast %get3A_3405 : i32 to index
      %get3A_3407 = arith.constant 8 : index
      %get3A_3408 = tpu.vector_load %arg13[%get3A_3406, %get3A_3407] {strides = array<i32>} : memref<56x24xf32, #tpu.memory_space<vmem>>, vector<16xf32>,
      %swap3A_3409 = arith.constant 1 : i32
      %swap3A_3410 = arith.index_cast %swap3A_3409 : i32 to index
      %swap3A_3411 = arith.constant 800 : index
      %swap3A_3412 = tpu.vector_load %arg15[%swap3A_3410, %swap3A_3411] {strides = array<i32>} : memref<2x1100xf32, #tpu.memory_space<vmem>>, vector<16xf32>,
      tpu.vector_store %arg15[%swap3A_3410, %swap3A_3411], %get3A_3408 {strides = array<i32>} : memref<2x1100xf32, #tpu.memory_space<vmem>>, vector<16xf32>,
      %get3A_3413 = arith.constant 37 : i32
      %get3A_3414 = arith.index_cast %get3A_3413 : i32 to index
      %get3A_3415 = arith.constant 0 : index
      %get3A_3416 = tpu.vector_load %arg13[%get3A_3414, %get3A_3415] {strides = array<i32>} : memref<56x24xf32, #tpu.memory_space<vmem>>, vector<16xf32>,
      %swap3A_3417 = arith.constant 1 : i32
      %swap3A_3418 = arith.index_cast %swap3A_3417 : i32 to index
      %swap3A_3419 = arith.constant 814 : index
      %swap3A_3420 = tpu.vector_load %arg15[%swap3A_3418, %swap3A_3419] {strides = array<i32>} : memref<2x1100xf32, #tpu.memory_space<vmem>>, vector<16xf32>,
      tpu.vector_store %arg15[%swap3A_3418, %swap3A_3419], %get3A_3416 {strides = array<i32>} : memref<2x1100xf32, #tpu.memory_space<vmem>>, vector<16xf32>,
      %get3A_3421 = arith.constant 37 : i32
      %get3A_3422 = arith.index_cast %get3A_3421 : i32 to index
      %get3A_3423 = arith.constant 8 : index
      %get3A_3424 = tpu.vector_load %arg13[%get3A_3422, %get3A_3423] {strides = array<i32>} : memref<56x24xf32, #tpu.memory_space<vmem>>, vector<16xf32>,
      %swap3A_3425 = arith.constant 1 : i32
      %swap3A_3426 = arith.index_cast %swap3A_3425 : i32 to index
      %swap3A_3427 = arith.constant 822 : index
      %swap3A_3428 = tpu.vector_load %arg15[%swap3A_3426, %swap3A_3427] {strides = array<i32>} : memref<2x1100xf32, #tpu.memory_space<vmem>>, vector<16xf32>,
      tpu.vector_store %arg15[%swap3A_3426, %swap3A_3427], %get3A_3424 {strides = array<i32>} : memref<2x1100xf32, #tpu.memory_space<vmem>>, vector<16xf32>,
      %get3A_3429 = arith.constant 38 : i32
      %get3A_3430 = arith.index_cast %get3A_3429 : i32 to index
      %get3A_3431 = arith.constant 0 : index
      %get3A_3432 = tpu.vector_load %arg13[%get3A_3430, %get3A_3431] {strides = array<i32>} : memref<56x24xf32, #tpu.memory_space<vmem>>, vector<16xf32>,
      %swap3A_3433 = arith.constant 1 : i32
      %swap3A_3434 = arith.index_cast %swap3A_3433 : i32 to index
      %swap3A_3435 = arith.constant 836 : index
      %swap3A_3436 = tpu.vector_load %arg15[%swap3A_3434, %swap3A_3435] {strides = array<i32>} : memref<2x1100xf32, #tpu.memory_space<vmem>>, vector<16xf32>,
      tpu.vector_store %arg15[%swap3A_3434, %swap3A_3435], %get3A_3432 {strides = array<i32>} : memref<2x1100xf32, #tpu.memory_space<vmem>>, vector<16xf32>,
      %get3A_3437 = arith.constant 38 : i32
      %get3A_3438 = arith.index_cast %get3A_3437 : i32 to index
      %get3A_3439 = arith.constant 8 : index
      %get3A_3440 = tpu.vector_load %arg13[%get3A_3438, %get3A_3439] {strides = array<i32>} : memref<56x24xf32, #tpu.memory_space<vmem>>, vector<16xf32>,
      %swap3A_3441 = arith.constant 1 : i32
      %swap3A_3442 = arith.index_cast %swap3A_3441 : i32 to index
      %swap3A_3443 = arith.constant 844 : index
      %swap3A_3444 = tpu.vector_load %arg15[%swap3A_3442, %swap3A_3443] {strides = array<i32>} : memref<2x1100xf32, #tpu.memory_space<vmem>>, vector<16xf32>,
      tpu.vector_store %arg15[%swap3A_3442, %swap3A_3443], %get3A_3440 {strides = array<i32>} : memref<2x1100xf32, #tpu.memory_space<vmem>>, vector<16xf32>,
      %get3A_3445 = arith.constant 39 : i32
      %get3A_3446 = arith.index_cast %get3A_3445 : i32 to index
      %get3A_3447 = arith.constant 0 : index
      %get3A_3448 = tpu.vector_load %arg13[%get3A_3446, %get3A_3447] {strides = array<i32>} : memref<56x24xf32, #tpu.memory_space<vmem>>, vector<16xf32>,
      %swap3A_3449 = arith.constant 1 : i32
      %swap3A_3450 = arith.index_cast %swap3A_3449 : i32 to index
      %swap3A_3451 = arith.constant 858 : index
      %swap3A_3452 = tpu.vector_load %arg15[%swap3A_3450, %swap3A_3451] {strides = array<i32>} : memref<2x1100xf32, #tpu.memory_space<vmem>>, vector<16xf32>,
      tpu.vector_store %arg15[%swap3A_3450, %swap3A_3451], %get3A_3448 {strides = array<i32>} : memref<2x1100xf32, #tpu.memory_space<vmem>>, vector<16xf32>,
      %get3A_3453 = arith.constant 39 : i32
      %get3A_3454 = arith.index_cast %get3A_3453 : i32 to index
      %get3A_3455 = arith.constant 8 : index
      %get3A_3456 = tpu.vector_load %arg13[%get3A_3454, %get3A_3455] {strides = array<i32>} : memref<56x24xf32, #tpu.memory_space<vmem>>, vector<16xf32>,
      %swap3A_3457 = arith.constant 1 : i32
      %swap3A_3458 = arith.index_cast %swap3A_3457 : i32 to index
      %swap3A_3459 = arith.constant 866 : index
      %swap3A_3460 = tpu.vector_load %arg15[%swap3A_3458, %swap3A_3459] {strides = array<i32>} : memref<2x1100xf32, #tpu.memory_space<vmem>>, vector<16xf32>,
      tpu.vector_store %arg15[%swap3A_3458, %swap3A_3459], %get3A_3456 {strides = array<i32>} : memref<2x1100xf32, #tpu.memory_space<vmem>>, vector<16xf32>,
      %get3A_3461 = arith.constant 40 : i32
      %get3A_3462 = arith.index_cast %get3A_3461 : i32 to index
      %get3A_3463 = arith.constant 0 : index
      %get3A_3464 = tpu.vector_load %arg13[%get3A_3462, %get3A_3463] {strides = array<i32>} : memref<56x24xf32, #tpu.memory_space<vmem>>, vector<16xf32>,
      %swap3A_3465 = arith.constant 1 : i32
      %swap3A_3466 = arith.index_cast %swap3A_3465 : i32 to index
      %swap3A_3467 = arith.constant 880 : index
      %swap3A_3468 = tpu.vector_load %arg15[%swap3A_3466, %swap3A_3467] {strides = array<i32>} : memref<2x1100xf32, #tpu.memory_space<vmem>>, vector<16xf32>,
      tpu.vector_store %arg15[%swap3A_3466, %swap3A_3467], %get3A_3464 {strides = array<i32>} : memref<2x1100xf32, #tpu.memory_space<vmem>>, vector<16xf32>,
      %get3A_3469 = arith.constant 40 : i32
      %get3A_3470 = arith.index_cast %get3A_3469 : i32 to index
      %get3A_3471 = arith.constant 8 : index
      %get3A_3472 = tpu.vector_load %arg13[%get3A_3470, %get3A_3471] {strides = array<i32>} : memref<56x24xf32, #tpu.memory_space<vmem>>, vector<16xf32>,
      %swap3A_3473 = arith.constant 1 : i32
      %swap3A_3474 = arith.index_cast %swap3A_3473 : i32 to index
      %swap3A_3475 = arith.constant 888 : index
      %swap3A_3476 = tpu.vector_load %arg15[%swap3A_3474, %swap3A_3475] {strides = array<i32>} : memref<2x1100xf32, #tpu.memory_space<vmem>>, vector<16xf32>,
      tpu.vector_store %arg15[%swap3A_3474, %swap3A_3475], %get3A_3472 {strides = array<i32>} : memref<2x1100xf32, #tpu.memory_space<vmem>>, vector<16xf32>,
      %get3A_3477 = arith.constant 41 : i32
      %get3A_3478 = arith.index_cast %get3A_3477 : i32 to index
      %get3A_3479 = arith.constant 0 : index
      %get3A_3480 = tpu.vector_load %arg13[%get3A_3478, %get3A_3479] {strides = array<i32>} : memref<56x24xf32, #tpu.memory_space<vmem>>, vector<16xf32>,
      %swap3A_3481 = arith.constant 1 : i32
      %swap3A_3482 = arith.index_cast %swap3A_3481 : i32 to index
      %swap3A_3483 = arith.constant 902 : index
      %swap3A_3484 = tpu.vector_load %arg15[%swap3A_3482, %swap3A_3483] {strides = array<i32>} : memref<2x1100xf32, #tpu.memory_space<vmem>>, vector<16xf32>,
      tpu.vector_store %arg15[%swap3A_3482, %swap3A_3483], %get3A_3480 {strides = array<i32>} : memref<2x1100xf32, #tpu.memory_space<vmem>>, vector<16xf32>,
      %get3A_3485 = arith.constant 41 : i32
      %get3A_3486 = arith.index_cast %get3A_3485 : i32 to index
      %get3A_3487 = arith.constant 8 : index
      %get3A_3488 = tpu.vector_load %arg13[%get3A_3486, %get3A_3487] {strides = array<i32>} : memref<56x24xf32, #tpu.memory_space<vmem>>, vector<16xf32>,
      %swap3A_3489 = arith.constant 1 : i32
      %swap3A_3490 = arith.index_cast %swap3A_3489 : i32 to index
      %swap3A_3491 = arith.constant 910 : index
      %swap3A_3492 = tpu.vector_load %arg15[%swap3A_3490, %swap3A_3491] {strides = array<i32>} : memref<2x1100xf32, #tpu.memory_space<vmem>>, vector<16xf32>,
      tpu.vector_store %arg15[%swap3A_3490, %swap3A_3491], %get3A_3488 {strides = array<i32>} : memref<2x1100xf32, #tpu.memory_space<vmem>>, vector<16xf32>,
      %get3A_3493 = arith.constant 42 : i32
      %get3A_3494 = arith.index_cast %get3A_3493 : i32 to index
      %get3A_3495 = arith.constant 0 : index
      %get3A_3496 = tpu.vector_load %arg13[%get3A_3494, %get3A_3495] {strides = array<i32>} : memref<56x24xf32, #tpu.memory_space<vmem>>, vector<16xf32>,
      %swap3A_3497 = arith.constant 1 : i32
      %swap3A_3498 = arith.index_cast %swap3A_3497 : i32 to index
      %swap3A_3499 = arith.constant 924 : index
      %swap3A_3500 = tpu.vector_load %arg15[%swap3A_3498, %swap3A_3499] {strides = array<i32>} : memref<2x1100xf32, #tpu.memory_space<vmem>>, vector<16xf32>,
      tpu.vector_store %arg15[%swap3A_3498, %swap3A_3499], %get3A_3496 {strides = array<i32>} : memref<2x1100xf32, #tpu.memory_space<vmem>>, vector<16xf32>,
      %get3A_3501 = arith.constant 42 : i32
      %get3A_3502 = arith.index_cast %get3A_3501 : i32 to index
      %get3A_3503 = arith.constant 8 : index
      %get3A_3504 = tpu.vector_load %arg13[%get3A_3502, %get3A_3503] {strides = array<i32>} : memref<56x24xf32, #tpu.memory_space<vmem>>, vector<16xf32>,
      %swap3A_3505 = arith.constant 1 : i32
      %swap3A_3506 = arith.index_cast %swap3A_3505 : i32 to index
      %swap3A_3507 = arith.constant 932 : index
      %swap3A_3508 = tpu.vector_load %arg15[%swap3A_3506, %swap3A_3507] {strides = array<i32>} : memref<2x1100xf32, #tpu.memory_space<vmem>>, vector<16xf32>,
      tpu.vector_store %arg15[%swap3A_3506, %swap3A_3507], %get3A_3504 {strides = array<i32>} : memref<2x1100xf32, #tpu.memory_space<vmem>>, vector<16xf32>,
      %get3A_3509 = arith.constant 43 : i32
      %get3A_3510 = arith.index_cast %get3A_3509 : i32 to index
      %get3A_3511 = arith.constant 0 : index
      %get3A_3512 = tpu.vector_load %arg13[%get3A_3510, %get3A_3511] {strides = array<i32>} : memref<56x24xf32, #tpu.memory_space<vmem>>, vector<16xf32>,
      %swap3A_3513 = arith.constant 1 : i32
      %swap3A_3514 = arith.index_cast %swap3A_3513 : i32 to index
      %swap3A_3515 = arith.constant 946 : index
      %swap3A_3516 = tpu.vector_load %arg15[%swap3A_3514, %swap3A_3515] {strides = array<i32>} : memref<2x1100xf32, #tpu.memory_space<vmem>>, vector<16xf32>,
      tpu.vector_store %arg15[%swap3A_3514, %swap3A_3515], %get3A_3512 {strides = array<i32>} : memref<2x1100xf32, #tpu.memory_space<vmem>>, vector<16xf32>,
      %get3A_3517 = arith.constant 43 : i32
      %get3A_3518 = arith.index_cast %get3A_3517 : i32 to index
      %get3A_3519 = arith.constant 8 : index
      %get3A_3520 = tpu.vector_load %arg13[%get3A_3518, %get3A_3519] {strides = array<i32>} : memref<56x24xf32, #tpu.memory_space<vmem>>, vector<16xf32>,
      %swap3A_3521 = arith.constant 1 : i32
      %swap3A_3522 = arith.index_cast %swap3A_3521 : i32 to index
      %swap3A_3523 = arith.constant 954 : index
      %swap3A_3524 = tpu.vector_load %arg15[%swap3A_3522, %swap3A_3523] {strides = array<i32>} : memref<2x1100xf32, #tpu.memory_space<vmem>>, vector<16xf32>,
      tpu.vector_store %arg15[%swap3A_3522, %swap3A_3523], %get3A_3520 {strides = array<i32>} : memref<2x1100xf32, #tpu.memory_space<vmem>>, vector<16xf32>,
      %get3A_3525 = arith.constant 44 : i32
      %get3A_3526 = arith.index_cast %get3A_3525 : i32 to index
      %get3A_3527 = arith.constant 0 : index
      %get3A_3528 = tpu.vector_load %arg13[%get3A_3526, %get3A_3527] {strides = array<i32>} : memref<56x24xf32, #tpu.memory_space<vmem>>, vector<16xf32>,
      %swap3A_3529 = arith.constant 1 : i32
      %swap3A_3530 = arith.index_cast %swap3A_3529 : i32 to index
      %swap3A_3531 = arith.constant 968 : index
      %swap3A_3532 = tpu.vector_load %arg15[%swap3A_3530, %swap3A_3531] {strides = array<i32>} : memref<2x1100xf32, #tpu.memory_space<vmem>>, vector<16xf32>,
      tpu.vector_store %arg15[%swap3A_3530, %swap3A_3531], %get3A_3528 {strides = array<i32>} : memref<2x1100xf32, #tpu.memory_space<vmem>>, vector<16xf32>,
      %get3A_3533 = arith.constant 44 : i32
      %get3A_3534 = arith.index_cast %get3A_3533 : i32 to index
      %get3A_3535 = arith.constant 8 : index
      %get3A_3536 = tpu.vector_load %arg13[%get3A_3534, %get3A_3535] {strides = array<i32>} : memref<56x24xf32, #tpu.memory_space<vmem>>, vector<16xf32>,
      %swap3A_3537 = arith.constant 1 : i32
      %swap3A_3538 = arith.index_cast %swap3A_3537 : i32 to index
      %swap3A_3539 = arith.constant 976 : index
      %swap3A_3540 = tpu.vector_load %arg15[%swap3A_3538, %swap3A_3539] {strides = array<i32>} : memref<2x1100xf32, #tpu.memory_space<vmem>>, vector<16xf32>,
      tpu.vector_store %arg15[%swap3A_3538, %swap3A_3539], %get3A_3536 {strides = array<i32>} : memref<2x1100xf32, #tpu.memory_space<vmem>>, vector<16xf32>,
      %get3A_3541 = arith.constant 45 : i32
      %get3A_3542 = arith.index_cast %get3A_3541 : i32 to index
      %get3A_3543 = arith.constant 0 : index
      %get3A_3544 = tpu.vector_load %arg13[%get3A_3542, %get3A_3543] {strides = array<i32>} : memref<56x24xf32, #tpu.memory_space<vmem>>, vector<16xf32>,
      %swap3A_3545 = arith.constant 1 : i32
      %swap3A_3546 = arith.index_cast %swap3A_3545 : i32 to index
      %swap3A_3547 = arith.constant 990 : index
      %swap3A_3548 = tpu.vector_load %arg15[%swap3A_3546, %swap3A_3547] {strides = array<i32>} : memref<2x1100xf32, #tpu.memory_space<vmem>>, vector<16xf32>,
      tpu.vector_store %arg15[%swap3A_3546, %swap3A_3547], %get3A_3544 {strides = array<i32>} : memref<2x1100xf32, #tpu.memory_space<vmem>>, vector<16xf32>,
      %get3A_3549 = arith.constant 45 : i32
      %get3A_3550 = arith.index_cast %get3A_3549 : i32 to index
      %get3A_3551 = arith.constant 8 : index
      %get3A_3552 = tpu.vector_load %arg13[%get3A_3550, %get3A_3551] {strides = array<i32>} : memref<56x24xf32, #tpu.memory_space<vmem>>, vector<16xf32>,
      %swap3A_3553 = arith.constant 1 : i32
      %swap3A_3554 = arith.index_cast %swap3A_3553 : i32 to index
      %swap3A_3555 = arith.constant 998 : index
      %swap3A_3556 = tpu.vector_load %arg15[%swap3A_3554, %swap3A_3555] {strides = array<i32>} : memref<2x1100xf32, #tpu.memory_space<vmem>>, vector<16xf32>,
      tpu.vector_store %arg15[%swap3A_3554, %swap3A_3555], %get3A_3552 {strides = array<i32>} : memref<2x1100xf32, #tpu.memory_space<vmem>>, vector<16xf32>,
      %get3A_3557 = arith.constant 46 : i32
      %get3A_3558 = arith.index_cast %get3A_3557 : i32 to index
      %get3A_3559 = arith.constant 0 : index
      %get3A_3560 = tpu.vector_load %arg13[%get3A_3558, %get3A_3559] {strides = array<i32>} : memref<56x24xf32, #tpu.memory_space<vmem>>, vector<16xf32>,
      %swap3A_3561 = arith.constant 1 : i32
      %swap3A_3562 = arith.index_cast %swap3A_3561 : i32 to index
      %swap3A_3563 = arith.constant 1012 : index
      %swap3A_3564 = tpu.vector_load %arg15[%swap3A_3562, %swap3A_3563] {strides = array<i32>} : memref<2x1100xf32, #tpu.memory_space<vmem>>, vector<16xf32>,
      tpu.vector_store %arg15[%swap3A_3562, %swap3A_3563], %get3A_3560 {strides = array<i32>} : memref<2x1100xf32, #tpu.memory_space<vmem>>, vector<16xf32>,
      %get3A_3565 = arith.constant 46 : i32
      %get3A_3566 = arith.index_cast %get3A_3565 : i32 to index
      %get3A_3567 = arith.constant 8 : index
      %get3A_3568 = tpu.vector_load %arg13[%get3A_3566, %get3A_3567] {strides = array<i32>} : memref<56x24xf32, #tpu.memory_space<vmem>>, vector<16xf32>,
      %swap3A_3569 = arith.constant 1 : i32
      %swap3A_3570 = arith.index_cast %swap3A_3569 : i32 to index
      %swap3A_3571 = arith.constant 1020 : index
      %swap3A_3572 = tpu.vector_load %arg15[%swap3A_3570, %swap3A_3571] {strides = array<i32>} : memref<2x1100xf32, #tpu.memory_space<vmem>>, vector<16xf32>,
      tpu.vector_store %arg15[%swap3A_3570, %swap3A_3571], %get3A_3568 {strides = array<i32>} : memref<2x1100xf32, #tpu.memory_space<vmem>>, vector<16xf32>,
      %get3A_3573 = arith.constant 47 : i32
      %get3A_3574 = arith.index_cast %get3A_3573 : i32 to index
      %get3A_3575 = arith.constant 0 : index
      %get3A_3576 = tpu.vector_load %arg13[%get3A_3574, %get3A_3575] {strides = array<i32>} : memref<56x24xf32, #tpu.memory_space<vmem>>, vector<16xf32>,
      %swap3A_3577 = arith.constant 1 : i32
      %swap3A_3578 = arith.index_cast %swap3A_3577 : i32 to index
      %swap3A_3579 = arith.constant 1034 : index
      %swap3A_3580 = tpu.vector_load %arg15[%swap3A_3578, %swap3A_3579] {strides = array<i32>} : memref<2x1100xf32, #tpu.memory_space<vmem>>, vector<16xf32>,
      tpu.vector_store %arg15[%swap3A_3578, %swap3A_3579], %get3A_3576 {strides = array<i32>} : memref<2x1100xf32, #tpu.memory_space<vmem>>, vector<16xf32>,
      %get3A_3581 = arith.constant 47 : i32
      %get3A_3582 = arith.index_cast %get3A_3581 : i32 to index
      %get3A_3583 = arith.constant 8 : index
      %get3A_3584 = tpu.vector_load %arg13[%get3A_3582, %get3A_3583] {strides = array<i32>} : memref<56x24xf32, #tpu.memory_space<vmem>>, vector<16xf32>,
      %swap3A_3585 = arith.constant 1 : i32
      %swap3A_3586 = arith.index_cast %swap3A_3585 : i32 to index
      %swap3A_3587 = arith.constant 1042 : index
      %swap3A_3588 = tpu.vector_load %arg15[%swap3A_3586, %swap3A_3587] {strides = array<i32>} : memref<2x1100xf32, #tpu.memory_space<vmem>>, vector<16xf32>,
      tpu.vector_store %arg15[%swap3A_3586, %swap3A_3587], %get3A_3584 {strides = array<i32>} : memref<2x1100xf32, #tpu.memory_space<vmem>>, vector<16xf32>,
      %get3A_3589 = arith.constant 48 : i32
      %get3A_3590 = arith.index_cast %get3A_3589 : i32 to index
      %get3A_3591 = arith.constant 0 : index
      %get3A_3592 = tpu.vector_load %arg13[%get3A_3590, %get3A_3591] {strides = array<i32>} : memref<56x24xf32, #tpu.memory_space<vmem>>, vector<16xf32>,
      %swap3A_3593 = arith.constant 1 : i32
      %swap3A_3594 = arith.index_cast %swap3A_3593 : i32 to index
      %swap3A_3595 = arith.constant 1056 : index
      %swap3A_3596 = tpu.vector_load %arg15[%swap3A_3594, %swap3A_3595] {strides = array<i32>} : memref<2x1100xf32, #tpu.memory_space<vmem>>, vector<16xf32>,
      tpu.vector_store %arg15[%swap3A_3594, %swap3A_3595], %get3A_3592 {strides = array<i32>} : memref<2x1100xf32, #tpu.memory_space<vmem>>, vector<16xf32>,
      %get3A_3597 = arith.constant 48 : i32
      %get3A_3598 = arith.index_cast %get3A_3597 : i32 to index
      %get3A_3599 = arith.constant 8 : index
      %get3A_3600 = tpu.vector_load %arg13[%get3A_3598, %get3A_3599] {strides = array<i32>} : memref<56x24xf32, #tpu.memory_space<vmem>>, vector<16xf32>,
      %swap3A_3601 = arith.constant 1 : i32
      %swap3A_3602 = arith.index_cast %swap3A_3601 : i32 to index
      %swap3A_3603 = arith.constant 1064 : index
      %swap3A_3604 = tpu.vector_load %arg15[%swap3A_3602, %swap3A_3603] {strides = array<i32>} : memref<2x1100xf32, #tpu.memory_space<vmem>>, vector<16xf32>,
      tpu.vector_store %arg15[%swap3A_3602, %swap3A_3603], %get3A_3600 {strides = array<i32>} : memref<2x1100xf32, #tpu.memory_space<vmem>>, vector<16xf32>,
      %get3A_3605 = arith.constant 49 : i32
      %get3A_3606 = arith.index_cast %get3A_3605 : i32 to index
      %get3A_3607 = arith.constant 0 : index
      %get3A_3608 = tpu.vector_load %arg13[%get3A_3606, %get3A_3607] {strides = array<i32>} : memref<56x24xf32, #tpu.memory_space<vmem>>, vector<16xf32>,
      %swap3A_3609 = arith.constant 1 : i32
      %swap3A_3610 = arith.index_cast %swap3A_3609 : i32 to index
      %swap3A_3611 = arith.constant 1078 : index
      %swap3A_3612 = tpu.vector_load %arg15[%swap3A_3610, %swap3A_3611] {strides = array<i32>} : memref<2x1100xf32, #tpu.memory_space<vmem>>, vector<16xf32>,
      tpu.vector_store %arg15[%swap3A_3610, %swap3A_3611], %get3A_3608 {strides = array<i32>} : memref<2x1100xf32, #tpu.memory_space<vmem>>, vector<16xf32>,
      %get3A_3613 = arith.constant 49 : i32
      %get3A_3614 = arith.index_cast %get3A_3613 : i32 to index
      %get3A_3615 = arith.constant 6 : index
      %get3A_3616 = tpu.vector_load %arg13[%get3A_3614, %get3A_3615] {strides = array<i32>} : memref<56x24xf32, #tpu.memory_space<vmem>>, vector<16xf32>,
      %swap3A_3617 = arith.constant 1 : i32
      %swap3A_3618 = arith.index_cast %swap3A_3617 : i32 to index
      %swap3A_3619 = arith.constant 1084 : index
      %swap3A_3620 = tpu.vector_load %arg15[%swap3A_3618, %swap3A_3619] {strides = array<i32>} : memref<2x1100xf32, #tpu.memory_space<vmem>>, vector<16xf32>,
      tpu.vector_store %arg15[%swap3A_3618, %swap3A_3619], %get3A_3616 {strides = array<i32>} : memref<2x1100xf32, #tpu.memory_space<vmem>>, vector<16xf32>,
      %mul3A_3621 = arith.constant 4 : i32
      %mul3A_3622 = arith.muli %scan3A_147, %mul3A_3621 : i32
      %add3A_3623 = arith.addi %mul3A_2, %mul3A_3622 : i32
      %add3A_3624 = arith.constant 2 : i32
      %add3A_3625 = arith.addi %add3A_3623, %add3A_3624 : i32
      %dma_start3A_3626 = arith.constant 0 : i32
      %dma_start3A_3627 = arith.constant 0 : i32
      %dma_start3A_3628 = tpu.memref_slice %arg15[%dma_start3A_3626, %dma_start3A_3627] : memref<2x1100xf32, #tpu.memory_space<vmem>> -> memref<1x1100xf32, #tpu.memory_space<vmem>>
      %dma_start3A_3629 = tpu.memref_squeeze %dma_start3A_3628 : memref<1x1100xf32, #tpu.memory_space<vmem>> -> memref<1100xf32, #tpu.memory_space<vmem>>
      %dma_start3A_3630 = arith.constant 0 : i32
      %dma_start3A_3631 = tpu.memref_slice %arg4[%add3A_3625, %dma_start3A_3630] : memref<16384x1100xf32, #tpu.memory_space<hbm>> -> memref<1x1100xf32, #tpu.memory_space<hbm>>
      %dma_start3A_3632 = tpu.memref_squeeze %dma_start3A_3631 : memref<1x1100xf32, #tpu.memory_space<hbm>> -> memref<1100xf32, #tpu.memory_space<hbm>>
      %dma_start3A_3633 = arith.constant 0 : i32
      %dma_start3A_3634 = tpu.memref_slice %arg4[%add3A_3625, %dma_start3A_3633] : memref<16384x1100xf32, #tpu.memory_space<hbm>> -> memref<1x1100xf32, #tpu.memory_space<hbm>>
      %dma_start3A_3635 = tpu.memref_squeeze %dma_start3A_3634 : memref<1x1100xf32, #tpu.memory_space<hbm>> -> memref<1100xf32, #tpu.memory_space<hbm>>
      %dma_start3A_3636 = arith.constant 0 : i32
      %dma_start3A_3637 = tpu.memref_slice %arg15[%dma_start3A_3626, %dma_start3A_3636] : memref<2x1100xf32, #tpu.memory_space<vmem>> -> memref<1x1100xf32, #tpu.memory_space<vmem>>
      %dma_start3A_3638 = tpu.memref_squeeze %dma_start3A_3637 : memref<1x1100xf32, #tpu.memory_space<vmem>> -> memref<1100xf32, #tpu.memory_space<vmem>>
      tpu.enqueue_dma source(%dma_start3A_3638 : memref<1100xf32, #tpu.memory_space<vmem>>) target(%dma_start3A_3635 : memref<1100xf32, #tpu.memory_space<hbm>>) target_semaphore(%arg18 : memref<!tpu.dma_semaphore, #tpu.memory_space<semaphore_mem>>)
      %add3A_3639 = arith.constant 1 : i32
      %add3A_3640 = arith.addi %add3A_3625, %add3A_3639 : i32
      %dma_start3A_3641 = arith.constant 1 : i32
      %dma_start3A_3642 = arith.constant 0 : i32
      %dma_start3A_3643 = tpu.memref_slice %arg15[%dma_start3A_3641, %dma_start3A_3642] : memref<2x1100xf32, #tpu.memory_space<vmem>> -> memref<1x1100xf32, #tpu.memory_space<vmem>>
      %dma_start3A_3644 = tpu.memref_squeeze %dma_start3A_3643 : memref<1x1100xf32, #tpu.memory_space<vmem>> -> memref<1100xf32, #tpu.memory_space<vmem>>
      %dma_start3A_3645 = arith.constant 0 : i32
      %dma_start3A_3646 = tpu.memref_slice %arg4[%add3A_3640, %dma_start3A_3645] : memref<16384x1100xf32, #tpu.memory_space<hbm>> -> memref<1x1100xf32, #tpu.memory_space<hbm>>
      %dma_start3A_3647 = tpu.memref_squeeze %dma_start3A_3646 : memref<1x1100xf32, #tpu.memory_space<hbm>> -> memref<1100xf32, #tpu.memory_space<hbm>>
      %dma_start3A_3648 = arith.constant 0 : i32
      %dma_start3A_3649 = tpu.memref_slice %arg4[%add3A_3640, %dma_start3A_3648] : memref<16384x1100xf32, #tpu.memory_space<hbm>> -> memref<1x1100xf32, #tpu.memory_space<hbm>>
      %dma_start3A_3650 = tpu.memref_squeeze %dma_start3A_3649 : memref<1x1100xf32, #tpu.memory_space<hbm>> -> memref<1100xf32, #tpu.memory_space<hbm>>
      %dma_start3A_3651 = arith.constant 0 : i32
      %dma_start3A_3652 = tpu.memref_slice %arg15[%dma_start3A_3641, %dma_start3A_3651] : memref<2x1100xf32, #tpu.memory_space<vmem>> -> memref<1x1100xf32, #tpu.memory_space<vmem>>
      %dma_start3A_3653 = tpu.memref_squeeze %dma_start3A_3652 : memref<1x1100xf32, #tpu.memory_space<vmem>> -> memref<1100xf32, #tpu.memory_space<vmem>>
      tpu.enqueue_dma source(%dma_start3A_3653 : memref<1100xf32, #tpu.memory_space<vmem>>) target(%dma_start3A_3650 : memref<1100xf32, #tpu.memory_space<hbm>>) target_semaphore(%arg18 : memref<!tpu.dma_semaphore, #tpu.memory_space<semaphore_mem>>)
    }
    %scan3A_91 = arith.constant 128 : i32
    %dma_wait3A = arith.constant 0 : i32
    %dma_wait3A_92 = arith.constant 0 : i32
    %dma_wait3A_93 = arith.constant 0 : i32
    %dma_wait3A_94 = tpu.memref_slice %arg14[%dma_wait3A_92, %dma_wait3A_93] : memref<2x1100xf32, #tpu.memory_space<vmem>> -> memref<1x1100xf32, #tpu.memory_space<vmem>>
    %dma_wait3A_95 = tpu.memref_squeeze %dma_wait3A_94 : memref<1x1100xf32, #tpu.memory_space<vmem>> -> memref<1100xf32, #tpu.memory_space<vmem>>
    %dma_wait3A_96 = arith.constant 0 : i32
    %dma_wait3A_97 = tpu.memref_slice %arg4[%dma_wait3A, %dma_wait3A_96] : memref<16384x1100xf32, #tpu.memory_space<hbm>> -> memref<1x1100xf32, #tpu.memory_space<hbm>>
    %dma_wait3A_98 = tpu.memref_squeeze %dma_wait3A_97 : memref<1x1100xf32, #tpu.memory_space<hbm>> -> memref<1100xf32, #tpu.memory_space<hbm>>
    %dma_wait3A_99 = arith.constant 0 : i32
    %dma_wait3A_100 = tpu.memref_slice %arg14[%dma_wait3A_92, %dma_wait3A_99] : memref<2x1100xf32, #tpu.memory_space<vmem>> -> memref<1x1100xf32, #tpu.memory_space<vmem>>
    %dma_wait3A_101 = tpu.memref_squeeze %dma_wait3A_100 : memref<1x1100xf32, #tpu.memory_space<vmem>> -> memref<1100xf32, #tpu.memory_space<vmem>>
    %dma_wait3A_102 = arith.constant 0 : i32
    %dma_wait3A_103 = tpu.memref_slice %arg4[%dma_wait3A, %dma_wait3A_102] : memref<16384x1100xf32, #tpu.memory_space<hbm>> -> memref<1x1100xf32, #tpu.memory_space<hbm>>
    %dma_wait3A_104 = tpu.memref_squeeze %dma_wait3A_103 : memref<1x1100xf32, #tpu.memory_space<hbm>> -> memref<1100xf32, #tpu.memory_space<hbm>>
    tpu.wait_dma2 semaphore(%arg18 : memref<!tpu.dma_semaphore, #tpu.memory_space<semaphore_mem>>) src(%dma_wait3A_104 : memref<1100xf32, #tpu.memory_space<hbm>>) dst(%dma_wait3A_101 : memref<1100xf32, #tpu.memory_space<vmem>>)
    %dma_wait3A_105 = arith.constant 0 : i32
    %dma_wait3A_106 = arith.constant 1 : i32
    %dma_wait3A_107 = arith.constant 0 : i32
    %dma_wait3A_108 = tpu.memref_slice %arg14[%dma_wait3A_106, %dma_wait3A_107] : memref<2x1100xf32, #tpu.memory_space<vmem>> -> memref<1x1100xf32, #tpu.memory_space<vmem>>
    %dma_wait3A_109 = tpu.memref_squeeze %dma_wait3A_108 : memref<1x1100xf32, #tpu.memory_space<vmem>> -> memref<1100xf32, #tpu.memory_space<vmem>>
    %dma_wait3A_110 = arith.constant 0 : i32
    %dma_wait3A_111 = tpu.memref_slice %arg4[%dma_wait3A_105, %dma_wait3A_110] : memref<16384x1100xf32, #tpu.memory_space<hbm>> -> memref<1x1100xf32, #tpu.memory_space<hbm>>
    %dma_wait3A_112 = tpu.memref_squeeze %dma_wait3A_111 : memref<1x1100xf32, #tpu.memory_space<hbm>> -> memref<1100xf32, #tpu.memory_space<hbm>>
    %dma_wait3A_113 = arith.constant 0 : i32
    %dma_wait3A_114 = tpu.memref_slice %arg14[%dma_wait3A_106, %dma_wait3A_113] : memref<2x1100xf32, #tpu.memory_space<vmem>> -> memref<1x1100xf32, #tpu.memory_space<vmem>>
    %dma_wait3A_115 = tpu.memref_squeeze %dma_wait3A_114 : memref<1x1100xf32, #tpu.memory_space<vmem>> -> memref<1100xf32, #tpu.memory_space<vmem>>
    %dma_wait3A_116 = arith.constant 0 : i32
    %dma_wait3A_117 = tpu.memref_slice %arg4[%dma_wait3A_105, %dma_wait3A_116] : memref<16384x1100xf32, #tpu.memory_space<hbm>> -> memref<1x1100xf32, #tpu.memory_space<hbm>>
    %dma_wait3A_118 = tpu.memref_squeeze %dma_wait3A_117 : memref<1x1100xf32, #tpu.memory_space<hbm>> -> memref<1100xf32, #tpu.memory_space<hbm>>
    tpu.wait_dma2 semaphore(%arg18 : memref<!tpu.dma_semaphore, #tpu.memory_space<semaphore_mem>>) src(%dma_wait3A_118 : memref<1100xf32, #tpu.memory_space<hbm>>) dst(%dma_wait3A_115 : memref<1100xf32, #tpu.memory_space<vmem>>)
    %dma_wait3A_119 = arith.constant 0 : i32
    %dma_wait3A_120 = arith.constant 0 : i32
    %dma_wait3A_121 = arith.constant 0 : i32
    %dma_wait3A_122 = tpu.memref_slice %arg15[%dma_wait3A_120, %dma_wait3A_121] : memref<2x1100xf32, #tpu.memory_space<vmem>> -> memref<1x1100xf32, #tpu.memory_space<vmem>>
    %dma_wait3A_123 = tpu.memref_squeeze %dma_wait3A_122 : memref<1x1100xf32, #tpu.memory_space<vmem>> -> memref<1100xf32, #tpu.memory_space<vmem>>
    %dma_wait3A_124 = arith.constant 0 : i32
    %dma_wait3A_125 = tpu.memref_slice %arg4[%dma_wait3A_119, %dma_wait3A_124] : memref<16384x1100xf32, #tpu.memory_space<hbm>> -> memref<1x1100xf32, #tpu.memory_space<hbm>>
    %dma_wait3A_126 = tpu.memref_squeeze %dma_wait3A_125 : memref<1x1100xf32, #tpu.memory_space<hbm>> -> memref<1100xf32, #tpu.memory_space<hbm>>
    %dma_wait3A_127 = arith.constant 0 : i32
    %dma_wait3A_128 = tpu.memref_slice %arg15[%dma_wait3A_120, %dma_wait3A_127] : memref<2x1100xf32, #tpu.memory_space<vmem>> -> memref<1x1100xf32, #tpu.memory_space<vmem>>
    %dma_wait3A_129 = tpu.memref_squeeze %dma_wait3A_128 : memref<1x1100xf32, #tpu.memory_space<vmem>> -> memref<1100xf32, #tpu.memory_space<vmem>>
    %dma_wait3A_130 = arith.constant 0 : i32
    %dma_wait3A_131 = tpu.memref_slice %arg4[%dma_wait3A_119, %dma_wait3A_130] : memref<16384x1100xf32, #tpu.memory_space<hbm>> -> memref<1x1100xf32, #tpu.memory_space<hbm>>
    %dma_wait3A_132 = tpu.memref_squeeze %dma_wait3A_131 : memref<1x1100xf32, #tpu.memory_space<hbm>> -> memref<1100xf32, #tpu.memory_space<hbm>>
    tpu.wait_dma2 semaphore(%arg18 : memref<!tpu.dma_semaphore, #tpu.memory_space<semaphore_mem>>) src(%dma_wait3A_132 : memref<1100xf32, #tpu.memory_space<hbm>>) dst(%dma_wait3A_129 : memref<1100xf32, #tpu.memory_space<vmem>>)
    %dma_wait3A_133 = arith.constant 0 : i32
    %dma_wait3A_134 = arith.constant 1 : i32
    %dma_wait3A_135 = arith.constant 0 : i32
    %dma_wait3A_136 = tpu.memref_slice %arg15[%dma_wait3A_134, %dma_wait3A_135] : memref<2x1100xf32, #tpu.memory_space<vmem>> -> memref<1x1100xf32, #tpu.memory_space<vmem>>
    %dma_wait3A_137 = tpu.memref_squeeze %dma_wait3A_136 : memref<1x1100xf32, #tpu.memory_space<vmem>> -> memref<1100xf32, #tpu.memory_space<vmem>>
    %dma_wait3A_138 = arith.constant 0 : i32
    %dma_wait3A_139 = tpu.memref_slice %arg4[%dma_wait3A_133, %dma_wait3A_138] : memref<16384x1100xf32, #tpu.memory_space<hbm>> -> memref<1x1100xf32, #tpu.memory_space<hbm>>
    %dma_wait3A_140 = tpu.memref_squeeze %dma_wait3A_139 : memref<1x1100xf32, #tpu.memory_space<hbm>> -> memref<1100xf32, #tpu.memory_space<hbm>>
    %dma_wait3A_141 = arith.constant 0 : i32
    %dma_wait3A_142 = tpu.memref_slice %arg15[%dma_wait3A_134, %dma_wait3A_141] : memref<2x1100xf32, #tpu.memory_space<vmem>> -> memref<1x1100xf32, #tpu.memory_space<vmem>>
    %dma_wait3A_143 = tpu.memref_squeeze %dma_wait3A_142 : memref<1x1100xf32, #tpu.memory_space<vmem>> -> memref<1100xf32, #tpu.memory_space<vmem>>
    %dma_wait3A_144 = arith.constant 0 : i32
    %dma_wait3A_145 = tpu.memref_slice %arg4[%dma_wait3A_133, %dma_wait3A_144] : memref<16384x1100xf32, #tpu.memory_space<hbm>> -> memref<1x1100xf32, #tpu.memory_space<hbm>>
    %dma_wait3A_146 = tpu.memref_squeeze %dma_wait3A_145 : memref<1x1100xf32, #tpu.memory_space<hbm>> -> memref<1100xf32, #tpu.memory_space<hbm>>
    tpu.wait_dma2 semaphore(%arg18 : memref<!tpu.dma_semaphore, #tpu.memory_space<semaphore_mem>>) src(%dma_wait3A_146 : memref<1100xf32, #tpu.memory_space<hbm>>) dst(%dma_wait3A_143 : memref<1100xf32, #tpu.memory_space<vmem>>)
    return
  }
}

</mosaic_0001>

<sc_bundles>
// kernel: kernel.3.cloned.1.call-start
scs
__scs_entry_jumppad:
0x0: {  	(pc) =	sbr.rel $0x88, $3  }
0x1: {  	(tag) =	ssettag $0x0;
	lr =	simm.s32 $0x1  }
0x2: {  	[smem:$0x3F9F] =	sst lr;
	_ =	strace $0xD0000000  }
0x3: {  	_ = 	snop  }
0x4: {  	_ = 	snop  }
0x5: {  	_ = 	snop  }
0x6: {  	_ = 	snop  }
0x7: {  	_ = 	snop  }
__scs_overlays_trampoline_lowered:
0x8: {  	[smem:$0x3FAE] =	sst s0  }
0x9: {  	[smem:$0x3FAF] =	sst s1  }
0xa: {  	[smem:$0x3FB0] =	sst s2  }
0xb: {  	[smem:$0x3FB1] =	sst s3  }
0xc: {  	[smem:$0x3FB2] =	sst s4  }
0xd: {  	[smem:$0x3FB3] =	sst s5  }
0xe: {  	[smem:$0x3FB4] =	sst s6  }
0xf: {  	[smem:$0x3FB5] =	sst s7  }
0x10: {  	[smem:$0x3FB6] =	sst s8  }
0x11: {  	[smem:$0x3FB7] =	sst s9;
	s0 =	simm.s32 @!p0 $0x0  }
0x12: {  	s1 =	sld [smem:$0x3F9D];
	s0 =	simm.s32 @p0 $0x1  }
0x13: {  	[smem:$0x3FB8] =	sst s0;
	s0 =	simm.s32 @!p1 $0x0  }
0x14: {  	s2 =	sld [smem:$0x3F9C];
	s0 =	simm.s32 @p1 $0x1  }
0x15: {  	[smem:$0x3FB9] =	sst s0;
	s0 =	simm.s32 @!p2 $0x0  }
0x16: {  	s3 =	sld [smem:$0x3FDB];
	s0 =	simm.s32 @p2 $0x1  }
0x17: {  	s4 =	simm.s32 $0x1BF5;
	[smem:$0x3FBB] =	sst s0  }
0x18: {  	s0 =	sld [smem:$0x3F9E];
	_ =	swait.ge [sflag:s4], $0x0  }
0x19: {  	s7 =	sld [smem:$0x3F9F]  }
0x1a: {  	s8 =	sadd.s32 $0xFFFFE003, lr  }
0x1b: {  	s9 =	sadd.s32 $0xFFFFFEF7, lr;
	s5 =	simm.s32 $0xFFFFFFFF;
	p2 =	slt.u32 s8, $0xFFFFF086  }
0x1c: {  	p1 =	slt.u32 s9, $0xF7A;
	s5 =	simm.s32 @!p2 $0x0  }
0x1d: {  	s5 =	simm.s32 @p1 $0x1;
	p0 =	seq.s32 s7, s2  }
0x1e: {  	s7 =	smul.u32 @!p0 $0xF7A, s2;
	p2 =	seq.s32 @!p0 s5, $0x0  }
0x1f: {  	s9 =	smul.u32 $0xF7A, s1;
	s8 =	simm.s32 @!p0 $0x1BF5;
	p2 =	por !p2, p0  }
0x20: {  	[sflag:s8] =	ssyncset.s32 @!p0 $0xFFFFF086;
	s6 =	sadd.s32 @!p0 s3, s7;
	s7 =	simm.s32 @!p0 $0x108  }
0x21: {  	s3 =	sadd.s32 s3, s9;
	s6 =	sadd.s32 @!p0 $0x88, s6;
	s7 =	simm.s32 @p2 $0x1082  }
0x22: {  	[simem:s7], [sflag:s8] =	dma.local @!p0 [hbm:s6], $0xF7A  }
0x23: {  	s9 =	sor.u32 $0xD0000000, s2;
	s6 =	simm.s32 $0x108;
	_ =	swait.ge @!p0 [sflag:s8], $0x0  }
0x24: {  	s3 =	sadd.s32 $0x88, s3;
	s6 =	simm.s32 @!p1 $0x1082;
	[sflag:s4] =	ssyncset.s32 $0xFFFFF086  }
0x25: {  	[simem:s6], [sflag:s4] =	dma.local [hbm:s3], $0xF7A  }
0x26: {  	[smem:$0x3F9F] =	sst s1;
	(tag) =	ssettag s2;
	_ =	strace s9  }
0x27: {  	s1 =	sld [smem:$0x3FAF]  }
0x28: {  	s2 =	sld [smem:$0x3FB0]  }
0x29: {  	s4 =	sld [smem:$0x3FB2]  }
0x2a: {  	p0 =	seq.s32 s5, $0x0;
	s5 =	sld [smem:$0x3FB3]  }
0x2b: {  	s6 =	sld [smem:$0x3FB4]  }
0x2c: {  	s7 =	sld [smem:$0x3FB5]  }
0x2d: {  	s3 =	simm.s32 $0x108;
	s8 =	sld [smem:$0x3FB6]  }
0x2e: {  	s3 =	simm.s32 @!p0 $0x1082;
	s9 =	sld [smem:$0x3FB7]  }
0x2f: {  	lr =	sadd.s32 s0, s3;
	s0 =	sld [smem:$0x3FAE]  }
0x30: {  	s3 =	sld [smem:$0x3FB1]  }
0x31: {  	[smem:$0x3FBA] =	sst s10  }
0x32: {  	s10 =	sld [smem:$0x3FB8];
	_ =	sdelay $0x3  }
0x33: {  	p0 =	seq.s32 s10, $0x1;
	s10 =	sld [smem:$0x3FBA];
	_ =	sdelay $0x3  }
0x34: {  	[smem:$0x3FBA] =	sst s10  }
0x35: {  	s10 =	sld [smem:$0x3FB9];
	_ =	sdelay $0x3  }
0x36: {  	p1 =	seq.s32 s10, $0x1;
	s10 =	sld [smem:$0x3FBA];
	_ =	sdelay $0x3  }
0x37: {  	[smem:$0x3FBA] =	sst s10  }
0x38: {  	s10 =	sld [smem:$0x3FBB]  }
0x39: {  	_ = 	snop;
	(pc) =	sbr.ind lr, $3  }
0x3a: {  	_ = 	snop  }
0x3b: {  	_ = 	snop  }
0x3c: {  	p2 =	seq.s32 s10, $0x1;
	s10 =	sld [smem:$0x3FBA]  }
0x3d: {  	_ =	shalt  }
0x3e: {  	_ =	shalt  }
0x3f: {  	_ =	shalt  }
0x40: {  	_ =	shalt  }
0x41: {  	_ =	shalt  }
0x42: {  	_ =	shalt  }
0x43: {  	_ =	shalt  }
0x44: {  	_ =	shalt  }
0x45: {  	_ =	shalt  }
0x46: {  	_ =	shalt  }
0x47: {  	_ =	shalt  }
0x48: {  	_ =	shalt  }
0x49: {  	_ =	shalt  }
0x4a: {  	_ =	shalt  }
0x4b: {  	_ =	shalt  }
0x4c: {  	_ =	shalt  }
0x4d: {  	_ =	shalt  }
0x4e: {  	_ =	shalt  }
0x4f: {  	_ =	shalt  }
0x50: {  	_ =	shalt  }
0x51: {  	_ =	shalt  }
0x52: {  	_ =	shalt  }
0x53: {  	_ =	shalt  }
0x54: {  	_ =	shalt  }
0x55: {  	_ =	shalt  }
0x56: {  	_ =	shalt  }
0x57: {  	_ =	shalt  }
0x58: {  	_ =	shalt  }
0x59: {  	_ =	shalt  }
0x5a: {  	_ =	shalt  }
0x5b: {  	_ =	shalt  }
0x5c: {  	_ =	shalt  }
0x5d: {  	_ =	shalt  }
0x5e: {  	_ =	shalt  }
0x5f: {  	_ =	shalt  }
0x60: {  	_ =	shalt  }
0x61: {  	_ =	shalt  }
0x62: {  	_ =	shalt  }
0x63: {  	_ =	shalt  }
0x64: {  	_ =	shalt  }
0x65: {  	_ =	shalt  }
0x66: {  	_ =	shalt  }
0x67: {  	_ =	shalt  }
0x68: {  	_ =	shalt  }
0x69: {  	_ =	shalt  }
0x6a: {  	_ =	shalt  }
0x6b: {  	_ =	shalt  }
0x6c: {  	_ =	shalt  }
0x6d: {  	_ =	shalt  }
0x6e: {  	_ =	shalt  }
0x6f: {  	_ =	shalt  }
0x70: {  	_ =	shalt  }
0x71: {  	_ =	shalt  }
0x72: {  	_ =	shalt  }
0x73: {  	_ =	shalt  }
0x74: {  	_ =	shalt  }
0x75: {  	_ =	shalt  }
0x76: {  	_ =	shalt  }
0x77: {  	_ =	shalt  }
0x78: {  	_ =	shalt  }
0x79: {  	_ =	shalt  }
0x7a: {  	_ =	shalt  }
0x7b: {  	_ =	shalt  }
0x7c: {  	_ =	shalt  }
0x7d: {  	_ =	shalt  }
0x7e: {  	_ =	shalt  }
0x7f: {  	_ =	shalt  }
0x80: {  	_ =	shalt  }
0x81: {  	_ =	shalt  }
0x82: {  	_ =	shalt  }
0x83: {  	_ =	shalt  }
0x84: {  	_ =	shalt  }
0x85: {  	_ =	shalt  }
0x86: {  	_ =	shalt  }
0x87: {  	_ =	shalt  }
.Lfunc_end0:
.L_simem_size_0:
called_computation.1_lowered:
.L_overlay_start_0:
0x88: {  	s2 =	sld [smem:$0x3FD9]  }
0x89: {  	s3 =	sld [smem:$0x3FFE];
	_ =	sdelay $0x1  }
0x8a: {  	s1 =	srdreg.scid  }
0x8b: {  	s0 =	sand.u32 $0x1, s1  }
0x8c: {  	s17 =	sshll.u32 s0, $0xA;
	s2 =	sadd.s32 s3, s2  }
0x8d: {  	s2 =	sadd.s32 s2, s17  }
0x8e: {  	[smem:$0x3FC6] =	sst s2  }
0x8f: {  	_ = 	snop  }
0x90: {  	s2 =	sld [smem:$0x3FD0];
	(tm) =	ssettm $0x1  }
0x91: {  	s18 =	sld [smem:$0x3FFB];
	_ =	sdelay $0x3  }
0x92: {  	_ =	strace s18  }
0x93: {  	s3 =	sld [smem:$0x3FFC];
	_ =	sdelay $0x3  }
0x94: {  	_ =	strace s3  }
0x95: {  	s3 =	sld [smem:$0x3FFD];
	_ =	sdelay $0x3  }
0x96: {  	_ =	strace s3  }
0x97: {  	_ =	strace $0x8FFFFFFF  }
0x98: {  	s19 =	sld [smem:$0x3FDB];
	_ =	sdelay $0x1  }
0x99: {  	s4 =	simm.s32 $_scs_section_size  }
0x9a: {  	s5 =	simm.s32 $_size__tile_overlayer_lowered;
	s6 =	simm.s32 $_tile_overlayer_lowered  }
0x9b: {  	s22 =	simm.s32 $0x1BFF;
	s21 =	sshll.u32 s6, $0x1;
	s3 =	sadd.s32 s4, s19  }
0x9c: {  	s7 =	simm.s32 $0x0;
	s20 =	sshll.u32 s5, $0x1;
	s5 =	sadd.s32 s21, s3  }
0x9d: {  	[timem:s7], [sflag:s22] =	dma.local [hbm:s5], s20  }
0x9e: {  	_ =	swait.ge [sflag:s22], s20  }
0x9f: {  	s4 =	ssub.s32 $0x0, s20;
	[sflag:s22] =	ssyncset.done $0x0  }
0xa0: {  	[sflag:s22] =	ssyncadd.s32 s4;
	_ =	sdelay $0x1  }
0xa1: {  	s23 =	simm.s32 $0x1B8B  }
0xa2: {  	_ =	swait.ge [sflag:s23], $0x1  }
0xa3: {  	[sflag:s23] =	ssyncset.done $0x0  }
0xa4: {  	s25 =	simm.s32 $0x1B8E;
	s24 =	sld [smem:$0x3FFE];
	[sflag:s23] =	ssyncadd.s32 $0xFFFFFFFF  }
0xa5: {  	s26 =	simm.s32 $execute0_lowered;
	[smem:$0x3FD2] =	sst s25  }
0xa6: {  	s5 =	sshll.u32 s26, $0x1;
	_ =	strace $0x80000046;
	[dreg:$0x1] =	wrdreg $0xFFFFFFFF  }
0xa7: {  	s28 =	simm.s32 $_size_execute0_lowered;
	s3 =	sadd.s32 s3, s5;
	[dreg:$0x0] =	wrdreg $0x0  }
0xa8: {  	s5 =	sshll.u32 s28, $0x1;
	[dreg:$0x2] =	wrdreg s3  }
0xa9: {  	[dreg:$0x3] =	wrdreg s5  }
0xaa: {  	[dreg:$0x4] =	wrdreg $0xC0  }
0xab: {  	_ =	task [dreg:s7], $0x5FFFF  }
0xac: {  	[dreg:$0x1] =	wrdreg $0xFFFFFFFF  }
0xad: {  	[dreg:$0x0] =	wrdreg $0x60  }
0xae: {  	[dreg:$0x2] =	wrdreg s24  }
0xaf: {  	[dreg:$0x3] =	wrdreg s2  }
0xb0: {  	[dreg:$0x4] =	wrdreg $0x127400  }
0xb1: {  	[dreg:$0x5] =	wrdreg $0x9  }
0xb2: {  	_ =	task.clear_ibuf [dreg:s7], $0x6FFFF;
	_ =	strace $0x90000046  }
0xb3: {  	s29 =	simm.s32 $0x9;
	_ =	strace $0x80000048  }
0xb4: {  	_ =	swait.ge [sflag:s29], $0x1  }
0xb5: {  	[sflag:s29] =	ssyncadd.s32 $0xFFFFFFFF  }
0xb6: {  	_ =	strace $0x90000048  }
0xb7: {  	_ =	sfence  }
0xb8: {  	s30 =	sld [smem:$0x0];
	_ =	sdelay $0x2  }
0xb9: {  	s31 =	sshll.u32 s1, $0xD;
	s1 =	sshrl.u32 s1, $0x2  }
0xba: {  	s3 =	sand.u32 $0x4000, s31;
	s1 =	sadd.s32 s1, s30  }
0xbb: {  	s0 =	sor.u32 s3, s0;
	s1 =	sshll.u32 s1, $0x11  }
0xbc: {  	s0 =	sor.u32 s1, s0  }
0xbd: {  	s0 =	sadd.s32 $0x8F2B, s0  }
0xbe: {  	[sflag:s0] =	ssyncadd.remote.s32 $0x1  }
0xbf: {  	_ =	sfence.sel $0xFFFF  }
0xc0: {  	[dreg:$0x0] =	wrdreg $0xFFFFFFFF;
	(pc) =	sbr.abs _section_cstart, $3  }
0xc1: {  	[dreg:$0x1] =	wrdreg $0xFFFFFFFF  }
0xc2: {  	_ =	task.clear_ibuf [dreg:s7], $0x2FFFF;
	_ =	strace $0x9FFFFFFF  }
0xc3: {  	(tm) =	ssettm $0x7FFFFFFF  }
tec
execute0_lowered:
.L_overlay_start_1:
0x0: {  	(tag) =	ssettag $0x1  }
0x1: {  	s0 =	rddreg [dreg:$0x0]  }
0x2: {  	s3 =	rddreg [dreg:$0x1]  }
0x3: {  	s1 =	rddreg [dreg:$0x2];
	s2 =	simm.s32 $0x0;
	s4 =	srdreg.scid  }
0x4: {  	s6 =	stileid.u32;
	s11 =	simm.s32 $0x38;
	s12 =	simm.s32 $0x10000  }
0x5: {  	s13 =	simm.s32 $0x10100;
	s14 =	simm.s32 $0x10040;
	s15 =	simm.s32 $0x10640  }
0x6: {  	s16 =	simm.s32 $0x10080;
	s17 =	simm.s32 $0x10B80;
	s18 =	simm.s32 $0x100C0  }
0x7: {  	s19 =	simm.s32 $0x110C0;
	s20 =	simm.s32 $0x1;
	s21 =	simm.s32 $0x11600  }
0x8: {  	[smem:$0x7FF] =	sst s2;
	s5 =	sand.u32 $0x1, s4;
	s8 =	smul.u32 $0x114000, s6  }
0x9: {  	s22 =	sshll.u32 s6, $0xE;
	s25 =	smul.u32 $0x22800, s6;
	p0 =	sne.s32 s6, $0x0  }
0xa: {  	_ =	strace $0x80000047;
	s7 =	sshll.u32 s5, $0xD;
	s10 =	smul.u32 $0x8A000, s5  }
0xb: {  	s23 =	ssub.s32 $0x2, s5;
	s26 =	smul.u32 $0x11400, s5;
	s4 =	sor.u32 s7, s22  }
0xc: {  	s9 =	sshrl.u32 s23, $0x1;
	s28 =	sadd.s32 s25, s3;
	s22 =	simm.s32 $0x11A50  }
0xd: {  	s25 =	simm.s32 $0x2;
	s4 =	sadd.s32 s4, s0;
	s0 =	sadd.s32 $0x1000, s0  }
0xe: {  	v2 =	vlaneseq.u32;
	s24 =	ssub.s32 s23, s9;
	s8 =	sadd.s32 s10, s8;
	s23 =	simm.s32 $0x11EA0  }
0xf: {  	v6 =	vimm.s32 $0x6260;
	v7 =	vimm.s32 $0x6361;
	v0 =	vmul.u32 $0x2, v2;
	[dreg:$0x4] =	wrdreg s0;
	s4 =	sadd.s32 $0xFC00, s4;
	s0 =	smax.u32 s24, $0x1  }
0x10: {  	vm0 =	vcmask $0xF00;
	v2 =	vmul.u32 $0x190, v2;
	v9 =	vunpack.c.0.s8.s32 v6;
	s29 =	sor.u32 $0xCF0, s8;
	s30 =	sor.u32 $0x8A0, s8;
	[dreg:$0x5] =	wrdreg s4  }
0x11: {  	v10 =	vunpack.c.0.s8.s32 v7;
	v1 =	vor.u32 $0x1, v0;
	v3 =	vor.u32 $0x20, v0;
	s10 =	sor.u32 $0x450, s8;
	s24 =	simm.s32 $0x122F0;
	[dreg:$0x6] =	wrdreg s0  }
0x12: {  	v4 =	vor.u32 $0x21, v0;
	v5 =	vadd.s32 $0x1900, v2;
	v6 =	vor.u32 $0x40, v0;
	s0 =	sadd.s32 s26, s28;
	s7 =	sshrl.u32 s29, $0x3;
	s9 =	sshrl.u32 s30, $0x3  }
0x13: {  	v7 =	vor.u32 $0x41, v0;
	v8 =	vadd.s32 $0x3200, v2;
	v9 =	vnsel vm0, $0x0, v9;
	s31 =	sshrl.u32 s10, $0x3;
	s10 =	sshrl.u32 @!p0 s1, $0x3;
	s26 =	simm.s32 $0x0  }
0x14: {  	v10 =	vnsel vm0, $0x0, v10;
	v11 =	vadd.s32 $0x4B00, v2;
	vm0 =	vmmov $0x3;
	s7 =	sadd.s32 s7, s3;
	s8 =	sadd.s32 s9, s3;
	s9 =	sadd.s32 s31, s3  }
.LBB2_1:
0x15: {  	s3 =	simm.s32 @!p0 $0x1C03;
	s4 =	rddreg [dreg:$0x4]  }
0x16: {  	[spmem:s10], [sflag:s3] =	dma.local @!p0 [hbm:s4], $0xEA60  }
0x17: {  	s3 =	simm.s32 @!p0 $0x3  }
0x18: {  	_ =	swait.ge @!p0 [sflag:s3], $0xEA60  }
0x19: {  	[sflag:s3] =	ssyncset.done @!p0 $0x0  }
0x1a: {  	[sflag:s3] =	ssyncadd.s32 @!p0 $0xFFFF15A0  }
0x1b: {  	[bflag:$0x0] =	sbarrier.arrive $0xFFFF  }
0x1c: {  	s28 =	simm.s32 $0x3;
	s6 =	rddreg [dreg:$0x5]  }
0x1d: {  	[tilespmem:s2], [sflag:$0x3] =	stream.linear.gather [hbm4b:s6+s2], $0x10000, $0x38;
	[tilespmem:$0x19C70] =	vst v63  }
0x1e: {  	_ =	swait.ge [sflag:s28], $0x10000  }
0x1f: {  	s29 =	smov.u32 s9;
	s30 =	smov.u32 s8;
	[sflag:s28] =	ssyncset.done $0x0  }
0x20: {  	s31 =	smov.u32 s7;
	s6 =	smov.u32 s0;
	[sflag:s28] =	ssyncadd.s32 $0xFFFF0000  }
.LBB2_2:
0x21: {  	p1 =	seq.s32 s28, $0x3  }
0x22: {  	s4 =	simm.s32 @!p1 $0x2  }
0x23: {  	_ =	swait.ge @!p1 [sflag:s4], $0x450  }
0x24: {  	[sflag:s4] =	ssyncset.done @!p1 $0x0  }
0x25: {  	[sflag:s4] =	ssyncadd.s32 @!p1 $0xFFFFFBB0  }
0x26: {  	_ =	swait.ge @!p1 [sflag:s4], $0x450  }
0x27: {  	[sflag:s4] =	ssyncset.done @!p1 $0x0  }
0x28: {  	s3 =	sshll.u32 s28, $0x7;
	[sflag:s4] =	ssyncadd.s32 @!p1 $0xFFFFFBB0  }
0x29: {  	s5 =	sadd.s32 $0xFFFFFE80, s3;
	_ =	swait.ge @!p1 [sflag:s4], $0x450  }
0x2a: {  	v12 =	vor.u32 s5, v0;
	[sflag:s4] =	ssyncset.done @!p1 $0x0  }
0x2b: {  	[sflag:s4] =	ssyncadd.s32 @!p1 $0xFFFFFBB0  }
0x2c: {  	v13 =	vor.u32 s5, v1;
	_ =	swait.ge @!p1 [sflag:s4], $0x450  }
0x2d: {  	[sflag:s4] =	ssyncset.done @!p1 $0x0  }
0x2e: {  	[sflag:s4] =	ssyncadd.s32 @!p1 $0xFFFFFBB0  }
0x2f: {  	v12 =	vld.idx.msk [tilespmem:v12+s2+$0x0], $0xffff;
	_ =	sdelay $0x1  }
0x30: {  	v13 =	vld.idx.msk [tilespmem:v13+s2+$0x0], $0xffff;
	_ =	sdelay $0x2  }
0x31: {  	v12 =	vtrunc.f32 v12  }
0x32: {  	v12 =	vcvt.f32.s32 v12  }
0x33: {  	v13 =	vtrunc.f32 v13  }
0x34: {  	v14 =	vor.u32 s5, v3;
	v13 =	vcvt.f32.s32 v13;
	v12 =	vmul.u32 $0x14, v12;
	_ =	sdelay $0x1  }
0x35: {  	v31 =	vor.u32 s5, v4;
	v12 =	vadd.s32 v12, v13  }
0x36: {  	v12 =	vadd.s32 v2, v12  }
0x37: {  	[tilespmem:$0x10000] =	vst v12  }
0x38: {  	v12 =	vld.idx.msk [tilespmem:v14+s2+$0x0], $0xffff;
	_ =	sdelay $0x1  }
0x39: {  	v13 =	vld.idx.msk [tilespmem:v31+s2+$0x0], $0xffff;
	_ =	sdelay $0x2  }
0x3a: {  	v12 =	vtrunc.f32 v12  }
0x3b: {  	v12 =	vcvt.f32.s32 v12  }
0x3c: {  	v13 =	vtrunc.f32 v13  }
0x3d: {  	v32 =	vor.u32 s5, v6;
	v13 =	vcvt.f32.s32 v13;
	v12 =	vmul.u32 $0x14, v12;
	_ =	sdelay $0x1  }
0x3e: {  	v33 =	vor.u32 s5, v7;
	v12 =	vadd.s32 v12, v13  }
0x3f: {  	v12 =	vadd.s32 v5, v12  }
0x40: {  	[tilespmem:$0x10010] =	vst v12  }
0x41: {  	v12 =	vld.idx.msk [tilespmem:v32+s2+$0x0], $0xffff;
	_ =	sdelay $0x1  }
0x42: {  	v13 =	vld.idx.msk [tilespmem:v33+s2+$0x0], $0xffff;
	_ =	sdelay $0x2  }
0x43: {  	v12 =	vtrunc.f32 v12  }
0x44: {  	v12 =	vcvt.f32.s32 v12  }
0x45: {  	v13 =	vtrunc.f32 v13  }
0x46: {  	v34 =	vor.u32 s5, v9;
	v13 =	vcvt.f32.s32 v13;
	v12 =	vmul.u32 $0x14, v12;
	_ =	sdelay $0x1  }
0x47: {  	v35 =	vor.u32 s5, v10;
	v12 =	vadd.s32 v12, v13  }
0x48: {  	v12 =	vadd.s32 v8, v12  }
0x49: {  	[tilespmem:$0x10020] =	vst v12  }
0x4a: {  	v12 =	vld.idx.msk [tilespmem:v34+s2+$0x0], $0xffff;
	_ =	sdelay $0x1  }
0x4b: {  	v13 =	vld.idx.msk [tilespmem:v35+s2+$0x0], $0xffff;
	_ =	sdelay $0x2  }
0x4c: {  	v12 =	vtrunc.f32 v12  }
0x4d: {  	v12 =	vcvt.f32.s32 v12  }
0x4e: {  	v13 =	vtrunc.f32 v13  }
0x4f: {  	v13 =	vcvt.f32.s32 v13;
	v12 =	vmul.u32 $0x14, v12  }
0x50: {  	s5 =	sadd.s32 $0xFFFFFF00, s3  }
0x51: {  	v36 =	vor.u32 s5, v0;
	v12 =	vadd.s32 v12, v13  }
0x52: {  	v12 =	vadd.s32 v11, v12  }
0x53: {  	v37 =	vor.u32 s5, v1;
	v12 =	vnsel vm0, $0x0, v12  }
0x54: {  	[tilespmem:$0x10030] =	vst v12  }
0x55: {  	[tilespmem:s13], [sflag:$0x1] =	stream.indirect.gather [spmem:s1], $0x18, s12, s11, $0xb8;
	[tilespmem:$0x19C70] =	vst v63  }
0x56: {  	v12 =	vld.idx.msk [tilespmem:v36+s2+$0x0], $0xffff;
	_ =	sdelay $0x1  }
0x57: {  	v38 =	vld.idx.msk [tilespmem:v37+s2+$0x0], $0xffff;
	_ =	sdelay $0x2  }
0x58: {  	v12 =	vtrunc.f32 v12  }
0x59: {  	v12 =	vcvt.f32.s32 v12  }
0x5a: {  	v13 =	vtrunc.f32 v38  }
0x5b: {  	v39 =	vor.u32 s5, v3;
	v13 =	vcvt.f32.s32 v13;
	v12 =	vmul.u32 $0x14, v12;
	_ =	sdelay $0x1  }
0x5c: {  	v40 =	vor.u32 s5, v4;
	v12 =	vadd.s32 v12, v13  }
0x5d: {  	v12 =	vadd.s32 v2, v12  }
0x5e: {  	[tilespmem:$0x10040] =	vst v12  }
0x5f: {  	v12 =	vld.idx.msk [tilespmem:v39+s2+$0x0], $0xffff;
	_ =	sdelay $0x1  }
0x60: {  	v13 =	vld.idx.msk [tilespmem:v40+s2+$0x0], $0xffff;
	_ =	sdelay $0x2  }
0x61: {  	v12 =	vtrunc.f32 v12  }
0x62: {  	v12 =	vcvt.f32.s32 v12  }
0x63: {  	v13 =	vtrunc.f32 v13  }
0x64: {  	v41 =	vor.u32 s5, v6;
	v13 =	vcvt.f32.s32 v13;
	v12 =	vmul.u32 $0x14, v12;
	_ =	sdelay $0x1  }
0x65: {  	v42 =	vor.u32 s5, v7;
	v12 =	vadd.s32 v12, v13  }
0x66: {  	v12 =	vadd.s32 v5, v12  }
0x67: {  	[tilespmem:$0x10050] =	vst v12  }
0x68: {  	v12 =	vld.idx.msk [tilespmem:v41+s2+$0x0], $0xffff;
	_ =	sdelay $0x1  }
0x69: {  	v13 =	vld.idx.msk [tilespmem:v42+s2+$0x0], $0xffff;
	_ =	sdelay $0x2  }
0x6a: {  	v12 =	vtrunc.f32 v12  }
0x6b: {  	v12 =	vcvt.f32.s32 v12  }
0x6c: {  	v13 =	vtrunc.f32 v13  }
0x6d: {  	v43 =	vor.u32 s5, v9;
	v13 =	vcvt.f32.s32 v13;
	v12 =	vmul.u32 $0x14, v12;
	_ =	sdelay $0x1  }
0x6e: {  	v44 =	vor.u32 s5, v10;
	v12 =	vadd.s32 v12, v13  }
0x6f: {  	v12 =	vadd.s32 v8, v12  }
0x70: {  	[tilespmem:$0x10060] =	vst v12  }
0x71: {  	v12 =	vld.idx.msk [tilespmem:v43+s2+$0x0], $0xffff;
	_ =	sdelay $0x1  }
0x72: {  	v13 =	vld.idx.msk [tilespmem:v44+s2+$0x0], $0xffff;
	_ =	sdelay $0x2  }
0x73: {  	v12 =	vtrunc.f32 v12  }
0x74: {  	v12 =	vcvt.f32.s32 v12  }
0x75: {  	v13 =	vtrunc.f32 v13  }
0x76: {  	v13 =	vcvt.f32.s32 v13;
	v12 =	vmul.u32 $0x14, v12  }
0x77: {  	s5 =	sadd.s32 $0xFFFFFF80, s3  }
0x78: {  	v45 =	vor.u32 s5, v0;
	v12 =	vadd.s32 v12, v13  }
0x79: {  	v12 =	vadd.s32 v11, v12  }
0x7a: {  	v46 =	vor.u32 s5, v1;
	v12 =	vnsel vm0, $0x0, v12  }
0x7b: {  	[tilespmem:$0x10070] =	vst v12  }
0x7c: {  	[tilespmem:s15], [sflag:$0x1] =	stream.indirect.gather [spmem:s1], $0x18, s14, s11, $0xb8;
	[tilespmem:$0x19C70] =	vst v63  }
0x7d: {  	v12 =	vld.idx.msk [tilespmem:v45+s2+$0x0], $0xffff;
	_ =	sdelay $0x1  }
0x7e: {  	v47 =	vld.idx.msk [tilespmem:v46+s2+$0x0], $0xffff;
	_ =	sdelay $0x2  }
0x7f: {  	v12 =	vtrunc.f32 v12  }
0x80: {  	v12 =	vcvt.f32.s32 v12  }
0x81: {  	v13 =	vtrunc.f32 v47  }
0x82: {  	v48 =	vor.u32 s5, v3;
	v13 =	vcvt.f32.s32 v13;
	v12 =	vmul.u32 $0x14, v12;
	_ =	sdelay $0x1  }
0x83: {  	v49 =	vor.u32 s5, v4;
	v12 =	vadd.s32 v12, v13  }
0x84: {  	v12 =	vadd.s32 v2, v12  }
0x85: {  	[tilespmem:$0x10080] =	vst v12  }
0x86: {  	v12 =	vld.idx.msk [tilespmem:v48+s2+$0x0], $0xffff;
	_ =	sdelay $0x1  }
0x87: {  	v13 =	vld.idx.msk [tilespmem:v49+s2+$0x0], $0xffff;
	_ =	sdelay $0x2  }
0x88: {  	v12 =	vtrunc.f32 v12  }
0x89: {  	v12 =	vcvt.f32.s32 v12  }
0x8a: {  	v13 =	vtrunc.f32 v13  }
0x8b: {  	v50 =	vor.u32 s5, v6;
	v13 =	vcvt.f32.s32 v13;
	v12 =	vmul.u32 $0x14, v12;
	_ =	sdelay $0x1  }
0x8c: {  	v51 =	vor.u32 s5, v7;
	v12 =	vadd.s32 v12, v13  }
0x8d: {  	v12 =	vadd.s32 v5, v12  }
0x8e: {  	[tilespmem:$0x10090] =	vst v12  }
0x8f: {  	v12 =	vld.idx.msk [tilespmem:v50+s2+$0x0], $0xffff;
	_ =	sdelay $0x1  }
0x90: {  	v13 =	vld.idx.msk [tilespmem:v51+s2+$0x0], $0xffff;
	_ =	sdelay $0x2  }
0x91: {  	v12 =	vtrunc.f32 v12  }
0x92: {  	v12 =	vcvt.f32.s32 v12  }
0x93: {  	v13 =	vtrunc.f32 v13  }
0x94: {  	v52 =	vor.u32 s5, v9;
	v13 =	vcvt.f32.s32 v13;
	v12 =	vmul.u32 $0x14, v12;
	_ =	sdelay $0x1  }
0x95: {  	v53 =	vor.u32 s5, v10;
	v12 =	vadd.s32 v12, v13  }
0x96: {  	v12 =	vadd.s32 v8, v12  }
0x97: {  	[tilespmem:$0x100A0] =	vst v12  }
0x98: {  	v12 =	vld.idx.msk [tilespmem:v52+s2+$0x0], $0xffff;
	_ =	sdelay $0x1  }
0x99: {  	v13 =	vld.idx.msk [tilespmem:v53+s2+$0x0], $0xffff;
	_ =	sdelay $0x2  }
0x9a: {  	v12 =	vtrunc.f32 v12  }
0x9b: {  	v12 =	vcvt.f32.s32 v12  }
0x9c: {  	v13 =	vtrunc.f32 v13  }
0x9d: {  	v13 =	vcvt.f32.s32 v13;
	v12 =	vmul.u32 $0x14, v12;
	_ =	sdelay $0x1  }
0x9e: {  	v54 =	vor.u32 s3, v0;
	v12 =	vadd.s32 v12, v13  }
0x9f: {  	v12 =	vadd.s32 v11, v12  }
0xa0: {  	v55 =	vor.u32 s3, v1;
	v12 =	vnsel vm0, $0x0, v12  }
0xa1: {  	[tilespmem:$0x100B0] =	vst v12  }
0xa2: {  	[tilespmem:s17], [sflag:$0x1] =	stream.indirect.gather [spmem:s1], $0x18, s16, s11, $0xb8;
	[tilespmem:$0x19C70] =	vst v63  }
0xa3: {  	v12 =	vld.idx.msk [tilespmem:v54+s2+$0x0], $0xffff;
	_ =	sdelay $0x1  }
0xa4: {  	v56 =	vld.idx.msk [tilespmem:v55+s2+$0x0], $0xffff;
	_ =	sdelay $0x2  }
0xa5: {  	v12 =	vtrunc.f32 v12  }
0xa6: {  	v12 =	vcvt.f32.s32 v12  }
0xa7: {  	v13 =	vtrunc.f32 v56  }
0xa8: {  	v57 =	vor.u32 s3, v3;
	v13 =	vcvt.f32.s32 v13;
	v12 =	vmul.u32 $0x14, v12;
	_ =	sdelay $0x1  }
0xa9: {  	v58 =	vor.u32 s3, v4;
	v12 =	vadd.s32 v12, v13  }
0xaa: {  	v12 =	vadd.s32 v2, v12  }
0xab: {  	[tilespmem:$0x100C0] =	vst v12  }
0xac: {  	v12 =	vld.idx.msk [tilespmem:v57+s2+$0x0], $0xffff;
	_ =	sdelay $0x1  }
0xad: {  	v13 =	vld.idx.msk [tilespmem:v58+s2+$0x0], $0xffff;
	_ =	sdelay $0x2  }
0xae: {  	v12 =	vtrunc.f32 v12  }
0xaf: {  	v12 =	vcvt.f32.s32 v12  }
0xb0: {  	v13 =	vtrunc.f32 v13  }
0xb1: {  	v59 =	vor.u32 s3, v6;
	v13 =	vcvt.f32.s32 v13;
	v12 =	vmul.u32 $0x14, v12;
	_ =	sdelay $0x1  }
0xb2: {  	v60 =	vor.u32 s3, v7;
	v12 =	vadd.s32 v12, v13  }
0xb3: {  	v12 =	vadd.s32 v5, v12  }
0xb4: {  	[tilespmem:$0x100D0] =	vst v12  }
0xb5: {  	v12 =	vld.idx.msk [tilespmem:v59+s2+$0x0], $0xffff;
	_ =	sdelay $0x1  }
0xb6: {  	v13 =	vld.idx.msk [tilespmem:v60+s2+$0x0], $0xffff;
	_ =	sdelay $0x2  }
0xb7: {  	v12 =	vtrunc.f32 v12  }
0xb8: {  	v12 =	vcvt.f32.s32 v12  }
0xb9: {  	v13 =	vtrunc.f32 v13  }
0xba: {  	v61 =	vor.u32 s3, v9;
	v13 =	vcvt.f32.s32 v13;
	v12 =	vmul.u32 $0x14, v12;
	_ =	sdelay $0x1  }
0xbb: {  	v62 =	vor.u32 s3, v10;
	v12 =	vadd.s32 v12, v13  }
0xbc: {  	v12 =	vadd.s32 v8, v12  }
0xbd: {  	[tilespmem:$0x100E0] =	vst v12  }
0xbe: {  	v12 =	vld.idx.msk [tilespmem:v61+s2+$0x0], $0xffff;
	_ =	sdelay $0x1  }
0xbf: {  	v13 =	vld.idx.msk [tilespmem:v62+s2+$0x0], $0xffff;
	_ =	sdelay $0x2  }
0xc0: {  	v12 =	vtrunc.f32 v12  }
0xc1: {  	v12 =	vcvt.f32.s32 v12  }
0xc2: {  	v13 =	vtrunc.f32 v13  }
0xc3: {  	v13 =	vcvt.f32.s32 v13;
	v12 =	vmul.u32 $0x14, v12;
	_ =	sdelay $0x1  }
0xc4: {  	v12 =	vadd.s32 v12, v13  }
0xc5: {  	v12 =	vadd.s32 v11, v12  }
0xc6: {  	v12 =	vnsel vm0, $0x0, v12  }
0xc7: {  	[tilespmem:$0x100F0] =	vst v12  }
0xc8: {  	[tilespmem:s19], [sflag:$0x1] =	stream.indirect.gather [spmem:s1], $0x18, s18, s11, $0xb8;
	[tilespmem:$0x19C70] =	vst v63  }
0xc9: {  	_ =	swait.ge [sflag:s20], $0x540  }
0xca: {  	[sflag:s20] =	ssyncset.done $0x0  }
0xcb: {  	[sflag:s20] =	ssyncadd.s32 $0xFFFFFAC0  }
0xcc: {  	_ =	swait.ge [sflag:s20], $0x540  }
0xcd: {  	[sflag:s20] =	ssyncset.done $0x0  }
0xce: {  	[sflag:s20] =	ssyncadd.s32 $0xFFFFFAC0  }
0xcf: {  	v63 =	vld [tilespmem:$0x10100]  }
0xd0: {  	v20 =	vld [tilespmem:$0x10108]  }
0xd1: {  	v21 =	vld [tilespmem:$0x10118]  }
0xd2: {  	v15 =	vld [tilespmem:$0x10120]  }
0xd3: {  	v16 =	vld [tilespmem:$0x10130]  }
0xd4: {  	v22 =	vld [tilespmem:$0x10138];
	[tilespmem:$0x11600] =	vst v63  }
0xd5: {  	v23 =	vld [tilespmem:$0x10148];
	[tilespmem:$0x11608] =	vst v20  }
0xd6: {  	v24 =	vld [tilespmem:$0x10150];
	[tilespmem:$0x11616] =	vst v21  }
0xd7: {  	v25 =	vld [tilespmem:$0x10160];
	[tilespmem:$0x1161E] =	vst v15  }
0xd8: {  	v26 =	vld [tilespmem:$0x10168];
	[tilespmem:$0x1162C] =	vst v16  }
0xd9: {  	v27 =	vld [tilespmem:$0x10178];
	[tilespmem:$0x11634] =	vst v22  }
0xda: {  	v28 =	vld [tilespmem:$0x10180];
	[tilespmem:$0x11642] =	vst v23  }
0xdb: {  	v29 =	vld [tilespmem:$0x10190];
	[tilespmem:$0x1164A] =	vst v24  }
0xdc: {  	v30 =	vld [tilespmem:$0x10198];
	[tilespmem:$0x11658] =	vst v25  }
0xdd: {  	v31 =	vld [tilespmem:$0x101A8];
	[tilespmem:$0x11660] =	vst v26  }
0xde: {  	v32 =	vld [tilespmem:$0x101B0];
	[tilespmem:$0x1166E] =	vst v27  }
0xdf: {  	v33 =	vld [tilespmem:$0x101C0];
	[tilespmem:$0x11676] =	vst v28  }
0xe0: {  	v34 =	vld [tilespmem:$0x101C8];
	[tilespmem:$0x11684] =	vst v29  }
0xe1: {  	v35 =	vld [tilespmem:$0x101D8];
	[tilespmem:$0x1168C] =	vst v30  }
0xe2: {  	v36 =	vld [tilespmem:$0x101E0];
	[tilespmem:$0x1169A] =	vst v31  }
0xe3: {  	v37 =	vld [tilespmem:$0x101F0];
	[tilespmem:$0x116A2] =	vst v32  }
0xe4: {  	v38 =	vld [tilespmem:$0x101F8];
	[tilespmem:$0x116B0] =	vst v33  }
0xe5: {  	v39 =	vld [tilespmem:$0x10208];
	[tilespmem:$0x116B8] =	vst v34  }
0xe6: {  	v40 =	vld [tilespmem:$0x10210];
	[tilespmem:$0x116C6] =	vst v35  }
0xe7: {  	v41 =	vld [tilespmem:$0x10220];
	[tilespmem:$0x116CE] =	vst v36  }
0xe8: {  	v42 =	vld [tilespmem:$0x10228];
	[tilespmem:$0x116DC] =	vst v37  }
0xe9: {  	v43 =	vld [tilespmem:$0x10238];
	[tilespmem:$0x116E4] =	vst v38  }
0xea: {  	v44 =	vld [tilespmem:$0x10240];
	[tilespmem:$0x116F2] =	vst v39  }
0xeb: {  	v45 =	vld [tilespmem:$0x10250];
	[tilespmem:$0x116FA] =	vst v40  }
0xec: {  	v46 =	vld [tilespmem:$0x10258];
	[tilespmem:$0x11708] =	vst v41  }
0xed: {  	v47 =	vld [tilespmem:$0x10268];
	[tilespmem:$0x11710] =	vst v42  }
0xee: {  	v48 =	vld [tilespmem:$0x10270];
	[tilespmem:$0x1171E] =	vst v43  }
0xef: {  	v49 =	vld [tilespmem:$0x10280];
	[tilespmem:$0x11726] =	vst v44  }
0xf0: {  	v50 =	vld [tilespmem:$0x10288];
	[tilespmem:$0x11734] =	vst v45  }
0xf1: {  	v51 =	vld [tilespmem:$0x10298];
	[tilespmem:$0x1173C] =	vst v46  }
0xf2: {  	v52 =	vld [tilespmem:$0x102A0];
	[tilespmem:$0x1174A] =	vst v47  }
0xf3: {  	v53 =	vld [tilespmem:$0x102B0];
	[tilespmem:$0x11752] =	vst v48  }
0xf4: {  	v54 =	vld [tilespmem:$0x102B8];
	[tilespmem:$0x11760] =	vst v49  }
0xf5: {  	v55 =	vld [tilespmem:$0x102C8];
	[tilespmem:$0x11768] =	vst v50  }
0xf6: {  	v56 =	vld [tilespmem:$0x102D0];
	[tilespmem:$0x11776] =	vst v51  }
0xf7: {  	v57 =	vld [tilespmem:$0x102E0];
	[tilespmem:$0x1177E] =	vst v52  }
0xf8: {  	v58 =	vld [tilespmem:$0x102E8];
	[tilespmem:$0x1178C] =	vst v53  }
0xf9: {  	v59 =	vld [tilespmem:$0x102F8];
	[tilespmem:$0x11794] =	vst v54  }
0xfa: {  	v60 =	vld [tilespmem:$0x10300];
	[tilespmem:$0x117A2] =	vst v55  }
0xfb: {  	v61 =	vld [tilespmem:$0x10310];
	[tilespmem:$0x117AA] =	vst v56  }
0xfc: {  	v62 =	vld [tilespmem:$0x10318];
	[tilespmem:$0x117B8] =	vst v57  }
0xfd: {  	v63 =	vld [tilespmem:$0x10328];
	[tilespmem:$0x117C0] =	vst v58  }
0xfe: {  	v20 =	vld [tilespmem:$0x10330];
	[tilespmem:$0x117CE] =	vst v59  }
0xff: {  	v21 =	vld [tilespmem:$0x10340];
	[tilespmem:$0x117D6] =	vst v60  }
0x100: {  	v22 =	vld [tilespmem:$0x10348];
	[tilespmem:$0x117E4] =	vst v61  }
0x101: {  	v23 =	vld [tilespmem:$0x10358];
	[tilespmem:$0x117EC] =	vst v62  }
0x102: {  	v24 =	vld [tilespmem:$0x10360];
	[tilespmem:$0x117FA] =	vst v63  }
0x103: {  	v25 =	vld [tilespmem:$0x10370];
	[tilespmem:$0x11802] =	vst v20  }
0x104: {  	v26 =	vld [tilespmem:$0x10378];
	[tilespmem:$0x11810] =	vst v21  }
0x105: {  	v27 =	vld [tilespmem:$0x10388];
	[tilespmem:$0x11818] =	vst v22  }
0x106: {  	v28 =	vld [tilespmem:$0x10390];
	[tilespmem:$0x11826] =	vst v23  }
0x107: {  	v29 =	vld [tilespmem:$0x103A0];
	[tilespmem:$0x1182E] =	vst v24  }
0x108: {  	v30 =	vld [tilespmem:$0x103A8];
	[tilespmem:$0x1183C] =	vst v25  }
0x109: {  	v31 =	vld [tilespmem:$0x103B8];
	[tilespmem:$0x11844] =	vst v26  }
0x10a: {  	v32 =	vld [tilespmem:$0x103C0];
	[tilespmem:$0x11852] =	vst v27  }
0x10b: {  	v33 =	vld [tilespmem:$0x103D0];
	[tilespmem:$0x1185A] =	vst v28  }
0x10c: {  	v34 =	vld [tilespmem:$0x103D8];
	[tilespmem:$0x11868] =	vst v29  }
0x10d: {  	v29 =	vld [tilespmem:$0x10640];
	[tilespmem:$0x11870] =	vst v30  }
0x10e: {  	v35 =	vld [tilespmem:$0x103E8];
	[tilespmem:$0x1187E] =	vst v31  }
0x10f: {  	v30 =	vld [tilespmem:$0x10648];
	[tilespmem:$0x11886] =	vst v32  }
0x110: {  	v36 =	vld [tilespmem:$0x103F0];
	[tilespmem:$0x11894] =	vst v33  }
0x111: {  	v31 =	vld [tilespmem:$0x10658];
	[tilespmem:$0x1189C] =	vst v34  }
0x112: {  	v37 =	vld [tilespmem:$0x10400];
	[tilespmem:$0x11A50] =	vst v29  }
0x113: {  	v32 =	vld [tilespmem:$0x10660];
	[tilespmem:$0x118AA] =	vst v35  }
0x114: {  	v38 =	vld [tilespmem:$0x10408];
	[tilespmem:$0x11A58] =	vst v30  }
0x115: {  	v33 =	vld [tilespmem:$0x10670];
	[tilespmem:$0x118B2] =	vst v36  }
0x116: {  	v39 =	vld [tilespmem:$0x10418];
	[tilespmem:$0x11A66] =	vst v31  }
0x117: {  	v34 =	vld [tilespmem:$0x10678];
	[tilespmem:$0x118C0] =	vst v37  }
0x118: {  	v40 =	vld [tilespmem:$0x10420];
	[tilespmem:$0x11A6E] =	vst v32  }
0x119: {  	v35 =	vld [tilespmem:$0x10688];
	[tilespmem:$0x118C8] =	vst v38  }
0x11a: {  	v41 =	vld [tilespmem:$0x10430];
	[tilespmem:$0x11A7C] =	vst v33  }
0x11b: {  	v36 =	vld [tilespmem:$0x10690];
	[tilespmem:$0x118D6] =	vst v39  }
0x11c: {  	v42 =	vld [tilespmem:$0x10438];
	[tilespmem:$0x11A84] =	vst v34  }
0x11d: {  	v37 =	vld [tilespmem:$0x106A0];
	[tilespmem:$0x118DE] =	vst v40  }
0x11e: {  	v43 =	vld [tilespmem:$0x10448];
	[tilespmem:$0x11A92] =	vst v35  }
0x11f: {  	v38 =	vld [tilespmem:$0x106A8];
	[tilespmem:$0x118EC] =	vst v41  }
0x120: {  	v44 =	vld [tilespmem:$0x10450];
	[tilespmem:$0x11A9A] =	vst v36  }
0x121: {  	v39 =	vld [tilespmem:$0x106B8];
	[tilespmem:$0x118F4] =	vst v42  }
0x122: {  	v45 =	vld [tilespmem:$0x10460];
	[tilespmem:$0x11AA8] =	vst v37  }
0x123: {  	v40 =	vld [tilespmem:$0x106C0];
	[tilespmem:$0x11902] =	vst v43  }
0x124: {  	v46 =	vld [tilespmem:$0x10468];
	[tilespmem:$0x11AB0] =	vst v38  }
0x125: {  	v41 =	vld [tilespmem:$0x106D0];
	[tilespmem:$0x1190A] =	vst v44  }
0x126: {  	v47 =	vld [tilespmem:$0x10478];
	[tilespmem:$0x11ABE] =	vst v39  }
0x127: {  	v42 =	vld [tilespmem:$0x106D8];
	[tilespmem:$0x11918] =	vst v45  }
0x128: {  	v48 =	vld [tilespmem:$0x10480];
	[tilespmem:$0x11AC6] =	vst v40  }
0x129: {  	v43 =	vld [tilespmem:$0x106E8];
	[tilespmem:$0x11920] =	vst v46  }
0x12a: {  	v49 =	vld [tilespmem:$0x10490];
	[tilespmem:$0x11AD4] =	vst v41  }
0x12b: {  	v44 =	vld [tilespmem:$0x106F0];
	[tilespmem:$0x1192E] =	vst v47  }
0x12c: {  	v50 =	vld [tilespmem:$0x10498];
	[tilespmem:$0x11ADC] =	vst v42  }
0x12d: {  	v45 =	vld [tilespmem:$0x10700];
	[tilespmem:$0x11936] =	vst v48  }
0x12e: {  	v51 =	vld [tilespmem:$0x104A8];
	[tilespmem:$0x11AEA] =	vst v43  }
0x12f: {  	v46 =	vld [tilespmem:$0x10708];
	[tilespmem:$0x11944] =	vst v49  }
0x130: {  	v52 =	vld [tilespmem:$0x104B0];
	[tilespmem:$0x11AF2] =	vst v44  }
0x131: {  	v47 =	vld [tilespmem:$0x10718];
	[tilespmem:$0x1194C] =	vst v50  }
0x132: {  	v53 =	vld [tilespmem:$0x104C0];
	[tilespmem:$0x11B00] =	vst v45  }
0x133: {  	v48 =	vld [tilespmem:$0x10720];
	[tilespmem:$0x1195A] =	vst v51  }
0x134: {  	v54 =	vld [tilespmem:$0x104C8];
	[tilespmem:$0x11B08] =	vst v46  }
0x135: {  	v49 =	vld [tilespmem:$0x10730];
	[tilespmem:$0x11962] =	vst v52  }
0x136: {  	v55 =	vld [tilespmem:$0x104D8];
	[tilespmem:$0x11B16] =	vst v47  }
0x137: {  	v50 =	vld [tilespmem:$0x10738];
	[tilespmem:$0x11970] =	vst v53  }
0x138: {  	v56 =	vld [tilespmem:$0x104E0];
	[tilespmem:$0x11B1E] =	vst v48  }
0x139: {  	v51 =	vld [tilespmem:$0x10748];
	[tilespmem:$0x11978] =	vst v54  }
0x13a: {  	v57 =	vld [tilespmem:$0x104F0];
	[tilespmem:$0x11B2C] =	vst v49  }
0x13b: {  	v52 =	vld [tilespmem:$0x10750];
	[tilespmem:$0x11986] =	vst v55  }
0x13c: {  	v58 =	vld [tilespmem:$0x104F8];
	[tilespmem:$0x11B34] =	vst v50  }
0x13d: {  	v53 =	vld [tilespmem:$0x10760];
	[tilespmem:$0x1198E] =	vst v56  }
0x13e: {  	v59 =	vld [tilespmem:$0x10508];
	[tilespmem:$0x11B42] =	vst v51  }
0x13f: {  	v54 =	vld [tilespmem:$0x10768];
	[tilespmem:$0x1199C] =	vst v57  }
0x140: {  	v60 =	vld [tilespmem:$0x10510];
	[tilespmem:$0x11B4A] =	vst v52  }
0x141: {  	v55 =	vld [tilespmem:$0x10778];
	[tilespmem:$0x119A4] =	vst v58  }
0x142: {  	v61 =	vld [tilespmem:$0x10520];
	[tilespmem:$0x11B58] =	vst v53  }
0x143: {  	v56 =	vld [tilespmem:$0x10780];
	[tilespmem:$0x119B2] =	vst v59  }
0x144: {  	v62 =	vld [tilespmem:$0x10528];
	[tilespmem:$0x11B60] =	vst v54  }
0x145: {  	v57 =	vld [tilespmem:$0x10790];
	[tilespmem:$0x119BA] =	vst v60  }
0x146: {  	v63 =	vld [tilespmem:$0x10538];
	[tilespmem:$0x11B6E] =	vst v55  }
0x147: {  	v58 =	vld [tilespmem:$0x10798];
	[tilespmem:$0x119C8] =	vst v61  }
0x148: {  	v20 =	vld [tilespmem:$0x10540];
	[tilespmem:$0x11B76] =	vst v56  }
0x149: {  	v59 =	vld [tilespmem:$0x107A8];
	[tilespmem:$0x119D0] =	vst v62  }
0x14a: {  	v21 =	vld [tilespmem:$0x10550];
	[tilespmem:$0x11B84] =	vst v57  }
0x14b: {  	v60 =	vld [tilespmem:$0x107B0];
	[tilespmem:$0x119DE] =	vst v63  }
0x14c: {  	v22 =	vld [tilespmem:$0x10558];
	[tilespmem:$0x11B8C] =	vst v58  }
0x14d: {  	v61 =	vld [tilespmem:$0x107C0];
	[tilespmem:$0x119E6] =	vst v20  }
0x14e: {  	v23 =	vld [tilespmem:$0x10568];
	[tilespmem:$0x11B9A] =	vst v59  }
0x14f: {  	v62 =	vld [tilespmem:$0x107C8];
	[tilespmem:$0x119F4] =	vst v21  }
0x150: {  	v24 =	vld [tilespmem:$0x10570];
	[tilespmem:$0x11BA2] =	vst v60  }
0x151: {  	v63 =	vld [tilespmem:$0x107D8];
	[tilespmem:$0x119FC] =	vst v22  }
0x152: {  	v25 =	vld [tilespmem:$0x10580];
	[tilespmem:$0x11BB0] =	vst v61  }
0x153: {  	v20 =	vld [tilespmem:$0x107E0];
	[tilespmem:$0x11A0A] =	vst v23  }
0x154: {  	v26 =	vld [tilespmem:$0x10588];
	[tilespmem:$0x11BB8] =	vst v62  }
0x155: {  	v21 =	vld [tilespmem:$0x107F0];
	[tilespmem:$0x11A12] =	vst v24  }
0x156: {  	v27 =	vld [tilespmem:$0x10598];
	[tilespmem:$0x11BC6] =	vst v63  }
0x157: {  	v22 =	vld [tilespmem:$0x107F8];
	[tilespmem:$0x11A20] =	vst v25  }
0x158: {  	v28 =	vld [tilespmem:$0x1059E];
	[tilespmem:$0x11BCE] =	vst v20  }
0x159: {  	v23 =	vld [tilespmem:$0x10808];
	[tilespmem:$0x11A28] =	vst v26  }
0x15a: {  	v24 =	vld [tilespmem:$0x10810];
	[tilespmem:$0x11BDC] =	vst v21  }
0x15b: {  	v25 =	vld [tilespmem:$0x10820];
	[tilespmem:$0x11A36] =	vst v27  }
0x15c: {  	v26 =	vld [tilespmem:$0x10828];
	[tilespmem:$0x11BE4] =	vst v22  }
0x15d: {  	v27 =	vld [tilespmem:$0x10838];
	[tilespmem:$0x11A3C] =	vst v28  }
0x15e: {  	[tilespmem:$0x11BF2] =	vst v23;
	v28 =	vld [tilespmem:$0x10840]  }
0x15f: {  	v29 =	vld [tilespmem:$0x10850];
	[tilespmem:$0x11BFA] =	vst v24  }
0x160: {  	v30 =	vld [tilespmem:$0x10858];
	[tilespmem:$0x11C08] =	vst v25  }
0x161: {  	v31 =	vld [tilespmem:$0x10868];
	[tilespmem:$0x11C10] =	vst v26  }
0x162: {  	v32 =	vld [tilespmem:$0x10870];
	[tilespmem:$0x11C1E] =	vst v27  }
0x163: {  	v33 =	vld [tilespmem:$0x10880];
	[tilespmem:$0x11C26] =	vst v28  }
0x164: {  	v34 =	vld [tilespmem:$0x10888];
	[tilespmem:$0x11C34] =	vst v29  }
0x165: {  	v35 =	vld [tilespmem:$0x10898];
	[tilespmem:$0x11C3C] =	vst v30  }
0x166: {  	v36 =	vld [tilespmem:$0x108A0];
	[tilespmem:$0x11C4A] =	vst v31  }
0x167: {  	v37 =	vld [tilespmem:$0x108B0];
	[tilespmem:$0x11C52] =	vst v32  }
0x168: {  	v38 =	vld [tilespmem:$0x108B8];
	[tilespmem:$0x11C60] =	vst v33  }
0x169: {  	[tilespmem:$0x11C68] =	vst v34  }
0x16a: {  	[tilespmem:$0x11C76] =	vst v35  }
0x16b: {  	[tilespmem:$0x11C7E] =	vst v36  }
0x16c: {  	[tilespmem:$0x11C8C] =	vst v37  }
0x16d: {  	[tilespmem:$0x11C94] =	vst v38  }
0x16e: {  	v12 =	vld [tilespmem:$0x108C8]  }
0x16f: {  	v39 =	vld [tilespmem:$0x108D0]  }
0x170: {  	v40 =	vld [tilespmem:$0x108E0]  }
0x171: {  	v41 =	vld [tilespmem:$0x108E8]  }
0x172: {  	v42 =	vld [tilespmem:$0x108F8]  }
0x173: {  	v43 =	vld [tilespmem:$0x10900];
	[tilespmem:$0x11CA2] =	vst v12  }
0x174: {  	v44 =	vld [tilespmem:$0x10910];
	[tilespmem:$0x11CAA] =	vst v39  }
0x175: {  	v45 =	vld [tilespmem:$0x10918];
	[tilespmem:$0x11CB8] =	vst v40  }
0x176: {  	v46 =	vld [tilespmem:$0x10928];
	[tilespmem:$0x11CC0] =	vst v41  }
0x177: {  	v47 =	vld [tilespmem:$0x10930];
	[tilespmem:$0x11CCE] =	vst v42  }
0x178: {  	v48 =	vld [tilespmem:$0x10940];
	[tilespmem:$0x11CD6] =	vst v43  }
0x179: {  	v49 =	vld [tilespmem:$0x10948];
	[tilespmem:$0x11CE4] =	vst v44  }
0x17a: {  	v50 =	vld [tilespmem:$0x10958];
	[tilespmem:$0x11CEC] =	vst v45  }
0x17b: {  	v51 =	vld [tilespmem:$0x10960];
	[tilespmem:$0x11CFA] =	vst v46  }
0x17c: {  	v52 =	vld [tilespmem:$0x10970];
	[tilespmem:$0x11D02] =	vst v47  }
0x17d: {  	v53 =	vld [tilespmem:$0x10978];
	[tilespmem:$0x11D10] =	vst v48  }
0x17e: {  	v54 =	vld [tilespmem:$0x10988];
	[tilespmem:$0x11D18] =	vst v49  }
0x17f: {  	v55 =	vld [tilespmem:$0x10990];
	[tilespmem:$0x11D26] =	vst v50  }
0x180: {  	v56 =	vld [tilespmem:$0x109A0];
	[tilespmem:$0x11D2E] =	vst v51  }
0x181: {  	v57 =	vld [tilespmem:$0x109A8];
	[tilespmem:$0x11D3C] =	vst v52  }
0x182: {  	v58 =	vld [tilespmem:$0x109B8];
	[tilespmem:$0x11D44] =	vst v53  }
0x183: {  	v59 =	vld [tilespmem:$0x109C0];
	[tilespmem:$0x11D52] =	vst v54  }
0x184: {  	v60 =	vld [tilespmem:$0x109D0];
	[tilespmem:$0x11D5A] =	vst v55  }
0x185: {  	v61 =	vld [tilespmem:$0x109D8];
	[tilespmem:$0x11D68] =	vst v56  }
0x186: {  	v62 =	vld [tilespmem:$0x109E8];
	[tilespmem:$0x11D70] =	vst v57  }
0x187: {  	v63 =	vld [tilespmem:$0x109F0];
	[tilespmem:$0x11D7E] =	vst v58  }
0x188: {  	v20 =	vld [tilespmem:$0x10A00];
	[tilespmem:$0x11D86] =	vst v59  }
0x189: {  	v21 =	vld [tilespmem:$0x10A08];
	[tilespmem:$0x11D94] =	vst v60  }
0x18a: {  	v22 =	vld [tilespmem:$0x10A18];
	[tilespmem:$0x11D9C] =	vst v61  }
0x18b: {  	v23 =	vld [tilespmem:$0x10A20];
	[tilespmem:$0x11DAA] =	vst v62  }
0x18c: {  	v24 =	vld [tilespmem:$0x10A30];
	[tilespmem:$0x11DB2] =	vst v63  }
0x18d: {  	v25 =	vld [tilespmem:$0x10A38];
	[tilespmem:$0x11DC0] =	vst v20  }
0x18e: {  	v26 =	vld [tilespmem:$0x10A48];
	[tilespmem:$0x11DC8] =	vst v21  }
0x18f: {  	v27 =	vld [tilespmem:$0x10A50];
	[tilespmem:$0x11DD6] =	vst v22  }
0x190: {  	v28 =	vld [tilespmem:$0x10A60];
	[tilespmem:$0x11DDE] =	vst v23  }
0x191: {  	v29 =	vld [tilespmem:$0x10A68];
	[tilespmem:$0x11DEC] =	vst v24  }
0x192: {  	v30 =	vld [tilespmem:$0x10A78];
	[tilespmem:$0x11DF4] =	vst v25  }
0x193: {  	v31 =	vld [tilespmem:$0x10A80];
	[tilespmem:$0x11E02] =	vst v26  }
0x194: {  	v32 =	vld [tilespmem:$0x10A90];
	[tilespmem:$0x11E0A] =	vst v27  }
0x195: {  	v33 =	vld [tilespmem:$0x10A98];
	[tilespmem:$0x11E18] =	vst v28  }
0x196: {  	v34 =	vld [tilespmem:$0x10AA8];
	[tilespmem:$0x11E20] =	vst v29  }
0x197: {  	v35 =	vld [tilespmem:$0x10AB0];
	[tilespmem:$0x11E2E] =	vst v30  }
0x198: {  	v36 =	vld [tilespmem:$0x10AC0];
	[tilespmem:$0x11E36] =	vst v31  }
0x199: {  	v37 =	vld [tilespmem:$0x10AC8];
	[tilespmem:$0x11E44] =	vst v32  }
0x19a: {  	v38 =	vld [tilespmem:$0x10AD8];
	[tilespmem:$0x11E4C] =	vst v33  }
0x19b: {  	v39 =	vld [tilespmem:$0x10ADE];
	[tilespmem:$0x11E5A] =	vst v34  }
0x19c: {  	[tilespmem:$0x11E62] =	vst v35  }
0x19d: {  	[tilespmem:$0x11E70] =	vst v36  }
0x19e: {  	[tilespmem:$0x11E78] =	vst v37  }
0x19f: {  	[tilespmem:$0x11E86] =	vst v38  }
0x1a0: {  	[tilespmem:$0x11E8C] =	vst v39  }
0x1a1: {  	[hbm4b:s6+s2] =	stream.linear.scatter [tilespmem:s21], [sflag:$0x2], $0x450, $0x38;
	[tilespmem:$0x19C70] =	vst v63  }
0x1a2: {  	_ = 	snop  }
0x1a3: {  	[hbm4b:s29+s2] =	stream.linear.scatter [tilespmem:s22], [sflag:$0x2], $0x450, $0x38;
	[tilespmem:$0x19C70] =	vst v63  }
0x1a4: {  	_ =	swait.ge [sflag:s20], $0x540  }
0x1a5: {  	[sflag:s20] =	ssyncset.done $0x0  }
0x1a6: {  	[sflag:s20] =	ssyncadd.s32 $0xFFFFFAC0  }
0x1a7: {  	_ =	swait.ge [sflag:s20], $0x540  }
0x1a8: {  	[sflag:s20] =	ssyncset.done $0x0  }
0x1a9: {  	[sflag:s20] =	ssyncadd.s32 $0xFFFFFAC0  }
0x1aa: {  	v40 =	vld [tilespmem:$0x10B80]  }
0x1ab: {  	v41 =	vld [tilespmem:$0x10B88]  }
0x1ac: {  	v42 =	vld [tilespmem:$0x10B98]  }
0x1ad: {  	v43 =	vld [tilespmem:$0x10BA0]  }
0x1ae: {  	v44 =	vld [tilespmem:$0x10BB0]  }
0x1af: {  	v45 =	vld [tilespmem:$0x10BB8];
	[tilespmem:$0x11EA0] =	vst v40  }
0x1b0: {  	v46 =	vld [tilespmem:$0x10BC8];
	[tilespmem:$0x11EA8] =	vst v41  }
0x1b1: {  	v47 =	vld [tilespmem:$0x10BD0];
	[tilespmem:$0x11EB6] =	vst v42  }
0x1b2: {  	v48 =	vld [tilespmem:$0x10BE0];
	[tilespmem:$0x11EBE] =	vst v43  }
0x1b3: {  	v49 =	vld [tilespmem:$0x10BE8];
	[tilespmem:$0x11ECC] =	vst v44  }
0x1b4: {  	v50 =	vld [tilespmem:$0x10BF8];
	[tilespmem:$0x11ED4] =	vst v45  }
0x1b5: {  	v51 =	vld [tilespmem:$0x10C00];
	[tilespmem:$0x11EE2] =	vst v46  }
0x1b6: {  	v52 =	vld [tilespmem:$0x10C10];
	[tilespmem:$0x11EEA] =	vst v47  }
0x1b7: {  	v53 =	vld [tilespmem:$0x10C18];
	[tilespmem:$0x11EF8] =	vst v48  }
0x1b8: {  	v54 =	vld [tilespmem:$0x10C28];
	[tilespmem:$0x11F00] =	vst v49  }
0x1b9: {  	v55 =	vld [tilespmem:$0x10C30];
	[tilespmem:$0x11F0E] =	vst v50  }
0x1ba: {  	v56 =	vld [tilespmem:$0x10C40];
	[tilespmem:$0x11F16] =	vst v51  }
0x1bb: {  	v57 =	vld [tilespmem:$0x10C48];
	[tilespmem:$0x11F24] =	vst v52  }
0x1bc: {  	v58 =	vld [tilespmem:$0x10C58];
	[tilespmem:$0x11F2C] =	vst v53  }
0x1bd: {  	v59 =	vld [tilespmem:$0x10C60];
	[tilespmem:$0x11F3A] =	vst v54  }
0x1be: {  	v60 =	vld [tilespmem:$0x10C70];
	[tilespmem:$0x11F42] =	vst v55  }
0x1bf: {  	v61 =	vld [tilespmem:$0x10C78];
	[tilespmem:$0x11F50] =	vst v56  }
0x1c0: {  	v62 =	vld [tilespmem:$0x10C88];
	[tilespmem:$0x11F58] =	vst v57  }
0x1c1: {  	v63 =	vld [tilespmem:$0x10C90];
	[tilespmem:$0x11F66] =	vst v58  }
0x1c2: {  	v20 =	vld [tilespmem:$0x10CA0];
	[tilespmem:$0x11F6E] =	vst v59  }
0x1c3: {  	v21 =	vld [tilespmem:$0x10CA8];
	[tilespmem:$0x11F7C] =	vst v60  }
0x1c4: {  	v22 =	vld [tilespmem:$0x10CB8];
	[tilespmem:$0x11F84] =	vst v61  }
0x1c5: {  	v23 =	vld [tilespmem:$0x10CC0];
	[tilespmem:$0x11F92] =	vst v62  }
0x1c6: {  	v24 =	vld [tilespmem:$0x10CD0];
	[tilespmem:$0x11F9A] =	vst v63  }
0x1c7: {  	v25 =	vld [tilespmem:$0x10CD8];
	[tilespmem:$0x11FA8] =	vst v20  }
0x1c8: {  	v26 =	vld [tilespmem:$0x10CE8];
	[tilespmem:$0x11FB0] =	vst v21  }
0x1c9: {  	v27 =	vld [tilespmem:$0x10CF0];
	[tilespmem:$0x11FBE] =	vst v22  }
0x1ca: {  	v28 =	vld [tilespmem:$0x10D00];
	[tilespmem:$0x11FC6] =	vst v23  }
0x1cb: {  	v29 =	vld [tilespmem:$0x10D08];
	[tilespmem:$0x11FD4] =	vst v24  }
0x1cc: {  	v30 =	vld [tilespmem:$0x10D18];
	[tilespmem:$0x11FDC] =	vst v25  }
0x1cd: {  	v31 =	vld [tilespmem:$0x10D20];
	[tilespmem:$0x11FEA] =	vst v26  }
0x1ce: {  	v32 =	vld [tilespmem:$0x10D30];
	[tilespmem:$0x11FF2] =	vst v27  }
0x1cf: {  	v33 =	vld [tilespmem:$0x10D38];
	[tilespmem:$0x12000] =	vst v28  }
0x1d0: {  	v34 =	vld [tilespmem:$0x10D48];
	[tilespmem:$0x12008] =	vst v29  }
0x1d1: {  	v35 =	vld [tilespmem:$0x10D50];
	[tilespmem:$0x12016] =	vst v30  }
0x1d2: {  	v36 =	vld [tilespmem:$0x10D60];
	[tilespmem:$0x1201E] =	vst v31  }
0x1d3: {  	v37 =	vld [tilespmem:$0x10D68];
	[tilespmem:$0x1202C] =	vst v32  }
0x1d4: {  	v38 =	vld [tilespmem:$0x10D78];
	[tilespmem:$0x12034] =	vst v33  }
0x1d5: {  	v39 =	vld [tilespmem:$0x10D80];
	[tilespmem:$0x12042] =	vst v34  }
0x1d6: {  	v40 =	vld [tilespmem:$0x10D90];
	[tilespmem:$0x1204A] =	vst v35  }
0x1d7: {  	v41 =	vld [tilespmem:$0x10D98];
	[tilespmem:$0x12058] =	vst v36  }
0x1d8: {  	v42 =	vld [tilespmem:$0x10DA8];
	[tilespmem:$0x12060] =	vst v37  }
0x1d9: {  	v43 =	vld [tilespmem:$0x10DB0];
	[tilespmem:$0x1206E] =	vst v38  }
0x1da: {  	v44 =	vld [tilespmem:$0x10DC0];
	[tilespmem:$0x12076] =	vst v39  }
0x1db: {  	v45 =	vld [tilespmem:$0x10DC8];
	[tilespmem:$0x12084] =	vst v40  }
0x1dc: {  	v46 =	vld [tilespmem:$0x10DD8];
	[tilespmem:$0x1208C] =	vst v41  }
0x1dd: {  	v47 =	vld [tilespmem:$0x10DE0];
	[tilespmem:$0x1209A] =	vst v42  }
0x1de: {  	v48 =	vld [tilespmem:$0x10DF0];
	[tilespmem:$0x120A2] =	vst v43  }
0x1df: {  	v49 =	vld [tilespmem:$0x10DF8];
	[tilespmem:$0x120B0] =	vst v44  }
0x1e0: {  	v50 =	vld [tilespmem:$0x10E08];
	[tilespmem:$0x120B8] =	vst v45  }
0x1e1: {  	v51 =	vld [tilespmem:$0x10E10];
	[tilespmem:$0x120C6] =	vst v46  }
0x1e2: {  	v52 =	vld [tilespmem:$0x10E20];
	[tilespmem:$0x120CE] =	vst v47  }
0x1e3: {  	v53 =	vld [tilespmem:$0x10E28];
	[tilespmem:$0x120DC] =	vst v48  }
0x1e4: {  	v54 =	vld [tilespmem:$0x10E38];
	[tilespmem:$0x120E4] =	vst v49  }
0x1e5: {  	v55 =	vld [tilespmem:$0x10E40];
	[tilespmem:$0x120F2] =	vst v50  }
0x1e6: {  	v56 =	vld [tilespmem:$0x10E50];
	[tilespmem:$0x120FA] =	vst v51  }
0x1e7: {  	v57 =	vld [tilespmem:$0x10E58];
	[tilespmem:$0x12108] =	vst v52  }
0x1e8: {  	v52 =	vld [tilespmem:$0x110C0];
	[tilespmem:$0x12110] =	vst v53  }
0x1e9: {  	v58 =	vld [tilespmem:$0x10E68];
	[tilespmem:$0x1211E] =	vst v54  }
0x1ea: {  	v53 =	vld [tilespmem:$0x110C8];
	[tilespmem:$0x12126] =	vst v55  }
0x1eb: {  	v59 =	vld [tilespmem:$0x10E70];
	[tilespmem:$0x12134] =	vst v56  }
0x1ec: {  	v54 =	vld [tilespmem:$0x110D8];
	[tilespmem:$0x1213C] =	vst v57  }
0x1ed: {  	v60 =	vld [tilespmem:$0x10E80];
	[tilespmem:$0x122F0] =	vst v52  }
0x1ee: {  	v55 =	vld [tilespmem:$0x110E0];
	[tilespmem:$0x1214A] =	vst v58  }
0x1ef: {  	v61 =	vld [tilespmem:$0x10E88];
	[tilespmem:$0x122F8] =	vst v53  }
0x1f0: {  	v56 =	vld [tilespmem:$0x110F0];
	[tilespmem:$0x12152] =	vst v59  }
0x1f1: {  	v62 =	vld [tilespmem:$0x10E98];
	[tilespmem:$0x12306] =	vst v54  }
0x1f2: {  	v57 =	vld [tilespmem:$0x110F8];
	[tilespmem:$0x12160] =	vst v60  }
0x1f3: {  	v63 =	vld [tilespmem:$0x10EA0];
	[tilespmem:$0x1230E] =	vst v55  }
0x1f4: {  	v58 =	vld [tilespmem:$0x11108];
	[tilespmem:$0x12168] =	vst v61  }
0x1f5: {  	v20 =	vld [tilespmem:$0x10EB0];
	[tilespmem:$0x1231C] =	vst v56  }
0x1f6: {  	v59 =	vld [tilespmem:$0x11110];
	[tilespmem:$0x12176] =	vst v62  }
0x1f7: {  	v21 =	vld [tilespmem:$0x10EB8];
	[tilespmem:$0x12324] =	vst v57  }
0x1f8: {  	v60 =	vld [tilespmem:$0x11120];
	[tilespmem:$0x1217E] =	vst v63  }
0x1f9: {  	v22 =	vld [tilespmem:$0x10EC8];
	[tilespmem:$0x12332] =	vst v58  }
0x1fa: {  	v61 =	vld [tilespmem:$0x11128];
	[tilespmem:$0x1218C] =	vst v20  }
0x1fb: {  	v23 =	vld [tilespmem:$0x10ED0];
	[tilespmem:$0x1233A] =	vst v59  }
0x1fc: {  	v62 =	vld [tilespmem:$0x11138];
	[tilespmem:$0x12194] =	vst v21  }
0x1fd: {  	v24 =	vld [tilespmem:$0x10EE0];
	[tilespmem:$0x12348] =	vst v60  }
0x1fe: {  	v63 =	vld [tilespmem:$0x11140];
	[tilespmem:$0x121A2] =	vst v22  }
0x1ff: {  	v25 =	vld [tilespmem:$0x10EE8];
	[tilespmem:$0x12350] =	vst v61  }
0x200: {  	v20 =	vld [tilespmem:$0x11150];
	[tilespmem:$0x121AA] =	vst v23  }
0x201: {  	v26 =	vld [tilespmem:$0x10EF8];
	[tilespmem:$0x1235E] =	vst v62  }
0x202: {  	v21 =	vld [tilespmem:$0x11158];
	[tilespmem:$0x121B8] =	vst v24  }
0x203: {  	v27 =	vld [tilespmem:$0x10F00];
	[tilespmem:$0x12366] =	vst v63  }
0x204: {  	v22 =	vld [tilespmem:$0x11168];
	[tilespmem:$0x121C0] =	vst v25  }
0x205: {  	v28 =	vld [tilespmem:$0x10F10];
	[tilespmem:$0x12374] =	vst v20  }
0x206: {  	v23 =	vld [tilespmem:$0x11170];
	[tilespmem:$0x121CE] =	vst v26  }
0x207: {  	v29 =	vld [tilespmem:$0x10F18];
	[tilespmem:$0x1237C] =	vst v21  }
0x208: {  	v24 =	vld [tilespmem:$0x11180];
	[tilespmem:$0x121D6] =	vst v27  }
0x209: {  	v30 =	vld [tilespmem:$0x10F28];
	[tilespmem:$0x1238A] =	vst v22  }
0x20a: {  	v25 =	vld [tilespmem:$0x11188];
	[tilespmem:$0x121E4] =	vst v28  }
0x20b: {  	v31 =	vld [tilespmem:$0x10F30];
	[tilespmem:$0x12392] =	vst v23  }
0x20c: {  	v26 =	vld [tilespmem:$0x11198];
	[tilespmem:$0x121EC] =	vst v29  }
0x20d: {  	v32 =	vld [tilespmem:$0x10F40];
	[tilespmem:$0x123A0] =	vst v24  }
0x20e: {  	v27 =	vld [tilespmem:$0x111A0];
	[tilespmem:$0x121FA] =	vst v30  }
0x20f: {  	v33 =	vld [tilespmem:$0x10F48];
	[tilespmem:$0x123A8] =	vst v25  }
0x210: {  	v28 =	vld [tilespmem:$0x111B0];
	[tilespmem:$0x12202] =	vst v31  }
0x211: {  	v34 =	vld [tilespmem:$0x10F58];
	[tilespmem:$0x123B6] =	vst v26  }
0x212: {  	v29 =	vld [tilespmem:$0x111B8];
	[tilespmem:$0x12210] =	vst v32  }
0x213: {  	v35 =	vld [tilespmem:$0x10F60];
	[tilespmem:$0x123BE] =	vst v27  }
0x214: {  	v30 =	vld [tilespmem:$0x111C8];
	[tilespmem:$0x12218] =	vst v33  }
0x215: {  	v36 =	vld [tilespmem:$0x10F70];
	[tilespmem:$0x123CC] =	vst v28  }
0x216: {  	v31 =	vld [tilespmem:$0x111D0];
	[tilespmem:$0x12226] =	vst v34  }
0x217: {  	v37 =	vld [tilespmem:$0x10F78];
	[tilespmem:$0x123D4] =	vst v29  }
0x218: {  	v32 =	vld [tilespmem:$0x111E0];
	[tilespmem:$0x1222E] =	vst v35  }
0x219: {  	v38 =	vld [tilespmem:$0x10F88];
	[tilespmem:$0x123E2] =	vst v30  }
0x21a: {  	v33 =	vld [tilespmem:$0x111E8];
	[tilespmem:$0x1223C] =	vst v36  }
0x21b: {  	v39 =	vld [tilespmem:$0x10F90];
	[tilespmem:$0x123EA] =	vst v31  }
0x21c: {  	v34 =	vld [tilespmem:$0x111F8];
	[tilespmem:$0x12244] =	vst v37  }
0x21d: {  	v40 =	vld [tilespmem:$0x10FA0];
	[tilespmem:$0x123F8] =	vst v32  }
0x21e: {  	v35 =	vld [tilespmem:$0x11200];
	[tilespmem:$0x12252] =	vst v38  }
0x21f: {  	v41 =	vld [tilespmem:$0x10FA8];
	[tilespmem:$0x12400] =	vst v33  }
0x220: {  	v36 =	vld [tilespmem:$0x11210];
	[tilespmem:$0x1225A] =	vst v39  }
0x221: {  	v42 =	vld [tilespmem:$0x10FB8];
	[tilespmem:$0x1240E] =	vst v34  }
0x222: {  	v37 =	vld [tilespmem:$0x11218];
	[tilespmem:$0x12268] =	vst v40  }
0x223: {  	v43 =	vld [tilespmem:$0x10FC0];
	[tilespmem:$0x12416] =	vst v35  }
0x224: {  	v38 =	vld [tilespmem:$0x11228];
	[tilespmem:$0x12270] =	vst v41  }
0x225: {  	v44 =	vld [tilespmem:$0x10FD0];
	[tilespmem:$0x12424] =	vst v36  }
0x226: {  	v39 =	vld [tilespmem:$0x11230];
	[tilespmem:$0x1227E] =	vst v42  }
0x227: {  	v45 =	vld [tilespmem:$0x10FD8];
	[tilespmem:$0x1242C] =	vst v37  }
0x228: {  	v40 =	vld [tilespmem:$0x11240];
	[tilespmem:$0x12286] =	vst v43  }
0x229: {  	v46 =	vld [tilespmem:$0x10FE8];
	[tilespmem:$0x1243A] =	vst v38  }
0x22a: {  	v41 =	vld [tilespmem:$0x11248];
	[tilespmem:$0x12294] =	vst v44  }
0x22b: {  	v47 =	vld [tilespmem:$0x10FF0];
	[tilespmem:$0x12442] =	vst v39  }
0x22c: {  	v42 =	vld [tilespmem:$0x11258];
	[tilespmem:$0x1229C] =	vst v45  }
0x22d: {  	v48 =	vld [tilespmem:$0x11000];
	[tilespmem:$0x12450] =	vst v40  }
0x22e: {  	v43 =	vld [tilespmem:$0x11260];
	[tilespmem:$0x122AA] =	vst v46  }
0x22f: {  	v49 =	vld [tilespmem:$0x11008];
	[tilespmem:$0x12458] =	vst v41  }
0x230: {  	v44 =	vld [tilespmem:$0x11270];
	[tilespmem:$0x122B2] =	vst v47  }
0x231: {  	v50 =	vld [tilespmem:$0x11018];
	[tilespmem:$0x12466] =	vst v42  }
0x232: {  	v45 =	vld [tilespmem:$0x11278];
	[tilespmem:$0x122C0] =	vst v48  }
0x233: {  	v51 =	vld [tilespmem:$0x1101E];
	[tilespmem:$0x1246E] =	vst v43  }
0x234: {  	v46 =	vld [tilespmem:$0x11288];
	[tilespmem:$0x122C8] =	vst v49  }
0x235: {  	v47 =	vld [tilespmem:$0x11290];
	[tilespmem:$0x1247C] =	vst v44  }
0x236: {  	v48 =	vld [tilespmem:$0x112A0];
	[tilespmem:$0x122D6] =	vst v50  }
0x237: {  	v49 =	vld [tilespmem:$0x112A8];
	[tilespmem:$0x12484] =	vst v45  }
0x238: {  	v50 =	vld [tilespmem:$0x112B8];
	[tilespmem:$0x122DC] =	vst v51  }
0x239: {  	[tilespmem:$0x12492] =	vst v46;
	v51 =	vld [tilespmem:$0x112C0]  }
0x23a: {  	v52 =	vld [tilespmem:$0x112D0];
	[tilespmem:$0x1249A] =	vst v47  }
0x23b: {  	v53 =	vld [tilespmem:$0x112D8];
	[tilespmem:$0x124A8] =	vst v48  }
0x23c: {  	v54 =	vld [tilespmem:$0x112E8];
	[tilespmem:$0x124B0] =	vst v49  }
0x23d: {  	v55 =	vld [tilespmem:$0x112F0];
	[tilespmem:$0x124BE] =	vst v50  }
0x23e: {  	v56 =	vld [tilespmem:$0x11300];
	[tilespmem:$0x124C6] =	vst v51  }
0x23f: {  	v57 =	vld [tilespmem:$0x11308];
	[tilespmem:$0x124D4] =	vst v52  }
0x240: {  	v58 =	vld [tilespmem:$0x11318];
	[tilespmem:$0x124DC] =	vst v53  }
0x241: {  	v59 =	vld [tilespmem:$0x11320];
	[tilespmem:$0x124EA] =	vst v54  }
0x242: {  	v60 =	vld [tilespmem:$0x11330];
	[tilespmem:$0x124F2] =	vst v55  }
0x243: {  	v61 =	vld [tilespmem:$0x11338];
	[tilespmem:$0x12500] =	vst v56  }
0x244: {  	v62 =	vld [tilespmem:$0x11348];
	[tilespmem:$0x12508] =	vst v57  }
0x245: {  	v63 =	vld [tilespmem:$0x11350];
	[tilespmem:$0x12516] =	vst v58  }
0x246: {  	v20 =	vld [tilespmem:$0x11360];
	[tilespmem:$0x1251E] =	vst v59  }
0x247: {  	v21 =	vld [tilespmem:$0x11368];
	[tilespmem:$0x1252C] =	vst v60  }
0x248: {  	v22 =	vld [tilespmem:$0x11378];
	[tilespmem:$0x12534] =	vst v61  }
0x249: {  	v23 =	vld [tilespmem:$0x11380];
	[tilespmem:$0x12542] =	vst v62  }
0x24a: {  	v24 =	vld [tilespmem:$0x11390];
	[tilespmem:$0x1254A] =	vst v63  }
0x24b: {  	v25 =	vld [tilespmem:$0x11398];
	[tilespmem:$0x12558] =	vst v20  }
0x24c: {  	v26 =	vld [tilespmem:$0x113A8];
	[tilespmem:$0x12560] =	vst v21  }
0x24d: {  	v27 =	vld [tilespmem:$0x113B0];
	[tilespmem:$0x1256E] =	vst v22  }
0x24e: {  	v28 =	vld [tilespmem:$0x113C0];
	[tilespmem:$0x12576] =	vst v23  }
0x24f: {  	v29 =	vld [tilespmem:$0x113C8];
	[tilespmem:$0x12584] =	vst v24  }
0x250: {  	v30 =	vld [tilespmem:$0x113D8];
	[tilespmem:$0x1258C] =	vst v25  }
0x251: {  	v31 =	vld [tilespmem:$0x113E0];
	[tilespmem:$0x1259A] =	vst v26  }
0x252: {  	v32 =	vld [tilespmem:$0x113F0];
	[tilespmem:$0x125A2] =	vst v27  }
0x253: {  	v33 =	vld [tilespmem:$0x113F8];
	[tilespmem:$0x125B0] =	vst v28  }
0x254: {  	v34 =	vld [tilespmem:$0x11408];
	[tilespmem:$0x125B8] =	vst v29  }
0x255: {  	v35 =	vld [tilespmem:$0x11410];
	[tilespmem:$0x125C6] =	vst v30  }
0x256: {  	v36 =	vld [tilespmem:$0x11420];
	[tilespmem:$0x125CE] =	vst v31  }
0x257: {  	v37 =	vld [tilespmem:$0x11428];
	[tilespmem:$0x125DC] =	vst v32  }
0x258: {  	v38 =	vld [tilespmem:$0x11438];
	[tilespmem:$0x125E4] =	vst v33  }
0x259: {  	v39 =	vld [tilespmem:$0x11440];
	[tilespmem:$0x125F2] =	vst v34  }
0x25a: {  	v40 =	vld [tilespmem:$0x11450];
	[tilespmem:$0x125FA] =	vst v35  }
0x25b: {  	v41 =	vld [tilespmem:$0x11458];
	[tilespmem:$0x12608] =	vst v36  }
0x25c: {  	v42 =	vld [tilespmem:$0x11468];
	[tilespmem:$0x12610] =	vst v37  }
0x25d: {  	v43 =	vld [tilespmem:$0x11470];
	[tilespmem:$0x1261E] =	vst v38  }
0x25e: {  	v44 =	vld [tilespmem:$0x11480];
	[tilespmem:$0x12626] =	vst v39  }
0x25f: {  	v45 =	vld [tilespmem:$0x11488];
	[tilespmem:$0x12634] =	vst v40  }
0x260: {  	v46 =	vld [tilespmem:$0x11498];
	[tilespmem:$0x1263C] =	vst v41  }
0x261: {  	v47 =	vld [tilespmem:$0x114A0];
	[tilespmem:$0x1264A] =	vst v42  }
0x262: {  	v48 =	vld [tilespmem:$0x114B0];
	[tilespmem:$0x12652] =	vst v43  }
0x263: {  	v49 =	vld [tilespmem:$0x114B8];
	[tilespmem:$0x12660] =	vst v44  }
0x264: {  	v50 =	vld [tilespmem:$0x114C8];
	[tilespmem:$0x12668] =	vst v45  }
0x265: {  	v51 =	vld [tilespmem:$0x114D0];
	[tilespmem:$0x12676] =	vst v46  }
0x266: {  	v52 =	vld [tilespmem:$0x114E0];
	[tilespmem:$0x1267E] =	vst v47  }
0x267: {  	v53 =	vld [tilespmem:$0x114E8];
	[tilespmem:$0x1268C] =	vst v48  }
0x268: {  	v54 =	vld [tilespmem:$0x114F8];
	[tilespmem:$0x12694] =	vst v49  }
0x269: {  	v55 =	vld [tilespmem:$0x11500];
	[tilespmem:$0x126A2] =	vst v50  }
0x26a: {  	v56 =	vld [tilespmem:$0x11510];
	[tilespmem:$0x126AA] =	vst v51  }
0x26b: {  	v57 =	vld [tilespmem:$0x11518];
	[tilespmem:$0x126B8] =	vst v52  }
0x26c: {  	v58 =	vld [tilespmem:$0x11528];
	[tilespmem:$0x126C0] =	vst v53  }
0x26d: {  	v59 =	vld [tilespmem:$0x11530];
	[tilespmem:$0x126CE] =	vst v54  }
0x26e: {  	v60 =	vld [tilespmem:$0x11540];
	[tilespmem:$0x126D6] =	vst v55  }
0x26f: {  	v61 =	vld [tilespmem:$0x11548];
	[tilespmem:$0x126E4] =	vst v56  }
0x270: {  	v62 =	vld [tilespmem:$0x11558];
	[tilespmem:$0x126EC] =	vst v57  }
0x271: {  	v63 =	vld [tilespmem:$0x1155E];
	[tilespmem:$0x126FA] =	vst v58  }
0x272: {  	[tilespmem:$0x12702] =	vst v59  }
0x273: {  	[tilespmem:$0x12710] =	vst v60  }
0x274: {  	s28 =	sadd.s32 $0x4, s28;
	[tilespmem:$0x12718] =	vst v61  }
0x275: {  	p1 =	sne.s32 s28, $0x203;
	[tilespmem:$0x12726] =	vst v62  }
.Ltmp0:
0x276: {  	[tilespmem:$0x1272C] =	vst v63;
	(pc) =	sbr.rel @p1 .LBB2_2-.Ltmp0, $4  }
0x277: {  	[hbm4b:s30+s2] =	stream.linear.scatter [tilespmem:s23], [sflag:$0x2], $0x450, $0x38;
	[tilespmem:$0x19C70] =	vst v63  }
0x278: {  	s6 =	sadd.s32 $0x228, s6  }
0x279: {  	[hbm4b:s31+s2] =	stream.linear.scatter [tilespmem:s24], [sflag:$0x2], $0x450, $0x38;
	[tilespmem:$0x19C70] =	vst v63  }
0x27a: {  	s29 =	sadd.s32 $0x228, s29;
	s30 =	sadd.s32 $0x228, s30;
	s31 =	sadd.s32 $0x228, s31  }
0x27b: {  	_ =	swait.ge [sflag:s25], $0x450  }
0x27c: {  	[sflag:s25] =	ssyncset.done $0x0  }
0x27d: {  	[sflag:s25] =	ssyncadd.s32 $0xFFFFFBB0  }
0x27e: {  	_ =	swait.ge [sflag:s25], $0x450  }
0x27f: {  	[sflag:s25] =	ssyncset.done $0x0  }
0x280: {  	[sflag:s25] =	ssyncadd.s32 $0xFFFFFBB0  }
0x281: {  	_ =	swait.ge [sflag:s25], $0x450  }
0x282: {  	[sflag:s25] =	ssyncset.done $0x0  }
0x283: {  	[sflag:s25] =	ssyncadd.s32 $0xFFFFFBB0  }
0x284: {  	_ =	swait.ge [sflag:s25], $0x450  }
0x285: {  	s26 =	sadd.s32 $0x1, s26;
	s3 =	rddreg [dreg:$0x6]  }
0x286: {  	p1 =	sne.s32 s26, s3  }
.Ltmp1:
0x287: {  	_ = 	snop;
	(pc) =	sbr.rel @p1 .LBB2_1-.Ltmp1, $3  }
0x288: {  	_ =	sdelay $0x1  }
0x289: {  	[sflag:s25] =	ssyncset.done $0x0  }
0x28a: {  	[sflag:s25] =	ssyncadd.s32 $0xFFFFFBB0  }
0x28b: {  	_ =	sfence.sel $0x180000  }
0x28c: {  	[bflag:$0x0] =	sbarrier.arrive $0xFFFF  }
0x28d: {  	_ =	strace $0x90000047  }
0x28e: {  	[bflag:$0x2] =	sbarrier.arrive $0xFFFF  }
0x28f: {  	s0 =	rddreg [dreg:$0x3]  }
0x290: {  	s0 =	sadd.s32 @!p0 $0x100000, s0  }
0x291: {  	[sflag:s0] =	ssyncadd.tile.s32 @!p0 $0x1;
	_ =	shalt  }
.Lfunc_end2:
_tile_overlayer_lowered:
.L_overlay_start_2:
0x292: {  	(tag) =	ssettag $0x2  }
0x293: {  	s0 =	rddreg [dreg:$0x0];
	s2 =	stileid.u32  }
0x294: {  	s1 =	rddreg [dreg:$0x1];
	p0 =	sne.s32 s2, $0x0  }
0x295: {  	s3 =	rddreg [dreg:$0x2];
	[bflag:$0x3] =	sbarrier.arrive $0xFFFF;
	s2 =	simm.s32 @!p0 $0x1C03  }
0x296: {  	[timem:s3], [sflag:s2] =	dma.local @!p0 [hbm:s0], s1  }
0x297: {  	s0 =	simm.s32 @!p0 $0x3  }
0x298: {  	_ =	swait.ge @!p0 [sflag:s0], s1  }
0x299: {  	s1 =	ssub.s32 @!p0 $0x0, s1;
	[sflag:s0] =	ssyncset.done @!p0 $0x0  }
0x29a: {  	[sflag:s0] =	ssyncadd.s32 @!p0 s1  }
0x29b: {  	[bflag:$0x3] =	sbarrier.arrive $0xFFFF  }
0x29c: {  	_ =	shalt  }

// kernel: sparse-core-data-format-call.cloned.1.call-start
scs
called_computation_lowered:
.L_overlay_start_0:
0x0: {  	s2 =	sld [smem:$0x3FD9]  }
0x1: {  	s3 =	sld [smem:$0x3FFE];
	_ =	sdelay $0x1  }
0x2: {  	s1 =	srdreg.scid  }
0x3: {  	s0 =	sand.u32 $0x1, s1  }
0x4: {  	s18 =	sshll.u32 s0, $0xA;
	s2 =	sadd.s32 s3, s2  }
0x5: {  	s2 =	sadd.s32 s2, s18  }
0x6: {  	[smem:$0x3FC6] =	sst s2  }
0x7: {  	_ = 	snop  }
0x8: {  	s2 =	sld [smem:$0x3FD0];
	(tm) =	ssettm $0x1  }
0x9: {  	s19 =	sld [smem:$0x3FFB];
	_ =	sdelay $0x3  }
0xa: {  	_ =	strace s19  }
0xb: {  	s3 =	sld [smem:$0x3FFC];
	_ =	sdelay $0x3  }
0xc: {  	_ =	strace s3  }
0xd: {  	s3 =	sld [smem:$0x3FFD];
	_ =	sdelay $0x3  }
0xe: {  	_ =	strace s3  }
0xf: {  	_ =	strace $0x8FFFFFFF  }
0x10: {  	s20 =	sld [smem:$0x3FDB];
	_ =	sdelay $0x1  }
0x11: {  	s4 =	simm.s32 $_scs_section_size  }
0x12: {  	s5 =	simm.s32 $_size__tile_overlayer_lowered;
	s6 =	simm.s32 $_tile_overlayer_lowered  }
0x13: {  	s23 =	simm.s32 $0x1BFF;
	s22 =	sshll.u32 s6, $0x1;
	s3 =	sadd.s32 s4, s20  }
0x14: {  	s7 =	simm.s32 $0x0;
	s21 =	sshll.u32 s5, $0x1;
	s5 =	sadd.s32 s22, s3  }
0x15: {  	[timem:s7], [sflag:s23] =	dma.local [hbm:s5], s21  }
0x16: {  	_ =	swait.ge [sflag:s23], s21  }
0x17: {  	s4 =	ssub.s32 $0x0, s21;
	[sflag:s23] =	ssyncset.done $0x0  }
0x18: {  	[sflag:s23] =	ssyncadd.s32 s4;
	_ =	sdelay $0x1  }
0x19: {  	s24 =	simm.s32 $0x1B8B  }
0x1a: {  	_ =	swait.ge [sflag:s24], $0x1  }
0x1b: {  	[sflag:s24] =	ssyncset.done $0x0  }
0x1c: {  	s26 =	simm.s32 $0x1B8E;
	s25 =	sld [smem:$0x3FFE];
	[sflag:s24] =	ssyncadd.s32 $0xFFFFFFFF  }
0x1d: {  	s27 =	simm.s32 $execute0_lowered;
	[smem:$0x3FD2] =	sst s26  }
0x1e: {  	s5 =	sshll.u32 s27, $0x1;
	_ =	strace $0x80000049;
	[dreg:$0x1] =	wrdreg $0xFFFFFFFF  }
0x1f: {  	s28 =	simm.s32 $_size_execute0_lowered;
	s3 =	sadd.s32 s3, s5;
	[dreg:$0x0] =	wrdreg $0x0  }
0x20: {  	s5 =	sshll.u32 s28, $0x1;
	[dreg:$0x2] =	wrdreg s3  }
0x21: {  	[dreg:$0x3] =	wrdreg s5  }
0x22: {  	[dreg:$0x4] =	wrdreg $0xC0  }
0x23: {  	_ =	task [dreg:s7], $0x5FFFF  }
0x24: {  	[dreg:$0x1] =	wrdreg $0xFFFFFFFF  }
0x25: {  	[dreg:$0x0] =	wrdreg $0x60  }
0x26: {  	[dreg:$0x2] =	wrdreg s25  }
0x27: {  	[dreg:$0x3] =	wrdreg s2  }
0x28: {  	[dreg:$0x4] =	wrdreg $0x9  }
0x29: {  	_ =	task.clear_ibuf [dreg:s7], $0x5FFFF;
	_ =	strace $0x90000049  }
0x2a: {  	s29 =	simm.s32 $0x9;
	_ =	strace $0x8000004B  }
0x2b: {  	_ =	swait.ge [sflag:s29], $0x1  }
0x2c: {  	[sflag:s29] =	ssyncadd.s32 $0xFFFFFFFF  }
0x2d: {  	_ =	strace $0x9000004B  }
0x2e: {  	_ =	sfence  }
0x2f: {  	s30 =	sld [smem:$0x0];
	_ =	sdelay $0x2  }
0x30: {  	s31 =	sshll.u32 s1, $0xD;
	s1 =	sshrl.u32 s1, $0x2  }
0x31: {  	s3 =	sand.u32 $0x4000, s31;
	s1 =	sadd.s32 s1, s30  }
0x32: {  	s0 =	sor.u32 s3, s0;
	s1 =	sshll.u32 s1, $0x11  }
0x33: {  	s0 =	sor.u32 s1, s0  }
0x34: {  	s0 =	sadd.s32 $0x8F2B, s0  }
0x35: {  	[sflag:s0] =	ssyncadd.remote.s32 $0x1  }
0x36: {  	_ =	sfence.sel $0xFFFF  }
0x37: {  	[dreg:$0x0] =	wrdreg $0xFFFFFFFF;
	(pc) =	sbr.abs _section_cstart, $3  }
0x38: {  	[dreg:$0x1] =	wrdreg $0xFFFFFFFF  }
0x39: {  	_ =	task.clear_ibuf [dreg:s7], $0x2FFFF;
	_ =	strace $0x9FFFFFFF  }
0x3a: {  	(tm) =	ssettm $0x7FFFFFFF  }
0x3b: {  	_ =	shalt  }
tec
execute0_lowered:
.L_overlay_start_1:
0x0: {  	(tag) =	ssettag $0x1  }
0x1: {  	s0 =	srdreg.scid  }
0x2: {  	s1 =	sshll.u32 s0, $0x4  }
0x3: {  	s6 =	rddreg [dreg:$0x0];
	s0 =	stileid.u32;
	s1 =	sand.u32 $0x10, s1  }
0x4: {  	s3 =	rddreg [dreg:$0x1];
	s1 =	sor.u32 s0, s1  }
0x5: {  	s5 =	simm.s32 $0x1;
	s31 =	simm.s32 $0x2;
	s2 =	sshll.u32 s1, $0x7  }
0x6: {  	s15 =	simm.s32 $0x0;
	s8 =	simm.s32 $0x20000;
	s4 =	ssub.s32 $0x4000, s2  }
0x7: {  	s14 =	simm.s32 $0x0;
	s9 =	simm.s32 $0x0;
	s30 =	sand.u32 $0xF80, s4  }
0x8: {  	s10 =	simm.s32 $0x0;
	s11 =	simm.s32 $0x0;
	p0 =	sne.s32 s30, $0x0  }
.Ltmp0:
0x9: {  	s7 =	sshrl.u32 s4, $0xC;
	s5 =	simm.s32 @!p0 $0x0;
	(pc) =	sbr.rel .LBB1_1-.Ltmp0, $4  }
0xa: {  	s13 =	simm.s32 $0x0;
	s1 =	rddreg [dreg:$0x2];
	s5 =	sadd.s32 s5, s7  }
0xb: {  	_ =	strace $0x8000004A;
	s4 =	simm.s32 $0x1;
	s5 =	smul.u32 $0x9, s5  }
0xc: {  	s6 =	sadd.s32 $0x1000, s6;
	s12 =	smov.u32 s2;
	[sflag:s4] =	ssyncpa.u1 $0x0  }
0xd: {  	[sflag:s31] =	ssyncpa.u1 $0x0;
	p0 =	por $0x0, $0x0;
	s7 =	sadd.s32 $0x1, s5  }
.LBB1_4:
0xe: {  	s20 =	sshra.s32 s20, $0x2  }
0xf: {  	s28 =	sand.u32 $0x78, s10;
	s21 =	sshll.u32 s9, $0xE;
	s22 =	sshll.u32 s10, $0x3  }
0x10: {  	s24 =	sshll.u32 s9, $0x7;
	p1 =	sgt.s32 s9, $0x3D0;
	s30 =	sshra.s32 s9, $0x1F  }
0x11: {  	s26 =	sshra.s32 s10, $0x1F;
	s19 =	sadd.s32 s20, s19;
	s21 =	sand.u32 $0xFFFE0000, s21  }
0x12: {  	v5 =	vld [tilespmem:s17+$0xFFFFFFD0];
	[tilespmem:s18+$0x2040 ss:$0x81] =	vst.msk $0xffff, v4;
	s23 =	sand.u32 $0xFFFFFC00, s22;
	s29 =	sand.u32 $0x380, s24;
	s22 =	sand.u32 $0x3C00, s22  }
0x13: {  	v58 =	vld [tilespmem:s17+$0xFFFFFFE0];
	[tilespmem:s18+$0x2850 ss:$0x81] =	vst.msk $0xffff, v3;
	s21 =	sadd.s32 s23, s21;
	s20 =	sor.u32 s28, s22;
	s22 =	smov.u32 s9  }
0x14: {  	v59 =	vld [tilespmem:s17+$0xFFFFFFF0];
	[tilespmem:s18+$0x3060 ss:$0x81] =	vst.msk $0xffff, v2;
	s24 =	sand.u32 s30, s9;
	s21 =	sshrl.u32 s21, $0xE;
	s22 =	simm.s32 @!p1 $0x3D0  }
0x15: {  	v60 =	vld [tilespmem:s17+$0x0];
	[tilespmem:s18+$0x0 ss:$0x81] =	vst.msk $0xffff, v1;
	p1 =	sgt.s32 s10, $0x3F80;
	s31 =	ssub.s32 s22, s24;
	s22 =	smov.u32 s10  }
0x16: {  	v61 =	vld [tilespmem:s17+$0x10];
	[tilespmem:s19+$0x3870 ss:$0x81] =	vst.msk $0xffff, v0;
	s25 =	smulhi.u32 $0x3B5CC1, s21;
	s24 =	sand.u32 s26, s10;
	s22 =	simm.s32 @!p1 $0x3F80  }
0x17: {  	v62 =	vld [tilespmem:s17+$0x20];
	s20 =	sor.u32 s29, s20;
	[tilespmem:s19+$0x810 ss:$0x81] =	vst.msk $0xffff, v5;
	s27 =	sadd.s32 $0xFFFFFC30, s31;
	s22 =	ssub.s32 s22, s24  }
0x18: {  	v63 =	vld [tilespmem:s17+$0xFFFFFFC0];
	[tilespmem:s19+$0x1020 ss:$0x81] =	vst.msk $0xffff, v58;
	s18 =	ssub.s32 $0x450, s31;
	s28 =	smul.u32 $0x450, s25;
	s29 =	sadd.s32 $0xFFFFC080, s22  }
0x19: {  	[tilespmem:s19+$0x1830 ss:$0x81] =	vst.msk $0xffff, v59;
	p1 =	sgt.s32 s27, $0x7F;
	s22 =	ssub.s32 $0x4000, s22;
	p2 =	sgt.s32 s29, $0x7F  }
0x1a: {  	s30 =	sand.u32 $0x7, s10;
	[tilespmem:s19+$0x2040 ss:$0x81] =	vst.msk $0xffff, v60;
	s18 =	simm.s32 @p1 $0x0;
	s22 =	simm.s32 @p2 $0x0  }
0x1b: {  	s20 =	sshrl.u32 s20, $0x3;
	[tilespmem:s19+$0x2850 ss:$0x81] =	vst.msk $0xffff, v61;
	s17 =	ssub.s32 s21, s28;
	s18 =	smul.u32 s22, s18  }
0x1c: {  	[tilespmem:s19+$0x3060 ss:$0x81] =	vst.msk $0xffff, v62;
	s20 =	sadd.s32 s3, s20;
	s21 =	sshll.u32 s30, $0x12;
	s17 =	sshll.u32 s17, $0xB  }
0x1d: {  	[tilespmem:s19+$0x0 ss:$0x81] =	vst.msk $0xffff, v63;
	s31 =	sor.u32 $0x400, s21;
	s17 =	sadd.s32 s17, s20;
	s18 =	sand.u32 $0x3FFFFFFF, s18  }
0x1e: {  	[hbm4b:s17+s31] =	stream.strided.scatter [tilespmem:s16], [sflag:$0x2], s18, s8, s31, $0x20;
	[tilespmem:$0x10100] =	vst v63  }
.LBB1_5:
0x1f: {  	p1 =	slt.u32 s13, $0x2  }
0x20: {  	s17 =	smov.u32 s15;
	p2 =	sgt.s32 @!p1 s15, $0x3D0;
	s16 =	sshra.s32 @!p1 s15, $0x1F  }
0x21: {  	p3 =	sgt.s32 @!p1 s14, $0x3F80;
	s18 =	sshra.s32 @!p1 s14, $0x1F;
	p2 =	por !p2, p1  }
0x22: {  	s15 =	sand.u32 @!p1 s16, s15;
	p3 =	por !p3, p1;
	s16 =	smov.u32 s14  }
0x23: {  	s14 =	sand.u32 @!p1 s18, s14;
	s17 =	simm.s32 @p2 $0x3D0;
	s16 =	simm.s32 @p3 $0x3F80  }
0x24: {  	s15 =	ssub.s32 @!p1 s17, s15;
	s14 =	ssub.s32 @!p1 s16, s14  }
0x25: {  	s18 =	smov.u32 s12;
	s16 =	sadd.s32 @!p1 $0xFFFFFC30, s15;
	s17 =	sadd.s32 @!p1 $0xFFFFC080, s14  }
0x26: {  	s15 =	ssub.s32 @!p1 $0x450, s15;
	p2 =	sgt.s32 @!p1 s16, $0x7F;
	p3 =	sgt.s32 @!p1 s17, $0x7F  }
0x27: {  	s14 =	ssub.s32 @!p1 $0x4000, s14;
	p2 =	por !p2, p1;
	p3 =	por !p3, p1  }
0x28: {  	s16 =	sadd.s32 $0x80, s11;
	s15 =	simm.s32 @!p2 $0x0;
	s14 =	simm.s32 @!p3 $0x0  }
0x29: {  	p2 =	sgt.s32 s16, $0x44B;
	s14 =	smul.u32 @!p1 s14, s15;
	s15 =	sadd.s32 $0x1000, s12  }
0x2a: {  	s18 =	smov.u32 @p2 s15  }
0x2b: {  	s16 =	simm.s32 @p2 $0x0;
	p2 =	sgt.s32 s18, $0x3FFF  }
0x2c: {  	s18 =	smov.u32 @p2 s2;
	p2 =	sne.s32 s13, s7  }
.Ltmp1:
0x2d: {  	p0 =	por !p0, !p0;
	s17 =	simm.s32 @!p1 $0x2;
	(pc) =	sbr.rel @!p2 .LBB1_6-.Ltmp1, $4  }
0x2e: {  	s15 =	smov.u32 s9;
	s9 =	smov.u32 s11;
	s14 =	sand.u32 @!p1 $0x3FFFFFFF, s14  }
0x2f: {  	s11 =	smov.u32 s16;
	_ =	swait.ge @!p1 [sflag:s17], s14;
	s19 =	ssub.s32 @!p1 $0x0, s14  }
0x30: {  	s14 =	smov.u32 s10;
	s13 =	sadd.s32 $0x1, s13;
	[sflag:s17] =	ssyncset.done @!p1 $0x0  }
0x31: {  	s10 =	smov.u32 s12;
	s12 =	smov.u32 s18;
	[sflag:s17] =	ssyncadd.s32 @!p1 s19  }
.LBB1_1:
0x32: {  	p1 =	sge.u32 s13, s5  }
0x33: {  	s16 =	sshrl.u32 @!p1 s12, $0x3  }
0x34: {  	s17 =	sshll.u32 @!p1 s11, $0x3;
	s16 =	smul.u32 @!p1 $0x2400, s16  }
0x35: {  	s18 =	sshll.u32 @!p1 s12, $0x7;
	s17 =	sand.u32 @!p1 $0xFFFFFC00, s17  }
0x36: {  	s16 =	sadd.s32 @!p1 s16, s17;
	s17 =	sand.u32 @!p1 $0x380, s18  }
0x37: {  	s18 =	sand.u32 @!p1 $0x7F, s11;
	s16 =	sor.u32 @!p1 s17, s16  }
0x38: {  	s17 =	sor.u32 @!p1 s18, s16  }
0x39: {  	s18 =	smulhi.u32 @!p1 $0x38E38E39, s17;
	_ =	sdelay $0x1  }
0x3a: {  	s16 =	smulhi.u32 @!p1 $0x38E38E39, s16;
	s18 =	sshrl.u32 @!p1 s18, $0x8  }
0x3b: {  	s18 =	smul.u32 @!p1 $0x480, s18  }
0x3c: {  	s31 =	sadd.s32 $0xFFFFFFFF, s13;
	s19 =	sxor.u32 @!p1 $0xFFFFFFFF, s13;
	s16 =	sshrl.u32 @!p1 s16, $0x8  }
0x3d: {  	s19 =	sshll.u32 @!p1 s19, $0xE;
	s16 =	sand.u32 @!p1 $0x3FFF, s16;
	s17 =	ssub.s32 @!p1 s17, s18  }
0x3e: {  	s16 =	smul.u32 @!p1 $0x90, s16;
	s18 =	sshrl.u32 @!p1 s17, $0x3;
	s17 =	sand.u32 @!p1 $0x7, s17  }
0x3f: {  	s19 =	sand.u32 @!p1 $0x4000, s19;
	s18 =	sadd.s32 @!p1 s6, s18;
	s17 =	sshll.u32 @!p1 s17, $0x12  }
0x40: {  	s16 =	sadd.s32 @!p1 s16, s18;
	s17 =	sor.u32 @!p1 $0x400, s17;
	s18 =	simm.s32 @!p1 $0x2400  }
0x41: {  	[tilespmem:s19], [sflag:$0x1] =	stream.strided.gather @!p1 [hbm4b:s16+s17], $0x4000, s18, s17, $0x38;
	[tilespmem:$0x10100] =	vst v63  }
0x42: {  	p1 =	sge.u32 s31, s5  }
.Ltmp2:
0x43: {  	_ = 	snop;
	(pc) =	sbr.rel @p1 .LBB1_5-.Ltmp2, $1  }
0x44: {  	_ =	sdelay $0x3  }
0x45: {  	s16 =	simm.s32 $0x1  }
0x46: {  	_ =	swait.ge [sflag:s4], $0x4000;
	s16 =	simm.s32 @!p0 $0x0  }
0x47: {  	[sflag:s4] =	ssyncset.done $0x0;
	s17 =	sshll.u32 s16, $0xE  }
0x48: {  	[sflag:s4] =	ssyncadd.s32 $0xFFFFC000;
	s17 =	sor.u32 $0x40, s17  }
0x49: {  	s16 =	smul.u32 $0x10200, s16;
	v0 =	vld [tilespmem:s17+$0x30]  }
0x4a: {  	v1 =	vld [tilespmem:s17+$0xFFFFFFD0]  }
0x4b: {  	s16 =	sshrl.u32 s16, $0x2;
	v5 =	vld [tilespmem:s17+$0xFFFFFFE0]  }
0x4c: {  	v6 =	vld [tilespmem:s17+$0xFFFFFFF0];
	s19 =	sor.u32 $0x8000, s16  }
0x4d: {  	s31 =	sand.u32 $0x1, s13;
	v4 =	vld [tilespmem:s17+$0x0];
	s18 =	sadd.s32 $0x0, s19  }
0x4e: {  	v3 =	vld [tilespmem:s17+$0x10];
	s16 =	smul.u32 $0x10200, s31;
	[tilespmem:s18+$0x3870 ss:$0x81] =	vst.msk $0xffff, v0  }
0x4f: {  	v2 =	vld [tilespmem:s17+$0x20];
	[tilespmem:s18+$0x810 ss:$0x81] =	vst.msk $0xffff, v1  }
0x50: {  	s16 =	sshrl.u32 s16, $0x2;
	v1 =	vld [tilespmem:s17+$0xFFFFFFC0];
	[tilespmem:s18+$0x1020 ss:$0x81] =	vst.msk $0xffff, v5;
	s17 =	sadd.s32 $0x80, s17  }
0x51: {  	s20 =	simm.s32 $0x4;
	s21 =	simm.s32 $0x8;
	s16 =	sor.u32 $0x8000, s16;
	[tilespmem:s18+$0x1830 ss:$0x81] =	vst.msk $0xffff, v6;
	v0 =	vld [tilespmem:s17+$0x30]  }
.LBB1_3:
0x52: {  	p1 =	sne.s32 s21, $0x1FC;
	v5 =	vld [tilespmem:s17+$0xFFFFFFD0];
	[tilespmem:s18+$0x2040 ss:$0x81] =	vst.msk $0xffff, v4  }
0x53: {  	v6 =	vld [tilespmem:s17+$0xFFFFFFE0];
	[tilespmem:s18+$0x2850 ss:$0x81] =	vst.msk $0xffff, v3  }
0x54: {  	s22 =	sshra.s32 s20, $0x2;
	s20 =	smov.u32 s21;
	v7 =	vld [tilespmem:s17+$0xFFFFFFF0];
	[tilespmem:s18+$0x3060 ss:$0x81] =	vst.msk $0xffff, v2  }
.Ltmp3:
0x55: {  	v4 =	vld [tilespmem:s17+$0x0];
	[tilespmem:s18+$0x0 ss:$0x81] =	vst.msk $0xffff, v1;
	s18 =	sadd.s32 s22, s19;
	(pc) =	sbr.rel @p1 .LBB1_3-.Ltmp3, $4  }
0x56: {  	v3 =	vld [tilespmem:s17+$0x10];
	[tilespmem:s18+$0x3870 ss:$0x81] =	vst.msk $0xffff, v0  }
0x57: {  	[tilespmem:s18+$0x810 ss:$0x81] =	vst.msk $0xffff, v5;
	v2 =	vld [tilespmem:s17+$0x20]  }
0x58: {  	v1 =	vld [tilespmem:s17+$0xFFFFFFC0];
	[tilespmem:s18+$0x1020 ss:$0x81] =	vst.msk $0xffff, v6;
	s17 =	sadd.s32 $0x80, s17  }
0x59: {  	s21 =	sadd.s32 $0x4, s21;
	v0 =	vld [tilespmem:s17+$0x30];
	[tilespmem:s18+$0x1830 ss:$0x81] =	vst.msk $0xffff, v7  }
.Ltmp4:
0x5a: {  	_ = 	snop;
	(pc) =	sbr.rel .LBB1_4-.Ltmp4, $1  }
0x5b: {  	_ =	sdelay $0x3  }
.LBB1_6:
0x5c: {  	_ =	sfence.sel $0x180000  }
0x5d: {  	s2 =	simm.s32 $0x1;
	[bflag:$0x0] =	sbarrier.arrive $0xFFFF  }
0x5e: {  	s31 =	simm.s32 $0x2;
	[sflag:s2] =	ssyncpa.u1 $0x1  }
0x5f: {  	[sflag:s31] =	ssyncpa.u1 $0x1  }
0x60: {  	p0 =	sne.s32 s0, $0x0;
	_ =	strace $0x9000004A  }
0x61: {  	s0 =	sadd.s32 @!p0 $0x100000, s1;
	[bflag:$0x2] =	sbarrier.arrive $0xFFFF  }
0x62: {  	[sflag:s0] =	ssyncadd.tile.s32 @!p0 $0x1;
	_ =	shalt  }
.Lfunc_end1:
_tile_overlayer_lowered:
.L_overlay_start_2:
0x63: {  	(tag) =	ssettag $0x2  }
0x64: {  	s0 =	rddreg [dreg:$0x0];
	s2 =	stileid.u32  }
0x65: {  	s1 =	rddreg [dreg:$0x1];
	p0 =	sne.s32 s2, $0x0  }
0x66: {  	s3 =	rddreg [dreg:$0x2];
	[bflag:$0x3] =	sbarrier.arrive $0xFFFF;
	s2 =	simm.s32 @!p0 $0x1C01  }
0x67: {  	[timem:s3], [sflag:s2] =	dma.local @!p0 [hbm:s0], s1  }
0x68: {  	s0 =	simm.s32 @!p0 $0x1  }
0x69: {  	_ =	swait.ge @!p0 [sflag:s0], s1  }
0x6a: {  	s1 =	ssub.s32 @!p0 $0x0, s1;
	[sflag:s0] =	ssyncset.done @!p0 $0x0  }
0x6b: {  	[sflag:s0] =	ssyncadd.s32 @!p0 s1  }
0x6c: {  	[bflag:$0x3] =	sbarrier.arrive $0xFFFF  }
0x6d: {  	_ =	shalt  }

</sc_bundles>
